<compile_context>
chip_gen: v7x
topology: tpu7x:2x2x1
jax: 0.10.2.dev20260603
libtpu: 0.0.44.dev20260713+nightly
codegen_flags: <defaults>
</compile_context>

<pallas_src>
import functools

import jax
import jax.numpy as jnp
from jax import lax
from jax.experimental import pallas as pl
from jax.experimental.pallas import tpu as pltpu
from jax.experimental.pallas import tpu_sc as plsc

N = 10000
NP = 10240
E = 320000
NC = 2
NS = 16
TPR = NP // NS
PER_TILE = 10240
E_PAD = NC * NS * PER_TILE
CH = 128

_MESH = plsc.VectorSubcoreMesh(
    core_axis_name="c", subcore_axis_name="s", num_cores=NC, num_subcores=NS)


def _sc_agg(table0, table1, edges, zeros, per_tile, core_stride):
  D = table0.shape[1]
  nchunk = per_tile // CH
  ng = nchunk // 8

  @functools.partial(
      pl.kernel,
      out_type=jax.ShapeDtypeStruct((NC, NP, D), jnp.bfloat16),
      mesh=_MESH,
      compiler_params=pltpu.CompilerParams(use_tc_tiling_on_sc=False),
      scratch_types=(
          [pltpu.VMEM((CH,), jnp.int32) for _ in range(16)]
          + [pltpu.VMEM((CH, D), jnp.bfloat16) for _ in range(8)]
          + [pltpu.VMEM_SHARED((NP, D), jnp.bfloat16),
             pltpu.VMEM_SHARED((NP, D), jnp.bfloat16)]
          + [pltpu.SemaphoreType.DMA for _ in range(28)]
      ),
  )
  def k(t0_hbm, t1_hbm, e_hbm, zeros_hbm, out_hbm, *rest):
    srcb = rest[0:8]
    dstb = rest[8:16]
    rows = rest[16:24]
    acc = rest[24]
    tb = rest[25]
    sis = rest[26:34]
    sid = rest[34:42]
    sg = rest[42:50]
    ssc = rest[50:54]
    ci = lax.axis_index("c")
    si = lax.axis_index("s")
    sl = pl.ds(si * TPR, TPR)
    pltpu.sync_copy(zeros_hbm, acc.at[sl])

    @pl.when(ci == 0)
    def _():
      pltpu.sync_copy(t0_hbm.at[sl], tb.at[sl])

    @pl.when(ci == 1)
    def _():
      pltpu.sync_copy(t1_hbm.at[sl], tb.at[sl])

    plsc.subcore_barrier()

    def emit(cbase):
      def src_dma(kk, b):
        pltpu.async_copy(e_hbm.at[0, cbase + kk], srcb[b], sis[b])

      def dst_dma(kk, b):
        pltpu.async_copy(e_hbm.at[1, cbase + kk], dstb[b], sid[b])

      def gather(kk_b):
        pltpu.make_async_copy(e_hbm.at[0, 0], srcb[kk_b], sis[kk_b]).wait()
        pltpu.async_copy(tb.at[srcb[kk_b]], rows[kk_b], sg[kk_b])

      def scatter_wait(b4):
        pltpu.make_async_copy(rows[0], acc.at[dstb[0]], ssc[b4]).wait()

      for b in range(8):
        src_dma(b, b)
      for b in range(4):
        dst_dma(b, b)
      for b in range(4):
        gather(b)

      def body(g, carry):
        for b in range(8):
          kk = g * 8 + b
          b4 = b % 4
          bn = (b + 4) % 8
          pltpu.make_async_copy(tb.at[srcb[b]], rows[b], sg[b]).wait()
          pltpu.make_async_copy(e_hbm.at[0, 0], dstb[b], sid[b]).wait()
          if b < 4:
            pl.when(g > 0)(lambda: scatter_wait(b4))
          else:
            scatter_wait(b4)
          pltpu.async_copy(rows[b], acc.at[dstb[b]], ssc[b4], add=True)

          def refill(kk=kk, b=b, bn=bn):
            dst_dma(kk + 4, bn)
            gather(bn)
          if b < 4:
            refill()
          else:
            pl.when(g < ng - 1)(refill)
          pl.when(g < ng - 1)(lambda kk=kk, b=b: src_dma(kk + 8, b))
        return carry

      lax.fori_loop(0, ng, body, 0)
      for i in range(4):
        scatter_wait(i)

    emit(si * (per_tile // CH) + ci * (core_stride // CH))
    plsc.subcore_barrier()
    pltpu.sync_copy(acc.at[pl.ds(si * TPR, TPR)],
                    out_hbm.at[ci, pl.ds(si * TPR, TPR)])

  return k(table0, table1, edges, zeros)


def _sc_deg(edges, ones, zeros):
  D = ones.shape[1]
  chunk = edges.shape[2]
  nchunk = PER_TILE // chunk

  @functools.partial(
      pl.kernel,
      out_type=jax.ShapeDtypeStruct((NC, NP, D), jnp.float32),
      mesh=_MESH,
      compiler_params=pltpu.CompilerParams(use_tc_tiling_on_sc=False),
      scratch_types=(
          [pltpu.VMEM((nchunk, chunk), jnp.int32),
           pltpu.VMEM((chunk, D), jnp.float32),
           pltpu.VMEM_SHARED((NP, D), jnp.float32)]
          + [pltpu.SemaphoreType.DMA for _ in range(5)]
      ),
  )
  def k(e_hbm, ones_hbm, zeros_hbm, out_hbm, dstb, onev, acc, *ss):
    ci = lax.axis_index("c")
    si = lax.axis_index("s")
    cbase = (ci * NS + si) * nchunk
    pltpu.sync_copy(zeros_hbm, acc.at[pl.ds(si * TPR, TPR)])
    pltpu.sync_copy(ones_hbm, onev)
    pltpu.sync_copy(e_hbm.at[1, pl.ds(cbase, nchunk)], dstb)
    plsc.subcore_barrier()

    def scatter(kk, b5):
      pltpu.async_copy(onev, acc.at[dstb.at[kk]], ss[b5], add=True)

    def scatter_wait(kk, b5):
      pltpu.make_async_copy(onev, acc.at[dstb.at[kk]], ss[b5]).wait()

    for b in range(5):
      scatter(b, b)

    def body(g, carry):
      for b in range(5):
        kk = 5 + g * 5 + b
        scatter_wait(kk - 5, b)
        scatter(kk, b)
      return carry

    lax.fori_loop(0, (nchunk - 5) // 5, body, 0)
    for i in range(5):
      kk = nchunk - 5 + i
      scatter_wait(kk, i)
    plsc.subcore_barrier()
    pltpu.sync_copy(acc.at[pl.ds(si * TPR, TPR)],
                    out_hbm.at[ci, pl.ds(si * TPR, TPR)])

  return k(edges, ones, zeros)



_R = 2048
_RO = 1000


def _tc_xw1(x, W1):

  def body(x_ref, w_ref, o_ref):
    o_ref[...] = jnp.dot(x_ref[...], w_ref[...],
                         preferred_element_type=jnp.float32)

  return pl.pallas_call(
      body,
      grid=(NP // _R,),
      in_specs=[
          pl.BlockSpec((_R, x.shape[1]), lambda i: (i, 0)),
          pl.BlockSpec(W1.shape, lambda i: (0, 0)),
      ],
      out_specs=pl.BlockSpec((_R, W1.shape[1]), lambda i: (i, 0)),
      out_shape=jax.ShapeDtypeStruct((NP, W1.shape[1]), jnp.float32),
  )(x, W1)


def _tc_t1(xw1, degp):

  def body(xw_ref, dp_ref, t1_ref, deg_ref):
    deg = dp_ref[0] + dp_ref[1] + 1.0
    dinv = lax.rsqrt(deg[:, :1])
    t1_ref[...] = (dinv * xw_ref[...]).astype(jnp.bfloat16)
    deg_ref[...] = deg

  return pl.pallas_call(
      body,
      grid=(NP // _R,),
      in_specs=[
          pl.BlockSpec((_R, xw1.shape[1]), lambda i: (i, 0)),
          pl.BlockSpec((NC, _R, degp.shape[2]), lambda i: (0, i, 0)),
      ],
      out_specs=[
          pl.BlockSpec((_R, xw1.shape[1]), lambda i: (i, 0)),
          pl.BlockSpec((_R, degp.shape[2]), lambda i: (i, 0)),
      ],
      out_shape=[
          jax.ShapeDtypeStruct((NP, xw1.shape[1]), jnp.bfloat16),
          jax.ShapeDtypeStruct((NP, degp.shape[2]), jnp.float32),
      ],
  )(xw1, degp)


def _tc_t2(accp, T1, deg, b1, W2):

  def body(a_ref, t1_ref, deg_ref, b_ref, w_ref, t2a_ref, t2b_ref):
    dinv = lax.rsqrt(deg_ref[:, :1])
    agg = (a_ref[0] + a_ref[1]).astype(jnp.float32) + t1_ref[...].astype(
        jnp.float32)
    h = jnp.maximum(dinv * agg + b_ref[...], 0.0)
    t2 = dinv * jnp.dot(h, w_ref[...], preferred_element_type=jnp.float32)
    half = w_ref.shape[1] // 2
    t2a_ref[...] = t2[:, :half].astype(jnp.bfloat16)
    t2b_ref[...] = t2[:, half:].astype(jnp.bfloat16)

  D = T1.shape[1]
  half = W2.shape[1] // 2
  return pl.pallas_call(
      body,
      grid=(NP // _R,),
      in_specs=[
          pl.BlockSpec((NC, _R, D), lambda i: (0, i, 0)),
          pl.BlockSpec((_R, D), lambda i: (i, 0)),
          pl.BlockSpec((_R, deg.shape[1]), lambda i: (i, 0)),
          pl.BlockSpec(b1.shape, lambda i: (0, 0)),
          pl.BlockSpec(W2.shape, lambda i: (0, 0)),
      ],
      out_specs=[
          pl.BlockSpec((_R, half), lambda i: (i, 0)),
          pl.BlockSpec((_R, half), lambda i: (i, 0)),
      ],
      out_shape=[
          jax.ShapeDtypeStruct((NP, half), jnp.bfloat16),
          jax.ShapeDtypeStruct((NP, half), jnp.bfloat16),
      ],
  )(accp, T1, deg, b1, W2)


def _tc_out(accp, T2a, T2b, deg, b2):

  def body(a_ref, ta_ref, tb_ref, deg_ref, b_ref, o_ref):
    dinv = lax.rsqrt(deg_ref[:, :1])
    t = jnp.concatenate(
        [a_ref[0].astype(jnp.float32) + ta_ref[...].astype(jnp.float32),
         a_ref[1].astype(jnp.float32) + tb_ref[...].astype(jnp.float32)],
        axis=1)
    o_ref[...] = dinv * t + b_ref[...]

  half = T2a.shape[1]
  return pl.pallas_call(
      body,
      grid=(N // _RO,),
      in_specs=[
          pl.BlockSpec((NC, _RO, half), lambda i: (0, i, 0)),
          pl.BlockSpec((_RO, half), lambda i: (i, 0)),
          pl.BlockSpec((_RO, half), lambda i: (i, 0)),
          pl.BlockSpec((_RO, deg.shape[1]), lambda i: (i, 0)),
          pl.BlockSpec(b2.shape, lambda i: (0, 0)),
      ],
      out_specs=pl.BlockSpec((_RO, 2 * half), lambda i: (i, 0)),
      out_shape=jax.ShapeDtypeStruct((N, 2 * half), jnp.float32),
  )(accp, T2a, T2b, deg, b2)


def kernel(x, edge_index, W1, b1, W2, b2):
  pads = N + (jnp.arange(E_PAD - E, dtype=jnp.int32) % (NP - N))
  edges = jnp.concatenate(
      [edge_index, jnp.broadcast_to(pads, (2, E_PAD - E))], axis=1
  ).reshape(2, -1, CH)
  x = jnp.pad(x, ((0, NP - N), (0, 0)))
  ones8 = jnp.ones((CH, 8), jnp.float32)
  z8 = jnp.zeros((TPR, 8), jnp.float32)
  z64 = jnp.zeros((TPR, 64), jnp.bfloat16)

  xw1 = _tc_xw1(x, W1)
  degp = _sc_deg(edges, ones8, z8)
  T1, deg = _tc_t1(xw1, degp)
  acc1 = _sc_agg(T1, T1, edges, z64, PER_TILE, E_PAD // NC)
  T2a, T2b = _tc_t2(acc1, T1, deg, b1.reshape(1, -1), W2)
  acc2 = _sc_agg(T2a, T2b, edges, z64, E_PAD // NS, 0)
  return _tc_out(acc2, T2a, T2b, deg, b2.reshape(1, -1))

# --- scband reference (transcript-rebuilt; emitter-appended) ---
"""Pipeline reference for scband-gcn-55027120996899 (READ-ONLY COPY).

The authoritative reference and input builder live on the scoring server;
editing this copy changes nothing except your own understanding.
"""

import jax, jax.numpy as jnp
import numpy as np

N = 10000
E = 320000
D_IN = 128
HID = 64
D_OUT = 128


def setup_inputs(seed: int = 0) -> dict:
    key = jax.random.key(seed)
    ks = jax.random.split(key, 6)
    x = jax.random.normal(ks[0], (N, D_IN), dtype=jnp.float32)
    edge_index = jax.random.randint(ks[1], (2, E), 0, N, dtype=jnp.int32)
    # GCNConv parameters (glorot-style init)
    s1 = float(np.sqrt(6.0 / (D_IN + HID)))
    s2 = float(np.sqrt(6.0 / (HID + D_OUT)))
    W1 = jax.random.uniform(ks[2], (D_IN, HID), dtype=jnp.float32, minval=-s1, maxval=s1)
    b1 = jnp.zeros((HID,), dtype=jnp.float32)
    W2 = jax.random.uniform(ks[3], (HID, D_OUT), dtype=jnp.float32, minval=-s2, maxval=s2)
    b2 = jnp.zeros((D_OUT,), dtype=jnp.float32)
    return {"x": x, "edge_index": edge_index, "W1": W1, "b1": b1, "W2": W2, "b2": b2}


def _gcn_conv(x, edge_index, W, b):
    # Faithful PyG GCNConv: add self-loops, symmetric normalization, scatter-add aggregation.
    n = x.shape[0]
    loop = jnp.arange(n, dtype=edge_index.dtype)
    src = jnp.concatenate([edge_index[0], loop])
    dst = jnp.concatenate([edge_index[1], loop])
    deg = jnp.zeros((n,), dtype=x.dtype).at[dst].add(1.0)
    dinv = jnp.where(deg > 0, jax.lax.rsqrt(jnp.maximum(deg, 1e-12)), 0.0)
    norm = dinv[src] * dinv[dst]
    xw = x @ W
    msg = jnp.take(xw, src, axis=0) * norm[:, None]
    out = jnp.zeros((n, W.shape[1]), dtype=x.dtype).at[dst].add(msg)
    return out + b


def reference(x, edge_index, W1, b1, W2, b2):
    # encode(x, edge_index) of the torch module
    h = jax.nn.relu(_gcn_conv(x, edge_index, W1, b1))
    return _gcn_conv(h, edge_index, W2, b2)

if __name__ == "__main__":
    import jax
    _d = setup_inputs()
    print(jax.jit(kernel)(*tuple(_d.values())))

</pallas_src>

<mosaic_0001>
#map = affine_map<(d0, d1) -> (0, 0, 0)>
#map1 = affine_map<(d0, d1) -> (0, 0)>
module attributes {stable_mosaic.version = 14 : i64} {
  func.func @k(%arg0: i32, %arg1: i32, %arg2: memref<2x2560x128xi32, #tpu.memory_space<hbm>>, %arg3: memref<128x8xf32, #tpu.memory_space<hbm>>, %arg4: memref<640x8xf32, #tpu.memory_space<hbm>>, %arg5: memref<2x10240x8xf32, #tpu.memory_space<hbm>>, %arg6: memref<80x128xi32, #tpu.memory_space<vmem>>, %arg7: memref<128x8xf32, #tpu.memory_space<vmem>>, %arg8: memref<10240x8xf32, #tpu.memory_space<vmem_shared>>, %arg9: memref<!tpu.dma_semaphore, #tpu.memory_space<semaphore_mem>>, %arg10: memref<!tpu.dma_semaphore, #tpu.memory_space<semaphore_mem>>, %arg11: memref<!tpu.dma_semaphore, #tpu.memory_space<semaphore_mem>>, %arg12: memref<!tpu.dma_semaphore, #tpu.memory_space<semaphore_mem>>, %arg13: memref<!tpu.dma_semaphore, #tpu.memory_space<semaphore_mem>>) attributes {dimension_semantics = [#tpu.dimension_semantics<core_parallel>, #tpu.dimension_semantics<subcore_parallel>], iteration_bounds = array<i64: 2, 16>, scalar_prefetch = 0 : i64, scratch_operands = 8 : i64, tpu.core_type = #tpu.core_type<sc_vector_subcore>, window_params = [{transform_indices = #map}, {transform_indices = #map1}, {transform_indices = #map1}, {transform_indices = #map}]} {
    %mul3A = arith.constant 16 : i32
    %mul3A_0 = arith.muli %arg0, %mul3A : i32
    %add3A = arith.addi %mul3A_0, %arg1 : i32
    %mul3A_1 = arith.constant 80 : i32
    %mul3A_2 = arith.muli %add3A, %mul3A_1 : i32
    %mul3A_3 = arith.constant 640 : i32
    %mul3A_4 = arith.muli %arg1, %mul3A_3 : i32
    "tpu.region"() ({
      %run_scoped3A_83 = tpu.sem_alloc : memref<!tpu.dma_semaphore, #tpu.memory_space<semaphore_mem>>
      %dma_start3A_84 = arith.constant 0 : i32
      %dma_start3A_85 = tpu.memref_slice %arg8[%mul3A_4, %dma_start3A_84] : memref<10240x8xf32, #tpu.memory_space<vmem_shared>> -> memref<640x8xf32, #tpu.memory_space<vmem_shared>>
      tpu.enqueue_dma source(%arg4 : memref<640x8xf32, #tpu.memory_space<hbm>>) target(%dma_start3A_85 : memref<640x8xf32, #tpu.memory_space<vmem_shared>>) target_semaphore(%run_scoped3A_83 : memref<!tpu.dma_semaphore, #tpu.memory_space<semaphore_mem>>)
      %dma_wait3A_86 = arith.constant 0 : i32
      %dma_wait3A_87 = tpu.memref_slice %arg8[%mul3A_4, %dma_wait3A_86] : memref<10240x8xf32, #tpu.memory_space<vmem_shared>> -> memref<640x8xf32, #tpu.memory_space<vmem_shared>>
      tpu.wait_dma2 semaphore(%run_scoped3A_83 : memref<!tpu.dma_semaphore, #tpu.memory_space<semaphore_mem>>) src(%arg4 : memref<640x8xf32, #tpu.memory_space<hbm>>) dst(%dma_wait3A_87 : memref<640x8xf32, #tpu.memory_space<vmem_shared>>)
      tpu.yield
    }) : () -> ()
    "tpu.region"() ({
      %run_scoped3A_83 = tpu.sem_alloc : memref<!tpu.dma_semaphore, #tpu.memory_space<semaphore_mem>>
      tpu.enqueue_dma source(%arg3 : memref<128x8xf32, #tpu.memory_space<hbm>>) target(%arg7 : memref<128x8xf32, #tpu.memory_space<vmem>>) target_semaphore(%run_scoped3A_83 : memref<!tpu.dma_semaphore, #tpu.memory_space<semaphore_mem>>)
      tpu.wait_dma2 semaphore(%run_scoped3A_83 : memref<!tpu.dma_semaphore, #tpu.memory_space<semaphore_mem>>) src(%arg3 : memref<128x8xf32, #tpu.memory_space<hbm>>) dst(%arg7 : memref<128x8xf32, #tpu.memory_space<vmem>>)
      tpu.yield
    }) : () -> ()
    %run_scoped3A = arith.constant 1 : i32
    "tpu.region"() ({
      %run_scoped3A_83 = tpu.sem_alloc : memref<!tpu.dma_semaphore, #tpu.memory_space<semaphore_mem>>
      %dma_start3A_84 = arith.constant 0 : i32
      %dma_start3A_85 = tpu.memref_slice %arg2[%run_scoped3A, %mul3A_2, %dma_start3A_84] : memref<2x2560x128xi32, #tpu.memory_space<hbm>> -> memref<1x80x128xi32, #tpu.memory_space<hbm>>
      %dma_start3A_86 = tpu.memref_squeeze %dma_start3A_85 : memref<1x80x128xi32, #tpu.memory_space<hbm>> -> memref<80x128xi32, #tpu.memory_space<hbm>>
      %dma_start3A_87 = arith.constant 0 : i32
      %dma_start3A_88 = tpu.memref_slice %arg2[%run_scoped3A, %mul3A_2, %dma_start3A_87] : memref<2x2560x128xi32, #tpu.memory_space<hbm>> -> memref<1x80x128xi32, #tpu.memory_space<hbm>>
      %dma_start3A_89 = tpu.memref_squeeze %dma_start3A_88 : memref<1x80x128xi32, #tpu.memory_space<hbm>> -> memref<80x128xi32, #tpu.memory_space<hbm>>
      tpu.enqueue_dma source(%dma_start3A_89 : memref<80x128xi32, #tpu.memory_space<hbm>>) target(%arg6 : memref<80x128xi32, #tpu.memory_space<vmem>>) target_semaphore(%run_scoped3A_83 : memref<!tpu.dma_semaphore, #tpu.memory_space<semaphore_mem>>)
      %dma_wait3A_90 = arith.constant 0 : i32
      %dma_wait3A_91 = tpu.memref_slice %arg2[%run_scoped3A, %mul3A_2, %dma_wait3A_90] : memref<2x2560x128xi32, #tpu.memory_space<hbm>> -> memref<1x80x128xi32, #tpu.memory_space<hbm>>
      %dma_wait3A_92 = tpu.memref_squeeze %dma_wait3A_91 : memref<1x80x128xi32, #tpu.memory_space<hbm>> -> memref<80x128xi32, #tpu.memory_space<hbm>>
      %dma_wait3A_93 = arith.constant 0 : i32
      %dma_wait3A_94 = tpu.memref_slice %arg2[%run_scoped3A, %mul3A_2, %dma_wait3A_93] : memref<2x2560x128xi32, #tpu.memory_space<hbm>> -> memref<1x80x128xi32, #tpu.memory_space<hbm>>
      %dma_wait3A_95 = tpu.memref_squeeze %dma_wait3A_94 : memref<1x80x128xi32, #tpu.memory_space<hbm>> -> memref<80x128xi32, #tpu.memory_space<hbm>>
      tpu.wait_dma2 semaphore(%run_scoped3A_83 : memref<!tpu.dma_semaphore, #tpu.memory_space<semaphore_mem>>) src(%dma_wait3A_95 : memref<80x128xi32, #tpu.memory_space<hbm>>) dst(%arg6 : memref<80x128xi32, #tpu.memory_space<vmem>>)
      tpu.yield
    }) : () -> ()
    %barrier3A = arith.constant 0 : index
    tpu.barrier barrier_id(%barrier3A)
    %dma_start3A = arith.constant 0 : i32
    %dma_start3A_5 = arith.constant 0 : i32
    %dma_start3A_6 = tpu.memref_slice %arg6[%dma_start3A, %dma_start3A_5] : memref<80x128xi32, #tpu.memory_space<vmem>> -> memref<1x128xi32, #tpu.memory_space<vmem>>
    %dma_start3A_7 = tpu.memref_squeeze %dma_start3A_6 : memref<1x128xi32, #tpu.memory_space<vmem>> -> memref<128xi32, #tpu.memory_space<vmem>>
    %dma_start3A_8 = arith.constant 0 : i32
    %dma_start3A_9 = arith.constant 0 : i32
    %dma_start3A_10 = tpu.memref_slice %arg8[%dma_start3A_8, %dma_start3A_9] : memref<10240x8xf32, #tpu.memory_space<vmem_shared>> -> memref<10240x8xf32, #tpu.memory_space<vmem_shared>>
    tpu.enqueue_indirect_dma source(%arg7 : memref<128x8xf32, #tpu.memory_space<vmem>>) target(%dma_start3A_10 : memref<10240x8xf32, #tpu.memory_space<vmem_shared>>) offsets(%dma_start3A_7 : memref<128xi32, #tpu.memory_space<vmem>>) semaphore(%arg9 : memref<!tpu.dma_semaphore, #tpu.memory_space<semaphore_mem>>) {add = true}
    %dma_start3A_11 = arith.constant 1 : i32
    %dma_start3A_12 = arith.constant 0 : i32
    %dma_start3A_13 = tpu.memref_slice %arg6[%dma_start3A_11, %dma_start3A_12] : memref<80x128xi32, #tpu.memory_space<vmem>> -> memref<1x128xi32, #tpu.memory_space<vmem>>
    %dma_start3A_14 = tpu.memref_squeeze %dma_start3A_13 : memref<1x128xi32, #tpu.memory_space<vmem>> -> memref<128xi32, #tpu.memory_space<vmem>>
    %dma_start3A_15 = arith.constant 0 : i32
    %dma_start3A_16 = arith.constant 0 : i32
    %dma_start3A_17 = tpu.memref_slice %arg8[%dma_start3A_15, %dma_start3A_16] : memref<10240x8xf32, #tpu.memory_space<vmem_shared>> -> memref<10240x8xf32, #tpu.memory_space<vmem_shared>>
    tpu.enqueue_indirect_dma source(%arg7 : memref<128x8xf32, #tpu.memory_space<vmem>>) target(%dma_start3A_17 : memref<10240x8xf32, #tpu.memory_space<vmem_shared>>) offsets(%dma_start3A_14 : memref<128xi32, #tpu.memory_space<vmem>>) semaphore(%arg10 : memref<!tpu.dma_semaphore, #tpu.memory_space<semaphore_mem>>) {add = true}
    %dma_start3A_18 = arith.constant 2 : i32
    %dma_start3A_19 = arith.constant 0 : i32
    %dma_start3A_20 = tpu.memref_slice %arg6[%dma_start3A_18, %dma_start3A_19] : memref<80x128xi32, #tpu.memory_space<vmem>> -> memref<1x128xi32, #tpu.memory_space<vmem>>
    %dma_start3A_21 = tpu.memref_squeeze %dma_start3A_20 : memref<1x128xi32, #tpu.memory_space<vmem>> -> memref<128xi32, #tpu.memory_space<vmem>>
    %dma_start3A_22 = arith.constant 0 : i32
    %dma_start3A_23 = arith.constant 0 : i32
    %dma_start3A_24 = tpu.memref_slice %arg8[%dma_start3A_22, %dma_start3A_23] : memref<10240x8xf32, #tpu.memory_space<vmem_shared>> -> memref<10240x8xf32, #tpu.memory_space<vmem_shared>>
    tpu.enqueue_indirect_dma source(%arg7 : memref<128x8xf32, #tpu.memory_space<vmem>>) target(%dma_start3A_24 : memref<10240x8xf32, #tpu.memory_space<vmem_shared>>) offsets(%dma_start3A_21 : memref<128xi32, #tpu.memory_space<vmem>>) semaphore(%arg11 : memref<!tpu.dma_semaphore, #tpu.memory_space<semaphore_mem>>) {add = true}
    %dma_start3A_25 = arith.constant 3 : i32
    %dma_start3A_26 = arith.constant 0 : i32
    %dma_start3A_27 = tpu.memref_slice %arg6[%dma_start3A_25, %dma_start3A_26] : memref<80x128xi32, #tpu.memory_space<vmem>> -> memref<1x128xi32, #tpu.memory_space<vmem>>
    %dma_start3A_28 = tpu.memref_squeeze %dma_start3A_27 : memref<1x128xi32, #tpu.memory_space<vmem>> -> memref<128xi32, #tpu.memory_space<vmem>>
    %dma_start3A_29 = arith.constant 0 : i32
    %dma_start3A_30 = arith.constant 0 : i32
    %dma_start3A_31 = tpu.memref_slice %arg8[%dma_start3A_29, %dma_start3A_30] : memref<10240x8xf32, #tpu.memory_space<vmem_shared>> -> memref<10240x8xf32, #tpu.memory_space<vmem_shared>>
    tpu.enqueue_indirect_dma source(%arg7 : memref<128x8xf32, #tpu.memory_space<vmem>>) target(%dma_start3A_31 : memref<10240x8xf32, #tpu.memory_space<vmem_shared>>) offsets(%dma_start3A_28 : memref<128xi32, #tpu.memory_space<vmem>>) semaphore(%arg12 : memref<!tpu.dma_semaphore, #tpu.memory_space<semaphore_mem>>) {add = true}
    %dma_start3A_32 = arith.constant 4 : i32
    %dma_start3A_33 = arith.constant 0 : i32
    %dma_start3A_34 = tpu.memref_slice %arg6[%dma_start3A_32, %dma_start3A_33] : memref<80x128xi32, #tpu.memory_space<vmem>> -> memref<1x128xi32, #tpu.memory_space<vmem>>
    %dma_start3A_35 = tpu.memref_squeeze %dma_start3A_34 : memref<1x128xi32, #tpu.memory_space<vmem>> -> memref<128xi32, #tpu.memory_space<vmem>>
    %dma_start3A_36 = arith.constant 0 : i32
    %dma_start3A_37 = arith.constant 0 : i32
    %dma_start3A_38 = tpu.memref_slice %arg8[%dma_start3A_36, %dma_start3A_37] : memref<10240x8xf32, #tpu.memory_space<vmem_shared>> -> memref<10240x8xf32, #tpu.memory_space<vmem_shared>>
    tpu.enqueue_indirect_dma source(%arg7 : memref<128x8xf32, #tpu.memory_space<vmem>>) target(%dma_start3A_38 : memref<10240x8xf32, #tpu.memory_space<vmem_shared>>) offsets(%dma_start3A_35 : memref<128xi32, #tpu.memory_space<vmem>>) semaphore(%arg13 : memref<!tpu.dma_semaphore, #tpu.memory_space<semaphore_mem>>) {add = true}
    %scan3A = arith.constant 0 : i32
    %scan3A_39 = arith.constant 0 : i32
    %scan3A_40 = arith.constant 15 : i32
    %scan3A_41 = arith.addi %scan3A_39, %scan3A_40 : i32
    %scan3A_42 = arith.constant 1 : i32
    scf.for %scan3A_83 = %scan3A_39 to %scan3A_41 step %scan3A_42  : i32 {
      %mul3A_84 = arith.constant 5 : i32
      %mul3A_85 = arith.muli %scan3A_83, %mul3A_84 : i32
      %add3A_86 = arith.constant 5 : i32
      %add3A_87 = arith.addi %add3A_86, %mul3A_85 : i32
      %add3A_88 = arith.constant 0 : i32
      %add3A_89 = arith.addi %add3A_87, %add3A_88 : i32
      %sub3A = arith.constant 5 : i32
      %sub3A_90 = arith.subi %add3A_89, %sub3A : i32
      %dma_wait3A_91 = arith.constant 0 : i32
      %dma_wait3A_92 = tpu.memref_slice %arg6[%sub3A_90, %dma_wait3A_91] : memref<80x128xi32, #tpu.memory_space<vmem>> -> memref<1x128xi32, #tpu.memory_space<vmem>>
      %dma_wait3A_93 = tpu.memref_squeeze %dma_wait3A_92 : memref<1x128xi32, #tpu.memory_space<vmem>> -> memref<128xi32, #tpu.memory_space<vmem>>
      %dma_wait3A_94 = arith.constant 0 : i32
      %dma_wait3A_95 = arith.constant 0 : i32
      %dma_wait3A_96 = tpu.memref_slice %arg8[%dma_wait3A_94, %dma_wait3A_95] : memref<10240x8xf32, #tpu.memory_space<vmem_shared>> -> memref<10240x8xf32, #tpu.memory_space<vmem_shared>>
      tpu.wait_indirect_dma semaphore(%arg9 : memref<!tpu.dma_semaphore, #tpu.memory_space<semaphore_mem>>) src(%arg7 : memref<128x8xf32, #tpu.memory_space<vmem>>) dst(%dma_wait3A_96 : memref<10240x8xf32, #tpu.memory_space<vmem_shared>>)
      %dma_start3A_97 = arith.constant 0 : i32
      %dma_start3A_98 = tpu.memref_slice %arg6[%add3A_89, %dma_start3A_97] : memref<80x128xi32, #tpu.memory_space<vmem>> -> memref<1x128xi32, #tpu.memory_space<vmem>>
      %dma_start3A_99 = tpu.memref_squeeze %dma_start3A_98 : memref<1x128xi32, #tpu.memory_space<vmem>> -> memref<128xi32, #tpu.memory_space<vmem>>
      %dma_start3A_100 = arith.constant 0 : i32
      %dma_start3A_101 = arith.constant 0 : i32
      %dma_start3A_102 = tpu.memref_slice %arg8[%dma_start3A_100, %dma_start3A_101] : memref<10240x8xf32, #tpu.memory_space<vmem_shared>> -> memref<10240x8xf32, #tpu.memory_space<vmem_shared>>
      tpu.enqueue_indirect_dma source(%arg7 : memref<128x8xf32, #tpu.memory_space<vmem>>) target(%dma_start3A_102 : memref<10240x8xf32, #tpu.memory_space<vmem_shared>>) offsets(%dma_start3A_99 : memref<128xi32, #tpu.memory_space<vmem>>) semaphore(%arg9 : memref<!tpu.dma_semaphore, #tpu.memory_space<semaphore_mem>>) {add = true}
      %mul3A_103 = arith.constant 5 : i32
      %mul3A_104 = arith.muli %scan3A_83, %mul3A_103 : i32
      %add3A_105 = arith.constant 5 : i32
      %add3A_106 = arith.addi %add3A_105, %mul3A_104 : i32
      %add3A_107 = arith.constant 1 : i32
      %add3A_108 = arith.addi %add3A_106, %add3A_107 : i32
      %sub3A_109 = arith.constant 5 : i32
      %sub3A_110 = arith.subi %add3A_108, %sub3A_109 : i32
      %dma_wait3A_111 = arith.constant 0 : i32
      %dma_wait3A_112 = tpu.memref_slice %arg6[%sub3A_110, %dma_wait3A_111] : memref<80x128xi32, #tpu.memory_space<vmem>> -> memref<1x128xi32, #tpu.memory_space<vmem>>
      %dma_wait3A_113 = tpu.memref_squeeze %dma_wait3A_112 : memref<1x128xi32, #tpu.memory_space<vmem>> -> memref<128xi32, #tpu.memory_space<vmem>>
      %dma_wait3A_114 = arith.constant 0 : i32
      %dma_wait3A_115 = arith.constant 0 : i32
      %dma_wait3A_116 = tpu.memref_slice %arg8[%dma_wait3A_114, %dma_wait3A_115] : memref<10240x8xf32, #tpu.memory_space<vmem_shared>> -> memref<10240x8xf32, #tpu.memory_space<vmem_shared>>
      tpu.wait_indirect_dma semaphore(%arg10 : memref<!tpu.dma_semaphore, #tpu.memory_space<semaphore_mem>>) src(%arg7 : memref<128x8xf32, #tpu.memory_space<vmem>>) dst(%dma_wait3A_116 : memref<10240x8xf32, #tpu.memory_space<vmem_shared>>)
      %dma_start3A_117 = arith.constant 0 : i32
      %dma_start3A_118 = tpu.memref_slice %arg6[%add3A_108, %dma_start3A_117] : memref<80x128xi32, #tpu.memory_space<vmem>> -> memref<1x128xi32, #tpu.memory_space<vmem>>
      %dma_start3A_119 = tpu.memref_squeeze %dma_start3A_118 : memref<1x128xi32, #tpu.memory_space<vmem>> -> memref<128xi32, #tpu.memory_space<vmem>>
      %dma_start3A_120 = arith.constant 0 : i32
      %dma_start3A_121 = arith.constant 0 : i32
      %dma_start3A_122 = tpu.memref_slice %arg8[%dma_start3A_120, %dma_start3A_121] : memref<10240x8xf32, #tpu.memory_space<vmem_shared>> -> memref<10240x8xf32, #tpu.memory_space<vmem_shared>>
      tpu.enqueue_indirect_dma source(%arg7 : memref<128x8xf32, #tpu.memory_space<vmem>>) target(%dma_start3A_122 : memref<10240x8xf32, #tpu.memory_space<vmem_shared>>) offsets(%dma_start3A_119 : memref<128xi32, #tpu.memory_space<vmem>>) semaphore(%arg10 : memref<!tpu.dma_semaphore, #tpu.memory_space<semaphore_mem>>) {add = true}
      %mul3A_123 = arith.constant 5 : i32
      %mul3A_124 = arith.muli %scan3A_83, %mul3A_123 : i32
      %add3A_125 = arith.constant 5 : i32
      %add3A_126 = arith.addi %add3A_125, %mul3A_124 : i32
      %add3A_127 = arith.constant 2 : i32
      %add3A_128 = arith.addi %add3A_126, %add3A_127 : i32
      %sub3A_129 = arith.constant 5 : i32
      %sub3A_130 = arith.subi %add3A_128, %sub3A_129 : i32
      %dma_wait3A_131 = arith.constant 0 : i32
      %dma_wait3A_132 = tpu.memref_slice %arg6[%sub3A_130, %dma_wait3A_131] : memref<80x128xi32, #tpu.memory_space<vmem>> -> memref<1x128xi32, #tpu.memory_space<vmem>>
      %dma_wait3A_133 = tpu.memref_squeeze %dma_wait3A_132 : memref<1x128xi32, #tpu.memory_space<vmem>> -> memref<128xi32, #tpu.memory_space<vmem>>
      %dma_wait3A_134 = arith.constant 0 : i32
      %dma_wait3A_135 = arith.constant 0 : i32
      %dma_wait3A_136 = tpu.memref_slice %arg8[%dma_wait3A_134, %dma_wait3A_135] : memref<10240x8xf32, #tpu.memory_space<vmem_shared>> -> memref<10240x8xf32, #tpu.memory_space<vmem_shared>>
      tpu.wait_indirect_dma semaphore(%arg11 : memref<!tpu.dma_semaphore, #tpu.memory_space<semaphore_mem>>) src(%arg7 : memref<128x8xf32, #tpu.memory_space<vmem>>) dst(%dma_wait3A_136 : memref<10240x8xf32, #tpu.memory_space<vmem_shared>>)
      %dma_start3A_137 = arith.constant 0 : i32
      %dma_start3A_138 = tpu.memref_slice %arg6[%add3A_128, %dma_start3A_137] : memref<80x128xi32, #tpu.memory_space<vmem>> -> memref<1x128xi32, #tpu.memory_space<vmem>>
      %dma_start3A_139 = tpu.memref_squeeze %dma_start3A_138 : memref<1x128xi32, #tpu.memory_space<vmem>> -> memref<128xi32, #tpu.memory_space<vmem>>
      %dma_start3A_140 = arith.constant 0 : i32
      %dma_start3A_141 = arith.constant 0 : i32
      %dma_start3A_142 = tpu.memref_slice %arg8[%dma_start3A_140, %dma_start3A_141] : memref<10240x8xf32, #tpu.memory_space<vmem_shared>> -> memref<10240x8xf32, #tpu.memory_space<vmem_shared>>
      tpu.enqueue_indirect_dma source(%arg7 : memref<128x8xf32, #tpu.memory_space<vmem>>) target(%dma_start3A_142 : memref<10240x8xf32, #tpu.memory_space<vmem_shared>>) offsets(%dma_start3A_139 : memref<128xi32, #tpu.memory_space<vmem>>) semaphore(%arg11 : memref<!tpu.dma_semaphore, #tpu.memory_space<semaphore_mem>>) {add = true}
      %mul3A_143 = arith.constant 5 : i32
      %mul3A_144 = arith.muli %scan3A_83, %mul3A_143 : i32
      %add3A_145 = arith.constant 5 : i32
      %add3A_146 = arith.addi %add3A_145, %mul3A_144 : i32
      %add3A_147 = arith.constant 3 : i32
      %add3A_148 = arith.addi %add3A_146, %add3A_147 : i32
      %sub3A_149 = arith.constant 5 : i32
      %sub3A_150 = arith.subi %add3A_148, %sub3A_149 : i32
      %dma_wait3A_151 = arith.constant 0 : i32
      %dma_wait3A_152 = tpu.memref_slice %arg6[%sub3A_150, %dma_wait3A_151] : memref<80x128xi32, #tpu.memory_space<vmem>> -> memref<1x128xi32, #tpu.memory_space<vmem>>
      %dma_wait3A_153 = tpu.memref_squeeze %dma_wait3A_152 : memref<1x128xi32, #tpu.memory_space<vmem>> -> memref<128xi32, #tpu.memory_space<vmem>>
      %dma_wait3A_154 = arith.constant 0 : i32
      %dma_wait3A_155 = arith.constant 0 : i32
      %dma_wait3A_156 = tpu.memref_slice %arg8[%dma_wait3A_154, %dma_wait3A_155] : memref<10240x8xf32, #tpu.memory_space<vmem_shared>> -> memref<10240x8xf32, #tpu.memory_space<vmem_shared>>
      tpu.wait_indirect_dma semaphore(%arg12 : memref<!tpu.dma_semaphore, #tpu.memory_space<semaphore_mem>>) src(%arg7 : memref<128x8xf32, #tpu.memory_space<vmem>>) dst(%dma_wait3A_156 : memref<10240x8xf32, #tpu.memory_space<vmem_shared>>)
      %dma_start3A_157 = arith.constant 0 : i32
      %dma_start3A_158 = tpu.memref_slice %arg6[%add3A_148, %dma_start3A_157] : memref<80x128xi32, #tpu.memory_space<vmem>> -> memref<1x128xi32, #tpu.memory_space<vmem>>
      %dma_start3A_159 = tpu.memref_squeeze %dma_start3A_158 : memref<1x128xi32, #tpu.memory_space<vmem>> -> memref<128xi32, #tpu.memory_space<vmem>>
      %dma_start3A_160 = arith.constant 0 : i32
      %dma_start3A_161 = arith.constant 0 : i32
      %dma_start3A_162 = tpu.memref_slice %arg8[%dma_start3A_160, %dma_start3A_161] : memref<10240x8xf32, #tpu.memory_space<vmem_shared>> -> memref<10240x8xf32, #tpu.memory_space<vmem_shared>>
      tpu.enqueue_indirect_dma source(%arg7 : memref<128x8xf32, #tpu.memory_space<vmem>>) target(%dma_start3A_162 : memref<10240x8xf32, #tpu.memory_space<vmem_shared>>) offsets(%dma_start3A_159 : memref<128xi32, #tpu.memory_space<vmem>>) semaphore(%arg12 : memref<!tpu.dma_semaphore, #tpu.memory_space<semaphore_mem>>) {add = true}
      %mul3A_163 = arith.constant 5 : i32
      %mul3A_164 = arith.muli %scan3A_83, %mul3A_163 : i32
      %add3A_165 = arith.constant 5 : i32
      %add3A_166 = arith.addi %add3A_165, %mul3A_164 : i32
      %add3A_167 = arith.constant 4 : i32
      %add3A_168 = arith.addi %add3A_166, %add3A_167 : i32
      %sub3A_169 = arith.constant 5 : i32
      %sub3A_170 = arith.subi %add3A_168, %sub3A_169 : i32
      %dma_wait3A_171 = arith.constant 0 : i32
      %dma_wait3A_172 = tpu.memref_slice %arg6[%sub3A_170, %dma_wait3A_171] : memref<80x128xi32, #tpu.memory_space<vmem>> -> memref<1x128xi32, #tpu.memory_space<vmem>>
      %dma_wait3A_173 = tpu.memref_squeeze %dma_wait3A_172 : memref<1x128xi32, #tpu.memory_space<vmem>> -> memref<128xi32, #tpu.memory_space<vmem>>
      %dma_wait3A_174 = arith.constant 0 : i32
      %dma_wait3A_175 = arith.constant 0 : i32
      %dma_wait3A_176 = tpu.memref_slice %arg8[%dma_wait3A_174, %dma_wait3A_175] : memref<10240x8xf32, #tpu.memory_space<vmem_shared>> -> memref<10240x8xf32, #tpu.memory_space<vmem_shared>>
      tpu.wait_indirect_dma semaphore(%arg13 : memref<!tpu.dma_semaphore, #tpu.memory_space<semaphore_mem>>) src(%arg7 : memref<128x8xf32, #tpu.memory_space<vmem>>) dst(%dma_wait3A_176 : memref<10240x8xf32, #tpu.memory_space<vmem_shared>>)
      %dma_start3A_177 = arith.constant 0 : i32
      %dma_start3A_178 = tpu.memref_slice %arg6[%add3A_168, %dma_start3A_177] : memref<80x128xi32, #tpu.memory_space<vmem>> -> memref<1x128xi32, #tpu.memory_space<vmem>>
      %dma_start3A_179 = tpu.memref_squeeze %dma_start3A_178 : memref<1x128xi32, #tpu.memory_space<vmem>> -> memref<128xi32, #tpu.memory_space<vmem>>
      %dma_start3A_180 = arith.constant 0 : i32
      %dma_start3A_181 = arith.constant 0 : i32
      %dma_start3A_182 = tpu.memref_slice %arg8[%dma_start3A_180, %dma_start3A_181] : memref<10240x8xf32, #tpu.memory_space<vmem_shared>> -> memref<10240x8xf32, #tpu.memory_space<vmem_shared>>
      tpu.enqueue_indirect_dma source(%arg7 : memref<128x8xf32, #tpu.memory_space<vmem>>) target(%dma_start3A_182 : memref<10240x8xf32, #tpu.memory_space<vmem_shared>>) offsets(%dma_start3A_179 : memref<128xi32, #tpu.memory_space<vmem>>) semaphore(%arg13 : memref<!tpu.dma_semaphore, #tpu.memory_space<semaphore_mem>>) {add = true}
    }
    %scan3A_43 = arith.constant 15 : i32
    %dma_wait3A = arith.constant 75 : i32
    %dma_wait3A_44 = arith.constant 0 : i32
    %dma_wait3A_45 = tpu.memref_slice %arg6[%dma_wait3A, %dma_wait3A_44] : memref<80x128xi32, #tpu.memory_space<vmem>> -> memref<1x128xi32, #tpu.memory_space<vmem>>
    %dma_wait3A_46 = tpu.memref_squeeze %dma_wait3A_45 : memref<1x128xi32, #tpu.memory_space<vmem>> -> memref<128xi32, #tpu.memory_space<vmem>>
    %dma_wait3A_47 = arith.constant 0 : i32
    %dma_wait3A_48 = arith.constant 0 : i32
    %dma_wait3A_49 = tpu.memref_slice %arg8[%dma_wait3A_47, %dma_wait3A_48] : memref<10240x8xf32, #tpu.memory_space<vmem_shared>> -> memref<10240x8xf32, #tpu.memory_space<vmem_shared>>
    tpu.wait_indirect_dma semaphore(%arg9 : memref<!tpu.dma_semaphore, #tpu.memory_space<semaphore_mem>>) src(%arg7 : memref<128x8xf32, #tpu.memory_space<vmem>>) dst(%dma_wait3A_49 : memref<10240x8xf32, #tpu.memory_space<vmem_shared>>)
    %dma_wait3A_50 = arith.constant 76 : i32
    %dma_wait3A_51 = arith.constant 0 : i32
    %dma_wait3A_52 = tpu.memref_slice %arg6[%dma_wait3A_50, %dma_wait3A_51] : memref<80x128xi32, #tpu.memory_space<vmem>> -> memref<1x128xi32, #tpu.memory_space<vmem>>
    %dma_wait3A_53 = tpu.memref_squeeze %dma_wait3A_52 : memref<1x128xi32, #tpu.memory_space<vmem>> -> memref<128xi32, #tpu.memory_space<vmem>>
    %dma_wait3A_54 = arith.constant 0 : i32
    %dma_wait3A_55 = arith.constant 0 : i32
    %dma_wait3A_56 = tpu.memref_slice %arg8[%dma_wait3A_54, %dma_wait3A_55] : memref<10240x8xf32, #tpu.memory_space<vmem_shared>> -> memref<10240x8xf32, #tpu.memory_space<vmem_shared>>
    tpu.wait_indirect_dma semaphore(%arg10 : memref<!tpu.dma_semaphore, #tpu.memory_space<semaphore_mem>>) src(%arg7 : memref<128x8xf32, #tpu.memory_space<vmem>>) dst(%dma_wait3A_56 : memref<10240x8xf32, #tpu.memory_space<vmem_shared>>)
    %dma_wait3A_57 = arith.constant 77 : i32
    %dma_wait3A_58 = arith.constant 0 : i32
    %dma_wait3A_59 = tpu.memref_slice %arg6[%dma_wait3A_57, %dma_wait3A_58] : memref<80x128xi32, #tpu.memory_space<vmem>> -> memref<1x128xi32, #tpu.memory_space<vmem>>
    %dma_wait3A_60 = tpu.memref_squeeze %dma_wait3A_59 : memref<1x128xi32, #tpu.memory_space<vmem>> -> memref<128xi32, #tpu.memory_space<vmem>>
    %dma_wait3A_61 = arith.constant 0 : i32
    %dma_wait3A_62 = arith.constant 0 : i32
    %dma_wait3A_63 = tpu.memref_slice %arg8[%dma_wait3A_61, %dma_wait3A_62] : memref<10240x8xf32, #tpu.memory_space<vmem_shared>> -> memref<10240x8xf32, #tpu.memory_space<vmem_shared>>
    tpu.wait_indirect_dma semaphore(%arg11 : memref<!tpu.dma_semaphore, #tpu.memory_space<semaphore_mem>>) src(%arg7 : memref<128x8xf32, #tpu.memory_space<vmem>>) dst(%dma_wait3A_63 : memref<10240x8xf32, #tpu.memory_space<vmem_shared>>)
    %dma_wait3A_64 = arith.constant 78 : i32
    %dma_wait3A_65 = arith.constant 0 : i32
    %dma_wait3A_66 = tpu.memref_slice %arg6[%dma_wait3A_64, %dma_wait3A_65] : memref<80x128xi32, #tpu.memory_space<vmem>> -> memref<1x128xi32, #tpu.memory_space<vmem>>
    %dma_wait3A_67 = tpu.memref_squeeze %dma_wait3A_66 : memref<1x128xi32, #tpu.memory_space<vmem>> -> memref<128xi32, #tpu.memory_space<vmem>>
    %dma_wait3A_68 = arith.constant 0 : i32
    %dma_wait3A_69 = arith.constant 0 : i32
    %dma_wait3A_70 = tpu.memref_slice %arg8[%dma_wait3A_68, %dma_wait3A_69] : memref<10240x8xf32, #tpu.memory_space<vmem_shared>> -> memref<10240x8xf32, #tpu.memory_space<vmem_shared>>
    tpu.wait_indirect_dma semaphore(%arg12 : memref<!tpu.dma_semaphore, #tpu.memory_space<semaphore_mem>>) src(%arg7 : memref<128x8xf32, #tpu.memory_space<vmem>>) dst(%dma_wait3A_70 : memref<10240x8xf32, #tpu.memory_space<vmem_shared>>)
    %dma_wait3A_71 = arith.constant 79 : i32
    %dma_wait3A_72 = arith.constant 0 : i32
    %dma_wait3A_73 = tpu.memref_slice %arg6[%dma_wait3A_71, %dma_wait3A_72] : memref<80x128xi32, #tpu.memory_space<vmem>> -> memref<1x128xi32, #tpu.memory_space<vmem>>
    %dma_wait3A_74 = tpu.memref_squeeze %dma_wait3A_73 : memref<1x128xi32, #tpu.memory_space<vmem>> -> memref<128xi32, #tpu.memory_space<vmem>>
    %dma_wait3A_75 = arith.constant 0 : i32
    %dma_wait3A_76 = arith.constant 0 : i32
    %dma_wait3A_77 = tpu.memref_slice %arg8[%dma_wait3A_75, %dma_wait3A_76] : memref<10240x8xf32, #tpu.memory_space<vmem_shared>> -> memref<10240x8xf32, #tpu.memory_space<vmem_shared>>
    tpu.wait_indirect_dma semaphore(%arg13 : memref<!tpu.dma_semaphore, #tpu.memory_space<semaphore_mem>>) src(%arg7 : memref<128x8xf32, #tpu.memory_space<vmem>>) dst(%dma_wait3A_77 : memref<10240x8xf32, #tpu.memory_space<vmem_shared>>)
    %barrier3A_78 = arith.constant 0 : index
    tpu.barrier barrier_id(%barrier3A_78)
    %mul3A_79 = arith.constant 640 : i32
    %mul3A_80 = arith.muli %arg1, %mul3A_79 : i32
    %mul3A_81 = arith.constant 640 : i32
    %mul3A_82 = arith.muli %arg1, %mul3A_81 : i32
    "tpu.region"() ({
      %run_scoped3A_83 = tpu.sem_alloc : memref<!tpu.dma_semaphore, #tpu.memory_space<semaphore_mem>>
      %dma_start3A_84 = arith.constant 0 : i32
      %dma_start3A_85 = tpu.memref_slice %arg5[%arg0, %mul3A_82, %dma_start3A_84] : memref<2x10240x8xf32, #tpu.memory_space<hbm>> -> memref<1x640x8xf32, #tpu.memory_space<hbm>>
      %dma_start3A_86 = tpu.memref_squeeze %dma_start3A_85 : memref<1x640x8xf32, #tpu.memory_space<hbm>> -> memref<640x8xf32, #tpu.memory_space<hbm>>
      %dma_start3A_87 = arith.constant 0 : i32
      %dma_start3A_88 = tpu.memref_slice %arg8[%mul3A_80, %dma_start3A_87] : memref<10240x8xf32, #tpu.memory_space<vmem_shared>> -> memref<640x8xf32, #tpu.memory_space<vmem_shared>>
      tpu.enqueue_dma source(%dma_start3A_88 : memref<640x8xf32, #tpu.memory_space<vmem_shared>>) target(%dma_start3A_86 : memref<640x8xf32, #tpu.memory_space<hbm>>) target_semaphore(%run_scoped3A_83 : memref<!tpu.dma_semaphore, #tpu.memory_space<semaphore_mem>>)
      %dma_wait3A_89 = arith.constant 0 : i32
      %dma_wait3A_90 = tpu.memref_slice %arg5[%arg0, %mul3A_82, %dma_wait3A_89] : memref<2x10240x8xf32, #tpu.memory_space<hbm>> -> memref<1x640x8xf32, #tpu.memory_space<hbm>>
      %dma_wait3A_91 = tpu.memref_squeeze %dma_wait3A_90 : memref<1x640x8xf32, #tpu.memory_space<hbm>> -> memref<640x8xf32, #tpu.memory_space<hbm>>
      %dma_wait3A_92 = arith.constant 0 : i32
      %dma_wait3A_93 = tpu.memref_slice %arg8[%mul3A_80, %dma_wait3A_92] : memref<10240x8xf32, #tpu.memory_space<vmem_shared>> -> memref<640x8xf32, #tpu.memory_space<vmem_shared>>
      tpu.wait_dma2 semaphore(%run_scoped3A_83 : memref<!tpu.dma_semaphore, #tpu.memory_space<semaphore_mem>>) src(%dma_wait3A_93 : memref<640x8xf32, #tpu.memory_space<vmem_shared>>) dst(%dma_wait3A_91 : memref<640x8xf32, #tpu.memory_space<hbm>>)
      tpu.yield
    }) : () -> ()
    return
  }
}

#map = affine_map<(d0, d1) -> (0, 0)>
#map1 = affine_map<(d0, d1) -> (0, 0, 0)>
module attributes {stable_mosaic.version = 14 : i64} {
  func.func @k(%arg0: i32, %arg1: i32, %arg2: memref<10240x64xbf16, #tpu.memory_space<hbm>>, %arg3: memref<10240x64xbf16, #tpu.memory_space<hbm>>, %arg4: memref<2x2560x128xi32, #tpu.memory_space<hbm>>, %arg5: memref<640x64xbf16, #tpu.memory_space<hbm>>, %arg6: memref<2x10240x64xbf16, #tpu.memory_space<hbm>>, %arg7: memref<128xi32, #tpu.memory_space<vmem>>, %arg8: memref<128xi32, #tpu.memory_space<vmem>>, %arg9: memref<128xi32, #tpu.memory_space<vmem>>, %arg10: memref<128xi32, #tpu.memory_space<vmem>>, %arg11: memref<128xi32, #tpu.memory_space<vmem>>, %arg12: memref<128xi32, #tpu.memory_space<vmem>>, %arg13: memref<128xi32, #tpu.memory_space<vmem>>, %arg14: memref<128xi32, #tpu.memory_space<vmem>>, %arg15: memref<128xi32, #tpu.memory_space<vmem>>, %arg16: memref<128xi32, #tpu.memory_space<vmem>>, %arg17: memref<128xi32, #tpu.memory_space<vmem>>, %arg18: memref<128xi32, #tpu.memory_space<vmem>>, %arg19: memref<128xi32, #tpu.memory_space<vmem>>, %arg20: memref<128xi32, #tpu.memory_space<vmem>>, %arg21: memref<128xi32, #tpu.memory_space<vmem>>, %arg22: memref<128xi32, #tpu.memory_space<vmem>>, %arg23: memref<128x64xbf16, #tpu.memory_space<vmem>>, %arg24: memref<128x64xbf16, #tpu.memory_space<vmem>>, %arg25: memref<128x64xbf16, #tpu.memory_space<vmem>>, %arg26: memref<128x64xbf16, #tpu.memory_space<vmem>>, %arg27: memref<128x64xbf16, #tpu.memory_space<vmem>>, %arg28: memref<128x64xbf16, #tpu.memory_space<vmem>>, %arg29: memref<128x64xbf16, #tpu.memory_space<vmem>>, %arg30: memref<128x64xbf16, #tpu.memory_space<vmem>>, %arg31: memref<10240x64xbf16, #tpu.memory_space<vmem_shared>>, %arg32: memref<10240x64xbf16, #tpu.memory_space<vmem_shared>>, %arg33: memref<!tpu.dma_semaphore, #tpu.memory_space<semaphore_mem>>, %arg34: memref<!tpu.dma_semaphore, #tpu.memory_space<semaphore_mem>>, %arg35: memref<!tpu.dma_semaphore, #tpu.memory_space<semaphore_mem>>, %arg36: memref<!tpu.dma_semaphore, #tpu.memory_space<semaphore_mem>>, %arg37: memref<!tpu.dma_semaphore, #tpu.memory_space<semaphore_mem>>, %arg38: memref<!tpu.dma_semaphore, #tpu.memory_space<semaphore_mem>>, %arg39: memref<!tpu.dma_semaphore, #tpu.memory_space<semaphore_mem>>, %arg40: memref<!tpu.dma_semaphore, #tpu.memory_space<semaphore_mem>>, %arg41: memref<!tpu.dma_semaphore, #tpu.memory_space<semaphore_mem>>, %arg42: memref<!tpu.dma_semaphore, #tpu.memory_space<semaphore_mem>>, %arg43: memref<!tpu.dma_semaphore, #tpu.memory_space<semaphore_mem>>, %arg44: memref<!tpu.dma_semaphore, #tpu.memory_space<semaphore_mem>>, %arg45: memref<!tpu.dma_semaphore, #tpu.memory_space<semaphore_mem>>, %arg46: memref<!tpu.dma_semaphore, #tpu.memory_space<semaphore_mem>>, %arg47: memref<!tpu.dma_semaphore, #tpu.memory_space<semaphore_mem>>, %arg48: memref<!tpu.dma_semaphore, #tpu.memory_space<semaphore_mem>>, %arg49: memref<!tpu.dma_semaphore, #tpu.memory_space<semaphore_mem>>, %arg50: memref<!tpu.dma_semaphore, #tpu.memory_space<semaphore_mem>>, %arg51: memref<!tpu.dma_semaphore, #tpu.memory_space<semaphore_mem>>, %arg52: memref<!tpu.dma_semaphore, #tpu.memory_space<semaphore_mem>>, %arg53: memref<!tpu.dma_semaphore, #tpu.memory_space<semaphore_mem>>, %arg54: memref<!tpu.dma_semaphore, #tpu.memory_space<semaphore_mem>>, %arg55: memref<!tpu.dma_semaphore, #tpu.memory_space<semaphore_mem>>, %arg56: memref<!tpu.dma_semaphore, #tpu.memory_space<semaphore_mem>>, %arg57: memref<!tpu.dma_semaphore, #tpu.memory_space<semaphore_mem>>, %arg58: memref<!tpu.dma_semaphore, #tpu.memory_space<semaphore_mem>>, %arg59: memref<!tpu.dma_semaphore, #tpu.memory_space<semaphore_mem>>, %arg60: memref<!tpu.dma_semaphore, #tpu.memory_space<semaphore_mem>>) attributes {dimension_semantics = [#tpu.dimension_semantics<core_parallel>, #tpu.dimension_semantics<subcore_parallel>], iteration_bounds = array<i64: 2, 16>, scalar_prefetch = 0 : i64, scratch_operands = 54 : i64, tpu.core_type = #tpu.core_type<sc_vector_subcore>, window_params = [{transform_indices = #map}, {transform_indices = #map}, {transform_indices = #map1}, {transform_indices = #map}, {transform_indices = #map1}]} {
    %mul3A = arith.constant 640 : i32
    %mul3A_0 = arith.muli %arg1, %mul3A : i32
    "tpu.region"() ({
      %run_scoped3A = tpu.sem_alloc : memref<!tpu.dma_semaphore, #tpu.memory_space<semaphore_mem>>
      %dma_start3A_184 = arith.constant 0 : i32
      %dma_start3A_185 = tpu.memref_slice %arg31[%mul3A_0, %dma_start3A_184] : memref<10240x64xbf16, #tpu.memory_space<vmem_shared>> -> memref<640x64xbf16, #tpu.memory_space<vmem_shared>>
      tpu.enqueue_dma source(%arg5 : memref<640x64xbf16, #tpu.memory_space<hbm>>) target(%dma_start3A_185 : memref<640x64xbf16, #tpu.memory_space<vmem_shared>>) target_semaphore(%run_scoped3A : memref<!tpu.dma_semaphore, #tpu.memory_space<semaphore_mem>>)
      %dma_wait3A_186 = arith.constant 0 : i32
      %dma_wait3A_187 = tpu.memref_slice %arg31[%mul3A_0, %dma_wait3A_186] : memref<10240x64xbf16, #tpu.memory_space<vmem_shared>> -> memref<640x64xbf16, #tpu.memory_space<vmem_shared>>
      tpu.wait_dma2 semaphore(%run_scoped3A : memref<!tpu.dma_semaphore, #tpu.memory_space<semaphore_mem>>) src(%arg5 : memref<640x64xbf16, #tpu.memory_space<hbm>>) dst(%dma_wait3A_187 : memref<640x64xbf16, #tpu.memory_space<vmem_shared>>)
      tpu.yield
    }) : () -> ()
    %eq3A = arith.constant 0 : i32
    %eq3A_1 = arith.cmpi eq, %arg0, %eq3A : i32
    %convert_element_type3A = arith.extui %eq3A_1 : i1 to i32
    %cond3A = arith.constant 0 : i32
    %cond3A_2 = arith.cmpi ne, %convert_element_type3A, %cond3A : i32
    scf.if %cond3A_2 {
      "tpu.region"() ({
        %run_scoped3A = tpu.sem_alloc : memref<!tpu.dma_semaphore, #tpu.memory_space<semaphore_mem>>
        %dma_start3A_184 = arith.constant 0 : i32
        %dma_start3A_185 = tpu.memref_slice %arg32[%mul3A_0, %dma_start3A_184] : memref<10240x64xbf16, #tpu.memory_space<vmem_shared>> -> memref<640x64xbf16, #tpu.memory_space<vmem_shared>>
        %dma_start3A_186 = arith.constant 0 : i32
        %dma_start3A_187 = tpu.memref_slice %arg2[%mul3A_0, %dma_start3A_186] : memref<10240x64xbf16, #tpu.memory_space<hbm>> -> memref<640x64xbf16, #tpu.memory_space<hbm>>
        tpu.enqueue_dma source(%dma_start3A_187 : memref<640x64xbf16, #tpu.memory_space<hbm>>) target(%dma_start3A_185 : memref<640x64xbf16, #tpu.memory_space<vmem_shared>>) target_semaphore(%run_scoped3A : memref<!tpu.dma_semaphore, #tpu.memory_space<semaphore_mem>>)
        %dma_wait3A_188 = arith.constant 0 : i32
        %dma_wait3A_189 = tpu.memref_slice %arg32[%mul3A_0, %dma_wait3A_188] : memref<10240x64xbf16, #tpu.memory_space<vmem_shared>> -> memref<640x64xbf16, #tpu.memory_space<vmem_shared>>
        %dma_wait3A_190 = arith.constant 0 : i32
        %dma_wait3A_191 = tpu.memref_slice %arg2[%mul3A_0, %dma_wait3A_190] : memref<10240x64xbf16, #tpu.memory_space<hbm>> -> memref<640x64xbf16, #tpu.memory_space<hbm>>
        tpu.wait_dma2 semaphore(%run_scoped3A : memref<!tpu.dma_semaphore, #tpu.memory_space<semaphore_mem>>) src(%dma_wait3A_191 : memref<640x64xbf16, #tpu.memory_space<hbm>>) dst(%dma_wait3A_189 : memref<640x64xbf16, #tpu.memory_space<vmem_shared>>)
        tpu.yield
      }) : () -> ()
    } else {
    }
    %eq3A_3 = arith.constant 1 : i32
    %eq3A_4 = arith.cmpi eq, %arg0, %eq3A_3 : i32
    %convert_element_type3A_5 = arith.extui %eq3A_4 : i1 to i32
    %cond3A_6 = arith.constant 0 : i32
    %cond3A_7 = arith.cmpi ne, %convert_element_type3A_5, %cond3A_6 : i32
    scf.if %cond3A_7 {
      "tpu.region"() ({
        %run_scoped3A = tpu.sem_alloc : memref<!tpu.dma_semaphore, #tpu.memory_space<semaphore_mem>>
        %dma_start3A_184 = arith.constant 0 : i32
        %dma_start3A_185 = tpu.memref_slice %arg32[%mul3A_0, %dma_start3A_184] : memref<10240x64xbf16, #tpu.memory_space<vmem_shared>> -> memref<640x64xbf16, #tpu.memory_space<vmem_shared>>
        %dma_start3A_186 = arith.constant 0 : i32
        %dma_start3A_187 = tpu.memref_slice %arg3[%mul3A_0, %dma_start3A_186] : memref<10240x64xbf16, #tpu.memory_space<hbm>> -> memref<640x64xbf16, #tpu.memory_space<hbm>>
        tpu.enqueue_dma source(%dma_start3A_187 : memref<640x64xbf16, #tpu.memory_space<hbm>>) target(%dma_start3A_185 : memref<640x64xbf16, #tpu.memory_space<vmem_shared>>) target_semaphore(%run_scoped3A : memref<!tpu.dma_semaphore, #tpu.memory_space<semaphore_mem>>)
        %dma_wait3A_188 = arith.constant 0 : i32
        %dma_wait3A_189 = tpu.memref_slice %arg32[%mul3A_0, %dma_wait3A_188] : memref<10240x64xbf16, #tpu.memory_space<vmem_shared>> -> memref<640x64xbf16, #tpu.memory_space<vmem_shared>>
        %dma_wait3A_190 = arith.constant 0 : i32
        %dma_wait3A_191 = tpu.memref_slice %arg3[%mul3A_0, %dma_wait3A_190] : memref<10240x64xbf16, #tpu.memory_space<hbm>> -> memref<640x64xbf16, #tpu.memory_space<hbm>>
        tpu.wait_dma2 semaphore(%run_scoped3A : memref<!tpu.dma_semaphore, #tpu.memory_space<semaphore_mem>>) src(%dma_wait3A_191 : memref<640x64xbf16, #tpu.memory_space<hbm>>) dst(%dma_wait3A_189 : memref<640x64xbf16, #tpu.memory_space<vmem_shared>>)
        tpu.yield
      }) : () -> ()
    } else {
    }
    %barrier3A = arith.constant 0 : index
    tpu.barrier barrier_id(%barrier3A)
    %mul3A_8 = arith.constant 80 : i32
    %mul3A_9 = arith.muli %arg1, %mul3A_8 : i32
    %mul3A_10 = arith.constant 1280 : i32
    %mul3A_11 = arith.muli %arg0, %mul3A_10 : i32
    %add3A = arith.addi %mul3A_9, %mul3A_11 : i32
    %add3A_12 = arith.constant 0 : i32
    %add3A_13 = arith.addi %add3A, %add3A_12 : i32
    %dma_start3A = arith.constant 0 : i32
    %dma_start3A_14 = arith.constant 0 : i32
    %dma_start3A_15 = tpu.memref_slice %arg4[%dma_start3A, %add3A_13, %dma_start3A_14] : memref<2x2560x128xi32, #tpu.memory_space<hbm>> -> memref<1x1x128xi32, #tpu.memory_space<hbm>>
    %dma_start3A_16 = tpu.memref_squeeze %dma_start3A_15 : memref<1x1x128xi32, #tpu.memory_space<hbm>> -> memref<128xi32, #tpu.memory_space<hbm>>
    %dma_start3A_17 = arith.constant 0 : i32
    %dma_start3A_18 = tpu.memref_slice %arg4[%dma_start3A, %add3A_13, %dma_start3A_17] : memref<2x2560x128xi32, #tpu.memory_space<hbm>> -> memref<1x1x128xi32, #tpu.memory_space<hbm>>
    %dma_start3A_19 = tpu.memref_squeeze %dma_start3A_18 : memref<1x1x128xi32, #tpu.memory_space<hbm>> -> memref<128xi32, #tpu.memory_space<hbm>>
    tpu.enqueue_dma source(%dma_start3A_19 : memref<128xi32, #tpu.memory_space<hbm>>) target(%arg7 : memref<128xi32, #tpu.memory_space<vmem>>) target_semaphore(%arg33 : memref<!tpu.dma_semaphore, #tpu.memory_space<semaphore_mem>>)
    %add3A_20 = arith.constant 1 : i32
    %add3A_21 = arith.addi %add3A, %add3A_20 : i32
    %dma_start3A_22 = arith.constant 0 : i32
    %dma_start3A_23 = arith.constant 0 : i32
    %dma_start3A_24 = tpu.memref_slice %arg4[%dma_start3A_22, %add3A_21, %dma_start3A_23] : memref<2x2560x128xi32, #tpu.memory_space<hbm>> -> memref<1x1x128xi32, #tpu.memory_space<hbm>>
    %dma_start3A_25 = tpu.memref_squeeze %dma_start3A_24 : memref<1x1x128xi32, #tpu.memory_space<hbm>> -> memref<128xi32, #tpu.memory_space<hbm>>
    %dma_start3A_26 = arith.constant 0 : i32
    %dma_start3A_27 = tpu.memref_slice %arg4[%dma_start3A_22, %add3A_21, %dma_start3A_26] : memref<2x2560x128xi32, #tpu.memory_space<hbm>> -> memref<1x1x128xi32, #tpu.memory_space<hbm>>
    %dma_start3A_28 = tpu.memref_squeeze %dma_start3A_27 : memref<1x1x128xi32, #tpu.memory_space<hbm>> -> memref<128xi32, #tpu.memory_space<hbm>>
    tpu.enqueue_dma source(%dma_start3A_28 : memref<128xi32, #tpu.memory_space<hbm>>) target(%arg8 : memref<128xi32, #tpu.memory_space<vmem>>) target_semaphore(%arg34 : memref<!tpu.dma_semaphore, #tpu.memory_space<semaphore_mem>>)
    %add3A_29 = arith.constant 2 : i32
    %add3A_30 = arith.addi %add3A, %add3A_29 : i32
    %dma_start3A_31 = arith.constant 0 : i32
    %dma_start3A_32 = arith.constant 0 : i32
    %dma_start3A_33 = tpu.memref_slice %arg4[%dma_start3A_31, %add3A_30, %dma_start3A_32] : memref<2x2560x128xi32, #tpu.memory_space<hbm>> -> memref<1x1x128xi32, #tpu.memory_space<hbm>>
    %dma_start3A_34 = tpu.memref_squeeze %dma_start3A_33 : memref<1x1x128xi32, #tpu.memory_space<hbm>> -> memref<128xi32, #tpu.memory_space<hbm>>
    %dma_start3A_35 = arith.constant 0 : i32
    %dma_start3A_36 = tpu.memref_slice %arg4[%dma_start3A_31, %add3A_30, %dma_start3A_35] : memref<2x2560x128xi32, #tpu.memory_space<hbm>> -> memref<1x1x128xi32, #tpu.memory_space<hbm>>
    %dma_start3A_37 = tpu.memref_squeeze %dma_start3A_36 : memref<1x1x128xi32, #tpu.memory_space<hbm>> -> memref<128xi32, #tpu.memory_space<hbm>>
    tpu.enqueue_dma source(%dma_start3A_37 : memref<128xi32, #tpu.memory_space<hbm>>) target(%arg9 : memref<128xi32, #tpu.memory_space<vmem>>) target_semaphore(%arg35 : memref<!tpu.dma_semaphore, #tpu.memory_space<semaphore_mem>>)
    %add3A_38 = arith.constant 3 : i32
    %add3A_39 = arith.addi %add3A, %add3A_38 : i32
    %dma_start3A_40 = arith.constant 0 : i32
    %dma_start3A_41 = arith.constant 0 : i32
    %dma_start3A_42 = tpu.memref_slice %arg4[%dma_start3A_40, %add3A_39, %dma_start3A_41] : memref<2x2560x128xi32, #tpu.memory_space<hbm>> -> memref<1x1x128xi32, #tpu.memory_space<hbm>>
    %dma_start3A_43 = tpu.memref_squeeze %dma_start3A_42 : memref<1x1x128xi32, #tpu.memory_space<hbm>> -> memref<128xi32, #tpu.memory_space<hbm>>
    %dma_start3A_44 = arith.constant 0 : i32
    %dma_start3A_45 = tpu.memref_slice %arg4[%dma_start3A_40, %add3A_39, %dma_start3A_44] : memref<2x2560x128xi32, #tpu.memory_space<hbm>> -> memref<1x1x128xi32, #tpu.memory_space<hbm>>
    %dma_start3A_46 = tpu.memref_squeeze %dma_start3A_45 : memref<1x1x128xi32, #tpu.memory_space<hbm>> -> memref<128xi32, #tpu.memory_space<hbm>>
    tpu.enqueue_dma source(%dma_start3A_46 : memref<128xi32, #tpu.memory_space<hbm>>) target(%arg10 : memref<128xi32, #tpu.memory_space<vmem>>) target_semaphore(%arg36 : memref<!tpu.dma_semaphore, #tpu.memory_space<semaphore_mem>>)
    %add3A_47 = arith.constant 4 : i32
    %add3A_48 = arith.addi %add3A, %add3A_47 : i32
    %dma_start3A_49 = arith.constant 0 : i32
    %dma_start3A_50 = arith.constant 0 : i32
    %dma_start3A_51 = tpu.memref_slice %arg4[%dma_start3A_49, %add3A_48, %dma_start3A_50] : memref<2x2560x128xi32, #tpu.memory_space<hbm>> -> memref<1x1x128xi32, #tpu.memory_space<hbm>>
    %dma_start3A_52 = tpu.memref_squeeze %dma_start3A_51 : memref<1x1x128xi32, #tpu.memory_space<hbm>> -> memref<128xi32, #tpu.memory_space<hbm>>
    %dma_start3A_53 = arith.constant 0 : i32
    %dma_start3A_54 = tpu.memref_slice %arg4[%dma_start3A_49, %add3A_48, %dma_start3A_53] : memref<2x2560x128xi32, #tpu.memory_space<hbm>> -> memref<1x1x128xi32, #tpu.memory_space<hbm>>
    %dma_start3A_55 = tpu.memref_squeeze %dma_start3A_54 : memref<1x1x128xi32, #tpu.memory_space<hbm>> -> memref<128xi32, #tpu.memory_space<hbm>>
    tpu.enqueue_dma source(%dma_start3A_55 : memref<128xi32, #tpu.memory_space<hbm>>) target(%arg11 : memref<128xi32, #tpu.memory_space<vmem>>) target_semaphore(%arg37 : memref<!tpu.dma_semaphore, #tpu.memory_space<semaphore_mem>>)
    %add3A_56 = arith.constant 5 : i32
    %add3A_57 = arith.addi %add3A, %add3A_56 : i32
    %dma_start3A_58 = arith.constant 0 : i32
    %dma_start3A_59 = arith.constant 0 : i32
    %dma_start3A_60 = tpu.memref_slice %arg4[%dma_start3A_58, %add3A_57, %dma_start3A_59] : memref<2x2560x128xi32, #tpu.memory_space<hbm>> -> memref<1x1x128xi32, #tpu.memory_space<hbm>>
    %dma_start3A_61 = tpu.memref_squeeze %dma_start3A_60 : memref<1x1x128xi32, #tpu.memory_space<hbm>> -> memref<128xi32, #tpu.memory_space<hbm>>
    %dma_start3A_62 = arith.constant 0 : i32
    %dma_start3A_63 = tpu.memref_slice %arg4[%dma_start3A_58, %add3A_57, %dma_start3A_62] : memref<2x2560x128xi32, #tpu.memory_space<hbm>> -> memref<1x1x128xi32, #tpu.memory_space<hbm>>
    %dma_start3A_64 = tpu.memref_squeeze %dma_start3A_63 : memref<1x1x128xi32, #tpu.memory_space<hbm>> -> memref<128xi32, #tpu.memory_space<hbm>>
    tpu.enqueue_dma source(%dma_start3A_64 : memref<128xi32, #tpu.memory_space<hbm>>) target(%arg12 : memref<128xi32, #tpu.memory_space<vmem>>) target_semaphore(%arg38 : memref<!tpu.dma_semaphore, #tpu.memory_space<semaphore_mem>>)
    %add3A_65 = arith.constant 6 : i32
    %add3A_66 = arith.addi %add3A, %add3A_65 : i32
    %dma_start3A_67 = arith.constant 0 : i32
    %dma_start3A_68 = arith.constant 0 : i32
    %dma_start3A_69 = tpu.memref_slice %arg4[%dma_start3A_67, %add3A_66, %dma_start3A_68] : memref<2x2560x128xi32, #tpu.memory_space<hbm>> -> memref<1x1x128xi32, #tpu.memory_space<hbm>>
    %dma_start3A_70 = tpu.memref_squeeze %dma_start3A_69 : memref<1x1x128xi32, #tpu.memory_space<hbm>> -> memref<128xi32, #tpu.memory_space<hbm>>
    %dma_start3A_71 = arith.constant 0 : i32
    %dma_start3A_72 = tpu.memref_slice %arg4[%dma_start3A_67, %add3A_66, %dma_start3A_71] : memref<2x2560x128xi32, #tpu.memory_space<hbm>> -> memref<1x1x128xi32, #tpu.memory_space<hbm>>
    %dma_start3A_73 = tpu.memref_squeeze %dma_start3A_72 : memref<1x1x128xi32, #tpu.memory_space<hbm>> -> memref<128xi32, #tpu.memory_space<hbm>>
    tpu.enqueue_dma source(%dma_start3A_73 : memref<128xi32, #tpu.memory_space<hbm>>) target(%arg13 : memref<128xi32, #tpu.memory_space<vmem>>) target_semaphore(%arg39 : memref<!tpu.dma_semaphore, #tpu.memory_space<semaphore_mem>>)
    %add3A_74 = arith.constant 7 : i32
    %add3A_75 = arith.addi %add3A, %add3A_74 : i32
    %dma_start3A_76 = arith.constant 0 : i32
    %dma_start3A_77 = arith.constant 0 : i32
    %dma_start3A_78 = tpu.memref_slice %arg4[%dma_start3A_76, %add3A_75, %dma_start3A_77] : memref<2x2560x128xi32, #tpu.memory_space<hbm>> -> memref<1x1x128xi32, #tpu.memory_space<hbm>>
    %dma_start3A_79 = tpu.memref_squeeze %dma_start3A_78 : memref<1x1x128xi32, #tpu.memory_space<hbm>> -> memref<128xi32, #tpu.memory_space<hbm>>
    %dma_start3A_80 = arith.constant 0 : i32
    %dma_start3A_81 = tpu.memref_slice %arg4[%dma_start3A_76, %add3A_75, %dma_start3A_80] : memref<2x2560x128xi32, #tpu.memory_space<hbm>> -> memref<1x1x128xi32, #tpu.memory_space<hbm>>
    %dma_start3A_82 = tpu.memref_squeeze %dma_start3A_81 : memref<1x1x128xi32, #tpu.memory_space<hbm>> -> memref<128xi32, #tpu.memory_space<hbm>>
    tpu.enqueue_dma source(%dma_start3A_82 : memref<128xi32, #tpu.memory_space<hbm>>) target(%arg14 : memref<128xi32, #tpu.memory_space<vmem>>) target_semaphore(%arg40 : memref<!tpu.dma_semaphore, #tpu.memory_space<semaphore_mem>>)
    %add3A_83 = arith.constant 0 : i32
    %add3A_84 = arith.addi %add3A, %add3A_83 : i32
    %dma_start3A_85 = arith.constant 1 : i32
    %dma_start3A_86 = arith.constant 0 : i32
    %dma_start3A_87 = tpu.memref_slice %arg4[%dma_start3A_85, %add3A_84, %dma_start3A_86] : memref<2x2560x128xi32, #tpu.memory_space<hbm>> -> memref<1x1x128xi32, #tpu.memory_space<hbm>>
    %dma_start3A_88 = tpu.memref_squeeze %dma_start3A_87 : memref<1x1x128xi32, #tpu.memory_space<hbm>> -> memref<128xi32, #tpu.memory_space<hbm>>
    %dma_start3A_89 = arith.constant 0 : i32
    %dma_start3A_90 = tpu.memref_slice %arg4[%dma_start3A_85, %add3A_84, %dma_start3A_89] : memref<2x2560x128xi32, #tpu.memory_space<hbm>> -> memref<1x1x128xi32, #tpu.memory_space<hbm>>
    %dma_start3A_91 = tpu.memref_squeeze %dma_start3A_90 : memref<1x1x128xi32, #tpu.memory_space<hbm>> -> memref<128xi32, #tpu.memory_space<hbm>>
    tpu.enqueue_dma source(%dma_start3A_91 : memref<128xi32, #tpu.memory_space<hbm>>) target(%arg15 : memref<128xi32, #tpu.memory_space<vmem>>) target_semaphore(%arg41 : memref<!tpu.dma_semaphore, #tpu.memory_space<semaphore_mem>>)
    %add3A_92 = arith.constant 1 : i32
    %add3A_93 = arith.addi %add3A, %add3A_92 : i32
    %dma_start3A_94 = arith.constant 1 : i32
    %dma_start3A_95 = arith.constant 0 : i32
    %dma_start3A_96 = tpu.memref_slice %arg4[%dma_start3A_94, %add3A_93, %dma_start3A_95] : memref<2x2560x128xi32, #tpu.memory_space<hbm>> -> memref<1x1x128xi32, #tpu.memory_space<hbm>>
    %dma_start3A_97 = tpu.memref_squeeze %dma_start3A_96 : memref<1x1x128xi32, #tpu.memory_space<hbm>> -> memref<128xi32, #tpu.memory_space<hbm>>
    %dma_start3A_98 = arith.constant 0 : i32
    %dma_start3A_99 = tpu.memref_slice %arg4[%dma_start3A_94, %add3A_93, %dma_start3A_98] : memref<2x2560x128xi32, #tpu.memory_space<hbm>> -> memref<1x1x128xi32, #tpu.memory_space<hbm>>
    %dma_start3A_100 = tpu.memref_squeeze %dma_start3A_99 : memref<1x1x128xi32, #tpu.memory_space<hbm>> -> memref<128xi32, #tpu.memory_space<hbm>>
    tpu.enqueue_dma source(%dma_start3A_100 : memref<128xi32, #tpu.memory_space<hbm>>) target(%arg16 : memref<128xi32, #tpu.memory_space<vmem>>) target_semaphore(%arg42 : memref<!tpu.dma_semaphore, #tpu.memory_space<semaphore_mem>>)
    %add3A_101 = arith.constant 2 : i32
    %add3A_102 = arith.addi %add3A, %add3A_101 : i32
    %dma_start3A_103 = arith.constant 1 : i32
    %dma_start3A_104 = arith.constant 0 : i32
    %dma_start3A_105 = tpu.memref_slice %arg4[%dma_start3A_103, %add3A_102, %dma_start3A_104] : memref<2x2560x128xi32, #tpu.memory_space<hbm>> -> memref<1x1x128xi32, #tpu.memory_space<hbm>>
    %dma_start3A_106 = tpu.memref_squeeze %dma_start3A_105 : memref<1x1x128xi32, #tpu.memory_space<hbm>> -> memref<128xi32, #tpu.memory_space<hbm>>
    %dma_start3A_107 = arith.constant 0 : i32
    %dma_start3A_108 = tpu.memref_slice %arg4[%dma_start3A_103, %add3A_102, %dma_start3A_107] : memref<2x2560x128xi32, #tpu.memory_space<hbm>> -> memref<1x1x128xi32, #tpu.memory_space<hbm>>
    %dma_start3A_109 = tpu.memref_squeeze %dma_start3A_108 : memref<1x1x128xi32, #tpu.memory_space<hbm>> -> memref<128xi32, #tpu.memory_space<hbm>>
    tpu.enqueue_dma source(%dma_start3A_109 : memref<128xi32, #tpu.memory_space<hbm>>) target(%arg17 : memref<128xi32, #tpu.memory_space<vmem>>) target_semaphore(%arg43 : memref<!tpu.dma_semaphore, #tpu.memory_space<semaphore_mem>>)
    %add3A_110 = arith.constant 3 : i32
    %add3A_111 = arith.addi %add3A, %add3A_110 : i32
    %dma_start3A_112 = arith.constant 1 : i32
    %dma_start3A_113 = arith.constant 0 : i32
    %dma_start3A_114 = tpu.memref_slice %arg4[%dma_start3A_112, %add3A_111, %dma_start3A_113] : memref<2x2560x128xi32, #tpu.memory_space<hbm>> -> memref<1x1x128xi32, #tpu.memory_space<hbm>>
    %dma_start3A_115 = tpu.memref_squeeze %dma_start3A_114 : memref<1x1x128xi32, #tpu.memory_space<hbm>> -> memref<128xi32, #tpu.memory_space<hbm>>
    %dma_start3A_116 = arith.constant 0 : i32
    %dma_start3A_117 = tpu.memref_slice %arg4[%dma_start3A_112, %add3A_111, %dma_start3A_116] : memref<2x2560x128xi32, #tpu.memory_space<hbm>> -> memref<1x1x128xi32, #tpu.memory_space<hbm>>
    %dma_start3A_118 = tpu.memref_squeeze %dma_start3A_117 : memref<1x1x128xi32, #tpu.memory_space<hbm>> -> memref<128xi32, #tpu.memory_space<hbm>>
    tpu.enqueue_dma source(%dma_start3A_118 : memref<128xi32, #tpu.memory_space<hbm>>) target(%arg18 : memref<128xi32, #tpu.memory_space<vmem>>) target_semaphore(%arg44 : memref<!tpu.dma_semaphore, #tpu.memory_space<semaphore_mem>>)
    %dma_wait3A = arith.constant 0 : i32
    %dma_wait3A_119 = arith.constant 0 : i32
    %dma_wait3A_120 = arith.constant 0 : i32
    %dma_wait3A_121 = tpu.memref_slice %arg4[%dma_wait3A, %dma_wait3A_119, %dma_wait3A_120] : memref<2x2560x128xi32, #tpu.memory_space<hbm>> -> memref<1x1x128xi32, #tpu.memory_space<hbm>>
    %dma_wait3A_122 = tpu.memref_squeeze %dma_wait3A_121 : memref<1x1x128xi32, #tpu.memory_space<hbm>> -> memref<128xi32, #tpu.memory_space<hbm>>
    %dma_wait3A_123 = arith.constant 0 : i32
    %dma_wait3A_124 = tpu.memref_slice %arg4[%dma_wait3A, %dma_wait3A_119, %dma_wait3A_123] : memref<2x2560x128xi32, #tpu.memory_space<hbm>> -> memref<1x1x128xi32, #tpu.memory_space<hbm>>
    %dma_wait3A_125 = tpu.memref_squeeze %dma_wait3A_124 : memref<1x1x128xi32, #tpu.memory_space<hbm>> -> memref<128xi32, #tpu.memory_space<hbm>>
    tpu.wait_dma2 semaphore(%arg33 : memref<!tpu.dma_semaphore, #tpu.memory_space<semaphore_mem>>) src(%dma_wait3A_125 : memref<128xi32, #tpu.memory_space<hbm>>) dst(%arg7 : memref<128xi32, #tpu.memory_space<vmem>>)
    %dma_start3A_126 = arith.constant 0 : i32
    %dma_start3A_127 = arith.constant 0 : i32
    %dma_start3A_128 = tpu.memref_slice %arg32[%dma_start3A_126, %dma_start3A_127] : memref<10240x64xbf16, #tpu.memory_space<vmem_shared>> -> memref<10240x64xbf16, #tpu.memory_space<vmem_shared>>
    tpu.enqueue_indirect_dma source(%dma_start3A_128 : memref<10240x64xbf16, #tpu.memory_space<vmem_shared>>) target(%arg23 : memref<128x64xbf16, #tpu.memory_space<vmem>>) offsets(%arg7 : memref<128xi32, #tpu.memory_space<vmem>>) semaphore(%arg49 : memref<!tpu.dma_semaphore, #tpu.memory_space<semaphore_mem>>)
    %dma_wait3A_129 = arith.constant 0 : i32
    %dma_wait3A_130 = arith.constant 0 : i32
    %dma_wait3A_131 = arith.constant 0 : i32
    %dma_wait3A_132 = tpu.memref_slice %arg4[%dma_wait3A_129, %dma_wait3A_130, %dma_wait3A_131] : memref<2x2560x128xi32, #tpu.memory_space<hbm>> -> memref<1x1x128xi32, #tpu.memory_space<hbm>>
    %dma_wait3A_133 = tpu.memref_squeeze %dma_wait3A_132 : memref<1x1x128xi32, #tpu.memory_space<hbm>> -> memref<128xi32, #tpu.memory_space<hbm>>
    %dma_wait3A_134 = arith.constant 0 : i32
    %dma_wait3A_135 = tpu.memref_slice %arg4[%dma_wait3A_129, %dma_wait3A_130, %dma_wait3A_134] : memref<2x2560x128xi32, #tpu.memory_space<hbm>> -> memref<1x1x128xi32, #tpu.memory_space<hbm>>
    %dma_wait3A_136 = tpu.memref_squeeze %dma_wait3A_135 : memref<1x1x128xi32, #tpu.memory_space<hbm>> -> memref<128xi32, #tpu.memory_space<hbm>>
    tpu.wait_dma2 semaphore(%arg34 : memref<!tpu.dma_semaphore, #tpu.memory_space<semaphore_mem>>) src(%dma_wait3A_136 : memref<128xi32, #tpu.memory_space<hbm>>) dst(%arg8 : memref<128xi32, #tpu.memory_space<vmem>>)
    %dma_start3A_137 = arith.constant 0 : i32
    %dma_start3A_138 = arith.constant 0 : i32
    %dma_start3A_139 = tpu.memref_slice %arg32[%dma_start3A_137, %dma_start3A_138] : memref<10240x64xbf16, #tpu.memory_space<vmem_shared>> -> memref<10240x64xbf16, #tpu.memory_space<vmem_shared>>
    tpu.enqueue_indirect_dma source(%dma_start3A_139 : memref<10240x64xbf16, #tpu.memory_space<vmem_shared>>) target(%arg24 : memref<128x64xbf16, #tpu.memory_space<vmem>>) offsets(%arg8 : memref<128xi32, #tpu.memory_space<vmem>>) semaphore(%arg50 : memref<!tpu.dma_semaphore, #tpu.memory_space<semaphore_mem>>)
    %dma_wait3A_140 = arith.constant 0 : i32
    %dma_wait3A_141 = arith.constant 0 : i32
    %dma_wait3A_142 = arith.constant 0 : i32
    %dma_wait3A_143 = tpu.memref_slice %arg4[%dma_wait3A_140, %dma_wait3A_141, %dma_wait3A_142] : memref<2x2560x128xi32, #tpu.memory_space<hbm>> -> memref<1x1x128xi32, #tpu.memory_space<hbm>>
    %dma_wait3A_144 = tpu.memref_squeeze %dma_wait3A_143 : memref<1x1x128xi32, #tpu.memory_space<hbm>> -> memref<128xi32, #tpu.memory_space<hbm>>
    %dma_wait3A_145 = arith.constant 0 : i32
    %dma_wait3A_146 = tpu.memref_slice %arg4[%dma_wait3A_140, %dma_wait3A_141, %dma_wait3A_145] : memref<2x2560x128xi32, #tpu.memory_space<hbm>> -> memref<1x1x128xi32, #tpu.memory_space<hbm>>
    %dma_wait3A_147 = tpu.memref_squeeze %dma_wait3A_146 : memref<1x1x128xi32, #tpu.memory_space<hbm>> -> memref<128xi32, #tpu.memory_space<hbm>>
    tpu.wait_dma2 semaphore(%arg35 : memref<!tpu.dma_semaphore, #tpu.memory_space<semaphore_mem>>) src(%dma_wait3A_147 : memref<128xi32, #tpu.memory_space<hbm>>) dst(%arg9 : memref<128xi32, #tpu.memory_space<vmem>>)
    %dma_start3A_148 = arith.constant 0 : i32
    %dma_start3A_149 = arith.constant 0 : i32
    %dma_start3A_150 = tpu.memref_slice %arg32[%dma_start3A_148, %dma_start3A_149] : memref<10240x64xbf16, #tpu.memory_space<vmem_shared>> -> memref<10240x64xbf16, #tpu.memory_space<vmem_shared>>
    tpu.enqueue_indirect_dma source(%dma_start3A_150 : memref<10240x64xbf16, #tpu.memory_space<vmem_shared>>) target(%arg25 : memref<128x64xbf16, #tpu.memory_space<vmem>>) offsets(%arg9 : memref<128xi32, #tpu.memory_space<vmem>>) semaphore(%arg51 : memref<!tpu.dma_semaphore, #tpu.memory_space<semaphore_mem>>)
    %dma_wait3A_151 = arith.constant 0 : i32
    %dma_wait3A_152 = arith.constant 0 : i32
    %dma_wait3A_153 = arith.constant 0 : i32
    %dma_wait3A_154 = tpu.memref_slice %arg4[%dma_wait3A_151, %dma_wait3A_152, %dma_wait3A_153] : memref<2x2560x128xi32, #tpu.memory_space<hbm>> -> memref<1x1x128xi32, #tpu.memory_space<hbm>>
    %dma_wait3A_155 = tpu.memref_squeeze %dma_wait3A_154 : memref<1x1x128xi32, #tpu.memory_space<hbm>> -> memref<128xi32, #tpu.memory_space<hbm>>
    %dma_wait3A_156 = arith.constant 0 : i32
    %dma_wait3A_157 = tpu.memref_slice %arg4[%dma_wait3A_151, %dma_wait3A_152, %dma_wait3A_156] : memref<2x2560x128xi32, #tpu.memory_space<hbm>> -> memref<1x1x128xi32, #tpu.memory_space<hbm>>
    %dma_wait3A_158 = tpu.memref_squeeze %dma_wait3A_157 : memref<1x1x128xi32, #tpu.memory_space<hbm>> -> memref<128xi32, #tpu.memory_space<hbm>>
    tpu.wait_dma2 semaphore(%arg36 : memref<!tpu.dma_semaphore, #tpu.memory_space<semaphore_mem>>) src(%dma_wait3A_158 : memref<128xi32, #tpu.memory_space<hbm>>) dst(%arg10 : memref<128xi32, #tpu.memory_space<vmem>>)
    %dma_start3A_159 = arith.constant 0 : i32
    %dma_start3A_160 = arith.constant 0 : i32
    %dma_start3A_161 = tpu.memref_slice %arg32[%dma_start3A_159, %dma_start3A_160] : memref<10240x64xbf16, #tpu.memory_space<vmem_shared>> -> memref<10240x64xbf16, #tpu.memory_space<vmem_shared>>
    tpu.enqueue_indirect_dma source(%dma_start3A_161 : memref<10240x64xbf16, #tpu.memory_space<vmem_shared>>) target(%arg26 : memref<128x64xbf16, #tpu.memory_space<vmem>>) offsets(%arg10 : memref<128xi32, #tpu.memory_space<vmem>>) semaphore(%arg52 : memref<!tpu.dma_semaphore, #tpu.memory_space<semaphore_mem>>)
    %scan3A = arith.constant 0 : i32
    %scan3A_162 = arith.constant 0 : i32
    %scan3A_163 = arith.constant 10 : i32
    %scan3A_164 = arith.addi %scan3A_162, %scan3A_163 : i32
    %scan3A_165 = arith.constant 1 : i32
    scf.for %scan3A_184 = %scan3A_162 to %scan3A_164 step %scan3A_165  : i32 {
      %mul3A_185 = arith.constant 8 : i32
      %mul3A_186 = arith.muli %scan3A_184, %mul3A_185 : i32
      %add3A_187 = arith.constant 0 : i32
      %add3A_188 = arith.addi %mul3A_186, %add3A_187 : i32
      %dma_wait3A_189 = arith.constant 0 : i32
      %dma_wait3A_190 = arith.constant 0 : i32
      %dma_wait3A_191 = tpu.memref_slice %arg32[%dma_wait3A_189, %dma_wait3A_190] : memref<10240x64xbf16, #tpu.memory_space<vmem_shared>> -> memref<10240x64xbf16, #tpu.memory_space<vmem_shared>>
      tpu.wait_indirect_dma semaphore(%arg49 : memref<!tpu.dma_semaphore, #tpu.memory_space<semaphore_mem>>) src(%dma_wait3A_191 : memref<10240x64xbf16, #tpu.memory_space<vmem_shared>>) dst(%arg23 : memref<128x64xbf16, #tpu.memory_space<vmem>>)
      %dma_wait3A_192 = arith.constant 0 : i32
      %dma_wait3A_193 = arith.constant 0 : i32
      %dma_wait3A_194 = arith.constant 0 : i32
      %dma_wait3A_195 = tpu.memref_slice %arg4[%dma_wait3A_192, %dma_wait3A_193, %dma_wait3A_194] : memref<2x2560x128xi32, #tpu.memory_space<hbm>> -> memref<1x1x128xi32, #tpu.memory_space<hbm>>
      %dma_wait3A_196 = tpu.memref_squeeze %dma_wait3A_195 : memref<1x1x128xi32, #tpu.memory_space<hbm>> -> memref<128xi32, #tpu.memory_space<hbm>>
      %dma_wait3A_197 = arith.constant 0 : i32
      %dma_wait3A_198 = tpu.memref_slice %arg4[%dma_wait3A_192, %dma_wait3A_193, %dma_wait3A_197] : memref<2x2560x128xi32, #tpu.memory_space<hbm>> -> memref<1x1x128xi32, #tpu.memory_space<hbm>>
      %dma_wait3A_199 = tpu.memref_squeeze %dma_wait3A_198 : memref<1x1x128xi32, #tpu.memory_space<hbm>> -> memref<128xi32, #tpu.memory_space<hbm>>
      tpu.wait_dma2 semaphore(%arg41 : memref<!tpu.dma_semaphore, #tpu.memory_space<semaphore_mem>>) src(%dma_wait3A_199 : memref<128xi32, #tpu.memory_space<hbm>>) dst(%arg15 : memref<128xi32, #tpu.memory_space<vmem>>)
      %gt3A = arith.constant 0 : i32
      %gt3A_200 = arith.cmpi sgt, %scan3A_184, %gt3A : i32
      %convert_element_type3A_201 = arith.extui %gt3A_200 : i1 to i32
      %cond3A_202 = arith.constant 0 : i32
      %cond3A_203 = arith.cmpi ne, %convert_element_type3A_201, %cond3A_202 : i32
      scf.if %cond3A_203 {
        %dma_wait3A_503 = arith.constant 0 : i32
        %dma_wait3A_504 = arith.constant 0 : i32
        %dma_wait3A_505 = tpu.memref_slice %arg31[%dma_wait3A_503, %dma_wait3A_504] : memref<10240x64xbf16, #tpu.memory_space<vmem_shared>> -> memref<10240x64xbf16, #tpu.memory_space<vmem_shared>>
        tpu.wait_indirect_dma semaphore(%arg57 : memref<!tpu.dma_semaphore, #tpu.memory_space<semaphore_mem>>) src(%arg23 : memref<128x64xbf16, #tpu.memory_space<vmem>>) dst(%dma_wait3A_505 : memref<10240x64xbf16, #tpu.memory_space<vmem_shared>>)
      } else {
      }
      %dma_start3A_204 = arith.constant 0 : i32
      %dma_start3A_205 = arith.constant 0 : i32
      %dma_start3A_206 = tpu.memref_slice %arg31[%dma_start3A_204, %dma_start3A_205] : memref<10240x64xbf16, #tpu.memory_space<vmem_shared>> -> memref<10240x64xbf16, #tpu.memory_space<vmem_shared>>
      tpu.enqueue_indirect_dma source(%arg23 : memref<128x64xbf16, #tpu.memory_space<vmem>>) target(%dma_start3A_206 : memref<10240x64xbf16, #tpu.memory_space<vmem_shared>>) offsets(%arg15 : memref<128xi32, #tpu.memory_space<vmem>>) semaphore(%arg57 : memref<!tpu.dma_semaphore, #tpu.memory_space<semaphore_mem>>) {add = true}
      %add3A_207 = arith.constant 4 : i32
      %add3A_208 = arith.addi %add3A_188, %add3A_207 : i32
      %add3A_209 = arith.addi %add3A, %add3A_208 : i32
      %dma_start3A_210 = arith.constant 1 : i32
      %dma_start3A_211 = arith.constant 0 : i32
      %dma_start3A_212 = tpu.memref_slice %arg4[%dma_start3A_210, %add3A_209, %dma_start3A_211] : memref<2x2560x128xi32, #tpu.memory_space<hbm>> -> memref<1x1x128xi32, #tpu.memory_space<hbm>>
      %dma_start3A_213 = tpu.memref_squeeze %dma_start3A_212 : memref<1x1x128xi32, #tpu.memory_space<hbm>> -> memref<128xi32, #tpu.memory_space<hbm>>
      %dma_start3A_214 = arith.constant 0 : i32
      %dma_start3A_215 = tpu.memref_slice %arg4[%dma_start3A_210, %add3A_209, %dma_start3A_214] : memref<2x2560x128xi32, #tpu.memory_space<hbm>> -> memref<1x1x128xi32, #tpu.memory_space<hbm>>
      %dma_start3A_216 = tpu.memref_squeeze %dma_start3A_215 : memref<1x1x128xi32, #tpu.memory_space<hbm>> -> memref<128xi32, #tpu.memory_space<hbm>>
      tpu.enqueue_dma source(%dma_start3A_216 : memref<128xi32, #tpu.memory_space<hbm>>) target(%arg19 : memref<128xi32, #tpu.memory_space<vmem>>) target_semaphore(%arg45 : memref<!tpu.dma_semaphore, #tpu.memory_space<semaphore_mem>>)
      %dma_wait3A_217 = arith.constant 0 : i32
      %dma_wait3A_218 = arith.constant 0 : i32
      %dma_wait3A_219 = arith.constant 0 : i32
      %dma_wait3A_220 = tpu.memref_slice %arg4[%dma_wait3A_217, %dma_wait3A_218, %dma_wait3A_219] : memref<2x2560x128xi32, #tpu.memory_space<hbm>> -> memref<1x1x128xi32, #tpu.memory_space<hbm>>
      %dma_wait3A_221 = tpu.memref_squeeze %dma_wait3A_220 : memref<1x1x128xi32, #tpu.memory_space<hbm>> -> memref<128xi32, #tpu.memory_space<hbm>>
      %dma_wait3A_222 = arith.constant 0 : i32
      %dma_wait3A_223 = tpu.memref_slice %arg4[%dma_wait3A_217, %dma_wait3A_218, %dma_wait3A_222] : memref<2x2560x128xi32, #tpu.memory_space<hbm>> -> memref<1x1x128xi32, #tpu.memory_space<hbm>>
      %dma_wait3A_224 = tpu.memref_squeeze %dma_wait3A_223 : memref<1x1x128xi32, #tpu.memory_space<hbm>> -> memref<128xi32, #tpu.memory_space<hbm>>
      tpu.wait_dma2 semaphore(%arg37 : memref<!tpu.dma_semaphore, #tpu.memory_space<semaphore_mem>>) src(%dma_wait3A_224 : memref<128xi32, #tpu.memory_space<hbm>>) dst(%arg11 : memref<128xi32, #tpu.memory_space<vmem>>)
      %dma_start3A_225 = arith.constant 0 : i32
      %dma_start3A_226 = arith.constant 0 : i32
      %dma_start3A_227 = tpu.memref_slice %arg32[%dma_start3A_225, %dma_start3A_226] : memref<10240x64xbf16, #tpu.memory_space<vmem_shared>> -> memref<10240x64xbf16, #tpu.memory_space<vmem_shared>>
      tpu.enqueue_indirect_dma source(%dma_start3A_227 : memref<10240x64xbf16, #tpu.memory_space<vmem_shared>>) target(%arg27 : memref<128x64xbf16, #tpu.memory_space<vmem>>) offsets(%arg11 : memref<128xi32, #tpu.memory_space<vmem>>) semaphore(%arg53 : memref<!tpu.dma_semaphore, #tpu.memory_space<semaphore_mem>>)
      %lt3A = arith.constant 9 : i32
      %lt3A_228 = arith.cmpi slt, %scan3A_184, %lt3A : i32
      %convert_element_type3A_229 = arith.extui %lt3A_228 : i1 to i32
      %cond3A_230 = arith.constant 0 : i32
      %cond3A_231 = arith.cmpi ne, %convert_element_type3A_229, %cond3A_230 : i32
      scf.if %cond3A_231 {
        %add3A_503 = arith.constant 8 : i32
        %add3A_504 = arith.addi %add3A_188, %add3A_503 : i32
        %add3A_505 = arith.addi %add3A, %add3A_504 : i32
        %dma_start3A_506 = arith.constant 0 : i32
        %dma_start3A_507 = arith.constant 0 : i32
        %dma_start3A_508 = tpu.memref_slice %arg4[%dma_start3A_506, %add3A_505, %dma_start3A_507] : memref<2x2560x128xi32, #tpu.memory_space<hbm>> -> memref<1x1x128xi32, #tpu.memory_space<hbm>>
        %dma_start3A_509 = tpu.memref_squeeze %dma_start3A_508 : memref<1x1x128xi32, #tpu.memory_space<hbm>> -> memref<128xi32, #tpu.memory_space<hbm>>
        %dma_start3A_510 = arith.constant 0 : i32
        %dma_start3A_511 = tpu.memref_slice %arg4[%dma_start3A_506, %add3A_505, %dma_start3A_510] : memref<2x2560x128xi32, #tpu.memory_space<hbm>> -> memref<1x1x128xi32, #tpu.memory_space<hbm>>
        %dma_start3A_512 = tpu.memref_squeeze %dma_start3A_511 : memref<1x1x128xi32, #tpu.memory_space<hbm>> -> memref<128xi32, #tpu.memory_space<hbm>>
        tpu.enqueue_dma source(%dma_start3A_512 : memref<128xi32, #tpu.memory_space<hbm>>) target(%arg7 : memref<128xi32, #tpu.memory_space<vmem>>) target_semaphore(%arg33 : memref<!tpu.dma_semaphore, #tpu.memory_space<semaphore_mem>>)
      } else {
      }
      %mul3A_232 = arith.constant 8 : i32
      %mul3A_233 = arith.muli %scan3A_184, %mul3A_232 : i32
      %add3A_234 = arith.constant 1 : i32
      %add3A_235 = arith.addi %mul3A_233, %add3A_234 : i32
      %dma_wait3A_236 = arith.constant 0 : i32
      %dma_wait3A_237 = arith.constant 0 : i32
      %dma_wait3A_238 = tpu.memref_slice %arg32[%dma_wait3A_236, %dma_wait3A_237] : memref<10240x64xbf16, #tpu.memory_space<vmem_shared>> -> memref<10240x64xbf16, #tpu.memory_space<vmem_shared>>
      tpu.wait_indirect_dma semaphore(%arg50 : memref<!tpu.dma_semaphore, #tpu.memory_space<semaphore_mem>>) src(%dma_wait3A_238 : memref<10240x64xbf16, #tpu.memory_space<vmem_shared>>) dst(%arg24 : memref<128x64xbf16, #tpu.memory_space<vmem>>)
      %dma_wait3A_239 = arith.constant 0 : i32
      %dma_wait3A_240 = arith.constant 0 : i32
      %dma_wait3A_241 = arith.constant 0 : i32
      %dma_wait3A_242 = tpu.memref_slice %arg4[%dma_wait3A_239, %dma_wait3A_240, %dma_wait3A_241] : memref<2x2560x128xi32, #tpu.memory_space<hbm>> -> memref<1x1x128xi32, #tpu.memory_space<hbm>>
      %dma_wait3A_243 = tpu.memref_squeeze %dma_wait3A_242 : memref<1x1x128xi32, #tpu.memory_space<hbm>> -> memref<128xi32, #tpu.memory_space<hbm>>
      %dma_wait3A_244 = arith.constant 0 : i32
      %dma_wait3A_245 = tpu.memref_slice %arg4[%dma_wait3A_239, %dma_wait3A_240, %dma_wait3A_244] : memref<2x2560x128xi32, #tpu.memory_space<hbm>> -> memref<1x1x128xi32, #tpu.memory_space<hbm>>
      %dma_wait3A_246 = tpu.memref_squeeze %dma_wait3A_245 : memref<1x1x128xi32, #tpu.memory_space<hbm>> -> memref<128xi32, #tpu.memory_space<hbm>>
      tpu.wait_dma2 semaphore(%arg42 : memref<!tpu.dma_semaphore, #tpu.memory_space<semaphore_mem>>) src(%dma_wait3A_246 : memref<128xi32, #tpu.memory_space<hbm>>) dst(%arg16 : memref<128xi32, #tpu.memory_space<vmem>>)
      %gt3A_247 = arith.constant 0 : i32
      %gt3A_248 = arith.cmpi sgt, %scan3A_184, %gt3A_247 : i32
      %convert_element_type3A_249 = arith.extui %gt3A_248 : i1 to i32
      %cond3A_250 = arith.constant 0 : i32
      %cond3A_251 = arith.cmpi ne, %convert_element_type3A_249, %cond3A_250 : i32
      scf.if %cond3A_251 {
        %dma_wait3A_503 = arith.constant 0 : i32
        %dma_wait3A_504 = arith.constant 0 : i32
        %dma_wait3A_505 = tpu.memref_slice %arg31[%dma_wait3A_503, %dma_wait3A_504] : memref<10240x64xbf16, #tpu.memory_space<vmem_shared>> -> memref<10240x64xbf16, #tpu.memory_space<vmem_shared>>
        tpu.wait_indirect_dma semaphore(%arg58 : memref<!tpu.dma_semaphore, #tpu.memory_space<semaphore_mem>>) src(%arg23 : memref<128x64xbf16, #tpu.memory_space<vmem>>) dst(%dma_wait3A_505 : memref<10240x64xbf16, #tpu.memory_space<vmem_shared>>)
      } else {
      }
      %dma_start3A_252 = arith.constant 0 : i32
      %dma_start3A_253 = arith.constant 0 : i32
      %dma_start3A_254 = tpu.memref_slice %arg31[%dma_start3A_252, %dma_start3A_253] : memref<10240x64xbf16, #tpu.memory_space<vmem_shared>> -> memref<10240x64xbf16, #tpu.memory_space<vmem_shared>>
      tpu.enqueue_indirect_dma source(%arg24 : memref<128x64xbf16, #tpu.memory_space<vmem>>) target(%dma_start3A_254 : memref<10240x64xbf16, #tpu.memory_space<vmem_shared>>) offsets(%arg16 : memref<128xi32, #tpu.memory_space<vmem>>) semaphore(%arg58 : memref<!tpu.dma_semaphore, #tpu.memory_space<semaphore_mem>>) {add = true}
      %add3A_255 = arith.constant 4 : i32
      %add3A_256 = arith.addi %add3A_235, %add3A_255 : i32
      %add3A_257 = arith.addi %add3A, %add3A_256 : i32
      %dma_start3A_258 = arith.constant 1 : i32
      %dma_start3A_259 = arith.constant 0 : i32
      %dma_start3A_260 = tpu.memref_slice %arg4[%dma_start3A_258, %add3A_257, %dma_start3A_259] : memref<2x2560x128xi32, #tpu.memory_space<hbm>> -> memref<1x1x128xi32, #tpu.memory_space<hbm>>
      %dma_start3A_261 = tpu.memref_squeeze %dma_start3A_260 : memref<1x1x128xi32, #tpu.memory_space<hbm>> -> memref<128xi32, #tpu.memory_space<hbm>>
      %dma_start3A_262 = arith.constant 0 : i32
      %dma_start3A_263 = tpu.memref_slice %arg4[%dma_start3A_258, %add3A_257, %dma_start3A_262] : memref<2x2560x128xi32, #tpu.memory_space<hbm>> -> memref<1x1x128xi32, #tpu.memory_space<hbm>>
      %dma_start3A_264 = tpu.memref_squeeze %dma_start3A_263 : memref<1x1x128xi32, #tpu.memory_space<hbm>> -> memref<128xi32, #tpu.memory_space<hbm>>
      tpu.enqueue_dma source(%dma_start3A_264 : memref<128xi32, #tpu.memory_space<hbm>>) target(%arg20 : memref<128xi32, #tpu.memory_space<vmem>>) target_semaphore(%arg46 : memref<!tpu.dma_semaphore, #tpu.memory_space<semaphore_mem>>)
      %dma_wait3A_265 = arith.constant 0 : i32
      %dma_wait3A_266 = arith.constant 0 : i32
      %dma_wait3A_267 = arith.constant 0 : i32
      %dma_wait3A_268 = tpu.memref_slice %arg4[%dma_wait3A_265, %dma_wait3A_266, %dma_wait3A_267] : memref<2x2560x128xi32, #tpu.memory_space<hbm>> -> memref<1x1x128xi32, #tpu.memory_space<hbm>>
      %dma_wait3A_269 = tpu.memref_squeeze %dma_wait3A_268 : memref<1x1x128xi32, #tpu.memory_space<hbm>> -> memref<128xi32, #tpu.memory_space<hbm>>
      %dma_wait3A_270 = arith.constant 0 : i32
      %dma_wait3A_271 = tpu.memref_slice %arg4[%dma_wait3A_265, %dma_wait3A_266, %dma_wait3A_270] : memref<2x2560x128xi32, #tpu.memory_space<hbm>> -> memref<1x1x128xi32, #tpu.memory_space<hbm>>
      %dma_wait3A_272 = tpu.memref_squeeze %dma_wait3A_271 : memref<1x1x128xi32, #tpu.memory_space<hbm>> -> memref<128xi32, #tpu.memory_space<hbm>>
      tpu.wait_dma2 semaphore(%arg38 : memref<!tpu.dma_semaphore, #tpu.memory_space<semaphore_mem>>) src(%dma_wait3A_272 : memref<128xi32, #tpu.memory_space<hbm>>) dst(%arg12 : memref<128xi32, #tpu.memory_space<vmem>>)
      %dma_start3A_273 = arith.constant 0 : i32
      %dma_start3A_274 = arith.constant 0 : i32
      %dma_start3A_275 = tpu.memref_slice %arg32[%dma_start3A_273, %dma_start3A_274] : memref<10240x64xbf16, #tpu.memory_space<vmem_shared>> -> memref<10240x64xbf16, #tpu.memory_space<vmem_shared>>
      tpu.enqueue_indirect_dma source(%dma_start3A_275 : memref<10240x64xbf16, #tpu.memory_space<vmem_shared>>) target(%arg28 : memref<128x64xbf16, #tpu.memory_space<vmem>>) offsets(%arg12 : memref<128xi32, #tpu.memory_space<vmem>>) semaphore(%arg54 : memref<!tpu.dma_semaphore, #tpu.memory_space<semaphore_mem>>)
      %lt3A_276 = arith.constant 9 : i32
      %lt3A_277 = arith.cmpi slt, %scan3A_184, %lt3A_276 : i32
      %convert_element_type3A_278 = arith.extui %lt3A_277 : i1 to i32
      %cond3A_279 = arith.constant 0 : i32
      %cond3A_280 = arith.cmpi ne, %convert_element_type3A_278, %cond3A_279 : i32
      scf.if %cond3A_280 {
        %add3A_503 = arith.constant 8 : i32
        %add3A_504 = arith.addi %add3A_235, %add3A_503 : i32
        %add3A_505 = arith.addi %add3A, %add3A_504 : i32
        %dma_start3A_506 = arith.constant 0 : i32
        %dma_start3A_507 = arith.constant 0 : i32
        %dma_start3A_508 = tpu.memref_slice %arg4[%dma_start3A_506, %add3A_505, %dma_start3A_507] : memref<2x2560x128xi32, #tpu.memory_space<hbm>> -> memref<1x1x128xi32, #tpu.memory_space<hbm>>
        %dma_start3A_509 = tpu.memref_squeeze %dma_start3A_508 : memref<1x1x128xi32, #tpu.memory_space<hbm>> -> memref<128xi32, #tpu.memory_space<hbm>>
        %dma_start3A_510 = arith.constant 0 : i32
        %dma_start3A_511 = tpu.memref_slice %arg4[%dma_start3A_506, %add3A_505, %dma_start3A_510] : memref<2x2560x128xi32, #tpu.memory_space<hbm>> -> memref<1x1x128xi32, #tpu.memory_space<hbm>>
        %dma_start3A_512 = tpu.memref_squeeze %dma_start3A_511 : memref<1x1x128xi32, #tpu.memory_space<hbm>> -> memref<128xi32, #tpu.memory_space<hbm>>
        tpu.enqueue_dma source(%dma_start3A_512 : memref<128xi32, #tpu.memory_space<hbm>>) target(%arg8 : memref<128xi32, #tpu.memory_space<vmem>>) target_semaphore(%arg34 : memref<!tpu.dma_semaphore, #tpu.memory_space<semaphore_mem>>)
      } else {
      }
      %mul3A_281 = arith.constant 8 : i32
      %mul3A_282 = arith.muli %scan3A_184, %mul3A_281 : i32
      %add3A_283 = arith.constant 2 : i32
      %add3A_284 = arith.addi %mul3A_282, %add3A_283 : i32
      %dma_wait3A_285 = arith.constant 0 : i32
      %dma_wait3A_286 = arith.constant 0 : i32
      %dma_wait3A_287 = tpu.memref_slice %arg32[%dma_wait3A_285, %dma_wait3A_286] : memref<10240x64xbf16, #tpu.memory_space<vmem_shared>> -> memref<10240x64xbf16, #tpu.memory_space<vmem_shared>>
      tpu.wait_indirect_dma semaphore(%arg51 : memref<!tpu.dma_semaphore, #tpu.memory_space<semaphore_mem>>) src(%dma_wait3A_287 : memref<10240x64xbf16, #tpu.memory_space<vmem_shared>>) dst(%arg25 : memref<128x64xbf16, #tpu.memory_space<vmem>>)
      %dma_wait3A_288 = arith.constant 0 : i32
      %dma_wait3A_289 = arith.constant 0 : i32
      %dma_wait3A_290 = arith.constant 0 : i32
      %dma_wait3A_291 = tpu.memref_slice %arg4[%dma_wait3A_288, %dma_wait3A_289, %dma_wait3A_290] : memref<2x2560x128xi32, #tpu.memory_space<hbm>> -> memref<1x1x128xi32, #tpu.memory_space<hbm>>
      %dma_wait3A_292 = tpu.memref_squeeze %dma_wait3A_291 : memref<1x1x128xi32, #tpu.memory_space<hbm>> -> memref<128xi32, #tpu.memory_space<hbm>>
      %dma_wait3A_293 = arith.constant 0 : i32
      %dma_wait3A_294 = tpu.memref_slice %arg4[%dma_wait3A_288, %dma_wait3A_289, %dma_wait3A_293] : memref<2x2560x128xi32, #tpu.memory_space<hbm>> -> memref<1x1x128xi32, #tpu.memory_space<hbm>>
      %dma_wait3A_295 = tpu.memref_squeeze %dma_wait3A_294 : memref<1x1x128xi32, #tpu.memory_space<hbm>> -> memref<128xi32, #tpu.memory_space<hbm>>
      tpu.wait_dma2 semaphore(%arg43 : memref<!tpu.dma_semaphore, #tpu.memory_space<semaphore_mem>>) src(%dma_wait3A_295 : memref<128xi32, #tpu.memory_space<hbm>>) dst(%arg17 : memref<128xi32, #tpu.memory_space<vmem>>)
      %gt3A_296 = arith.constant 0 : i32
      %gt3A_297 = arith.cmpi sgt, %scan3A_184, %gt3A_296 : i32
      %convert_element_type3A_298 = arith.extui %gt3A_297 : i1 to i32
      %cond3A_299 = arith.constant 0 : i32
      %cond3A_300 = arith.cmpi ne, %convert_element_type3A_298, %cond3A_299 : i32
      scf.if %cond3A_300 {
        %dma_wait3A_503 = arith.constant 0 : i32
        %dma_wait3A_504 = arith.constant 0 : i32
        %dma_wait3A_505 = tpu.memref_slice %arg31[%dma_wait3A_503, %dma_wait3A_504] : memref<10240x64xbf16, #tpu.memory_space<vmem_shared>> -> memref<10240x64xbf16, #tpu.memory_space<vmem_shared>>
        tpu.wait_indirect_dma semaphore(%arg59 : memref<!tpu.dma_semaphore, #tpu.memory_space<semaphore_mem>>) src(%arg23 : memref<128x64xbf16, #tpu.memory_space<vmem>>) dst(%dma_wait3A_505 : memref<10240x64xbf16, #tpu.memory_space<vmem_shared>>)
      } else {
      }
      %dma_start3A_301 = arith.constant 0 : i32
      %dma_start3A_302 = arith.constant 0 : i32
      %dma_start3A_303 = tpu.memref_slice %arg31[%dma_start3A_301, %dma_start3A_302] : memref<10240x64xbf16, #tpu.memory_space<vmem_shared>> -> memref<10240x64xbf16, #tpu.memory_space<vmem_shared>>
      tpu.enqueue_indirect_dma source(%arg25 : memref<128x64xbf16, #tpu.memory_space<vmem>>) target(%dma_start3A_303 : memref<10240x64xbf16, #tpu.memory_space<vmem_shared>>) offsets(%arg17 : memref<128xi32, #tpu.memory_space<vmem>>) semaphore(%arg59 : memref<!tpu.dma_semaphore, #tpu.memory_space<semaphore_mem>>) {add = true}
      %add3A_304 = arith.constant 4 : i32
      %add3A_305 = arith.addi %add3A_284, %add3A_304 : i32
      %add3A_306 = arith.addi %add3A, %add3A_305 : i32
      %dma_start3A_307 = arith.constant 1 : i32
      %dma_start3A_308 = arith.constant 0 : i32
      %dma_start3A_309 = tpu.memref_slice %arg4[%dma_start3A_307, %add3A_306, %dma_start3A_308] : memref<2x2560x128xi32, #tpu.memory_space<hbm>> -> memref<1x1x128xi32, #tpu.memory_space<hbm>>
      %dma_start3A_310 = tpu.memref_squeeze %dma_start3A_309 : memref<1x1x128xi32, #tpu.memory_space<hbm>> -> memref<128xi32, #tpu.memory_space<hbm>>
      %dma_start3A_311 = arith.constant 0 : i32
      %dma_start3A_312 = tpu.memref_slice %arg4[%dma_start3A_307, %add3A_306, %dma_start3A_311] : memref<2x2560x128xi32, #tpu.memory_space<hbm>> -> memref<1x1x128xi32, #tpu.memory_space<hbm>>
      %dma_start3A_313 = tpu.memref_squeeze %dma_start3A_312 : memref<1x1x128xi32, #tpu.memory_space<hbm>> -> memref<128xi32, #tpu.memory_space<hbm>>
      tpu.enqueue_dma source(%dma_start3A_313 : memref<128xi32, #tpu.memory_space<hbm>>) target(%arg21 : memref<128xi32, #tpu.memory_space<vmem>>) target_semaphore(%arg47 : memref<!tpu.dma_semaphore, #tpu.memory_space<semaphore_mem>>)
      %dma_wait3A_314 = arith.constant 0 : i32
      %dma_wait3A_315 = arith.constant 0 : i32
      %dma_wait3A_316 = arith.constant 0 : i32
      %dma_wait3A_317 = tpu.memref_slice %arg4[%dma_wait3A_314, %dma_wait3A_315, %dma_wait3A_316] : memref<2x2560x128xi32, #tpu.memory_space<hbm>> -> memref<1x1x128xi32, #tpu.memory_space<hbm>>
      %dma_wait3A_318 = tpu.memref_squeeze %dma_wait3A_317 : memref<1x1x128xi32, #tpu.memory_space<hbm>> -> memref<128xi32, #tpu.memory_space<hbm>>
      %dma_wait3A_319 = arith.constant 0 : i32
      %dma_wait3A_320 = tpu.memref_slice %arg4[%dma_wait3A_314, %dma_wait3A_315, %dma_wait3A_319] : memref<2x2560x128xi32, #tpu.memory_space<hbm>> -> memref<1x1x128xi32, #tpu.memory_space<hbm>>
      %dma_wait3A_321 = tpu.memref_squeeze %dma_wait3A_320 : memref<1x1x128xi32, #tpu.memory_space<hbm>> -> memref<128xi32, #tpu.memory_space<hbm>>
      tpu.wait_dma2 semaphore(%arg39 : memref<!tpu.dma_semaphore, #tpu.memory_space<semaphore_mem>>) src(%dma_wait3A_321 : memref<128xi32, #tpu.memory_space<hbm>>) dst(%arg13 : memref<128xi32, #tpu.memory_space<vmem>>)
      %dma_start3A_322 = arith.constant 0 : i32
      %dma_start3A_323 = arith.constant 0 : i32
      %dma_start3A_324 = tpu.memref_slice %arg32[%dma_start3A_322, %dma_start3A_323] : memref<10240x64xbf16, #tpu.memory_space<vmem_shared>> -> memref<10240x64xbf16, #tpu.memory_space<vmem_shared>>
      tpu.enqueue_indirect_dma source(%dma_start3A_324 : memref<10240x64xbf16, #tpu.memory_space<vmem_shared>>) target(%arg29 : memref<128x64xbf16, #tpu.memory_space<vmem>>) offsets(%arg13 : memref<128xi32, #tpu.memory_space<vmem>>) semaphore(%arg55 : memref<!tpu.dma_semaphore, #tpu.memory_space<semaphore_mem>>)
      %lt3A_325 = arith.constant 9 : i32
      %lt3A_326 = arith.cmpi slt, %scan3A_184, %lt3A_325 : i32
      %convert_element_type3A_327 = arith.extui %lt3A_326 : i1 to i32
      %cond3A_328 = arith.constant 0 : i32
      %cond3A_329 = arith.cmpi ne, %convert_element_type3A_327, %cond3A_328 : i32
      scf.if %cond3A_329 {
        %add3A_503 = arith.constant 8 : i32
        %add3A_504 = arith.addi %add3A_284, %add3A_503 : i32
        %add3A_505 = arith.addi %add3A, %add3A_504 : i32
        %dma_start3A_506 = arith.constant 0 : i32
        %dma_start3A_507 = arith.constant 0 : i32
        %dma_start3A_508 = tpu.memref_slice %arg4[%dma_start3A_506, %add3A_505, %dma_start3A_507] : memref<2x2560x128xi32, #tpu.memory_space<hbm>> -> memref<1x1x128xi32, #tpu.memory_space<hbm>>
        %dma_start3A_509 = tpu.memref_squeeze %dma_start3A_508 : memref<1x1x128xi32, #tpu.memory_space<hbm>> -> memref<128xi32, #tpu.memory_space<hbm>>
        %dma_start3A_510 = arith.constant 0 : i32
        %dma_start3A_511 = tpu.memref_slice %arg4[%dma_start3A_506, %add3A_505, %dma_start3A_510] : memref<2x2560x128xi32, #tpu.memory_space<hbm>> -> memref<1x1x128xi32, #tpu.memory_space<hbm>>
        %dma_start3A_512 = tpu.memref_squeeze %dma_start3A_511 : memref<1x1x128xi32, #tpu.memory_space<hbm>> -> memref<128xi32, #tpu.memory_space<hbm>>
        tpu.enqueue_dma source(%dma_start3A_512 : memref<128xi32, #tpu.memory_space<hbm>>) target(%arg9 : memref<128xi32, #tpu.memory_space<vmem>>) target_semaphore(%arg35 : memref<!tpu.dma_semaphore, #tpu.memory_space<semaphore_mem>>)
      } else {
      }
      %mul3A_330 = arith.constant 8 : i32
      %mul3A_331 = arith.muli %scan3A_184, %mul3A_330 : i32
      %add3A_332 = arith.constant 3 : i32
      %add3A_333 = arith.addi %mul3A_331, %add3A_332 : i32
      %dma_wait3A_334 = arith.constant 0 : i32
      %dma_wait3A_335 = arith.constant 0 : i32
      %dma_wait3A_336 = tpu.memref_slice %arg32[%dma_wait3A_334, %dma_wait3A_335] : memref<10240x64xbf16, #tpu.memory_space<vmem_shared>> -> memref<10240x64xbf16, #tpu.memory_space<vmem_shared>>
      tpu.wait_indirect_dma semaphore(%arg52 : memref<!tpu.dma_semaphore, #tpu.memory_space<semaphore_mem>>) src(%dma_wait3A_336 : memref<10240x64xbf16, #tpu.memory_space<vmem_shared>>) dst(%arg26 : memref<128x64xbf16, #tpu.memory_space<vmem>>)
      %dma_wait3A_337 = arith.constant 0 : i32
      %dma_wait3A_338 = arith.constant 0 : i32
      %dma_wait3A_339 = arith.constant 0 : i32
      %dma_wait3A_340 = tpu.memref_slice %arg4[%dma_wait3A_337, %dma_wait3A_338, %dma_wait3A_339] : memref<2x2560x128xi32, #tpu.memory_space<hbm>> -> memref<1x1x128xi32, #tpu.memory_space<hbm>>
      %dma_wait3A_341 = tpu.memref_squeeze %dma_wait3A_340 : memref<1x1x128xi32, #tpu.memory_space<hbm>> -> memref<128xi32, #tpu.memory_space<hbm>>
      %dma_wait3A_342 = arith.constant 0 : i32
      %dma_wait3A_343 = tpu.memref_slice %arg4[%dma_wait3A_337, %dma_wait3A_338, %dma_wait3A_342] : memref<2x2560x128xi32, #tpu.memory_space<hbm>> -> memref<1x1x128xi32, #tpu.memory_space<hbm>>
      %dma_wait3A_344 = tpu.memref_squeeze %dma_wait3A_343 : memref<1x1x128xi32, #tpu.memory_space<hbm>> -> memref<128xi32, #tpu.memory_space<hbm>>
      tpu.wait_dma2 semaphore(%arg44 : memref<!tpu.dma_semaphore, #tpu.memory_space<semaphore_mem>>) src(%dma_wait3A_344 : memref<128xi32, #tpu.memory_space<hbm>>) dst(%arg18 : memref<128xi32, #tpu.memory_space<vmem>>)
      %gt3A_345 = arith.constant 0 : i32
      %gt3A_346 = arith.cmpi sgt, %scan3A_184, %gt3A_345 : i32
      %convert_element_type3A_347 = arith.extui %gt3A_346 : i1 to i32
      %cond3A_348 = arith.constant 0 : i32
      %cond3A_349 = arith.cmpi ne, %convert_element_type3A_347, %cond3A_348 : i32
      scf.if %cond3A_349 {
        %dma_wait3A_503 = arith.constant 0 : i32
        %dma_wait3A_504 = arith.constant 0 : i32
        %dma_wait3A_505 = tpu.memref_slice %arg31[%dma_wait3A_503, %dma_wait3A_504] : memref<10240x64xbf16, #tpu.memory_space<vmem_shared>> -> memref<10240x64xbf16, #tpu.memory_space<vmem_shared>>
        tpu.wait_indirect_dma semaphore(%arg60 : memref<!tpu.dma_semaphore, #tpu.memory_space<semaphore_mem>>) src(%arg23 : memref<128x64xbf16, #tpu.memory_space<vmem>>) dst(%dma_wait3A_505 : memref<10240x64xbf16, #tpu.memory_space<vmem_shared>>)
      } else {
      }
      %dma_start3A_350 = arith.constant 0 : i32
      %dma_start3A_351 = arith.constant 0 : i32
      %dma_start3A_352 = tpu.memref_slice %arg31[%dma_start3A_350, %dma_start3A_351] : memref<10240x64xbf16, #tpu.memory_space<vmem_shared>> -> memref<10240x64xbf16, #tpu.memory_space<vmem_shared>>
      tpu.enqueue_indirect_dma source(%arg26 : memref<128x64xbf16, #tpu.memory_space<vmem>>) target(%dma_start3A_352 : memref<10240x64xbf16, #tpu.memory_space<vmem_shared>>) offsets(%arg18 : memref<128xi32, #tpu.memory_space<vmem>>) semaphore(%arg60 : memref<!tpu.dma_semaphore, #tpu.memory_space<semaphore_mem>>) {add = true}
      %add3A_353 = arith.constant 4 : i32
      %add3A_354 = arith.addi %add3A_333, %add3A_353 : i32
      %add3A_355 = arith.addi %add3A, %add3A_354 : i32
      %dma_start3A_356 = arith.constant 1 : i32
      %dma_start3A_357 = arith.constant 0 : i32
      %dma_start3A_358 = tpu.memref_slice %arg4[%dma_start3A_356, %add3A_355, %dma_start3A_357] : memref<2x2560x128xi32, #tpu.memory_space<hbm>> -> memref<1x1x128xi32, #tpu.memory_space<hbm>>
      %dma_start3A_359 = tpu.memref_squeeze %dma_start3A_358 : memref<1x1x128xi32, #tpu.memory_space<hbm>> -> memref<128xi32, #tpu.memory_space<hbm>>
      %dma_start3A_360 = arith.constant 0 : i32
      %dma_start3A_361 = tpu.memref_slice %arg4[%dma_start3A_356, %add3A_355, %dma_start3A_360] : memref<2x2560x128xi32, #tpu.memory_space<hbm>> -> memref<1x1x128xi32, #tpu.memory_space<hbm>>
      %dma_start3A_362 = tpu.memref_squeeze %dma_start3A_361 : memref<1x1x128xi32, #tpu.memory_space<hbm>> -> memref<128xi32, #tpu.memory_space<hbm>>
      tpu.enqueue_dma source(%dma_start3A_362 : memref<128xi32, #tpu.memory_space<hbm>>) target(%arg22 : memref<128xi32, #tpu.memory_space<vmem>>) target_semaphore(%arg48 : memref<!tpu.dma_semaphore, #tpu.memory_space<semaphore_mem>>)
      %dma_wait3A_363 = arith.constant 0 : i32
      %dma_wait3A_364 = arith.constant 0 : i32
      %dma_wait3A_365 = arith.constant 0 : i32
      %dma_wait3A_366 = tpu.memref_slice %arg4[%dma_wait3A_363, %dma_wait3A_364, %dma_wait3A_365] : memref<2x2560x128xi32, #tpu.memory_space<hbm>> -> memref<1x1x128xi32, #tpu.memory_space<hbm>>
      %dma_wait3A_367 = tpu.memref_squeeze %dma_wait3A_366 : memref<1x1x128xi32, #tpu.memory_space<hbm>> -> memref<128xi32, #tpu.memory_space<hbm>>
      %dma_wait3A_368 = arith.constant 0 : i32
      %dma_wait3A_369 = tpu.memref_slice %arg4[%dma_wait3A_363, %dma_wait3A_364, %dma_wait3A_368] : memref<2x2560x128xi32, #tpu.memory_space<hbm>> -> memref<1x1x128xi32, #tpu.memory_space<hbm>>
      %dma_wait3A_370 = tpu.memref_squeeze %dma_wait3A_369 : memref<1x1x128xi32, #tpu.memory_space<hbm>> -> memref<128xi32, #tpu.memory_space<hbm>>
      tpu.wait_dma2 semaphore(%arg40 : memref<!tpu.dma_semaphore, #tpu.memory_space<semaphore_mem>>) src(%dma_wait3A_370 : memref<128xi32, #tpu.memory_space<hbm>>) dst(%arg14 : memref<128xi32, #tpu.memory_space<vmem>>)
      %dma_start3A_371 = arith.constant 0 : i32
      %dma_start3A_372 = arith.constant 0 : i32
      %dma_start3A_373 = tpu.memref_slice %arg32[%dma_start3A_371, %dma_start3A_372] : memref<10240x64xbf16, #tpu.memory_space<vmem_shared>> -> memref<10240x64xbf16, #tpu.memory_space<vmem_shared>>
      tpu.enqueue_indirect_dma source(%dma_start3A_373 : memref<10240x64xbf16, #tpu.memory_space<vmem_shared>>) target(%arg30 : memref<128x64xbf16, #tpu.memory_space<vmem>>) offsets(%arg14 : memref<128xi32, #tpu.memory_space<vmem>>) semaphore(%arg56 : memref<!tpu.dma_semaphore, #tpu.memory_space<semaphore_mem>>)
      %lt3A_374 = arith.constant 9 : i32
      %lt3A_375 = arith.cmpi slt, %scan3A_184, %lt3A_374 : i32
      %convert_element_type3A_376 = arith.extui %lt3A_375 : i1 to i32
      %cond3A_377 = arith.constant 0 : i32
      %cond3A_378 = arith.cmpi ne, %convert_element_type3A_376, %cond3A_377 : i32
      scf.if %cond3A_378 {
        %add3A_503 = arith.constant 8 : i32
        %add3A_504 = arith.addi %add3A_333, %add3A_503 : i32
        %add3A_505 = arith.addi %add3A, %add3A_504 : i32
        %dma_start3A_506 = arith.constant 0 : i32
        %dma_start3A_507 = arith.constant 0 : i32
        %dma_start3A_508 = tpu.memref_slice %arg4[%dma_start3A_506, %add3A_505, %dma_start3A_507] : memref<2x2560x128xi32, #tpu.memory_space<hbm>> -> memref<1x1x128xi32, #tpu.memory_space<hbm>>
        %dma_start3A_509 = tpu.memref_squeeze %dma_start3A_508 : memref<1x1x128xi32, #tpu.memory_space<hbm>> -> memref<128xi32, #tpu.memory_space<hbm>>
        %dma_start3A_510 = arith.constant 0 : i32
        %dma_start3A_511 = tpu.memref_slice %arg4[%dma_start3A_506, %add3A_505, %dma_start3A_510] : memref<2x2560x128xi32, #tpu.memory_space<hbm>> -> memref<1x1x128xi32, #tpu.memory_space<hbm>>
        %dma_start3A_512 = tpu.memref_squeeze %dma_start3A_511 : memref<1x1x128xi32, #tpu.memory_space<hbm>> -> memref<128xi32, #tpu.memory_space<hbm>>
        tpu.enqueue_dma source(%dma_start3A_512 : memref<128xi32, #tpu.memory_space<hbm>>) target(%arg10 : memref<128xi32, #tpu.memory_space<vmem>>) target_semaphore(%arg36 : memref<!tpu.dma_semaphore, #tpu.memory_space<semaphore_mem>>)
      } else {
      }
      %mul3A_379 = arith.constant 8 : i32
      %mul3A_380 = arith.muli %scan3A_184, %mul3A_379 : i32
      %add3A_381 = arith.constant 4 : i32
      %add3A_382 = arith.addi %mul3A_380, %add3A_381 : i32
      %dma_wait3A_383 = arith.constant 0 : i32
      %dma_wait3A_384 = arith.constant 0 : i32
      %dma_wait3A_385 = tpu.memref_slice %arg32[%dma_wait3A_383, %dma_wait3A_384] : memref<10240x64xbf16, #tpu.memory_space<vmem_shared>> -> memref<10240x64xbf16, #tpu.memory_space<vmem_shared>>
      tpu.wait_indirect_dma semaphore(%arg53 : memref<!tpu.dma_semaphore, #tpu.memory_space<semaphore_mem>>) src(%dma_wait3A_385 : memref<10240x64xbf16, #tpu.memory_space<vmem_shared>>) dst(%arg27 : memref<128x64xbf16, #tpu.memory_space<vmem>>)
      %dma_wait3A_386 = arith.constant 0 : i32
      %dma_wait3A_387 = arith.constant 0 : i32
      %dma_wait3A_388 = arith.constant 0 : i32
      %dma_wait3A_389 = tpu.memref_slice %arg4[%dma_wait3A_386, %dma_wait3A_387, %dma_wait3A_388] : memref<2x2560x128xi32, #tpu.memory_space<hbm>> -> memref<1x1x128xi32, #tpu.memory_space<hbm>>
      %dma_wait3A_390 = tpu.memref_squeeze %dma_wait3A_389 : memref<1x1x128xi32, #tpu.memory_space<hbm>> -> memref<128xi32, #tpu.memory_space<hbm>>
      %dma_wait3A_391 = arith.constant 0 : i32
      %dma_wait3A_392 = tpu.memref_slice %arg4[%dma_wait3A_386, %dma_wait3A_387, %dma_wait3A_391] : memref<2x2560x128xi32, #tpu.memory_space<hbm>> -> memref<1x1x128xi32, #tpu.memory_space<hbm>>
      %dma_wait3A_393 = tpu.memref_squeeze %dma_wait3A_392 : memref<1x1x128xi32, #tpu.memory_space<hbm>> -> memref<128xi32, #tpu.memory_space<hbm>>
      tpu.wait_dma2 semaphore(%arg45 : memref<!tpu.dma_semaphore, #tpu.memory_space<semaphore_mem>>) src(%dma_wait3A_393 : memref<128xi32, #tpu.memory_space<hbm>>) dst(%arg19 : memref<128xi32, #tpu.memory_space<vmem>>)
      %dma_wait3A_394 = arith.constant 0 : i32
      %dma_wait3A_395 = arith.constant 0 : i32
      %dma_wait3A_396 = tpu.memref_slice %arg31[%dma_wait3A_394, %dma_wait3A_395] : memref<10240x64xbf16, #tpu.memory_space<vmem_shared>> -> memref<10240x64xbf16, #tpu.memory_space<vmem_shared>>
      tpu.wait_indirect_dma semaphore(%arg57 : memref<!tpu.dma_semaphore, #tpu.memory_space<semaphore_mem>>) src(%arg23 : memref<128x64xbf16, #tpu.memory_space<vmem>>) dst(%dma_wait3A_396 : memref<10240x64xbf16, #tpu.memory_space<vmem_shared>>)
      %dma_start3A_397 = arith.constant 0 : i32
      %dma_start3A_398 = arith.constant 0 : i32
      %dma_start3A_399 = tpu.memref_slice %arg31[%dma_start3A_397, %dma_start3A_398] : memref<10240x64xbf16, #tpu.memory_space<vmem_shared>> -> memref<10240x64xbf16, #tpu.memory_space<vmem_shared>>
      tpu.enqueue_indirect_dma source(%arg27 : memref<128x64xbf16, #tpu.memory_space<vmem>>) target(%dma_start3A_399 : memref<10240x64xbf16, #tpu.memory_space<vmem_shared>>) offsets(%arg19 : memref<128xi32, #tpu.memory_space<vmem>>) semaphore(%arg57 : memref<!tpu.dma_semaphore, #tpu.memory_space<semaphore_mem>>) {add = true}
      %lt3A_400 = arith.constant 9 : i32
      %lt3A_401 = arith.cmpi slt, %scan3A_184, %lt3A_400 : i32
      %convert_element_type3A_402 = arith.extui %lt3A_401 : i1 to i32
      %cond3A_403 = arith.constant 0 : i32
      %cond3A_404 = arith.cmpi ne, %convert_element_type3A_402, %cond3A_403 : i32
      scf.if %cond3A_404 {
        %add3A_503 = arith.constant 4 : i32
        %add3A_504 = arith.addi %add3A_382, %add3A_503 : i32
        %add3A_505 = arith.addi %add3A, %add3A_504 : i32
        %dma_start3A_506 = arith.constant 1 : i32
        %dma_start3A_507 = arith.constant 0 : i32
        %dma_start3A_508 = tpu.memref_slice %arg4[%dma_start3A_506, %add3A_505, %dma_start3A_507] : memref<2x2560x128xi32, #tpu.memory_space<hbm>> -> memref<1x1x128xi32, #tpu.memory_space<hbm>>
        %dma_start3A_509 = tpu.memref_squeeze %dma_start3A_508 : memref<1x1x128xi32, #tpu.memory_space<hbm>> -> memref<128xi32, #tpu.memory_space<hbm>>
        %dma_start3A_510 = arith.constant 0 : i32
        %dma_start3A_511 = tpu.memref_slice %arg4[%dma_start3A_506, %add3A_505, %dma_start3A_510] : memref<2x2560x128xi32, #tpu.memory_space<hbm>> -> memref<1x1x128xi32, #tpu.memory_space<hbm>>
        %dma_start3A_512 = tpu.memref_squeeze %dma_start3A_511 : memref<1x1x128xi32, #tpu.memory_space<hbm>> -> memref<128xi32, #tpu.memory_space<hbm>>
        tpu.enqueue_dma source(%dma_start3A_512 : memref<128xi32, #tpu.memory_space<hbm>>) target(%arg15 : memref<128xi32, #tpu.memory_space<vmem>>) target_semaphore(%arg41 : memref<!tpu.dma_semaphore, #tpu.memory_space<semaphore_mem>>)
        %dma_wait3A_513 = arith.constant 0 : i32
        %dma_wait3A_514 = arith.constant 0 : i32
        %dma_wait3A_515 = arith.constant 0 : i32
        %dma_wait3A_516 = tpu.memref_slice %arg4[%dma_wait3A_513, %dma_wait3A_514, %dma_wait3A_515] : memref<2x2560x128xi32, #tpu.memory_space<hbm>> -> memref<1x1x128xi32, #tpu.memory_space<hbm>>
        %dma_wait3A_517 = tpu.memref_squeeze %dma_wait3A_516 : memref<1x1x128xi32, #tpu.memory_space<hbm>> -> memref<128xi32, #tpu.memory_space<hbm>>
        %dma_wait3A_518 = arith.constant 0 : i32
        %dma_wait3A_519 = tpu.memref_slice %arg4[%dma_wait3A_513, %dma_wait3A_514, %dma_wait3A_518] : memref<2x2560x128xi32, #tpu.memory_space<hbm>> -> memref<1x1x128xi32, #tpu.memory_space<hbm>>
        %dma_wait3A_520 = tpu.memref_squeeze %dma_wait3A_519 : memref<1x1x128xi32, #tpu.memory_space<hbm>> -> memref<128xi32, #tpu.memory_space<hbm>>
        tpu.wait_dma2 semaphore(%arg33 : memref<!tpu.dma_semaphore, #tpu.memory_space<semaphore_mem>>) src(%dma_wait3A_520 : memref<128xi32, #tpu.memory_space<hbm>>) dst(%arg7 : memref<128xi32, #tpu.memory_space<vmem>>)
        %dma_start3A_521 = arith.constant 0 : i32
        %dma_start3A_522 = arith.constant 0 : i32
        %dma_start3A_523 = tpu.memref_slice %arg32[%dma_start3A_521, %dma_start3A_522] : memref<10240x64xbf16, #tpu.memory_space<vmem_shared>> -> memref<10240x64xbf16, #tpu.memory_space<vmem_shared>>
        tpu.enqueue_indirect_dma source(%dma_start3A_523 : memref<10240x64xbf16, #tpu.memory_space<vmem_shared>>) target(%arg23 : memref<128x64xbf16, #tpu.memory_space<vmem>>) offsets(%arg7 : memref<128xi32, #tpu.memory_space<vmem>>) semaphore(%arg49 : memref<!tpu.dma_semaphore, #tpu.memory_space<semaphore_mem>>)
      } else {
      }
      %lt3A_405 = arith.constant 9 : i32
      %lt3A_406 = arith.cmpi slt, %scan3A_184, %lt3A_405 : i32
      %convert_element_type3A_407 = arith.extui %lt3A_406 : i1 to i32
      %cond3A_408 = arith.constant 0 : i32
      %cond3A_409 = arith.cmpi ne, %convert_element_type3A_407, %cond3A_408 : i32
      scf.if %cond3A_409 {
        %add3A_503 = arith.constant 8 : i32
        %add3A_504 = arith.addi %add3A_382, %add3A_503 : i32
        %add3A_505 = arith.addi %add3A, %add3A_504 : i32
        %dma_start3A_506 = arith.constant 0 : i32
        %dma_start3A_507 = arith.constant 0 : i32
        %dma_start3A_508 = tpu.memref_slice %arg4[%dma_start3A_506, %add3A_505, %dma_start3A_507] : memref<2x2560x128xi32, #tpu.memory_space<hbm>> -> memref<1x1x128xi32, #tpu.memory_space<hbm>>
        %dma_start3A_509 = tpu.memref_squeeze %dma_start3A_508 : memref<1x1x128xi32, #tpu.memory_space<hbm>> -> memref<128xi32, #tpu.memory_space<hbm>>
        %dma_start3A_510 = arith.constant 0 : i32
        %dma_start3A_511 = tpu.memref_slice %arg4[%dma_start3A_506, %add3A_505, %dma_start3A_510] : memref<2x2560x128xi32, #tpu.memory_space<hbm>> -> memref<1x1x128xi32, #tpu.memory_space<hbm>>
        %dma_start3A_512 = tpu.memref_squeeze %dma_start3A_511 : memref<1x1x128xi32, #tpu.memory_space<hbm>> -> memref<128xi32, #tpu.memory_space<hbm>>
        tpu.enqueue_dma source(%dma_start3A_512 : memref<128xi32, #tpu.memory_space<hbm>>) target(%arg11 : memref<128xi32, #tpu.memory_space<vmem>>) target_semaphore(%arg37 : memref<!tpu.dma_semaphore, #tpu.memory_space<semaphore_mem>>)
      } else {
      }
      %mul3A_410 = arith.constant 8 : i32
      %mul3A_411 = arith.muli %scan3A_184, %mul3A_410 : i32
      %add3A_412 = arith.constant 5 : i32
      %add3A_413 = arith.addi %mul3A_411, %add3A_412 : i32
      %dma_wait3A_414 = arith.constant 0 : i32
      %dma_wait3A_415 = arith.constant 0 : i32
      %dma_wait3A_416 = tpu.memref_slice %arg32[%dma_wait3A_414, %dma_wait3A_415] : memref<10240x64xbf16, #tpu.memory_space<vmem_shared>> -> memref<10240x64xbf16, #tpu.memory_space<vmem_shared>>
      tpu.wait_indirect_dma semaphore(%arg54 : memref<!tpu.dma_semaphore, #tpu.memory_space<semaphore_mem>>) src(%dma_wait3A_416 : memref<10240x64xbf16, #tpu.memory_space<vmem_shared>>) dst(%arg28 : memref<128x64xbf16, #tpu.memory_space<vmem>>)
      %dma_wait3A_417 = arith.constant 0 : i32
      %dma_wait3A_418 = arith.constant 0 : i32
      %dma_wait3A_419 = arith.constant 0 : i32
      %dma_wait3A_420 = tpu.memref_slice %arg4[%dma_wait3A_417, %dma_wait3A_418, %dma_wait3A_419] : memref<2x2560x128xi32, #tpu.memory_space<hbm>> -> memref<1x1x128xi32, #tpu.memory_space<hbm>>
      %dma_wait3A_421 = tpu.memref_squeeze %dma_wait3A_420 : memref<1x1x128xi32, #tpu.memory_space<hbm>> -> memref<128xi32, #tpu.memory_space<hbm>>
      %dma_wait3A_422 = arith.constant 0 : i32
      %dma_wait3A_423 = tpu.memref_slice %arg4[%dma_wait3A_417, %dma_wait3A_418, %dma_wait3A_422] : memref<2x2560x128xi32, #tpu.memory_space<hbm>> -> memref<1x1x128xi32, #tpu.memory_space<hbm>>
      %dma_wait3A_424 = tpu.memref_squeeze %dma_wait3A_423 : memref<1x1x128xi32, #tpu.memory_space<hbm>> -> memref<128xi32, #tpu.memory_space<hbm>>
      tpu.wait_dma2 semaphore(%arg46 : memref<!tpu.dma_semaphore, #tpu.memory_space<semaphore_mem>>) src(%dma_wait3A_424 : memref<128xi32, #tpu.memory_space<hbm>>) dst(%arg20 : memref<128xi32, #tpu.memory_space<vmem>>)
      %dma_wait3A_425 = arith.constant 0 : i32
      %dma_wait3A_426 = arith.constant 0 : i32
      %dma_wait3A_427 = tpu.memref_slice %arg31[%dma_wait3A_425, %dma_wait3A_426] : memref<10240x64xbf16, #tpu.memory_space<vmem_shared>> -> memref<10240x64xbf16, #tpu.memory_space<vmem_shared>>
      tpu.wait_indirect_dma semaphore(%arg58 : memref<!tpu.dma_semaphore, #tpu.memory_space<semaphore_mem>>) src(%arg23 : memref<128x64xbf16, #tpu.memory_space<vmem>>) dst(%dma_wait3A_427 : memref<10240x64xbf16, #tpu.memory_space<vmem_shared>>)
      %dma_start3A_428 = arith.constant 0 : i32
      %dma_start3A_429 = arith.constant 0 : i32
      %dma_start3A_430 = tpu.memref_slice %arg31[%dma_start3A_428, %dma_start3A_429] : memref<10240x64xbf16, #tpu.memory_space<vmem_shared>> -> memref<10240x64xbf16, #tpu.memory_space<vmem_shared>>
      tpu.enqueue_indirect_dma source(%arg28 : memref<128x64xbf16, #tpu.memory_space<vmem>>) target(%dma_start3A_430 : memref<10240x64xbf16, #tpu.memory_space<vmem_shared>>) offsets(%arg20 : memref<128xi32, #tpu.memory_space<vmem>>) semaphore(%arg58 : memref<!tpu.dma_semaphore, #tpu.memory_space<semaphore_mem>>) {add = true}
      %lt3A_431 = arith.constant 9 : i32
      %lt3A_432 = arith.cmpi slt, %scan3A_184, %lt3A_431 : i32
      %convert_element_type3A_433 = arith.extui %lt3A_432 : i1 to i32
      %cond3A_434 = arith.constant 0 : i32
      %cond3A_435 = arith.cmpi ne, %convert_element_type3A_433, %cond3A_434 : i32
      scf.if %cond3A_435 {
        %add3A_503 = arith.constant 4 : i32
        %add3A_504 = arith.addi %add3A_413, %add3A_503 : i32
        %add3A_505 = arith.addi %add3A, %add3A_504 : i32
        %dma_start3A_506 = arith.constant 1 : i32
        %dma_start3A_507 = arith.constant 0 : i32
        %dma_start3A_508 = tpu.memref_slice %arg4[%dma_start3A_506, %add3A_505, %dma_start3A_507] : memref<2x2560x128xi32, #tpu.memory_space<hbm>> -> memref<1x1x128xi32, #tpu.memory_space<hbm>>
        %dma_start3A_509 = tpu.memref_squeeze %dma_start3A_508 : memref<1x1x128xi32, #tpu.memory_space<hbm>> -> memref<128xi32, #tpu.memory_space<hbm>>
        %dma_start3A_510 = arith.constant 0 : i32
        %dma_start3A_511 = tpu.memref_slice %arg4[%dma_start3A_506, %add3A_505, %dma_start3A_510] : memref<2x2560x128xi32, #tpu.memory_space<hbm>> -> memref<1x1x128xi32, #tpu.memory_space<hbm>>
        %dma_start3A_512 = tpu.memref_squeeze %dma_start3A_511 : memref<1x1x128xi32, #tpu.memory_space<hbm>> -> memref<128xi32, #tpu.memory_space<hbm>>
        tpu.enqueue_dma source(%dma_start3A_512 : memref<128xi32, #tpu.memory_space<hbm>>) target(%arg16 : memref<128xi32, #tpu.memory_space<vmem>>) target_semaphore(%arg42 : memref<!tpu.dma_semaphore, #tpu.memory_space<semaphore_mem>>)
        %dma_wait3A_513 = arith.constant 0 : i32
        %dma_wait3A_514 = arith.constant 0 : i32
        %dma_wait3A_515 = arith.constant 0 : i32
        %dma_wait3A_516 = tpu.memref_slice %arg4[%dma_wait3A_513, %dma_wait3A_514, %dma_wait3A_515] : memref<2x2560x128xi32, #tpu.memory_space<hbm>> -> memref<1x1x128xi32, #tpu.memory_space<hbm>>
        %dma_wait3A_517 = tpu.memref_squeeze %dma_wait3A_516 : memref<1x1x128xi32, #tpu.memory_space<hbm>> -> memref<128xi32, #tpu.memory_space<hbm>>
        %dma_wait3A_518 = arith.constant 0 : i32
        %dma_wait3A_519 = tpu.memref_slice %arg4[%dma_wait3A_513, %dma_wait3A_514, %dma_wait3A_518] : memref<2x2560x128xi32, #tpu.memory_space<hbm>> -> memref<1x1x128xi32, #tpu.memory_space<hbm>>
        %dma_wait3A_520 = tpu.memref_squeeze %dma_wait3A_519 : memref<1x1x128xi32, #tpu.memory_space<hbm>> -> memref<128xi32, #tpu.memory_space<hbm>>
        tpu.wait_dma2 semaphore(%arg34 : memref<!tpu.dma_semaphore, #tpu.memory_space<semaphore_mem>>) src(%dma_wait3A_520 : memref<128xi32, #tpu.memory_space<hbm>>) dst(%arg8 : memref<128xi32, #tpu.memory_space<vmem>>)
        %dma_start3A_521 = arith.constant 0 : i32
        %dma_start3A_522 = arith.constant 0 : i32
        %dma_start3A_523 = tpu.memref_slice %arg32[%dma_start3A_521, %dma_start3A_522] : memref<10240x64xbf16, #tpu.memory_space<vmem_shared>> -> memref<10240x64xbf16, #tpu.memory_space<vmem_shared>>
        tpu.enqueue_indirect_dma source(%dma_start3A_523 : memref<10240x64xbf16, #tpu.memory_space<vmem_shared>>) target(%arg24 : memref<128x64xbf16, #tpu.memory_space<vmem>>) offsets(%arg8 : memref<128xi32, #tpu.memory_space<vmem>>) semaphore(%arg50 : memref<!tpu.dma_semaphore, #tpu.memory_space<semaphore_mem>>)
      } else {
      }
      %lt3A_436 = arith.constant 9 : i32
      %lt3A_437 = arith.cmpi slt, %scan3A_184, %lt3A_436 : i32
      %convert_element_type3A_438 = arith.extui %lt3A_437 : i1 to i32
      %cond3A_439 = arith.constant 0 : i32
      %cond3A_440 = arith.cmpi ne, %convert_element_type3A_438, %cond3A_439 : i32
      scf.if %cond3A_440 {
        %add3A_503 = arith.constant 8 : i32
        %add3A_504 = arith.addi %add3A_413, %add3A_503 : i32
        %add3A_505 = arith.addi %add3A, %add3A_504 : i32
        %dma_start3A_506 = arith.constant 0 : i32
        %dma_start3A_507 = arith.constant 0 : i32
        %dma_start3A_508 = tpu.memref_slice %arg4[%dma_start3A_506, %add3A_505, %dma_start3A_507] : memref<2x2560x128xi32, #tpu.memory_space<hbm>> -> memref<1x1x128xi32, #tpu.memory_space<hbm>>
        %dma_start3A_509 = tpu.memref_squeeze %dma_start3A_508 : memref<1x1x128xi32, #tpu.memory_space<hbm>> -> memref<128xi32, #tpu.memory_space<hbm>>
        %dma_start3A_510 = arith.constant 0 : i32
        %dma_start3A_511 = tpu.memref_slice %arg4[%dma_start3A_506, %add3A_505, %dma_start3A_510] : memref<2x2560x128xi32, #tpu.memory_space<hbm>> -> memref<1x1x128xi32, #tpu.memory_space<hbm>>
        %dma_start3A_512 = tpu.memref_squeeze %dma_start3A_511 : memref<1x1x128xi32, #tpu.memory_space<hbm>> -> memref<128xi32, #tpu.memory_space<hbm>>
        tpu.enqueue_dma source(%dma_start3A_512 : memref<128xi32, #tpu.memory_space<hbm>>) target(%arg12 : memref<128xi32, #tpu.memory_space<vmem>>) target_semaphore(%arg38 : memref<!tpu.dma_semaphore, #tpu.memory_space<semaphore_mem>>)
      } else {
      }
      %mul3A_441 = arith.constant 8 : i32
      %mul3A_442 = arith.muli %scan3A_184, %mul3A_441 : i32
      %add3A_443 = arith.constant 6 : i32
      %add3A_444 = arith.addi %mul3A_442, %add3A_443 : i32
      %dma_wait3A_445 = arith.constant 0 : i32
      %dma_wait3A_446 = arith.constant 0 : i32
      %dma_wait3A_447 = tpu.memref_slice %arg32[%dma_wait3A_445, %dma_wait3A_446] : memref<10240x64xbf16, #tpu.memory_space<vmem_shared>> -> memref<10240x64xbf16, #tpu.memory_space<vmem_shared>>
      tpu.wait_indirect_dma semaphore(%arg55 : memref<!tpu.dma_semaphore, #tpu.memory_space<semaphore_mem>>) src(%dma_wait3A_447 : memref<10240x64xbf16, #tpu.memory_space<vmem_shared>>) dst(%arg29 : memref<128x64xbf16, #tpu.memory_space<vmem>>)
      %dma_wait3A_448 = arith.constant 0 : i32
      %dma_wait3A_449 = arith.constant 0 : i32
      %dma_wait3A_450 = arith.constant 0 : i32
      %dma_wait3A_451 = tpu.memref_slice %arg4[%dma_wait3A_448, %dma_wait3A_449, %dma_wait3A_450] : memref<2x2560x128xi32, #tpu.memory_space<hbm>> -> memref<1x1x128xi32, #tpu.memory_space<hbm>>
      %dma_wait3A_452 = tpu.memref_squeeze %dma_wait3A_451 : memref<1x1x128xi32, #tpu.memory_space<hbm>> -> memref<128xi32, #tpu.memory_space<hbm>>
      %dma_wait3A_453 = arith.constant 0 : i32
      %dma_wait3A_454 = tpu.memref_slice %arg4[%dma_wait3A_448, %dma_wait3A_449, %dma_wait3A_453] : memref<2x2560x128xi32, #tpu.memory_space<hbm>> -> memref<1x1x128xi32, #tpu.memory_space<hbm>>
      %dma_wait3A_455 = tpu.memref_squeeze %dma_wait3A_454 : memref<1x1x128xi32, #tpu.memory_space<hbm>> -> memref<128xi32, #tpu.memory_space<hbm>>
      tpu.wait_dma2 semaphore(%arg47 : memref<!tpu.dma_semaphore, #tpu.memory_space<semaphore_mem>>) src(%dma_wait3A_455 : memref<128xi32, #tpu.memory_space<hbm>>) dst(%arg21 : memref<128xi32, #tpu.memory_space<vmem>>)
      %dma_wait3A_456 = arith.constant 0 : i32
      %dma_wait3A_457 = arith.constant 0 : i32
      %dma_wait3A_458 = tpu.memref_slice %arg31[%dma_wait3A_456, %dma_wait3A_457] : memref<10240x64xbf16, #tpu.memory_space<vmem_shared>> -> memref<10240x64xbf16, #tpu.memory_space<vmem_shared>>
      tpu.wait_indirect_dma semaphore(%arg59 : memref<!tpu.dma_semaphore, #tpu.memory_space<semaphore_mem>>) src(%arg23 : memref<128x64xbf16, #tpu.memory_space<vmem>>) dst(%dma_wait3A_458 : memref<10240x64xbf16, #tpu.memory_space<vmem_shared>>)
      %dma_start3A_459 = arith.constant 0 : i32
      %dma_start3A_460 = arith.constant 0 : i32
      %dma_start3A_461 = tpu.memref_slice %arg31[%dma_start3A_459, %dma_start3A_460] : memref<10240x64xbf16, #tpu.memory_space<vmem_shared>> -> memref<10240x64xbf16, #tpu.memory_space<vmem_shared>>
      tpu.enqueue_indirect_dma source(%arg29 : memref<128x64xbf16, #tpu.memory_space<vmem>>) target(%dma_start3A_461 : memref<10240x64xbf16, #tpu.memory_space<vmem_shared>>) offsets(%arg21 : memref<128xi32, #tpu.memory_space<vmem>>) semaphore(%arg59 : memref<!tpu.dma_semaphore, #tpu.memory_space<semaphore_mem>>) {add = true}
      %lt3A_462 = arith.constant 9 : i32
      %lt3A_463 = arith.cmpi slt, %scan3A_184, %lt3A_462 : i32
      %convert_element_type3A_464 = arith.extui %lt3A_463 : i1 to i32
      %cond3A_465 = arith.constant 0 : i32
      %cond3A_466 = arith.cmpi ne, %convert_element_type3A_464, %cond3A_465 : i32
      scf.if %cond3A_466 {
        %add3A_503 = arith.constant 4 : i32
        %add3A_504 = arith.addi %add3A_444, %add3A_503 : i32
        %add3A_505 = arith.addi %add3A, %add3A_504 : i32
        %dma_start3A_506 = arith.constant 1 : i32
        %dma_start3A_507 = arith.constant 0 : i32
        %dma_start3A_508 = tpu.memref_slice %arg4[%dma_start3A_506, %add3A_505, %dma_start3A_507] : memref<2x2560x128xi32, #tpu.memory_space<hbm>> -> memref<1x1x128xi32, #tpu.memory_space<hbm>>
        %dma_start3A_509 = tpu.memref_squeeze %dma_start3A_508 : memref<1x1x128xi32, #tpu.memory_space<hbm>> -> memref<128xi32, #tpu.memory_space<hbm>>
        %dma_start3A_510 = arith.constant 0 : i32
        %dma_start3A_511 = tpu.memref_slice %arg4[%dma_start3A_506, %add3A_505, %dma_start3A_510] : memref<2x2560x128xi32, #tpu.memory_space<hbm>> -> memref<1x1x128xi32, #tpu.memory_space<hbm>>
        %dma_start3A_512 = tpu.memref_squeeze %dma_start3A_511 : memref<1x1x128xi32, #tpu.memory_space<hbm>> -> memref<128xi32, #tpu.memory_space<hbm>>
        tpu.enqueue_dma source(%dma_start3A_512 : memref<128xi32, #tpu.memory_space<hbm>>) target(%arg17 : memref<128xi32, #tpu.memory_space<vmem>>) target_semaphore(%arg43 : memref<!tpu.dma_semaphore, #tpu.memory_space<semaphore_mem>>)
        %dma_wait3A_513 = arith.constant 0 : i32
        %dma_wait3A_514 = arith.constant 0 : i32
        %dma_wait3A_515 = arith.constant 0 : i32
        %dma_wait3A_516 = tpu.memref_slice %arg4[%dma_wait3A_513, %dma_wait3A_514, %dma_wait3A_515] : memref<2x2560x128xi32, #tpu.memory_space<hbm>> -> memref<1x1x128xi32, #tpu.memory_space<hbm>>
        %dma_wait3A_517 = tpu.memref_squeeze %dma_wait3A_516 : memref<1x1x128xi32, #tpu.memory_space<hbm>> -> memref<128xi32, #tpu.memory_space<hbm>>
        %dma_wait3A_518 = arith.constant 0 : i32
        %dma_wait3A_519 = tpu.memref_slice %arg4[%dma_wait3A_513, %dma_wait3A_514, %dma_wait3A_518] : memref<2x2560x128xi32, #tpu.memory_space<hbm>> -> memref<1x1x128xi32, #tpu.memory_space<hbm>>
        %dma_wait3A_520 = tpu.memref_squeeze %dma_wait3A_519 : memref<1x1x128xi32, #tpu.memory_space<hbm>> -> memref<128xi32, #tpu.memory_space<hbm>>
        tpu.wait_dma2 semaphore(%arg35 : memref<!tpu.dma_semaphore, #tpu.memory_space<semaphore_mem>>) src(%dma_wait3A_520 : memref<128xi32, #tpu.memory_space<hbm>>) dst(%arg9 : memref<128xi32, #tpu.memory_space<vmem>>)
        %dma_start3A_521 = arith.constant 0 : i32
        %dma_start3A_522 = arith.constant 0 : i32
        %dma_start3A_523 = tpu.memref_slice %arg32[%dma_start3A_521, %dma_start3A_522] : memref<10240x64xbf16, #tpu.memory_space<vmem_shared>> -> memref<10240x64xbf16, #tpu.memory_space<vmem_shared>>
        tpu.enqueue_indirect_dma source(%dma_start3A_523 : memref<10240x64xbf16, #tpu.memory_space<vmem_shared>>) target(%arg25 : memref<128x64xbf16, #tpu.memory_space<vmem>>) offsets(%arg9 : memref<128xi32, #tpu.memory_space<vmem>>) semaphore(%arg51 : memref<!tpu.dma_semaphore, #tpu.memory_space<semaphore_mem>>)
      } else {
      }
      %lt3A_467 = arith.constant 9 : i32
      %lt3A_468 = arith.cmpi slt, %scan3A_184, %lt3A_467 : i32
      %convert_element_type3A_469 = arith.extui %lt3A_468 : i1 to i32
      %cond3A_470 = arith.constant 0 : i32
      %cond3A_471 = arith.cmpi ne, %convert_element_type3A_469, %cond3A_470 : i32
      scf.if %cond3A_471 {
        %add3A_503 = arith.constant 8 : i32
        %add3A_504 = arith.addi %add3A_444, %add3A_503 : i32
        %add3A_505 = arith.addi %add3A, %add3A_504 : i32
        %dma_start3A_506 = arith.constant 0 : i32
        %dma_start3A_507 = arith.constant 0 : i32
        %dma_start3A_508 = tpu.memref_slice %arg4[%dma_start3A_506, %add3A_505, %dma_start3A_507] : memref<2x2560x128xi32, #tpu.memory_space<hbm>> -> memref<1x1x128xi32, #tpu.memory_space<hbm>>
        %dma_start3A_509 = tpu.memref_squeeze %dma_start3A_508 : memref<1x1x128xi32, #tpu.memory_space<hbm>> -> memref<128xi32, #tpu.memory_space<hbm>>
        %dma_start3A_510 = arith.constant 0 : i32
        %dma_start3A_511 = tpu.memref_slice %arg4[%dma_start3A_506, %add3A_505, %dma_start3A_510] : memref<2x2560x128xi32, #tpu.memory_space<hbm>> -> memref<1x1x128xi32, #tpu.memory_space<hbm>>
        %dma_start3A_512 = tpu.memref_squeeze %dma_start3A_511 : memref<1x1x128xi32, #tpu.memory_space<hbm>> -> memref<128xi32, #tpu.memory_space<hbm>>
        tpu.enqueue_dma source(%dma_start3A_512 : memref<128xi32, #tpu.memory_space<hbm>>) target(%arg13 : memref<128xi32, #tpu.memory_space<vmem>>) target_semaphore(%arg39 : memref<!tpu.dma_semaphore, #tpu.memory_space<semaphore_mem>>)
      } else {
      }
      %mul3A_472 = arith.constant 8 : i32
      %mul3A_473 = arith.muli %scan3A_184, %mul3A_472 : i32
      %add3A_474 = arith.constant 7 : i32
      %add3A_475 = arith.addi %mul3A_473, %add3A_474 : i32
      %dma_wait3A_476 = arith.constant 0 : i32
      %dma_wait3A_477 = arith.constant 0 : i32
      %dma_wait3A_478 = tpu.memref_slice %arg32[%dma_wait3A_476, %dma_wait3A_477] : memref<10240x64xbf16, #tpu.memory_space<vmem_shared>> -> memref<10240x64xbf16, #tpu.memory_space<vmem_shared>>
      tpu.wait_indirect_dma semaphore(%arg56 : memref<!tpu.dma_semaphore, #tpu.memory_space<semaphore_mem>>) src(%dma_wait3A_478 : memref<10240x64xbf16, #tpu.memory_space<vmem_shared>>) dst(%arg30 : memref<128x64xbf16, #tpu.memory_space<vmem>>)
      %dma_wait3A_479 = arith.constant 0 : i32
      %dma_wait3A_480 = arith.constant 0 : i32
      %dma_wait3A_481 = arith.constant 0 : i32
      %dma_wait3A_482 = tpu.memref_slice %arg4[%dma_wait3A_479, %dma_wait3A_480, %dma_wait3A_481] : memref<2x2560x128xi32, #tpu.memory_space<hbm>> -> memref<1x1x128xi32, #tpu.memory_space<hbm>>
      %dma_wait3A_483 = tpu.memref_squeeze %dma_wait3A_482 : memref<1x1x128xi32, #tpu.memory_space<hbm>> -> memref<128xi32, #tpu.memory_space<hbm>>
      %dma_wait3A_484 = arith.constant 0 : i32
      %dma_wait3A_485 = tpu.memref_slice %arg4[%dma_wait3A_479, %dma_wait3A_480, %dma_wait3A_484] : memref<2x2560x128xi32, #tpu.memory_space<hbm>> -> memref<1x1x128xi32, #tpu.memory_space<hbm>>
      %dma_wait3A_486 = tpu.memref_squeeze %dma_wait3A_485 : memref<1x1x128xi32, #tpu.memory_space<hbm>> -> memref<128xi32, #tpu.memory_space<hbm>>
      tpu.wait_dma2 semaphore(%arg48 : memref<!tpu.dma_semaphore, #tpu.memory_space<semaphore_mem>>) src(%dma_wait3A_486 : memref<128xi32, #tpu.memory_space<hbm>>) dst(%arg22 : memref<128xi32, #tpu.memory_space<vmem>>)
      %dma_wait3A_487 = arith.constant 0 : i32
      %dma_wait3A_488 = arith.constant 0 : i32
      %dma_wait3A_489 = tpu.memref_slice %arg31[%dma_wait3A_487, %dma_wait3A_488] : memref<10240x64xbf16, #tpu.memory_space<vmem_shared>> -> memref<10240x64xbf16, #tpu.memory_space<vmem_shared>>
      tpu.wait_indirect_dma semaphore(%arg60 : memref<!tpu.dma_semaphore, #tpu.memory_space<semaphore_mem>>) src(%arg23 : memref<128x64xbf16, #tpu.memory_space<vmem>>) dst(%dma_wait3A_489 : memref<10240x64xbf16, #tpu.memory_space<vmem_shared>>)
      %dma_start3A_490 = arith.constant 0 : i32
      %dma_start3A_491 = arith.constant 0 : i32
      %dma_start3A_492 = tpu.memref_slice %arg31[%dma_start3A_490, %dma_start3A_491] : memref<10240x64xbf16, #tpu.memory_space<vmem_shared>> -> memref<10240x64xbf16, #tpu.memory_space<vmem_shared>>
      tpu.enqueue_indirect_dma source(%arg30 : memref<128x64xbf16, #tpu.memory_space<vmem>>) target(%dma_start3A_492 : memref<10240x64xbf16, #tpu.memory_space<vmem_shared>>) offsets(%arg22 : memref<128xi32, #tpu.memory_space<vmem>>) semaphore(%arg60 : memref<!tpu.dma_semaphore, #tpu.memory_space<semaphore_mem>>) {add = true}
      %lt3A_493 = arith.constant 9 : i32
      %lt3A_494 = arith.cmpi slt, %scan3A_184, %lt3A_493 : i32
      %convert_element_type3A_495 = arith.extui %lt3A_494 : i1 to i32
      %cond3A_496 = arith.constant 0 : i32
      %cond3A_497 = arith.cmpi ne, %convert_element_type3A_495, %cond3A_496 : i32
      scf.if %cond3A_497 {
        %add3A_503 = arith.constant 4 : i32
        %add3A_504 = arith.addi %add3A_475, %add3A_503 : i32
        %add3A_505 = arith.addi %add3A, %add3A_504 : i32
        %dma_start3A_506 = arith.constant 1 : i32
        %dma_start3A_507 = arith.constant 0 : i32
        %dma_start3A_508 = tpu.memref_slice %arg4[%dma_start3A_506, %add3A_505, %dma_start3A_507] : memref<2x2560x128xi32, #tpu.memory_space<hbm>> -> memref<1x1x128xi32, #tpu.memory_space<hbm>>
        %dma_start3A_509 = tpu.memref_squeeze %dma_start3A_508 : memref<1x1x128xi32, #tpu.memory_space<hbm>> -> memref<128xi32, #tpu.memory_space<hbm>>
        %dma_start3A_510 = arith.constant 0 : i32
        %dma_start3A_511 = tpu.memref_slice %arg4[%dma_start3A_506, %add3A_505, %dma_start3A_510] : memref<2x2560x128xi32, #tpu.memory_space<hbm>> -> memref<1x1x128xi32, #tpu.memory_space<hbm>>
        %dma_start3A_512 = tpu.memref_squeeze %dma_start3A_511 : memref<1x1x128xi32, #tpu.memory_space<hbm>> -> memref<128xi32, #tpu.memory_space<hbm>>
        tpu.enqueue_dma source(%dma_start3A_512 : memref<128xi32, #tpu.memory_space<hbm>>) target(%arg18 : memref<128xi32, #tpu.memory_space<vmem>>) target_semaphore(%arg44 : memref<!tpu.dma_semaphore, #tpu.memory_space<semaphore_mem>>)
        %dma_wait3A_513 = arith.constant 0 : i32
        %dma_wait3A_514 = arith.constant 0 : i32
        %dma_wait3A_515 = arith.constant 0 : i32
        %dma_wait3A_516 = tpu.memref_slice %arg4[%dma_wait3A_513, %dma_wait3A_514, %dma_wait3A_515] : memref<2x2560x128xi32, #tpu.memory_space<hbm>> -> memref<1x1x128xi32, #tpu.memory_space<hbm>>
        %dma_wait3A_517 = tpu.memref_squeeze %dma_wait3A_516 : memref<1x1x128xi32, #tpu.memory_space<hbm>> -> memref<128xi32, #tpu.memory_space<hbm>>
        %dma_wait3A_518 = arith.constant 0 : i32
        %dma_wait3A_519 = tpu.memref_slice %arg4[%dma_wait3A_513, %dma_wait3A_514, %dma_wait3A_518] : memref<2x2560x128xi32, #tpu.memory_space<hbm>> -> memref<1x1x128xi32, #tpu.memory_space<hbm>>
        %dma_wait3A_520 = tpu.memref_squeeze %dma_wait3A_519 : memref<1x1x128xi32, #tpu.memory_space<hbm>> -> memref<128xi32, #tpu.memory_space<hbm>>
        tpu.wait_dma2 semaphore(%arg36 : memref<!tpu.dma_semaphore, #tpu.memory_space<semaphore_mem>>) src(%dma_wait3A_520 : memref<128xi32, #tpu.memory_space<hbm>>) dst(%arg10 : memref<128xi32, #tpu.memory_space<vmem>>)
        %dma_start3A_521 = arith.constant 0 : i32
        %dma_start3A_522 = arith.constant 0 : i32
        %dma_start3A_523 = tpu.memref_slice %arg32[%dma_start3A_521, %dma_start3A_522] : memref<10240x64xbf16, #tpu.memory_space<vmem_shared>> -> memref<10240x64xbf16, #tpu.memory_space<vmem_shared>>
        tpu.enqueue_indirect_dma source(%dma_start3A_523 : memref<10240x64xbf16, #tpu.memory_space<vmem_shared>>) target(%arg26 : memref<128x64xbf16, #tpu.memory_space<vmem>>) offsets(%arg10 : memref<128xi32, #tpu.memory_space<vmem>>) semaphore(%arg52 : memref<!tpu.dma_semaphore, #tpu.memory_space<semaphore_mem>>)
      } else {
      }
      %lt3A_498 = arith.constant 9 : i32
      %lt3A_499 = arith.cmpi slt, %scan3A_184, %lt3A_498 : i32
      %convert_element_type3A_500 = arith.extui %lt3A_499 : i1 to i32
      %cond3A_501 = arith.constant 0 : i32
      %cond3A_502 = arith.cmpi ne, %convert_element_type3A_500, %cond3A_501 : i32
      scf.if %cond3A_502 {
        %add3A_503 = arith.constant 8 : i32
        %add3A_504 = arith.addi %add3A_475, %add3A_503 : i32
        %add3A_505 = arith.addi %add3A, %add3A_504 : i32
        %dma_start3A_506 = arith.constant 0 : i32
        %dma_start3A_507 = arith.constant 0 : i32
        %dma_start3A_508 = tpu.memref_slice %arg4[%dma_start3A_506, %add3A_505, %dma_start3A_507] : memref<2x2560x128xi32, #tpu.memory_space<hbm>> -> memref<1x1x128xi32, #tpu.memory_space<hbm>>
        %dma_start3A_509 = tpu.memref_squeeze %dma_start3A_508 : memref<1x1x128xi32, #tpu.memory_space<hbm>> -> memref<128xi32, #tpu.memory_space<hbm>>
        %dma_start3A_510 = arith.constant 0 : i32
        %dma_start3A_511 = tpu.memref_slice %arg4[%dma_start3A_506, %add3A_505, %dma_start3A_510] : memref<2x2560x128xi32, #tpu.memory_space<hbm>> -> memref<1x1x128xi32, #tpu.memory_space<hbm>>
        %dma_start3A_512 = tpu.memref_squeeze %dma_start3A_511 : memref<1x1x128xi32, #tpu.memory_space<hbm>> -> memref<128xi32, #tpu.memory_space<hbm>>
        tpu.enqueue_dma source(%dma_start3A_512 : memref<128xi32, #tpu.memory_space<hbm>>) target(%arg14 : memref<128xi32, #tpu.memory_space<vmem>>) target_semaphore(%arg40 : memref<!tpu.dma_semaphore, #tpu.memory_space<semaphore_mem>>)
      } else {
      }
    }
    %scan3A_166 = arith.constant 10 : i32
    %dma_wait3A_167 = arith.constant 0 : i32
    %dma_wait3A_168 = arith.constant 0 : i32
    %dma_wait3A_169 = tpu.memref_slice %arg31[%dma_wait3A_167, %dma_wait3A_168] : memref<10240x64xbf16, #tpu.memory_space<vmem_shared>> -> memref<10240x64xbf16, #tpu.memory_space<vmem_shared>>
    tpu.wait_indirect_dma semaphore(%arg57 : memref<!tpu.dma_semaphore, #tpu.memory_space<semaphore_mem>>) src(%arg23 : memref<128x64xbf16, #tpu.memory_space<vmem>>) dst(%dma_wait3A_169 : memref<10240x64xbf16, #tpu.memory_space<vmem_shared>>)
    %dma_wait3A_170 = arith.constant 0 : i32
    %dma_wait3A_171 = arith.constant 0 : i32
    %dma_wait3A_172 = tpu.memref_slice %arg31[%dma_wait3A_170, %dma_wait3A_171] : memref<10240x64xbf16, #tpu.memory_space<vmem_shared>> -> memref<10240x64xbf16, #tpu.memory_space<vmem_shared>>
    tpu.wait_indirect_dma semaphore(%arg58 : memref<!tpu.dma_semaphore, #tpu.memory_space<semaphore_mem>>) src(%arg23 : memref<128x64xbf16, #tpu.memory_space<vmem>>) dst(%dma_wait3A_172 : memref<10240x64xbf16, #tpu.memory_space<vmem_shared>>)
    %dma_wait3A_173 = arith.constant 0 : i32
    %dma_wait3A_174 = arith.constant 0 : i32
    %dma_wait3A_175 = tpu.memref_slice %arg31[%dma_wait3A_173, %dma_wait3A_174] : memref<10240x64xbf16, #tpu.memory_space<vmem_shared>> -> memref<10240x64xbf16, #tpu.memory_space<vmem_shared>>
    tpu.wait_indirect_dma semaphore(%arg59 : memref<!tpu.dma_semaphore, #tpu.memory_space<semaphore_mem>>) src(%arg23 : memref<128x64xbf16, #tpu.memory_space<vmem>>) dst(%dma_wait3A_175 : memref<10240x64xbf16, #tpu.memory_space<vmem_shared>>)
    %dma_wait3A_176 = arith.constant 0 : i32
    %dma_wait3A_177 = arith.constant 0 : i32
    %dma_wait3A_178 = tpu.memref_slice %arg31[%dma_wait3A_176, %dma_wait3A_177] : memref<10240x64xbf16, #tpu.memory_space<vmem_shared>> -> memref<10240x64xbf16, #tpu.memory_space<vmem_shared>>
    tpu.wait_indirect_dma semaphore(%arg60 : memref<!tpu.dma_semaphore, #tpu.memory_space<semaphore_mem>>) src(%arg23 : memref<128x64xbf16, #tpu.memory_space<vmem>>) dst(%dma_wait3A_178 : memref<10240x64xbf16, #tpu.memory_space<vmem_shared>>)
    %barrier3A_179 = arith.constant 0 : index
    tpu.barrier barrier_id(%barrier3A_179)
    %mul3A_180 = arith.constant 640 : i32
    %mul3A_181 = arith.muli %arg1, %mul3A_180 : i32
    %mul3A_182 = arith.constant 640 : i32
    %mul3A_183 = arith.muli %arg1, %mul3A_182 : i32
    "tpu.region"() ({
      %run_scoped3A = tpu.sem_alloc : memref<!tpu.dma_semaphore, #tpu.memory_space<semaphore_mem>>
      %dma_start3A_184 = arith.constant 0 : i32
      %dma_start3A_185 = tpu.memref_slice %arg6[%arg0, %mul3A_183, %dma_start3A_184] : memref<2x10240x64xbf16, #tpu.memory_space<hbm>> -> memref<1x640x64xbf16, #tpu.memory_space<hbm>>
      %dma_start3A_186 = tpu.memref_squeeze %dma_start3A_185 : memref<1x640x64xbf16, #tpu.memory_space<hbm>> -> memref<640x64xbf16, #tpu.memory_space<hbm>>
      %dma_start3A_187 = arith.constant 0 : i32
      %dma_start3A_188 = tpu.memref_slice %arg31[%mul3A_181, %dma_start3A_187] : memref<10240x64xbf16, #tpu.memory_space<vmem_shared>> -> memref<640x64xbf16, #tpu.memory_space<vmem_shared>>
      tpu.enqueue_dma source(%dma_start3A_188 : memref<640x64xbf16, #tpu.memory_space<vmem_shared>>) target(%dma_start3A_186 : memref<640x64xbf16, #tpu.memory_space<hbm>>) target_semaphore(%run_scoped3A : memref<!tpu.dma_semaphore, #tpu.memory_space<semaphore_mem>>)
      %dma_wait3A_189 = arith.constant 0 : i32
      %dma_wait3A_190 = tpu.memref_slice %arg6[%arg0, %mul3A_183, %dma_wait3A_189] : memref<2x10240x64xbf16, #tpu.memory_space<hbm>> -> memref<1x640x64xbf16, #tpu.memory_space<hbm>>
      %dma_wait3A_191 = tpu.memref_squeeze %dma_wait3A_190 : memref<1x640x64xbf16, #tpu.memory_space<hbm>> -> memref<640x64xbf16, #tpu.memory_space<hbm>>
      %dma_wait3A_192 = arith.constant 0 : i32
      %dma_wait3A_193 = tpu.memref_slice %arg31[%mul3A_181, %dma_wait3A_192] : memref<10240x64xbf16, #tpu.memory_space<vmem_shared>> -> memref<640x64xbf16, #tpu.memory_space<vmem_shared>>
      tpu.wait_dma2 semaphore(%run_scoped3A : memref<!tpu.dma_semaphore, #tpu.memory_space<semaphore_mem>>) src(%dma_wait3A_193 : memref<640x64xbf16, #tpu.memory_space<vmem_shared>>) dst(%dma_wait3A_191 : memref<640x64xbf16, #tpu.memory_space<hbm>>)
      tpu.yield
    }) : () -> ()
    return
  }
}

#map = affine_map<(d0, d1) -> (0, 0)>
#map1 = affine_map<(d0, d1) -> (0, 0, 0)>
module attributes {stable_mosaic.version = 14 : i64} {
  func.func @k(%arg0: i32, %arg1: i32, %arg2: memref<10240x64xbf16, #tpu.memory_space<hbm>>, %arg3: memref<10240x64xbf16, #tpu.memory_space<hbm>>, %arg4: memref<2x2560x128xi32, #tpu.memory_space<hbm>>, %arg5: memref<640x64xbf16, #tpu.memory_space<hbm>>, %arg6: memref<2x10240x64xbf16, #tpu.memory_space<hbm>>, %arg7: memref<128xi32, #tpu.memory_space<vmem>>, %arg8: memref<128xi32, #tpu.memory_space<vmem>>, %arg9: memref<128xi32, #tpu.memory_space<vmem>>, %arg10: memref<128xi32, #tpu.memory_space<vmem>>, %arg11: memref<128xi32, #tpu.memory_space<vmem>>, %arg12: memref<128xi32, #tpu.memory_space<vmem>>, %arg13: memref<128xi32, #tpu.memory_space<vmem>>, %arg14: memref<128xi32, #tpu.memory_space<vmem>>, %arg15: memref<128xi32, #tpu.memory_space<vmem>>, %arg16: memref<128xi32, #tpu.memory_space<vmem>>, %arg17: memref<128xi32, #tpu.memory_space<vmem>>, %arg18: memref<128xi32, #tpu.memory_space<vmem>>, %arg19: memref<128xi32, #tpu.memory_space<vmem>>, %arg20: memref<128xi32, #tpu.memory_space<vmem>>, %arg21: memref<128xi32, #tpu.memory_space<vmem>>, %arg22: memref<128xi32, #tpu.memory_space<vmem>>, %arg23: memref<128x64xbf16, #tpu.memory_space<vmem>>, %arg24: memref<128x64xbf16, #tpu.memory_space<vmem>>, %arg25: memref<128x64xbf16, #tpu.memory_space<vmem>>, %arg26: memref<128x64xbf16, #tpu.memory_space<vmem>>, %arg27: memref<128x64xbf16, #tpu.memory_space<vmem>>, %arg28: memref<128x64xbf16, #tpu.memory_space<vmem>>, %arg29: memref<128x64xbf16, #tpu.memory_space<vmem>>, %arg30: memref<128x64xbf16, #tpu.memory_space<vmem>>, %arg31: memref<10240x64xbf16, #tpu.memory_space<vmem_shared>>, %arg32: memref<10240x64xbf16, #tpu.memory_space<vmem_shared>>, %arg33: memref<!tpu.dma_semaphore, #tpu.memory_space<semaphore_mem>>, %arg34: memref<!tpu.dma_semaphore, #tpu.memory_space<semaphore_mem>>, %arg35: memref<!tpu.dma_semaphore, #tpu.memory_space<semaphore_mem>>, %arg36: memref<!tpu.dma_semaphore, #tpu.memory_space<semaphore_mem>>, %arg37: memref<!tpu.dma_semaphore, #tpu.memory_space<semaphore_mem>>, %arg38: memref<!tpu.dma_semaphore, #tpu.memory_space<semaphore_mem>>, %arg39: memref<!tpu.dma_semaphore, #tpu.memory_space<semaphore_mem>>, %arg40: memref<!tpu.dma_semaphore, #tpu.memory_space<semaphore_mem>>, %arg41: memref<!tpu.dma_semaphore, #tpu.memory_space<semaphore_mem>>, %arg42: memref<!tpu.dma_semaphore, #tpu.memory_space<semaphore_mem>>, %arg43: memref<!tpu.dma_semaphore, #tpu.memory_space<semaphore_mem>>, %arg44: memref<!tpu.dma_semaphore, #tpu.memory_space<semaphore_mem>>, %arg45: memref<!tpu.dma_semaphore, #tpu.memory_space<semaphore_mem>>, %arg46: memref<!tpu.dma_semaphore, #tpu.memory_space<semaphore_mem>>, %arg47: memref<!tpu.dma_semaphore, #tpu.memory_space<semaphore_mem>>, %arg48: memref<!tpu.dma_semaphore, #tpu.memory_space<semaphore_mem>>, %arg49: memref<!tpu.dma_semaphore, #tpu.memory_space<semaphore_mem>>, %arg50: memref<!tpu.dma_semaphore, #tpu.memory_space<semaphore_mem>>, %arg51: memref<!tpu.dma_semaphore, #tpu.memory_space<semaphore_mem>>, %arg52: memref<!tpu.dma_semaphore, #tpu.memory_space<semaphore_mem>>, %arg53: memref<!tpu.dma_semaphore, #tpu.memory_space<semaphore_mem>>, %arg54: memref<!tpu.dma_semaphore, #tpu.memory_space<semaphore_mem>>, %arg55: memref<!tpu.dma_semaphore, #tpu.memory_space<semaphore_mem>>, %arg56: memref<!tpu.dma_semaphore, #tpu.memory_space<semaphore_mem>>, %arg57: memref<!tpu.dma_semaphore, #tpu.memory_space<semaphore_mem>>, %arg58: memref<!tpu.dma_semaphore, #tpu.memory_space<semaphore_mem>>, %arg59: memref<!tpu.dma_semaphore, #tpu.memory_space<semaphore_mem>>, %arg60: memref<!tpu.dma_semaphore, #tpu.memory_space<semaphore_mem>>) attributes {dimension_semantics = [#tpu.dimension_semantics<core_parallel>, #tpu.dimension_semantics<subcore_parallel>], iteration_bounds = array<i64: 2, 16>, scalar_prefetch = 0 : i64, scratch_operands = 54 : i64, tpu.core_type = #tpu.core_type<sc_vector_subcore>, window_params = [{transform_indices = #map}, {transform_indices = #map}, {transform_indices = #map1}, {transform_indices = #map}, {transform_indices = #map1}]} {
    %mul3A = arith.constant 640 : i32
    %mul3A_0 = arith.muli %arg1, %mul3A : i32
    "tpu.region"() ({
      %run_scoped3A = tpu.sem_alloc : memref<!tpu.dma_semaphore, #tpu.memory_space<semaphore_mem>>
      %dma_start3A_184 = arith.constant 0 : i32
      %dma_start3A_185 = tpu.memref_slice %arg31[%mul3A_0, %dma_start3A_184] : memref<10240x64xbf16, #tpu.memory_space<vmem_shared>> -> memref<640x64xbf16, #tpu.memory_space<vmem_shared>>
      tpu.enqueue_dma source(%arg5 : memref<640x64xbf16, #tpu.memory_space<hbm>>) target(%dma_start3A_185 : memref<640x64xbf16, #tpu.memory_space<vmem_shared>>) target_semaphore(%run_scoped3A : memref<!tpu.dma_semaphore, #tpu.memory_space<semaphore_mem>>)
      %dma_wait3A_186 = arith.constant 0 : i32
      %dma_wait3A_187 = tpu.memref_slice %arg31[%mul3A_0, %dma_wait3A_186] : memref<10240x64xbf16, #tpu.memory_space<vmem_shared>> -> memref<640x64xbf16, #tpu.memory_space<vmem_shared>>
      tpu.wait_dma2 semaphore(%run_scoped3A : memref<!tpu.dma_semaphore, #tpu.memory_space<semaphore_mem>>) src(%arg5 : memref<640x64xbf16, #tpu.memory_space<hbm>>) dst(%dma_wait3A_187 : memref<640x64xbf16, #tpu.memory_space<vmem_shared>>)
      tpu.yield
    }) : () -> ()
    %eq3A = arith.constant 0 : i32
    %eq3A_1 = arith.cmpi eq, %arg0, %eq3A : i32
    %convert_element_type3A = arith.extui %eq3A_1 : i1 to i32
    %cond3A = arith.constant 0 : i32
    %cond3A_2 = arith.cmpi ne, %convert_element_type3A, %cond3A : i32
    scf.if %cond3A_2 {
      "tpu.region"() ({
        %run_scoped3A = tpu.sem_alloc : memref<!tpu.dma_semaphore, #tpu.memory_space<semaphore_mem>>
        %dma_start3A_184 = arith.constant 0 : i32
        %dma_start3A_185 = tpu.memref_slice %arg32[%mul3A_0, %dma_start3A_184] : memref<10240x64xbf16, #tpu.memory_space<vmem_shared>> -> memref<640x64xbf16, #tpu.memory_space<vmem_shared>>
        %dma_start3A_186 = arith.constant 0 : i32
        %dma_start3A_187 = tpu.memref_slice %arg2[%mul3A_0, %dma_start3A_186] : memref<10240x64xbf16, #tpu.memory_space<hbm>> -> memref<640x64xbf16, #tpu.memory_space<hbm>>
        tpu.enqueue_dma source(%dma_start3A_187 : memref<640x64xbf16, #tpu.memory_space<hbm>>) target(%dma_start3A_185 : memref<640x64xbf16, #tpu.memory_space<vmem_shared>>) target_semaphore(%run_scoped3A : memref<!tpu.dma_semaphore, #tpu.memory_space<semaphore_mem>>)
        %dma_wait3A_188 = arith.constant 0 : i32
        %dma_wait3A_189 = tpu.memref_slice %arg32[%mul3A_0, %dma_wait3A_188] : memref<10240x64xbf16, #tpu.memory_space<vmem_shared>> -> memref<640x64xbf16, #tpu.memory_space<vmem_shared>>
        %dma_wait3A_190 = arith.constant 0 : i32
        %dma_wait3A_191 = tpu.memref_slice %arg2[%mul3A_0, %dma_wait3A_190] : memref<10240x64xbf16, #tpu.memory_space<hbm>> -> memref<640x64xbf16, #tpu.memory_space<hbm>>
        tpu.wait_dma2 semaphore(%run_scoped3A : memref<!tpu.dma_semaphore, #tpu.memory_space<semaphore_mem>>) src(%dma_wait3A_191 : memref<640x64xbf16, #tpu.memory_space<hbm>>) dst(%dma_wait3A_189 : memref<640x64xbf16, #tpu.memory_space<vmem_shared>>)
        tpu.yield
      }) : () -> ()
    } else {
    }
    %eq3A_3 = arith.constant 1 : i32
    %eq3A_4 = arith.cmpi eq, %arg0, %eq3A_3 : i32
    %convert_element_type3A_5 = arith.extui %eq3A_4 : i1 to i32
    %cond3A_6 = arith.constant 0 : i32
    %cond3A_7 = arith.cmpi ne, %convert_element_type3A_5, %cond3A_6 : i32
    scf.if %cond3A_7 {
      "tpu.region"() ({
        %run_scoped3A = tpu.sem_alloc : memref<!tpu.dma_semaphore, #tpu.memory_space<semaphore_mem>>
        %dma_start3A_184 = arith.constant 0 : i32
        %dma_start3A_185 = tpu.memref_slice %arg32[%mul3A_0, %dma_start3A_184] : memref<10240x64xbf16, #tpu.memory_space<vmem_shared>> -> memref<640x64xbf16, #tpu.memory_space<vmem_shared>>
        %dma_start3A_186 = arith.constant 0 : i32
        %dma_start3A_187 = tpu.memref_slice %arg3[%mul3A_0, %dma_start3A_186] : memref<10240x64xbf16, #tpu.memory_space<hbm>> -> memref<640x64xbf16, #tpu.memory_space<hbm>>
        tpu.enqueue_dma source(%dma_start3A_187 : memref<640x64xbf16, #tpu.memory_space<hbm>>) target(%dma_start3A_185 : memref<640x64xbf16, #tpu.memory_space<vmem_shared>>) target_semaphore(%run_scoped3A : memref<!tpu.dma_semaphore, #tpu.memory_space<semaphore_mem>>)
        %dma_wait3A_188 = arith.constant 0 : i32
        %dma_wait3A_189 = tpu.memref_slice %arg32[%mul3A_0, %dma_wait3A_188] : memref<10240x64xbf16, #tpu.memory_space<vmem_shared>> -> memref<640x64xbf16, #tpu.memory_space<vmem_shared>>
        %dma_wait3A_190 = arith.constant 0 : i32
        %dma_wait3A_191 = tpu.memref_slice %arg3[%mul3A_0, %dma_wait3A_190] : memref<10240x64xbf16, #tpu.memory_space<hbm>> -> memref<640x64xbf16, #tpu.memory_space<hbm>>
        tpu.wait_dma2 semaphore(%run_scoped3A : memref<!tpu.dma_semaphore, #tpu.memory_space<semaphore_mem>>) src(%dma_wait3A_191 : memref<640x64xbf16, #tpu.memory_space<hbm>>) dst(%dma_wait3A_189 : memref<640x64xbf16, #tpu.memory_space<vmem_shared>>)
        tpu.yield
      }) : () -> ()
    } else {
    }
    %barrier3A = arith.constant 0 : index
    tpu.barrier barrier_id(%barrier3A)
    %mul3A_8 = arith.constant 160 : i32
    %mul3A_9 = arith.muli %arg1, %mul3A_8 : i32
    %mul3A_10 = arith.constant 0 : i32
    %mul3A_11 = arith.muli %arg0, %mul3A_10 : i32
    %add3A = arith.addi %mul3A_9, %mul3A_11 : i32
    %add3A_12 = arith.constant 0 : i32
    %add3A_13 = arith.addi %add3A, %add3A_12 : i32
    %dma_start3A = arith.constant 0 : i32
    %dma_start3A_14 = arith.constant 0 : i32
    %dma_start3A_15 = tpu.memref_slice %arg4[%dma_start3A, %add3A_13, %dma_start3A_14] : memref<2x2560x128xi32, #tpu.memory_space<hbm>> -> memref<1x1x128xi32, #tpu.memory_space<hbm>>
    %dma_start3A_16 = tpu.memref_squeeze %dma_start3A_15 : memref<1x1x128xi32, #tpu.memory_space<hbm>> -> memref<128xi32, #tpu.memory_space<hbm>>
    %dma_start3A_17 = arith.constant 0 : i32
    %dma_start3A_18 = tpu.memref_slice %arg4[%dma_start3A, %add3A_13, %dma_start3A_17] : memref<2x2560x128xi32, #tpu.memory_space<hbm>> -> memref<1x1x128xi32, #tpu.memory_space<hbm>>
    %dma_start3A_19 = tpu.memref_squeeze %dma_start3A_18 : memref<1x1x128xi32, #tpu.memory_space<hbm>> -> memref<128xi32, #tpu.memory_space<hbm>>
    tpu.enqueue_dma source(%dma_start3A_19 : memref<128xi32, #tpu.memory_space<hbm>>) target(%arg7 : memref<128xi32, #tpu.memory_space<vmem>>) target_semaphore(%arg33 : memref<!tpu.dma_semaphore, #tpu.memory_space<semaphore_mem>>)
    %add3A_20 = arith.constant 1 : i32
    %add3A_21 = arith.addi %add3A, %add3A_20 : i32
    %dma_start3A_22 = arith.constant 0 : i32
    %dma_start3A_23 = arith.constant 0 : i32
    %dma_start3A_24 = tpu.memref_slice %arg4[%dma_start3A_22, %add3A_21, %dma_start3A_23] : memref<2x2560x128xi32, #tpu.memory_space<hbm>> -> memref<1x1x128xi32, #tpu.memory_space<hbm>>
    %dma_start3A_25 = tpu.memref_squeeze %dma_start3A_24 : memref<1x1x128xi32, #tpu.memory_space<hbm>> -> memref<128xi32, #tpu.memory_space<hbm>>
    %dma_start3A_26 = arith.constant 0 : i32
    %dma_start3A_27 = tpu.memref_slice %arg4[%dma_start3A_22, %add3A_21, %dma_start3A_26] : memref<2x2560x128xi32, #tpu.memory_space<hbm>> -> memref<1x1x128xi32, #tpu.memory_space<hbm>>
    %dma_start3A_28 = tpu.memref_squeeze %dma_start3A_27 : memref<1x1x128xi32, #tpu.memory_space<hbm>> -> memref<128xi32, #tpu.memory_space<hbm>>
    tpu.enqueue_dma source(%dma_start3A_28 : memref<128xi32, #tpu.memory_space<hbm>>) target(%arg8 : memref<128xi32, #tpu.memory_space<vmem>>) target_semaphore(%arg34 : memref<!tpu.dma_semaphore, #tpu.memory_space<semaphore_mem>>)
    %add3A_29 = arith.constant 2 : i32
    %add3A_30 = arith.addi %add3A, %add3A_29 : i32
    %dma_start3A_31 = arith.constant 0 : i32
    %dma_start3A_32 = arith.constant 0 : i32
    %dma_start3A_33 = tpu.memref_slice %arg4[%dma_start3A_31, %add3A_30, %dma_start3A_32] : memref<2x2560x128xi32, #tpu.memory_space<hbm>> -> memref<1x1x128xi32, #tpu.memory_space<hbm>>
    %dma_start3A_34 = tpu.memref_squeeze %dma_start3A_33 : memref<1x1x128xi32, #tpu.memory_space<hbm>> -> memref<128xi32, #tpu.memory_space<hbm>>
    %dma_start3A_35 = arith.constant 0 : i32
    %dma_start3A_36 = tpu.memref_slice %arg4[%dma_start3A_31, %add3A_30, %dma_start3A_35] : memref<2x2560x128xi32, #tpu.memory_space<hbm>> -> memref<1x1x128xi32, #tpu.memory_space<hbm>>
    %dma_start3A_37 = tpu.memref_squeeze %dma_start3A_36 : memref<1x1x128xi32, #tpu.memory_space<hbm>> -> memref<128xi32, #tpu.memory_space<hbm>>
    tpu.enqueue_dma source(%dma_start3A_37 : memref<128xi32, #tpu.memory_space<hbm>>) target(%arg9 : memref<128xi32, #tpu.memory_space<vmem>>) target_semaphore(%arg35 : memref<!tpu.dma_semaphore, #tpu.memory_space<semaphore_mem>>)
    %add3A_38 = arith.constant 3 : i32
    %add3A_39 = arith.addi %add3A, %add3A_38 : i32
    %dma_start3A_40 = arith.constant 0 : i32
    %dma_start3A_41 = arith.constant 0 : i32
    %dma_start3A_42 = tpu.memref_slice %arg4[%dma_start3A_40, %add3A_39, %dma_start3A_41] : memref<2x2560x128xi32, #tpu.memory_space<hbm>> -> memref<1x1x128xi32, #tpu.memory_space<hbm>>
    %dma_start3A_43 = tpu.memref_squeeze %dma_start3A_42 : memref<1x1x128xi32, #tpu.memory_space<hbm>> -> memref<128xi32, #tpu.memory_space<hbm>>
    %dma_start3A_44 = arith.constant 0 : i32
    %dma_start3A_45 = tpu.memref_slice %arg4[%dma_start3A_40, %add3A_39, %dma_start3A_44] : memref<2x2560x128xi32, #tpu.memory_space<hbm>> -> memref<1x1x128xi32, #tpu.memory_space<hbm>>
    %dma_start3A_46 = tpu.memref_squeeze %dma_start3A_45 : memref<1x1x128xi32, #tpu.memory_space<hbm>> -> memref<128xi32, #tpu.memory_space<hbm>>
    tpu.enqueue_dma source(%dma_start3A_46 : memref<128xi32, #tpu.memory_space<hbm>>) target(%arg10 : memref<128xi32, #tpu.memory_space<vmem>>) target_semaphore(%arg36 : memref<!tpu.dma_semaphore, #tpu.memory_space<semaphore_mem>>)
    %add3A_47 = arith.constant 4 : i32
    %add3A_48 = arith.addi %add3A, %add3A_47 : i32
    %dma_start3A_49 = arith.constant 0 : i32
    %dma_start3A_50 = arith.constant 0 : i32
    %dma_start3A_51 = tpu.memref_slice %arg4[%dma_start3A_49, %add3A_48, %dma_start3A_50] : memref<2x2560x128xi32, #tpu.memory_space<hbm>> -> memref<1x1x128xi32, #tpu.memory_space<hbm>>
    %dma_start3A_52 = tpu.memref_squeeze %dma_start3A_51 : memref<1x1x128xi32, #tpu.memory_space<hbm>> -> memref<128xi32, #tpu.memory_space<hbm>>
    %dma_start3A_53 = arith.constant 0 : i32
    %dma_start3A_54 = tpu.memref_slice %arg4[%dma_start3A_49, %add3A_48, %dma_start3A_53] : memref<2x2560x128xi32, #tpu.memory_space<hbm>> -> memref<1x1x128xi32, #tpu.memory_space<hbm>>
    %dma_start3A_55 = tpu.memref_squeeze %dma_start3A_54 : memref<1x1x128xi32, #tpu.memory_space<hbm>> -> memref<128xi32, #tpu.memory_space<hbm>>
    tpu.enqueue_dma source(%dma_start3A_55 : memref<128xi32, #tpu.memory_space<hbm>>) target(%arg11 : memref<128xi32, #tpu.memory_space<vmem>>) target_semaphore(%arg37 : memref<!tpu.dma_semaphore, #tpu.memory_space<semaphore_mem>>)
    %add3A_56 = arith.constant 5 : i32
    %add3A_57 = arith.addi %add3A, %add3A_56 : i32
    %dma_start3A_58 = arith.constant 0 : i32
    %dma_start3A_59 = arith.constant 0 : i32
    %dma_start3A_60 = tpu.memref_slice %arg4[%dma_start3A_58, %add3A_57, %dma_start3A_59] : memref<2x2560x128xi32, #tpu.memory_space<hbm>> -> memref<1x1x128xi32, #tpu.memory_space<hbm>>
    %dma_start3A_61 = tpu.memref_squeeze %dma_start3A_60 : memref<1x1x128xi32, #tpu.memory_space<hbm>> -> memref<128xi32, #tpu.memory_space<hbm>>
    %dma_start3A_62 = arith.constant 0 : i32
    %dma_start3A_63 = tpu.memref_slice %arg4[%dma_start3A_58, %add3A_57, %dma_start3A_62] : memref<2x2560x128xi32, #tpu.memory_space<hbm>> -> memref<1x1x128xi32, #tpu.memory_space<hbm>>
    %dma_start3A_64 = tpu.memref_squeeze %dma_start3A_63 : memref<1x1x128xi32, #tpu.memory_space<hbm>> -> memref<128xi32, #tpu.memory_space<hbm>>
    tpu.enqueue_dma source(%dma_start3A_64 : memref<128xi32, #tpu.memory_space<hbm>>) target(%arg12 : memref<128xi32, #tpu.memory_space<vmem>>) target_semaphore(%arg38 : memref<!tpu.dma_semaphore, #tpu.memory_space<semaphore_mem>>)
    %add3A_65 = arith.constant 6 : i32
    %add3A_66 = arith.addi %add3A, %add3A_65 : i32
    %dma_start3A_67 = arith.constant 0 : i32
    %dma_start3A_68 = arith.constant 0 : i32
    %dma_start3A_69 = tpu.memref_slice %arg4[%dma_start3A_67, %add3A_66, %dma_start3A_68] : memref<2x2560x128xi32, #tpu.memory_space<hbm>> -> memref<1x1x128xi32, #tpu.memory_space<hbm>>
    %dma_start3A_70 = tpu.memref_squeeze %dma_start3A_69 : memref<1x1x128xi32, #tpu.memory_space<hbm>> -> memref<128xi32, #tpu.memory_space<hbm>>
    %dma_start3A_71 = arith.constant 0 : i32
    %dma_start3A_72 = tpu.memref_slice %arg4[%dma_start3A_67, %add3A_66, %dma_start3A_71] : memref<2x2560x128xi32, #tpu.memory_space<hbm>> -> memref<1x1x128xi32, #tpu.memory_space<hbm>>
    %dma_start3A_73 = tpu.memref_squeeze %dma_start3A_72 : memref<1x1x128xi32, #tpu.memory_space<hbm>> -> memref<128xi32, #tpu.memory_space<hbm>>
    tpu.enqueue_dma source(%dma_start3A_73 : memref<128xi32, #tpu.memory_space<hbm>>) target(%arg13 : memref<128xi32, #tpu.memory_space<vmem>>) target_semaphore(%arg39 : memref<!tpu.dma_semaphore, #tpu.memory_space<semaphore_mem>>)
    %add3A_74 = arith.constant 7 : i32
    %add3A_75 = arith.addi %add3A, %add3A_74 : i32
    %dma_start3A_76 = arith.constant 0 : i32
    %dma_start3A_77 = arith.constant 0 : i32
    %dma_start3A_78 = tpu.memref_slice %arg4[%dma_start3A_76, %add3A_75, %dma_start3A_77] : memref<2x2560x128xi32, #tpu.memory_space<hbm>> -> memref<1x1x128xi32, #tpu.memory_space<hbm>>
    %dma_start3A_79 = tpu.memref_squeeze %dma_start3A_78 : memref<1x1x128xi32, #tpu.memory_space<hbm>> -> memref<128xi32, #tpu.memory_space<hbm>>
    %dma_start3A_80 = arith.constant 0 : i32
    %dma_start3A_81 = tpu.memref_slice %arg4[%dma_start3A_76, %add3A_75, %dma_start3A_80] : memref<2x2560x128xi32, #tpu.memory_space<hbm>> -> memref<1x1x128xi32, #tpu.memory_space<hbm>>
    %dma_start3A_82 = tpu.memref_squeeze %dma_start3A_81 : memref<1x1x128xi32, #tpu.memory_space<hbm>> -> memref<128xi32, #tpu.memory_space<hbm>>
    tpu.enqueue_dma source(%dma_start3A_82 : memref<128xi32, #tpu.memory_space<hbm>>) target(%arg14 : memref<128xi32, #tpu.memory_space<vmem>>) target_semaphore(%arg40 : memref<!tpu.dma_semaphore, #tpu.memory_space<semaphore_mem>>)
    %add3A_83 = arith.constant 0 : i32
    %add3A_84 = arith.addi %add3A, %add3A_83 : i32
    %dma_start3A_85 = arith.constant 1 : i32
    %dma_start3A_86 = arith.constant 0 : i32
    %dma_start3A_87 = tpu.memref_slice %arg4[%dma_start3A_85, %add3A_84, %dma_start3A_86] : memref<2x2560x128xi32, #tpu.memory_space<hbm>> -> memref<1x1x128xi32, #tpu.memory_space<hbm>>
    %dma_start3A_88 = tpu.memref_squeeze %dma_start3A_87 : memref<1x1x128xi32, #tpu.memory_space<hbm>> -> memref<128xi32, #tpu.memory_space<hbm>>
    %dma_start3A_89 = arith.constant 0 : i32
    %dma_start3A_90 = tpu.memref_slice %arg4[%dma_start3A_85, %add3A_84, %dma_start3A_89] : memref<2x2560x128xi32, #tpu.memory_space<hbm>> -> memref<1x1x128xi32, #tpu.memory_space<hbm>>
    %dma_start3A_91 = tpu.memref_squeeze %dma_start3A_90 : memref<1x1x128xi32, #tpu.memory_space<hbm>> -> memref<128xi32, #tpu.memory_space<hbm>>
    tpu.enqueue_dma source(%dma_start3A_91 : memref<128xi32, #tpu.memory_space<hbm>>) target(%arg15 : memref<128xi32, #tpu.memory_space<vmem>>) target_semaphore(%arg41 : memref<!tpu.dma_semaphore, #tpu.memory_space<semaphore_mem>>)
    %add3A_92 = arith.constant 1 : i32
    %add3A_93 = arith.addi %add3A, %add3A_92 : i32
    %dma_start3A_94 = arith.constant 1 : i32
    %dma_start3A_95 = arith.constant 0 : i32
    %dma_start3A_96 = tpu.memref_slice %arg4[%dma_start3A_94, %add3A_93, %dma_start3A_95] : memref<2x2560x128xi32, #tpu.memory_space<hbm>> -> memref<1x1x128xi32, #tpu.memory_space<hbm>>
    %dma_start3A_97 = tpu.memref_squeeze %dma_start3A_96 : memref<1x1x128xi32, #tpu.memory_space<hbm>> -> memref<128xi32, #tpu.memory_space<hbm>>
    %dma_start3A_98 = arith.constant 0 : i32
    %dma_start3A_99 = tpu.memref_slice %arg4[%dma_start3A_94, %add3A_93, %dma_start3A_98] : memref<2x2560x128xi32, #tpu.memory_space<hbm>> -> memref<1x1x128xi32, #tpu.memory_space<hbm>>
    %dma_start3A_100 = tpu.memref_squeeze %dma_start3A_99 : memref<1x1x128xi32, #tpu.memory_space<hbm>> -> memref<128xi32, #tpu.memory_space<hbm>>
    tpu.enqueue_dma source(%dma_start3A_100 : memref<128xi32, #tpu.memory_space<hbm>>) target(%arg16 : memref<128xi32, #tpu.memory_space<vmem>>) target_semaphore(%arg42 : memref<!tpu.dma_semaphore, #tpu.memory_space<semaphore_mem>>)
    %add3A_101 = arith.constant 2 : i32
    %add3A_102 = arith.addi %add3A, %add3A_101 : i32
    %dma_start3A_103 = arith.constant 1 : i32
    %dma_start3A_104 = arith.constant 0 : i32
    %dma_start3A_105 = tpu.memref_slice %arg4[%dma_start3A_103, %add3A_102, %dma_start3A_104] : memref<2x2560x128xi32, #tpu.memory_space<hbm>> -> memref<1x1x128xi32, #tpu.memory_space<hbm>>
    %dma_start3A_106 = tpu.memref_squeeze %dma_start3A_105 : memref<1x1x128xi32, #tpu.memory_space<hbm>> -> memref<128xi32, #tpu.memory_space<hbm>>
    %dma_start3A_107 = arith.constant 0 : i32
    %dma_start3A_108 = tpu.memref_slice %arg4[%dma_start3A_103, %add3A_102, %dma_start3A_107] : memref<2x2560x128xi32, #tpu.memory_space<hbm>> -> memref<1x1x128xi32, #tpu.memory_space<hbm>>
    %dma_start3A_109 = tpu.memref_squeeze %dma_start3A_108 : memref<1x1x128xi32, #tpu.memory_space<hbm>> -> memref<128xi32, #tpu.memory_space<hbm>>
    tpu.enqueue_dma source(%dma_start3A_109 : memref<128xi32, #tpu.memory_space<hbm>>) target(%arg17 : memref<128xi32, #tpu.memory_space<vmem>>) target_semaphore(%arg43 : memref<!tpu.dma_semaphore, #tpu.memory_space<semaphore_mem>>)
    %add3A_110 = arith.constant 3 : i32
    %add3A_111 = arith.addi %add3A, %add3A_110 : i32
    %dma_start3A_112 = arith.constant 1 : i32
    %dma_start3A_113 = arith.constant 0 : i32
    %dma_start3A_114 = tpu.memref_slice %arg4[%dma_start3A_112, %add3A_111, %dma_start3A_113] : memref<2x2560x128xi32, #tpu.memory_space<hbm>> -> memref<1x1x128xi32, #tpu.memory_space<hbm>>
    %dma_start3A_115 = tpu.memref_squeeze %dma_start3A_114 : memref<1x1x128xi32, #tpu.memory_space<hbm>> -> memref<128xi32, #tpu.memory_space<hbm>>
    %dma_start3A_116 = arith.constant 0 : i32
    %dma_start3A_117 = tpu.memref_slice %arg4[%dma_start3A_112, %add3A_111, %dma_start3A_116] : memref<2x2560x128xi32, #tpu.memory_space<hbm>> -> memref<1x1x128xi32, #tpu.memory_space<hbm>>
    %dma_start3A_118 = tpu.memref_squeeze %dma_start3A_117 : memref<1x1x128xi32, #tpu.memory_space<hbm>> -> memref<128xi32, #tpu.memory_space<hbm>>
    tpu.enqueue_dma source(%dma_start3A_118 : memref<128xi32, #tpu.memory_space<hbm>>) target(%arg18 : memref<128xi32, #tpu.memory_space<vmem>>) target_semaphore(%arg44 : memref<!tpu.dma_semaphore, #tpu.memory_space<semaphore_mem>>)
    %dma_wait3A = arith.constant 0 : i32
    %dma_wait3A_119 = arith.constant 0 : i32
    %dma_wait3A_120 = arith.constant 0 : i32
    %dma_wait3A_121 = tpu.memref_slice %arg4[%dma_wait3A, %dma_wait3A_119, %dma_wait3A_120] : memref<2x2560x128xi32, #tpu.memory_space<hbm>> -> memref<1x1x128xi32, #tpu.memory_space<hbm>>
    %dma_wait3A_122 = tpu.memref_squeeze %dma_wait3A_121 : memref<1x1x128xi32, #tpu.memory_space<hbm>> -> memref<128xi32, #tpu.memory_space<hbm>>
    %dma_wait3A_123 = arith.constant 0 : i32
    %dma_wait3A_124 = tpu.memref_slice %arg4[%dma_wait3A, %dma_wait3A_119, %dma_wait3A_123] : memref<2x2560x128xi32, #tpu.memory_space<hbm>> -> memref<1x1x128xi32, #tpu.memory_space<hbm>>
    %dma_wait3A_125 = tpu.memref_squeeze %dma_wait3A_124 : memref<1x1x128xi32, #tpu.memory_space<hbm>> -> memref<128xi32, #tpu.memory_space<hbm>>
    tpu.wait_dma2 semaphore(%arg33 : memref<!tpu.dma_semaphore, #tpu.memory_space<semaphore_mem>>) src(%dma_wait3A_125 : memref<128xi32, #tpu.memory_space<hbm>>) dst(%arg7 : memref<128xi32, #tpu.memory_space<vmem>>)
    %dma_start3A_126 = arith.constant 0 : i32
    %dma_start3A_127 = arith.constant 0 : i32
    %dma_start3A_128 = tpu.memref_slice %arg32[%dma_start3A_126, %dma_start3A_127] : memref<10240x64xbf16, #tpu.memory_space<vmem_shared>> -> memref<10240x64xbf16, #tpu.memory_space<vmem_shared>>
    tpu.enqueue_indirect_dma source(%dma_start3A_128 : memref<10240x64xbf16, #tpu.memory_space<vmem_shared>>) target(%arg23 : memref<128x64xbf16, #tpu.memory_space<vmem>>) offsets(%arg7 : memref<128xi32, #tpu.memory_space<vmem>>) semaphore(%arg49 : memref<!tpu.dma_semaphore, #tpu.memory_space<semaphore_mem>>)
    %dma_wait3A_129 = arith.constant 0 : i32
    %dma_wait3A_130 = arith.constant 0 : i32
    %dma_wait3A_131 = arith.constant 0 : i32
    %dma_wait3A_132 = tpu.memref_slice %arg4[%dma_wait3A_129, %dma_wait3A_130, %dma_wait3A_131] : memref<2x2560x128xi32, #tpu.memory_space<hbm>> -> memref<1x1x128xi32, #tpu.memory_space<hbm>>
    %dma_wait3A_133 = tpu.memref_squeeze %dma_wait3A_132 : memref<1x1x128xi32, #tpu.memory_space<hbm>> -> memref<128xi32, #tpu.memory_space<hbm>>
    %dma_wait3A_134 = arith.constant 0 : i32
    %dma_wait3A_135 = tpu.memref_slice %arg4[%dma_wait3A_129, %dma_wait3A_130, %dma_wait3A_134] : memref<2x2560x128xi32, #tpu.memory_space<hbm>> -> memref<1x1x128xi32, #tpu.memory_space<hbm>>
    %dma_wait3A_136 = tpu.memref_squeeze %dma_wait3A_135 : memref<1x1x128xi32, #tpu.memory_space<hbm>> -> memref<128xi32, #tpu.memory_space<hbm>>
    tpu.wait_dma2 semaphore(%arg34 : memref<!tpu.dma_semaphore, #tpu.memory_space<semaphore_mem>>) src(%dma_wait3A_136 : memref<128xi32, #tpu.memory_space<hbm>>) dst(%arg8 : memref<128xi32, #tpu.memory_space<vmem>>)
    %dma_start3A_137 = arith.constant 0 : i32
    %dma_start3A_138 = arith.constant 0 : i32
    %dma_start3A_139 = tpu.memref_slice %arg32[%dma_start3A_137, %dma_start3A_138] : memref<10240x64xbf16, #tpu.memory_space<vmem_shared>> -> memref<10240x64xbf16, #tpu.memory_space<vmem_shared>>
    tpu.enqueue_indirect_dma source(%dma_start3A_139 : memref<10240x64xbf16, #tpu.memory_space<vmem_shared>>) target(%arg24 : memref<128x64xbf16, #tpu.memory_space<vmem>>) offsets(%arg8 : memref<128xi32, #tpu.memory_space<vmem>>) semaphore(%arg50 : memref<!tpu.dma_semaphore, #tpu.memory_space<semaphore_mem>>)
    %dma_wait3A_140 = arith.constant 0 : i32
    %dma_wait3A_141 = arith.constant 0 : i32
    %dma_wait3A_142 = arith.constant 0 : i32
    %dma_wait3A_143 = tpu.memref_slice %arg4[%dma_wait3A_140, %dma_wait3A_141, %dma_wait3A_142] : memref<2x2560x128xi32, #tpu.memory_space<hbm>> -> memref<1x1x128xi32, #tpu.memory_space<hbm>>
    %dma_wait3A_144 = tpu.memref_squeeze %dma_wait3A_143 : memref<1x1x128xi32, #tpu.memory_space<hbm>> -> memref<128xi32, #tpu.memory_space<hbm>>
    %dma_wait3A_145 = arith.constant 0 : i32
    %dma_wait3A_146 = tpu.memref_slice %arg4[%dma_wait3A_140, %dma_wait3A_141, %dma_wait3A_145] : memref<2x2560x128xi32, #tpu.memory_space<hbm>> -> memref<1x1x128xi32, #tpu.memory_space<hbm>>
    %dma_wait3A_147 = tpu.memref_squeeze %dma_wait3A_146 : memref<1x1x128xi32, #tpu.memory_space<hbm>> -> memref<128xi32, #tpu.memory_space<hbm>>
    tpu.wait_dma2 semaphore(%arg35 : memref<!tpu.dma_semaphore, #tpu.memory_space<semaphore_mem>>) src(%dma_wait3A_147 : memref<128xi32, #tpu.memory_space<hbm>>) dst(%arg9 : memref<128xi32, #tpu.memory_space<vmem>>)
    %dma_start3A_148 = arith.constant 0 : i32
    %dma_start3A_149 = arith.constant 0 : i32
    %dma_start3A_150 = tpu.memref_slice %arg32[%dma_start3A_148, %dma_start3A_149] : memref<10240x64xbf16, #tpu.memory_space<vmem_shared>> -> memref<10240x64xbf16, #tpu.memory_space<vmem_shared>>
    tpu.enqueue_indirect_dma source(%dma_start3A_150 : memref<10240x64xbf16, #tpu.memory_space<vmem_shared>>) target(%arg25 : memref<128x64xbf16, #tpu.memory_space<vmem>>) offsets(%arg9 : memref<128xi32, #tpu.memory_space<vmem>>) semaphore(%arg51 : memref<!tpu.dma_semaphore, #tpu.memory_space<semaphore_mem>>)
    %dma_wait3A_151 = arith.constant 0 : i32
    %dma_wait3A_152 = arith.constant 0 : i32
    %dma_wait3A_153 = arith.constant 0 : i32
    %dma_wait3A_154 = tpu.memref_slice %arg4[%dma_wait3A_151, %dma_wait3A_152, %dma_wait3A_153] : memref<2x2560x128xi32, #tpu.memory_space<hbm>> -> memref<1x1x128xi32, #tpu.memory_space<hbm>>
    %dma_wait3A_155 = tpu.memref_squeeze %dma_wait3A_154 : memref<1x1x128xi32, #tpu.memory_space<hbm>> -> memref<128xi32, #tpu.memory_space<hbm>>
    %dma_wait3A_156 = arith.constant 0 : i32
    %dma_wait3A_157 = tpu.memref_slice %arg4[%dma_wait3A_151, %dma_wait3A_152, %dma_wait3A_156] : memref<2x2560x128xi32, #tpu.memory_space<hbm>> -> memref<1x1x128xi32, #tpu.memory_space<hbm>>
    %dma_wait3A_158 = tpu.memref_squeeze %dma_wait3A_157 : memref<1x1x128xi32, #tpu.memory_space<hbm>> -> memref<128xi32, #tpu.memory_space<hbm>>
    tpu.wait_dma2 semaphore(%arg36 : memref<!tpu.dma_semaphore, #tpu.memory_space<semaphore_mem>>) src(%dma_wait3A_158 : memref<128xi32, #tpu.memory_space<hbm>>) dst(%arg10 : memref<128xi32, #tpu.memory_space<vmem>>)
    %dma_start3A_159 = arith.constant 0 : i32
    %dma_start3A_160 = arith.constant 0 : i32
    %dma_start3A_161 = tpu.memref_slice %arg32[%dma_start3A_159, %dma_start3A_160] : memref<10240x64xbf16, #tpu.memory_space<vmem_shared>> -> memref<10240x64xbf16, #tpu.memory_space<vmem_shared>>
    tpu.enqueue_indirect_dma source(%dma_start3A_161 : memref<10240x64xbf16, #tpu.memory_space<vmem_shared>>) target(%arg26 : memref<128x64xbf16, #tpu.memory_space<vmem>>) offsets(%arg10 : memref<128xi32, #tpu.memory_space<vmem>>) semaphore(%arg52 : memref<!tpu.dma_semaphore, #tpu.memory_space<semaphore_mem>>)
    %scan3A = arith.constant 0 : i32
    %scan3A_162 = arith.constant 0 : i32
    %scan3A_163 = arith.constant 20 : i32
    %scan3A_164 = arith.addi %scan3A_162, %scan3A_163 : i32
    %scan3A_165 = arith.constant 1 : i32
    scf.for %scan3A_184 = %scan3A_162 to %scan3A_164 step %scan3A_165  : i32 {
      %mul3A_185 = arith.constant 8 : i32
      %mul3A_186 = arith.muli %scan3A_184, %mul3A_185 : i32
      %add3A_187 = arith.constant 0 : i32
      %add3A_188 = arith.addi %mul3A_186, %add3A_187 : i32
      %dma_wait3A_189 = arith.constant 0 : i32
      %dma_wait3A_190 = arith.constant 0 : i32
      %dma_wait3A_191 = tpu.memref_slice %arg32[%dma_wait3A_189, %dma_wait3A_190] : memref<10240x64xbf16, #tpu.memory_space<vmem_shared>> -> memref<10240x64xbf16, #tpu.memory_space<vmem_shared>>
      tpu.wait_indirect_dma semaphore(%arg49 : memref<!tpu.dma_semaphore, #tpu.memory_space<semaphore_mem>>) src(%dma_wait3A_191 : memref<10240x64xbf16, #tpu.memory_space<vmem_shared>>) dst(%arg23 : memref<128x64xbf16, #tpu.memory_space<vmem>>)
      %dma_wait3A_192 = arith.constant 0 : i32
      %dma_wait3A_193 = arith.constant 0 : i32
      %dma_wait3A_194 = arith.constant 0 : i32
      %dma_wait3A_195 = tpu.memref_slice %arg4[%dma_wait3A_192, %dma_wait3A_193, %dma_wait3A_194] : memref<2x2560x128xi32, #tpu.memory_space<hbm>> -> memref<1x1x128xi32, #tpu.memory_space<hbm>>
      %dma_wait3A_196 = tpu.memref_squeeze %dma_wait3A_195 : memref<1x1x128xi32, #tpu.memory_space<hbm>> -> memref<128xi32, #tpu.memory_space<hbm>>
      %dma_wait3A_197 = arith.constant 0 : i32
      %dma_wait3A_198 = tpu.memref_slice %arg4[%dma_wait3A_192, %dma_wait3A_193, %dma_wait3A_197] : memref<2x2560x128xi32, #tpu.memory_space<hbm>> -> memref<1x1x128xi32, #tpu.memory_space<hbm>>
      %dma_wait3A_199 = tpu.memref_squeeze %dma_wait3A_198 : memref<1x1x128xi32, #tpu.memory_space<hbm>> -> memref<128xi32, #tpu.memory_space<hbm>>
      tpu.wait_dma2 semaphore(%arg41 : memref<!tpu.dma_semaphore, #tpu.memory_space<semaphore_mem>>) src(%dma_wait3A_199 : memref<128xi32, #tpu.memory_space<hbm>>) dst(%arg15 : memref<128xi32, #tpu.memory_space<vmem>>)
      %gt3A = arith.constant 0 : i32
      %gt3A_200 = arith.cmpi sgt, %scan3A_184, %gt3A : i32
      %convert_element_type3A_201 = arith.extui %gt3A_200 : i1 to i32
      %cond3A_202 = arith.constant 0 : i32
      %cond3A_203 = arith.cmpi ne, %convert_element_type3A_201, %cond3A_202 : i32
      scf.if %cond3A_203 {
        %dma_wait3A_503 = arith.constant 0 : i32
        %dma_wait3A_504 = arith.constant 0 : i32
        %dma_wait3A_505 = tpu.memref_slice %arg31[%dma_wait3A_503, %dma_wait3A_504] : memref<10240x64xbf16, #tpu.memory_space<vmem_shared>> -> memref<10240x64xbf16, #tpu.memory_space<vmem_shared>>
        tpu.wait_indirect_dma semaphore(%arg57 : memref<!tpu.dma_semaphore, #tpu.memory_space<semaphore_mem>>) src(%arg23 : memref<128x64xbf16, #tpu.memory_space<vmem>>) dst(%dma_wait3A_505 : memref<10240x64xbf16, #tpu.memory_space<vmem_shared>>)
      } else {
      }
      %dma_start3A_204 = arith.constant 0 : i32
      %dma_start3A_205 = arith.constant 0 : i32
      %dma_start3A_206 = tpu.memref_slice %arg31[%dma_start3A_204, %dma_start3A_205] : memref<10240x64xbf16, #tpu.memory_space<vmem_shared>> -> memref<10240x64xbf16, #tpu.memory_space<vmem_shared>>
      tpu.enqueue_indirect_dma source(%arg23 : memref<128x64xbf16, #tpu.memory_space<vmem>>) target(%dma_start3A_206 : memref<10240x64xbf16, #tpu.memory_space<vmem_shared>>) offsets(%arg15 : memref<128xi32, #tpu.memory_space<vmem>>) semaphore(%arg57 : memref<!tpu.dma_semaphore, #tpu.memory_space<semaphore_mem>>) {add = true}
      %add3A_207 = arith.constant 4 : i32
      %add3A_208 = arith.addi %add3A_188, %add3A_207 : i32
      %add3A_209 = arith.addi %add3A, %add3A_208 : i32
      %dma_start3A_210 = arith.constant 1 : i32
      %dma_start3A_211 = arith.constant 0 : i32
      %dma_start3A_212 = tpu.memref_slice %arg4[%dma_start3A_210, %add3A_209, %dma_start3A_211] : memref<2x2560x128xi32, #tpu.memory_space<hbm>> -> memref<1x1x128xi32, #tpu.memory_space<hbm>>
      %dma_start3A_213 = tpu.memref_squeeze %dma_start3A_212 : memref<1x1x128xi32, #tpu.memory_space<hbm>> -> memref<128xi32, #tpu.memory_space<hbm>>
      %dma_start3A_214 = arith.constant 0 : i32
      %dma_start3A_215 = tpu.memref_slice %arg4[%dma_start3A_210, %add3A_209, %dma_start3A_214] : memref<2x2560x128xi32, #tpu.memory_space<hbm>> -> memref<1x1x128xi32, #tpu.memory_space<hbm>>
      %dma_start3A_216 = tpu.memref_squeeze %dma_start3A_215 : memref<1x1x128xi32, #tpu.memory_space<hbm>> -> memref<128xi32, #tpu.memory_space<hbm>>
      tpu.enqueue_dma source(%dma_start3A_216 : memref<128xi32, #tpu.memory_space<hbm>>) target(%arg19 : memref<128xi32, #tpu.memory_space<vmem>>) target_semaphore(%arg45 : memref<!tpu.dma_semaphore, #tpu.memory_space<semaphore_mem>>)
      %dma_wait3A_217 = arith.constant 0 : i32
      %dma_wait3A_218 = arith.constant 0 : i32
      %dma_wait3A_219 = arith.constant 0 : i32
      %dma_wait3A_220 = tpu.memref_slice %arg4[%dma_wait3A_217, %dma_wait3A_218, %dma_wait3A_219] : memref<2x2560x128xi32, #tpu.memory_space<hbm>> -> memref<1x1x128xi32, #tpu.memory_space<hbm>>
      %dma_wait3A_221 = tpu.memref_squeeze %dma_wait3A_220 : memref<1x1x128xi32, #tpu.memory_space<hbm>> -> memref<128xi32, #tpu.memory_space<hbm>>
      %dma_wait3A_222 = arith.constant 0 : i32
      %dma_wait3A_223 = tpu.memref_slice %arg4[%dma_wait3A_217, %dma_wait3A_218, %dma_wait3A_222] : memref<2x2560x128xi32, #tpu.memory_space<hbm>> -> memref<1x1x128xi32, #tpu.memory_space<hbm>>
      %dma_wait3A_224 = tpu.memref_squeeze %dma_wait3A_223 : memref<1x1x128xi32, #tpu.memory_space<hbm>> -> memref<128xi32, #tpu.memory_space<hbm>>
      tpu.wait_dma2 semaphore(%arg37 : memref<!tpu.dma_semaphore, #tpu.memory_space<semaphore_mem>>) src(%dma_wait3A_224 : memref<128xi32, #tpu.memory_space<hbm>>) dst(%arg11 : memref<128xi32, #tpu.memory_space<vmem>>)
      %dma_start3A_225 = arith.constant 0 : i32
      %dma_start3A_226 = arith.constant 0 : i32
      %dma_start3A_227 = tpu.memref_slice %arg32[%dma_start3A_225, %dma_start3A_226] : memref<10240x64xbf16, #tpu.memory_space<vmem_shared>> -> memref<10240x64xbf16, #tpu.memory_space<vmem_shared>>
      tpu.enqueue_indirect_dma source(%dma_start3A_227 : memref<10240x64xbf16, #tpu.memory_space<vmem_shared>>) target(%arg27 : memref<128x64xbf16, #tpu.memory_space<vmem>>) offsets(%arg11 : memref<128xi32, #tpu.memory_space<vmem>>) semaphore(%arg53 : memref<!tpu.dma_semaphore, #tpu.memory_space<semaphore_mem>>)
      %lt3A = arith.constant 19 : i32
      %lt3A_228 = arith.cmpi slt, %scan3A_184, %lt3A : i32
      %convert_element_type3A_229 = arith.extui %lt3A_228 : i1 to i32
      %cond3A_230 = arith.constant 0 : i32
      %cond3A_231 = arith.cmpi ne, %convert_element_type3A_229, %cond3A_230 : i32
      scf.if %cond3A_231 {
        %add3A_503 = arith.constant 8 : i32
        %add3A_504 = arith.addi %add3A_188, %add3A_503 : i32
        %add3A_505 = arith.addi %add3A, %add3A_504 : i32
        %dma_start3A_506 = arith.constant 0 : i32
        %dma_start3A_507 = arith.constant 0 : i32
        %dma_start3A_508 = tpu.memref_slice %arg4[%dma_start3A_506, %add3A_505, %dma_start3A_507] : memref<2x2560x128xi32, #tpu.memory_space<hbm>> -> memref<1x1x128xi32, #tpu.memory_space<hbm>>
        %dma_start3A_509 = tpu.memref_squeeze %dma_start3A_508 : memref<1x1x128xi32, #tpu.memory_space<hbm>> -> memref<128xi32, #tpu.memory_space<hbm>>
        %dma_start3A_510 = arith.constant 0 : i32
        %dma_start3A_511 = tpu.memref_slice %arg4[%dma_start3A_506, %add3A_505, %dma_start3A_510] : memref<2x2560x128xi32, #tpu.memory_space<hbm>> -> memref<1x1x128xi32, #tpu.memory_space<hbm>>
        %dma_start3A_512 = tpu.memref_squeeze %dma_start3A_511 : memref<1x1x128xi32, #tpu.memory_space<hbm>> -> memref<128xi32, #tpu.memory_space<hbm>>
        tpu.enqueue_dma source(%dma_start3A_512 : memref<128xi32, #tpu.memory_space<hbm>>) target(%arg7 : memref<128xi32, #tpu.memory_space<vmem>>) target_semaphore(%arg33 : memref<!tpu.dma_semaphore, #tpu.memory_space<semaphore_mem>>)
      } else {
      }
      %mul3A_232 = arith.constant 8 : i32
      %mul3A_233 = arith.muli %scan3A_184, %mul3A_232 : i32
      %add3A_234 = arith.constant 1 : i32
      %add3A_235 = arith.addi %mul3A_233, %add3A_234 : i32
      %dma_wait3A_236 = arith.constant 0 : i32
      %dma_wait3A_237 = arith.constant 0 : i32
      %dma_wait3A_238 = tpu.memref_slice %arg32[%dma_wait3A_236, %dma_wait3A_237] : memref<10240x64xbf16, #tpu.memory_space<vmem_shared>> -> memref<10240x64xbf16, #tpu.memory_space<vmem_shared>>
      tpu.wait_indirect_dma semaphore(%arg50 : memref<!tpu.dma_semaphore, #tpu.memory_space<semaphore_mem>>) src(%dma_wait3A_238 : memref<10240x64xbf16, #tpu.memory_space<vmem_shared>>) dst(%arg24 : memref<128x64xbf16, #tpu.memory_space<vmem>>)
      %dma_wait3A_239 = arith.constant 0 : i32
      %dma_wait3A_240 = arith.constant 0 : i32
      %dma_wait3A_241 = arith.constant 0 : i32
      %dma_wait3A_242 = tpu.memref_slice %arg4[%dma_wait3A_239, %dma_wait3A_240, %dma_wait3A_241] : memref<2x2560x128xi32, #tpu.memory_space<hbm>> -> memref<1x1x128xi32, #tpu.memory_space<hbm>>
      %dma_wait3A_243 = tpu.memref_squeeze %dma_wait3A_242 : memref<1x1x128xi32, #tpu.memory_space<hbm>> -> memref<128xi32, #tpu.memory_space<hbm>>
      %dma_wait3A_244 = arith.constant 0 : i32
      %dma_wait3A_245 = tpu.memref_slice %arg4[%dma_wait3A_239, %dma_wait3A_240, %dma_wait3A_244] : memref<2x2560x128xi32, #tpu.memory_space<hbm>> -> memref<1x1x128xi32, #tpu.memory_space<hbm>>
      %dma_wait3A_246 = tpu.memref_squeeze %dma_wait3A_245 : memref<1x1x128xi32, #tpu.memory_space<hbm>> -> memref<128xi32, #tpu.memory_space<hbm>>
      tpu.wait_dma2 semaphore(%arg42 : memref<!tpu.dma_semaphore, #tpu.memory_space<semaphore_mem>>) src(%dma_wait3A_246 : memref<128xi32, #tpu.memory_space<hbm>>) dst(%arg16 : memref<128xi32, #tpu.memory_space<vmem>>)
      %gt3A_247 = arith.constant 0 : i32
      %gt3A_248 = arith.cmpi sgt, %scan3A_184, %gt3A_247 : i32
      %convert_element_type3A_249 = arith.extui %gt3A_248 : i1 to i32
      %cond3A_250 = arith.constant 0 : i32
      %cond3A_251 = arith.cmpi ne, %convert_element_type3A_249, %cond3A_250 : i32
      scf.if %cond3A_251 {
        %dma_wait3A_503 = arith.constant 0 : i32
        %dma_wait3A_504 = arith.constant 0 : i32
        %dma_wait3A_505 = tpu.memref_slice %arg31[%dma_wait3A_503, %dma_wait3A_504] : memref<10240x64xbf16, #tpu.memory_space<vmem_shared>> -> memref<10240x64xbf16, #tpu.memory_space<vmem_shared>>
        tpu.wait_indirect_dma semaphore(%arg58 : memref<!tpu.dma_semaphore, #tpu.memory_space<semaphore_mem>>) src(%arg23 : memref<128x64xbf16, #tpu.memory_space<vmem>>) dst(%dma_wait3A_505 : memref<10240x64xbf16, #tpu.memory_space<vmem_shared>>)
      } else {
      }
      %dma_start3A_252 = arith.constant 0 : i32
      %dma_start3A_253 = arith.constant 0 : i32
      %dma_start3A_254 = tpu.memref_slice %arg31[%dma_start3A_252, %dma_start3A_253] : memref<10240x64xbf16, #tpu.memory_space<vmem_shared>> -> memref<10240x64xbf16, #tpu.memory_space<vmem_shared>>
      tpu.enqueue_indirect_dma source(%arg24 : memref<128x64xbf16, #tpu.memory_space<vmem>>) target(%dma_start3A_254 : memref<10240x64xbf16, #tpu.memory_space<vmem_shared>>) offsets(%arg16 : memref<128xi32, #tpu.memory_space<vmem>>) semaphore(%arg58 : memref<!tpu.dma_semaphore, #tpu.memory_space<semaphore_mem>>) {add = true}
      %add3A_255 = arith.constant 4 : i32
      %add3A_256 = arith.addi %add3A_235, %add3A_255 : i32
      %add3A_257 = arith.addi %add3A, %add3A_256 : i32
      %dma_start3A_258 = arith.constant 1 : i32
      %dma_start3A_259 = arith.constant 0 : i32
      %dma_start3A_260 = tpu.memref_slice %arg4[%dma_start3A_258, %add3A_257, %dma_start3A_259] : memref<2x2560x128xi32, #tpu.memory_space<hbm>> -> memref<1x1x128xi32, #tpu.memory_space<hbm>>
      %dma_start3A_261 = tpu.memref_squeeze %dma_start3A_260 : memref<1x1x128xi32, #tpu.memory_space<hbm>> -> memref<128xi32, #tpu.memory_space<hbm>>
      %dma_start3A_262 = arith.constant 0 : i32
      %dma_start3A_263 = tpu.memref_slice %arg4[%dma_start3A_258, %add3A_257, %dma_start3A_262] : memref<2x2560x128xi32, #tpu.memory_space<hbm>> -> memref<1x1x128xi32, #tpu.memory_space<hbm>>
      %dma_start3A_264 = tpu.memref_squeeze %dma_start3A_263 : memref<1x1x128xi32, #tpu.memory_space<hbm>> -> memref<128xi32, #tpu.memory_space<hbm>>
      tpu.enqueue_dma source(%dma_start3A_264 : memref<128xi32, #tpu.memory_space<hbm>>) target(%arg20 : memref<128xi32, #tpu.memory_space<vmem>>) target_semaphore(%arg46 : memref<!tpu.dma_semaphore, #tpu.memory_space<semaphore_mem>>)
      %dma_wait3A_265 = arith.constant 0 : i32
      %dma_wait3A_266 = arith.constant 0 : i32
      %dma_wait3A_267 = arith.constant 0 : i32
      %dma_wait3A_268 = tpu.memref_slice %arg4[%dma_wait3A_265, %dma_wait3A_266, %dma_wait3A_267] : memref<2x2560x128xi32, #tpu.memory_space<hbm>> -> memref<1x1x128xi32, #tpu.memory_space<hbm>>
      %dma_wait3A_269 = tpu.memref_squeeze %dma_wait3A_268 : memref<1x1x128xi32, #tpu.memory_space<hbm>> -> memref<128xi32, #tpu.memory_space<hbm>>
      %dma_wait3A_270 = arith.constant 0 : i32
      %dma_wait3A_271 = tpu.memref_slice %arg4[%dma_wait3A_265, %dma_wait3A_266, %dma_wait3A_270] : memref<2x2560x128xi32, #tpu.memory_space<hbm>> -> memref<1x1x128xi32, #tpu.memory_space<hbm>>
      %dma_wait3A_272 = tpu.memref_squeeze %dma_wait3A_271 : memref<1x1x128xi32, #tpu.memory_space<hbm>> -> memref<128xi32, #tpu.memory_space<hbm>>
      tpu.wait_dma2 semaphore(%arg38 : memref<!tpu.dma_semaphore, #tpu.memory_space<semaphore_mem>>) src(%dma_wait3A_272 : memref<128xi32, #tpu.memory_space<hbm>>) dst(%arg12 : memref<128xi32, #tpu.memory_space<vmem>>)
      %dma_start3A_273 = arith.constant 0 : i32
      %dma_start3A_274 = arith.constant 0 : i32
      %dma_start3A_275 = tpu.memref_slice %arg32[%dma_start3A_273, %dma_start3A_274] : memref<10240x64xbf16, #tpu.memory_space<vmem_shared>> -> memref<10240x64xbf16, #tpu.memory_space<vmem_shared>>
      tpu.enqueue_indirect_dma source(%dma_start3A_275 : memref<10240x64xbf16, #tpu.memory_space<vmem_shared>>) target(%arg28 : memref<128x64xbf16, #tpu.memory_space<vmem>>) offsets(%arg12 : memref<128xi32, #tpu.memory_space<vmem>>) semaphore(%arg54 : memref<!tpu.dma_semaphore, #tpu.memory_space<semaphore_mem>>)
      %lt3A_276 = arith.constant 19 : i32
      %lt3A_277 = arith.cmpi slt, %scan3A_184, %lt3A_276 : i32
      %convert_element_type3A_278 = arith.extui %lt3A_277 : i1 to i32
      %cond3A_279 = arith.constant 0 : i32
      %cond3A_280 = arith.cmpi ne, %convert_element_type3A_278, %cond3A_279 : i32
      scf.if %cond3A_280 {
        %add3A_503 = arith.constant 8 : i32
        %add3A_504 = arith.addi %add3A_235, %add3A_503 : i32
        %add3A_505 = arith.addi %add3A, %add3A_504 : i32
        %dma_start3A_506 = arith.constant 0 : i32
        %dma_start3A_507 = arith.constant 0 : i32
        %dma_start3A_508 = tpu.memref_slice %arg4[%dma_start3A_506, %add3A_505, %dma_start3A_507] : memref<2x2560x128xi32, #tpu.memory_space<hbm>> -> memref<1x1x128xi32, #tpu.memory_space<hbm>>
        %dma_start3A_509 = tpu.memref_squeeze %dma_start3A_508 : memref<1x1x128xi32, #tpu.memory_space<hbm>> -> memref<128xi32, #tpu.memory_space<hbm>>
        %dma_start3A_510 = arith.constant 0 : i32
        %dma_start3A_511 = tpu.memref_slice %arg4[%dma_start3A_506, %add3A_505, %dma_start3A_510] : memref<2x2560x128xi32, #tpu.memory_space<hbm>> -> memref<1x1x128xi32, #tpu.memory_space<hbm>>
        %dma_start3A_512 = tpu.memref_squeeze %dma_start3A_511 : memref<1x1x128xi32, #tpu.memory_space<hbm>> -> memref<128xi32, #tpu.memory_space<hbm>>
        tpu.enqueue_dma source(%dma_start3A_512 : memref<128xi32, #tpu.memory_space<hbm>>) target(%arg8 : memref<128xi32, #tpu.memory_space<vmem>>) target_semaphore(%arg34 : memref<!tpu.dma_semaphore, #tpu.memory_space<semaphore_mem>>)
      } else {
      }
      %mul3A_281 = arith.constant 8 : i32
      %mul3A_282 = arith.muli %scan3A_184, %mul3A_281 : i32
      %add3A_283 = arith.constant 2 : i32
      %add3A_284 = arith.addi %mul3A_282, %add3A_283 : i32
      %dma_wait3A_285 = arith.constant 0 : i32
      %dma_wait3A_286 = arith.constant 0 : i32
      %dma_wait3A_287 = tpu.memref_slice %arg32[%dma_wait3A_285, %dma_wait3A_286] : memref<10240x64xbf16, #tpu.memory_space<vmem_shared>> -> memref<10240x64xbf16, #tpu.memory_space<vmem_shared>>
      tpu.wait_indirect_dma semaphore(%arg51 : memref<!tpu.dma_semaphore, #tpu.memory_space<semaphore_mem>>) src(%dma_wait3A_287 : memref<10240x64xbf16, #tpu.memory_space<vmem_shared>>) dst(%arg25 : memref<128x64xbf16, #tpu.memory_space<vmem>>)
      %dma_wait3A_288 = arith.constant 0 : i32
      %dma_wait3A_289 = arith.constant 0 : i32
      %dma_wait3A_290 = arith.constant 0 : i32
      %dma_wait3A_291 = tpu.memref_slice %arg4[%dma_wait3A_288, %dma_wait3A_289, %dma_wait3A_290] : memref<2x2560x128xi32, #tpu.memory_space<hbm>> -> memref<1x1x128xi32, #tpu.memory_space<hbm>>
      %dma_wait3A_292 = tpu.memref_squeeze %dma_wait3A_291 : memref<1x1x128xi32, #tpu.memory_space<hbm>> -> memref<128xi32, #tpu.memory_space<hbm>>
      %dma_wait3A_293 = arith.constant 0 : i32
      %dma_wait3A_294 = tpu.memref_slice %arg4[%dma_wait3A_288, %dma_wait3A_289, %dma_wait3A_293] : memref<2x2560x128xi32, #tpu.memory_space<hbm>> -> memref<1x1x128xi32, #tpu.memory_space<hbm>>
      %dma_wait3A_295 = tpu.memref_squeeze %dma_wait3A_294 : memref<1x1x128xi32, #tpu.memory_space<hbm>> -> memref<128xi32, #tpu.memory_space<hbm>>
      tpu.wait_dma2 semaphore(%arg43 : memref<!tpu.dma_semaphore, #tpu.memory_space<semaphore_mem>>) src(%dma_wait3A_295 : memref<128xi32, #tpu.memory_space<hbm>>) dst(%arg17 : memref<128xi32, #tpu.memory_space<vmem>>)
      %gt3A_296 = arith.constant 0 : i32
      %gt3A_297 = arith.cmpi sgt, %scan3A_184, %gt3A_296 : i32
      %convert_element_type3A_298 = arith.extui %gt3A_297 : i1 to i32
      %cond3A_299 = arith.constant 0 : i32
      %cond3A_300 = arith.cmpi ne, %convert_element_type3A_298, %cond3A_299 : i32
      scf.if %cond3A_300 {
        %dma_wait3A_503 = arith.constant 0 : i32
        %dma_wait3A_504 = arith.constant 0 : i32
        %dma_wait3A_505 = tpu.memref_slice %arg31[%dma_wait3A_503, %dma_wait3A_504] : memref<10240x64xbf16, #tpu.memory_space<vmem_shared>> -> memref<10240x64xbf16, #tpu.memory_space<vmem_shared>>
        tpu.wait_indirect_dma semaphore(%arg59 : memref<!tpu.dma_semaphore, #tpu.memory_space<semaphore_mem>>) src(%arg23 : memref<128x64xbf16, #tpu.memory_space<vmem>>) dst(%dma_wait3A_505 : memref<10240x64xbf16, #tpu.memory_space<vmem_shared>>)
      } else {
      }
      %dma_start3A_301 = arith.constant 0 : i32
      %dma_start3A_302 = arith.constant 0 : i32
      %dma_start3A_303 = tpu.memref_slice %arg31[%dma_start3A_301, %dma_start3A_302] : memref<10240x64xbf16, #tpu.memory_space<vmem_shared>> -> memref<10240x64xbf16, #tpu.memory_space<vmem_shared>>
      tpu.enqueue_indirect_dma source(%arg25 : memref<128x64xbf16, #tpu.memory_space<vmem>>) target(%dma_start3A_303 : memref<10240x64xbf16, #tpu.memory_space<vmem_shared>>) offsets(%arg17 : memref<128xi32, #tpu.memory_space<vmem>>) semaphore(%arg59 : memref<!tpu.dma_semaphore, #tpu.memory_space<semaphore_mem>>) {add = true}
      %add3A_304 = arith.constant 4 : i32
      %add3A_305 = arith.addi %add3A_284, %add3A_304 : i32
      %add3A_306 = arith.addi %add3A, %add3A_305 : i32
      %dma_start3A_307 = arith.constant 1 : i32
      %dma_start3A_308 = arith.constant 0 : i32
      %dma_start3A_309 = tpu.memref_slice %arg4[%dma_start3A_307, %add3A_306, %dma_start3A_308] : memref<2x2560x128xi32, #tpu.memory_space<hbm>> -> memref<1x1x128xi32, #tpu.memory_space<hbm>>
      %dma_start3A_310 = tpu.memref_squeeze %dma_start3A_309 : memref<1x1x128xi32, #tpu.memory_space<hbm>> -> memref<128xi32, #tpu.memory_space<hbm>>
      %dma_start3A_311 = arith.constant 0 : i32
      %dma_start3A_312 = tpu.memref_slice %arg4[%dma_start3A_307, %add3A_306, %dma_start3A_311] : memref<2x2560x128xi32, #tpu.memory_space<hbm>> -> memref<1x1x128xi32, #tpu.memory_space<hbm>>
      %dma_start3A_313 = tpu.memref_squeeze %dma_start3A_312 : memref<1x1x128xi32, #tpu.memory_space<hbm>> -> memref<128xi32, #tpu.memory_space<hbm>>
      tpu.enqueue_dma source(%dma_start3A_313 : memref<128xi32, #tpu.memory_space<hbm>>) target(%arg21 : memref<128xi32, #tpu.memory_space<vmem>>) target_semaphore(%arg47 : memref<!tpu.dma_semaphore, #tpu.memory_space<semaphore_mem>>)
      %dma_wait3A_314 = arith.constant 0 : i32
      %dma_wait3A_315 = arith.constant 0 : i32
      %dma_wait3A_316 = arith.constant 0 : i32
      %dma_wait3A_317 = tpu.memref_slice %arg4[%dma_wait3A_314, %dma_wait3A_315, %dma_wait3A_316] : memref<2x2560x128xi32, #tpu.memory_space<hbm>> -> memref<1x1x128xi32, #tpu.memory_space<hbm>>
      %dma_wait3A_318 = tpu.memref_squeeze %dma_wait3A_317 : memref<1x1x128xi32, #tpu.memory_space<hbm>> -> memref<128xi32, #tpu.memory_space<hbm>>
      %dma_wait3A_319 = arith.constant 0 : i32
      %dma_wait3A_320 = tpu.memref_slice %arg4[%dma_wait3A_314, %dma_wait3A_315, %dma_wait3A_319] : memref<2x2560x128xi32, #tpu.memory_space<hbm>> -> memref<1x1x128xi32, #tpu.memory_space<hbm>>
      %dma_wait3A_321 = tpu.memref_squeeze %dma_wait3A_320 : memref<1x1x128xi32, #tpu.memory_space<hbm>> -> memref<128xi32, #tpu.memory_space<hbm>>
      tpu.wait_dma2 semaphore(%arg39 : memref<!tpu.dma_semaphore, #tpu.memory_space<semaphore_mem>>) src(%dma_wait3A_321 : memref<128xi32, #tpu.memory_space<hbm>>) dst(%arg13 : memref<128xi32, #tpu.memory_space<vmem>>)
      %dma_start3A_322 = arith.constant 0 : i32
      %dma_start3A_323 = arith.constant 0 : i32
      %dma_start3A_324 = tpu.memref_slice %arg32[%dma_start3A_322, %dma_start3A_323] : memref<10240x64xbf16, #tpu.memory_space<vmem_shared>> -> memref<10240x64xbf16, #tpu.memory_space<vmem_shared>>
      tpu.enqueue_indirect_dma source(%dma_start3A_324 : memref<10240x64xbf16, #tpu.memory_space<vmem_shared>>) target(%arg29 : memref<128x64xbf16, #tpu.memory_space<vmem>>) offsets(%arg13 : memref<128xi32, #tpu.memory_space<vmem>>) semaphore(%arg55 : memref<!tpu.dma_semaphore, #tpu.memory_space<semaphore_mem>>)
      %lt3A_325 = arith.constant 19 : i32
      %lt3A_326 = arith.cmpi slt, %scan3A_184, %lt3A_325 : i32
      %convert_element_type3A_327 = arith.extui %lt3A_326 : i1 to i32
      %cond3A_328 = arith.constant 0 : i32
      %cond3A_329 = arith.cmpi ne, %convert_element_type3A_327, %cond3A_328 : i32
      scf.if %cond3A_329 {
        %add3A_503 = arith.constant 8 : i32
        %add3A_504 = arith.addi %add3A_284, %add3A_503 : i32
        %add3A_505 = arith.addi %add3A, %add3A_504 : i32
        %dma_start3A_506 = arith.constant 0 : i32
        %dma_start3A_507 = arith.constant 0 : i32
        %dma_start3A_508 = tpu.memref_slice %arg4[%dma_start3A_506, %add3A_505, %dma_start3A_507] : memref<2x2560x128xi32, #tpu.memory_space<hbm>> -> memref<1x1x128xi32, #tpu.memory_space<hbm>>
        %dma_start3A_509 = tpu.memref_squeeze %dma_start3A_508 : memref<1x1x128xi32, #tpu.memory_space<hbm>> -> memref<128xi32, #tpu.memory_space<hbm>>
        %dma_start3A_510 = arith.constant 0 : i32
        %dma_start3A_511 = tpu.memref_slice %arg4[%dma_start3A_506, %add3A_505, %dma_start3A_510] : memref<2x2560x128xi32, #tpu.memory_space<hbm>> -> memref<1x1x128xi32, #tpu.memory_space<hbm>>
        %dma_start3A_512 = tpu.memref_squeeze %dma_start3A_511 : memref<1x1x128xi32, #tpu.memory_space<hbm>> -> memref<128xi32, #tpu.memory_space<hbm>>
        tpu.enqueue_dma source(%dma_start3A_512 : memref<128xi32, #tpu.memory_space<hbm>>) target(%arg9 : memref<128xi32, #tpu.memory_space<vmem>>) target_semaphore(%arg35 : memref<!tpu.dma_semaphore, #tpu.memory_space<semaphore_mem>>)
      } else {
      }
      %mul3A_330 = arith.constant 8 : i32
      %mul3A_331 = arith.muli %scan3A_184, %mul3A_330 : i32
      %add3A_332 = arith.constant 3 : i32
      %add3A_333 = arith.addi %mul3A_331, %add3A_332 : i32
      %dma_wait3A_334 = arith.constant 0 : i32
      %dma_wait3A_335 = arith.constant 0 : i32
      %dma_wait3A_336 = tpu.memref_slice %arg32[%dma_wait3A_334, %dma_wait3A_335] : memref<10240x64xbf16, #tpu.memory_space<vmem_shared>> -> memref<10240x64xbf16, #tpu.memory_space<vmem_shared>>
      tpu.wait_indirect_dma semaphore(%arg52 : memref<!tpu.dma_semaphore, #tpu.memory_space<semaphore_mem>>) src(%dma_wait3A_336 : memref<10240x64xbf16, #tpu.memory_space<vmem_shared>>) dst(%arg26 : memref<128x64xbf16, #tpu.memory_space<vmem>>)
      %dma_wait3A_337 = arith.constant 0 : i32
      %dma_wait3A_338 = arith.constant 0 : i32
      %dma_wait3A_339 = arith.constant 0 : i32
      %dma_wait3A_340 = tpu.memref_slice %arg4[%dma_wait3A_337, %dma_wait3A_338, %dma_wait3A_339] : memref<2x2560x128xi32, #tpu.memory_space<hbm>> -> memref<1x1x128xi32, #tpu.memory_space<hbm>>
      %dma_wait3A_341 = tpu.memref_squeeze %dma_wait3A_340 : memref<1x1x128xi32, #tpu.memory_space<hbm>> -> memref<128xi32, #tpu.memory_space<hbm>>
      %dma_wait3A_342 = arith.constant 0 : i32
      %dma_wait3A_343 = tpu.memref_slice %arg4[%dma_wait3A_337, %dma_wait3A_338, %dma_wait3A_342] : memref<2x2560x128xi32, #tpu.memory_space<hbm>> -> memref<1x1x128xi32, #tpu.memory_space<hbm>>
      %dma_wait3A_344 = tpu.memref_squeeze %dma_wait3A_343 : memref<1x1x128xi32, #tpu.memory_space<hbm>> -> memref<128xi32, #tpu.memory_space<hbm>>
      tpu.wait_dma2 semaphore(%arg44 : memref<!tpu.dma_semaphore, #tpu.memory_space<semaphore_mem>>) src(%dma_wait3A_344 : memref<128xi32, #tpu.memory_space<hbm>>) dst(%arg18 : memref<128xi32, #tpu.memory_space<vmem>>)
      %gt3A_345 = arith.constant 0 : i32
      %gt3A_346 = arith.cmpi sgt, %scan3A_184, %gt3A_345 : i32
      %convert_element_type3A_347 = arith.extui %gt3A_346 : i1 to i32
      %cond3A_348 = arith.constant 0 : i32
      %cond3A_349 = arith.cmpi ne, %convert_element_type3A_347, %cond3A_348 : i32
      scf.if %cond3A_349 {
        %dma_wait3A_503 = arith.constant 0 : i32
        %dma_wait3A_504 = arith.constant 0 : i32
        %dma_wait3A_505 = tpu.memref_slice %arg31[%dma_wait3A_503, %dma_wait3A_504] : memref<10240x64xbf16, #tpu.memory_space<vmem_shared>> -> memref<10240x64xbf16, #tpu.memory_space<vmem_shared>>
        tpu.wait_indirect_dma semaphore(%arg60 : memref<!tpu.dma_semaphore, #tpu.memory_space<semaphore_mem>>) src(%arg23 : memref<128x64xbf16, #tpu.memory_space<vmem>>) dst(%dma_wait3A_505 : memref<10240x64xbf16, #tpu.memory_space<vmem_shared>>)
      } else {
      }
      %dma_start3A_350 = arith.constant 0 : i32
      %dma_start3A_351 = arith.constant 0 : i32
      %dma_start3A_352 = tpu.memref_slice %arg31[%dma_start3A_350, %dma_start3A_351] : memref<10240x64xbf16, #tpu.memory_space<vmem_shared>> -> memref<10240x64xbf16, #tpu.memory_space<vmem_shared>>
      tpu.enqueue_indirect_dma source(%arg26 : memref<128x64xbf16, #tpu.memory_space<vmem>>) target(%dma_start3A_352 : memref<10240x64xbf16, #tpu.memory_space<vmem_shared>>) offsets(%arg18 : memref<128xi32, #tpu.memory_space<vmem>>) semaphore(%arg60 : memref<!tpu.dma_semaphore, #tpu.memory_space<semaphore_mem>>) {add = true}
      %add3A_353 = arith.constant 4 : i32
      %add3A_354 = arith.addi %add3A_333, %add3A_353 : i32
      %add3A_355 = arith.addi %add3A, %add3A_354 : i32
      %dma_start3A_356 = arith.constant 1 : i32
      %dma_start3A_357 = arith.constant 0 : i32
      %dma_start3A_358 = tpu.memref_slice %arg4[%dma_start3A_356, %add3A_355, %dma_start3A_357] : memref<2x2560x128xi32, #tpu.memory_space<hbm>> -> memref<1x1x128xi32, #tpu.memory_space<hbm>>
      %dma_start3A_359 = tpu.memref_squeeze %dma_start3A_358 : memref<1x1x128xi32, #tpu.memory_space<hbm>> -> memref<128xi32, #tpu.memory_space<hbm>>
      %dma_start3A_360 = arith.constant 0 : i32
      %dma_start3A_361 = tpu.memref_slice %arg4[%dma_start3A_356, %add3A_355, %dma_start3A_360] : memref<2x2560x128xi32, #tpu.memory_space<hbm>> -> memref<1x1x128xi32, #tpu.memory_space<hbm>>
      %dma_start3A_362 = tpu.memref_squeeze %dma_start3A_361 : memref<1x1x128xi32, #tpu.memory_space<hbm>> -> memref<128xi32, #tpu.memory_space<hbm>>
      tpu.enqueue_dma source(%dma_start3A_362 : memref<128xi32, #tpu.memory_space<hbm>>) target(%arg22 : memref<128xi32, #tpu.memory_space<vmem>>) target_semaphore(%arg48 : memref<!tpu.dma_semaphore, #tpu.memory_space<semaphore_mem>>)
      %dma_wait3A_363 = arith.constant 0 : i32
      %dma_wait3A_364 = arith.constant 0 : i32
      %dma_wait3A_365 = arith.constant 0 : i32
      %dma_wait3A_366 = tpu.memref_slice %arg4[%dma_wait3A_363, %dma_wait3A_364, %dma_wait3A_365] : memref<2x2560x128xi32, #tpu.memory_space<hbm>> -> memref<1x1x128xi32, #tpu.memory_space<hbm>>
      %dma_wait3A_367 = tpu.memref_squeeze %dma_wait3A_366 : memref<1x1x128xi32, #tpu.memory_space<hbm>> -> memref<128xi32, #tpu.memory_space<hbm>>
      %dma_wait3A_368 = arith.constant 0 : i32
      %dma_wait3A_369 = tpu.memref_slice %arg4[%dma_wait3A_363, %dma_wait3A_364, %dma_wait3A_368] : memref<2x2560x128xi32, #tpu.memory_space<hbm>> -> memref<1x1x128xi32, #tpu.memory_space<hbm>>
      %dma_wait3A_370 = tpu.memref_squeeze %dma_wait3A_369 : memref<1x1x128xi32, #tpu.memory_space<hbm>> -> memref<128xi32, #tpu.memory_space<hbm>>
      tpu.wait_dma2 semaphore(%arg40 : memref<!tpu.dma_semaphore, #tpu.memory_space<semaphore_mem>>) src(%dma_wait3A_370 : memref<128xi32, #tpu.memory_space<hbm>>) dst(%arg14 : memref<128xi32, #tpu.memory_space<vmem>>)
      %dma_start3A_371 = arith.constant 0 : i32
      %dma_start3A_372 = arith.constant 0 : i32
      %dma_start3A_373 = tpu.memref_slice %arg32[%dma_start3A_371, %dma_start3A_372] : memref<10240x64xbf16, #tpu.memory_space<vmem_shared>> -> memref<10240x64xbf16, #tpu.memory_space<vmem_shared>>
      tpu.enqueue_indirect_dma source(%dma_start3A_373 : memref<10240x64xbf16, #tpu.memory_space<vmem_shared>>) target(%arg30 : memref<128x64xbf16, #tpu.memory_space<vmem>>) offsets(%arg14 : memref<128xi32, #tpu.memory_space<vmem>>) semaphore(%arg56 : memref<!tpu.dma_semaphore, #tpu.memory_space<semaphore_mem>>)
      %lt3A_374 = arith.constant 19 : i32
      %lt3A_375 = arith.cmpi slt, %scan3A_184, %lt3A_374 : i32
      %convert_element_type3A_376 = arith.extui %lt3A_375 : i1 to i32
      %cond3A_377 = arith.constant 0 : i32
      %cond3A_378 = arith.cmpi ne, %convert_element_type3A_376, %cond3A_377 : i32
      scf.if %cond3A_378 {
        %add3A_503 = arith.constant 8 : i32
        %add3A_504 = arith.addi %add3A_333, %add3A_503 : i32
        %add3A_505 = arith.addi %add3A, %add3A_504 : i32
        %dma_start3A_506 = arith.constant 0 : i32
        %dma_start3A_507 = arith.constant 0 : i32
        %dma_start3A_508 = tpu.memref_slice %arg4[%dma_start3A_506, %add3A_505, %dma_start3A_507] : memref<2x2560x128xi32, #tpu.memory_space<hbm>> -> memref<1x1x128xi32, #tpu.memory_space<hbm>>
        %dma_start3A_509 = tpu.memref_squeeze %dma_start3A_508 : memref<1x1x128xi32, #tpu.memory_space<hbm>> -> memref<128xi32, #tpu.memory_space<hbm>>
        %dma_start3A_510 = arith.constant 0 : i32
        %dma_start3A_511 = tpu.memref_slice %arg4[%dma_start3A_506, %add3A_505, %dma_start3A_510] : memref<2x2560x128xi32, #tpu.memory_space<hbm>> -> memref<1x1x128xi32, #tpu.memory_space<hbm>>
        %dma_start3A_512 = tpu.memref_squeeze %dma_start3A_511 : memref<1x1x128xi32, #tpu.memory_space<hbm>> -> memref<128xi32, #tpu.memory_space<hbm>>
        tpu.enqueue_dma source(%dma_start3A_512 : memref<128xi32, #tpu.memory_space<hbm>>) target(%arg10 : memref<128xi32, #tpu.memory_space<vmem>>) target_semaphore(%arg36 : memref<!tpu.dma_semaphore, #tpu.memory_space<semaphore_mem>>)
      } else {
      }
      %mul3A_379 = arith.constant 8 : i32
      %mul3A_380 = arith.muli %scan3A_184, %mul3A_379 : i32
      %add3A_381 = arith.constant 4 : i32
      %add3A_382 = arith.addi %mul3A_380, %add3A_381 : i32
      %dma_wait3A_383 = arith.constant 0 : i32
      %dma_wait3A_384 = arith.constant 0 : i32
      %dma_wait3A_385 = tpu.memref_slice %arg32[%dma_wait3A_383, %dma_wait3A_384] : memref<10240x64xbf16, #tpu.memory_space<vmem_shared>> -> memref<10240x64xbf16, #tpu.memory_space<vmem_shared>>
      tpu.wait_indirect_dma semaphore(%arg53 : memref<!tpu.dma_semaphore, #tpu.memory_space<semaphore_mem>>) src(%dma_wait3A_385 : memref<10240x64xbf16, #tpu.memory_space<vmem_shared>>) dst(%arg27 : memref<128x64xbf16, #tpu.memory_space<vmem>>)
      %dma_wait3A_386 = arith.constant 0 : i32
      %dma_wait3A_387 = arith.constant 0 : i32
      %dma_wait3A_388 = arith.constant 0 : i32
      %dma_wait3A_389 = tpu.memref_slice %arg4[%dma_wait3A_386, %dma_wait3A_387, %dma_wait3A_388] : memref<2x2560x128xi32, #tpu.memory_space<hbm>> -> memref<1x1x128xi32, #tpu.memory_space<hbm>>
      %dma_wait3A_390 = tpu.memref_squeeze %dma_wait3A_389 : memref<1x1x128xi32, #tpu.memory_space<hbm>> -> memref<128xi32, #tpu.memory_space<hbm>>
      %dma_wait3A_391 = arith.constant 0 : i32
      %dma_wait3A_392 = tpu.memref_slice %arg4[%dma_wait3A_386, %dma_wait3A_387, %dma_wait3A_391] : memref<2x2560x128xi32, #tpu.memory_space<hbm>> -> memref<1x1x128xi32, #tpu.memory_space<hbm>>
      %dma_wait3A_393 = tpu.memref_squeeze %dma_wait3A_392 : memref<1x1x128xi32, #tpu.memory_space<hbm>> -> memref<128xi32, #tpu.memory_space<hbm>>
      tpu.wait_dma2 semaphore(%arg45 : memref<!tpu.dma_semaphore, #tpu.memory_space<semaphore_mem>>) src(%dma_wait3A_393 : memref<128xi32, #tpu.memory_space<hbm>>) dst(%arg19 : memref<128xi32, #tpu.memory_space<vmem>>)
      %dma_wait3A_394 = arith.constant 0 : i32
      %dma_wait3A_395 = arith.constant 0 : i32
      %dma_wait3A_396 = tpu.memref_slice %arg31[%dma_wait3A_394, %dma_wait3A_395] : memref<10240x64xbf16, #tpu.memory_space<vmem_shared>> -> memref<10240x64xbf16, #tpu.memory_space<vmem_shared>>
      tpu.wait_indirect_dma semaphore(%arg57 : memref<!tpu.dma_semaphore, #tpu.memory_space<semaphore_mem>>) src(%arg23 : memref<128x64xbf16, #tpu.memory_space<vmem>>) dst(%dma_wait3A_396 : memref<10240x64xbf16, #tpu.memory_space<vmem_shared>>)
      %dma_start3A_397 = arith.constant 0 : i32
      %dma_start3A_398 = arith.constant 0 : i32
      %dma_start3A_399 = tpu.memref_slice %arg31[%dma_start3A_397, %dma_start3A_398] : memref<10240x64xbf16, #tpu.memory_space<vmem_shared>> -> memref<10240x64xbf16, #tpu.memory_space<vmem_shared>>
      tpu.enqueue_indirect_dma source(%arg27 : memref<128x64xbf16, #tpu.memory_space<vmem>>) target(%dma_start3A_399 : memref<10240x64xbf16, #tpu.memory_space<vmem_shared>>) offsets(%arg19 : memref<128xi32, #tpu.memory_space<vmem>>) semaphore(%arg57 : memref<!tpu.dma_semaphore, #tpu.memory_space<semaphore_mem>>) {add = true}
      %lt3A_400 = arith.constant 19 : i32
      %lt3A_401 = arith.cmpi slt, %scan3A_184, %lt3A_400 : i32
      %convert_element_type3A_402 = arith.extui %lt3A_401 : i1 to i32
      %cond3A_403 = arith.constant 0 : i32
      %cond3A_404 = arith.cmpi ne, %convert_element_type3A_402, %cond3A_403 : i32
      scf.if %cond3A_404 {
        %add3A_503 = arith.constant 4 : i32
        %add3A_504 = arith.addi %add3A_382, %add3A_503 : i32
        %add3A_505 = arith.addi %add3A, %add3A_504 : i32
        %dma_start3A_506 = arith.constant 1 : i32
        %dma_start3A_507 = arith.constant 0 : i32
        %dma_start3A_508 = tpu.memref_slice %arg4[%dma_start3A_506, %add3A_505, %dma_start3A_507] : memref<2x2560x128xi32, #tpu.memory_space<hbm>> -> memref<1x1x128xi32, #tpu.memory_space<hbm>>
        %dma_start3A_509 = tpu.memref_squeeze %dma_start3A_508 : memref<1x1x128xi32, #tpu.memory_space<hbm>> -> memref<128xi32, #tpu.memory_space<hbm>>
        %dma_start3A_510 = arith.constant 0 : i32
        %dma_start3A_511 = tpu.memref_slice %arg4[%dma_start3A_506, %add3A_505, %dma_start3A_510] : memref<2x2560x128xi32, #tpu.memory_space<hbm>> -> memref<1x1x128xi32, #tpu.memory_space<hbm>>
        %dma_start3A_512 = tpu.memref_squeeze %dma_start3A_511 : memref<1x1x128xi32, #tpu.memory_space<hbm>> -> memref<128xi32, #tpu.memory_space<hbm>>
        tpu.enqueue_dma source(%dma_start3A_512 : memref<128xi32, #tpu.memory_space<hbm>>) target(%arg15 : memref<128xi32, #tpu.memory_space<vmem>>) target_semaphore(%arg41 : memref<!tpu.dma_semaphore, #tpu.memory_space<semaphore_mem>>)
        %dma_wait3A_513 = arith.constant 0 : i32
        %dma_wait3A_514 = arith.constant 0 : i32
        %dma_wait3A_515 = arith.constant 0 : i32
        %dma_wait3A_516 = tpu.memref_slice %arg4[%dma_wait3A_513, %dma_wait3A_514, %dma_wait3A_515] : memref<2x2560x128xi32, #tpu.memory_space<hbm>> -> memref<1x1x128xi32, #tpu.memory_space<hbm>>
        %dma_wait3A_517 = tpu.memref_squeeze %dma_wait3A_516 : memref<1x1x128xi32, #tpu.memory_space<hbm>> -> memref<128xi32, #tpu.memory_space<hbm>>
        %dma_wait3A_518 = arith.constant 0 : i32
        %dma_wait3A_519 = tpu.memref_slice %arg4[%dma_wait3A_513, %dma_wait3A_514, %dma_wait3A_518] : memref<2x2560x128xi32, #tpu.memory_space<hbm>> -> memref<1x1x128xi32, #tpu.memory_space<hbm>>
        %dma_wait3A_520 = tpu.memref_squeeze %dma_wait3A_519 : memref<1x1x128xi32, #tpu.memory_space<hbm>> -> memref<128xi32, #tpu.memory_space<hbm>>
        tpu.wait_dma2 semaphore(%arg33 : memref<!tpu.dma_semaphore, #tpu.memory_space<semaphore_mem>>) src(%dma_wait3A_520 : memref<128xi32, #tpu.memory_space<hbm>>) dst(%arg7 : memref<128xi32, #tpu.memory_space<vmem>>)
        %dma_start3A_521 = arith.constant 0 : i32
        %dma_start3A_522 = arith.constant 0 : i32
        %dma_start3A_523 = tpu.memref_slice %arg32[%dma_start3A_521, %dma_start3A_522] : memref<10240x64xbf16, #tpu.memory_space<vmem_shared>> -> memref<10240x64xbf16, #tpu.memory_space<vmem_shared>>
        tpu.enqueue_indirect_dma source(%dma_start3A_523 : memref<10240x64xbf16, #tpu.memory_space<vmem_shared>>) target(%arg23 : memref<128x64xbf16, #tpu.memory_space<vmem>>) offsets(%arg7 : memref<128xi32, #tpu.memory_space<vmem>>) semaphore(%arg49 : memref<!tpu.dma_semaphore, #tpu.memory_space<semaphore_mem>>)
      } else {
      }
      %lt3A_405 = arith.constant 19 : i32
      %lt3A_406 = arith.cmpi slt, %scan3A_184, %lt3A_405 : i32
      %convert_element_type3A_407 = arith.extui %lt3A_406 : i1 to i32
      %cond3A_408 = arith.constant 0 : i32
      %cond3A_409 = arith.cmpi ne, %convert_element_type3A_407, %cond3A_408 : i32
      scf.if %cond3A_409 {
        %add3A_503 = arith.constant 8 : i32
        %add3A_504 = arith.addi %add3A_382, %add3A_503 : i32
        %add3A_505 = arith.addi %add3A, %add3A_504 : i32
        %dma_start3A_506 = arith.constant 0 : i32
        %dma_start3A_507 = arith.constant 0 : i32
        %dma_start3A_508 = tpu.memref_slice %arg4[%dma_start3A_506, %add3A_505, %dma_start3A_507] : memref<2x2560x128xi32, #tpu.memory_space<hbm>> -> memref<1x1x128xi32, #tpu.memory_space<hbm>>
        %dma_start3A_509 = tpu.memref_squeeze %dma_start3A_508 : memref<1x1x128xi32, #tpu.memory_space<hbm>> -> memref<128xi32, #tpu.memory_space<hbm>>
        %dma_start3A_510 = arith.constant 0 : i32
        %dma_start3A_511 = tpu.memref_slice %arg4[%dma_start3A_506, %add3A_505, %dma_start3A_510] : memref<2x2560x128xi32, #tpu.memory_space<hbm>> -> memref<1x1x128xi32, #tpu.memory_space<hbm>>
        %dma_start3A_512 = tpu.memref_squeeze %dma_start3A_511 : memref<1x1x128xi32, #tpu.memory_space<hbm>> -> memref<128xi32, #tpu.memory_space<hbm>>
        tpu.enqueue_dma source(%dma_start3A_512 : memref<128xi32, #tpu.memory_space<hbm>>) target(%arg11 : memref<128xi32, #tpu.memory_space<vmem>>) target_semaphore(%arg37 : memref<!tpu.dma_semaphore, #tpu.memory_space<semaphore_mem>>)
      } else {
      }
      %mul3A_410 = arith.constant 8 : i32
      %mul3A_411 = arith.muli %scan3A_184, %mul3A_410 : i32
      %add3A_412 = arith.constant 5 : i32
      %add3A_413 = arith.addi %mul3A_411, %add3A_412 : i32
      %dma_wait3A_414 = arith.constant 0 : i32
      %dma_wait3A_415 = arith.constant 0 : i32
      %dma_wait3A_416 = tpu.memref_slice %arg32[%dma_wait3A_414, %dma_wait3A_415] : memref<10240x64xbf16, #tpu.memory_space<vmem_shared>> -> memref<10240x64xbf16, #tpu.memory_space<vmem_shared>>
      tpu.wait_indirect_dma semaphore(%arg54 : memref<!tpu.dma_semaphore, #tpu.memory_space<semaphore_mem>>) src(%dma_wait3A_416 : memref<10240x64xbf16, #tpu.memory_space<vmem_shared>>) dst(%arg28 : memref<128x64xbf16, #tpu.memory_space<vmem>>)
      %dma_wait3A_417 = arith.constant 0 : i32
      %dma_wait3A_418 = arith.constant 0 : i32
      %dma_wait3A_419 = arith.constant 0 : i32
      %dma_wait3A_420 = tpu.memref_slice %arg4[%dma_wait3A_417, %dma_wait3A_418, %dma_wait3A_419] : memref<2x2560x128xi32, #tpu.memory_space<hbm>> -> memref<1x1x128xi32, #tpu.memory_space<hbm>>
      %dma_wait3A_421 = tpu.memref_squeeze %dma_wait3A_420 : memref<1x1x128xi32, #tpu.memory_space<hbm>> -> memref<128xi32, #tpu.memory_space<hbm>>
      %dma_wait3A_422 = arith.constant 0 : i32
      %dma_wait3A_423 = tpu.memref_slice %arg4[%dma_wait3A_417, %dma_wait3A_418, %dma_wait3A_422] : memref<2x2560x128xi32, #tpu.memory_space<hbm>> -> memref<1x1x128xi32, #tpu.memory_space<hbm>>
      %dma_wait3A_424 = tpu.memref_squeeze %dma_wait3A_423 : memref<1x1x128xi32, #tpu.memory_space<hbm>> -> memref<128xi32, #tpu.memory_space<hbm>>
      tpu.wait_dma2 semaphore(%arg46 : memref<!tpu.dma_semaphore, #tpu.memory_space<semaphore_mem>>) src(%dma_wait3A_424 : memref<128xi32, #tpu.memory_space<hbm>>) dst(%arg20 : memref<128xi32, #tpu.memory_space<vmem>>)
      %dma_wait3A_425 = arith.constant 0 : i32
      %dma_wait3A_426 = arith.constant 0 : i32
      %dma_wait3A_427 = tpu.memref_slice %arg31[%dma_wait3A_425, %dma_wait3A_426] : memref<10240x64xbf16, #tpu.memory_space<vmem_shared>> -> memref<10240x64xbf16, #tpu.memory_space<vmem_shared>>
      tpu.wait_indirect_dma semaphore(%arg58 : memref<!tpu.dma_semaphore, #tpu.memory_space<semaphore_mem>>) src(%arg23 : memref<128x64xbf16, #tpu.memory_space<vmem>>) dst(%dma_wait3A_427 : memref<10240x64xbf16, #tpu.memory_space<vmem_shared>>)
      %dma_start3A_428 = arith.constant 0 : i32
      %dma_start3A_429 = arith.constant 0 : i32
      %dma_start3A_430 = tpu.memref_slice %arg31[%dma_start3A_428, %dma_start3A_429] : memref<10240x64xbf16, #tpu.memory_space<vmem_shared>> -> memref<10240x64xbf16, #tpu.memory_space<vmem_shared>>
      tpu.enqueue_indirect_dma source(%arg28 : memref<128x64xbf16, #tpu.memory_space<vmem>>) target(%dma_start3A_430 : memref<10240x64xbf16, #tpu.memory_space<vmem_shared>>) offsets(%arg20 : memref<128xi32, #tpu.memory_space<vmem>>) semaphore(%arg58 : memref<!tpu.dma_semaphore, #tpu.memory_space<semaphore_mem>>) {add = true}
      %lt3A_431 = arith.constant 19 : i32
      %lt3A_432 = arith.cmpi slt, %scan3A_184, %lt3A_431 : i32
      %convert_element_type3A_433 = arith.extui %lt3A_432 : i1 to i32
      %cond3A_434 = arith.constant 0 : i32
      %cond3A_435 = arith.cmpi ne, %convert_element_type3A_433, %cond3A_434 : i32
      scf.if %cond3A_435 {
        %add3A_503 = arith.constant 4 : i32
        %add3A_504 = arith.addi %add3A_413, %add3A_503 : i32
        %add3A_505 = arith.addi %add3A, %add3A_504 : i32
        %dma_start3A_506 = arith.constant 1 : i32
        %dma_start3A_507 = arith.constant 0 : i32
        %dma_start3A_508 = tpu.memref_slice %arg4[%dma_start3A_506, %add3A_505, %dma_start3A_507] : memref<2x2560x128xi32, #tpu.memory_space<hbm>> -> memref<1x1x128xi32, #tpu.memory_space<hbm>>
        %dma_start3A_509 = tpu.memref_squeeze %dma_start3A_508 : memref<1x1x128xi32, #tpu.memory_space<hbm>> -> memref<128xi32, #tpu.memory_space<hbm>>
        %dma_start3A_510 = arith.constant 0 : i32
        %dma_start3A_511 = tpu.memref_slice %arg4[%dma_start3A_506, %add3A_505, %dma_start3A_510] : memref<2x2560x128xi32, #tpu.memory_space<hbm>> -> memref<1x1x128xi32, #tpu.memory_space<hbm>>
        %dma_start3A_512 = tpu.memref_squeeze %dma_start3A_511 : memref<1x1x128xi32, #tpu.memory_space<hbm>> -> memref<128xi32, #tpu.memory_space<hbm>>
        tpu.enqueue_dma source(%dma_start3A_512 : memref<128xi32, #tpu.memory_space<hbm>>) target(%arg16 : memref<128xi32, #tpu.memory_space<vmem>>) target_semaphore(%arg42 : memref<!tpu.dma_semaphore, #tpu.memory_space<semaphore_mem>>)
        %dma_wait3A_513 = arith.constant 0 : i32
        %dma_wait3A_514 = arith.constant 0 : i32
        %dma_wait3A_515 = arith.constant 0 : i32
        %dma_wait3A_516 = tpu.memref_slice %arg4[%dma_wait3A_513, %dma_wait3A_514, %dma_wait3A_515] : memref<2x2560x128xi32, #tpu.memory_space<hbm>> -> memref<1x1x128xi32, #tpu.memory_space<hbm>>
        %dma_wait3A_517 = tpu.memref_squeeze %dma_wait3A_516 : memref<1x1x128xi32, #tpu.memory_space<hbm>> -> memref<128xi32, #tpu.memory_space<hbm>>
        %dma_wait3A_518 = arith.constant 0 : i32
        %dma_wait3A_519 = tpu.memref_slice %arg4[%dma_wait3A_513, %dma_wait3A_514, %dma_wait3A_518] : memref<2x2560x128xi32, #tpu.memory_space<hbm>> -> memref<1x1x128xi32, #tpu.memory_space<hbm>>
        %dma_wait3A_520 = tpu.memref_squeeze %dma_wait3A_519 : memref<1x1x128xi32, #tpu.memory_space<hbm>> -> memref<128xi32, #tpu.memory_space<hbm>>
        tpu.wait_dma2 semaphore(%arg34 : memref<!tpu.dma_semaphore, #tpu.memory_space<semaphore_mem>>) src(%dma_wait3A_520 : memref<128xi32, #tpu.memory_space<hbm>>) dst(%arg8 : memref<128xi32, #tpu.memory_space<vmem>>)
        %dma_start3A_521 = arith.constant 0 : i32
        %dma_start3A_522 = arith.constant 0 : i32
        %dma_start3A_523 = tpu.memref_slice %arg32[%dma_start3A_521, %dma_start3A_522] : memref<10240x64xbf16, #tpu.memory_space<vmem_shared>> -> memref<10240x64xbf16, #tpu.memory_space<vmem_shared>>
        tpu.enqueue_indirect_dma source(%dma_start3A_523 : memref<10240x64xbf16, #tpu.memory_space<vmem_shared>>) target(%arg24 : memref<128x64xbf16, #tpu.memory_space<vmem>>) offsets(%arg8 : memref<128xi32, #tpu.memory_space<vmem>>) semaphore(%arg50 : memref<!tpu.dma_semaphore, #tpu.memory_space<semaphore_mem>>)
      } else {
      }
      %lt3A_436 = arith.constant 19 : i32
      %lt3A_437 = arith.cmpi slt, %scan3A_184, %lt3A_436 : i32
      %convert_element_type3A_438 = arith.extui %lt3A_437 : i1 to i32
      %cond3A_439 = arith.constant 0 : i32
      %cond3A_440 = arith.cmpi ne, %convert_element_type3A_438, %cond3A_439 : i32
      scf.if %cond3A_440 {
        %add3A_503 = arith.constant 8 : i32
        %add3A_504 = arith.addi %add3A_413, %add3A_503 : i32
        %add3A_505 = arith.addi %add3A, %add3A_504 : i32
        %dma_start3A_506 = arith.constant 0 : i32
        %dma_start3A_507 = arith.constant 0 : i32
        %dma_start3A_508 = tpu.memref_slice %arg4[%dma_start3A_506, %add3A_505, %dma_start3A_507] : memref<2x2560x128xi32, #tpu.memory_space<hbm>> -> memref<1x1x128xi32, #tpu.memory_space<hbm>>
        %dma_start3A_509 = tpu.memref_squeeze %dma_start3A_508 : memref<1x1x128xi32, #tpu.memory_space<hbm>> -> memref<128xi32, #tpu.memory_space<hbm>>
        %dma_start3A_510 = arith.constant 0 : i32
        %dma_start3A_511 = tpu.memref_slice %arg4[%dma_start3A_506, %add3A_505, %dma_start3A_510] : memref<2x2560x128xi32, #tpu.memory_space<hbm>> -> memref<1x1x128xi32, #tpu.memory_space<hbm>>
        %dma_start3A_512 = tpu.memref_squeeze %dma_start3A_511 : memref<1x1x128xi32, #tpu.memory_space<hbm>> -> memref<128xi32, #tpu.memory_space<hbm>>
        tpu.enqueue_dma source(%dma_start3A_512 : memref<128xi32, #tpu.memory_space<hbm>>) target(%arg12 : memref<128xi32, #tpu.memory_space<vmem>>) target_semaphore(%arg38 : memref<!tpu.dma_semaphore, #tpu.memory_space<semaphore_mem>>)
      } else {
      }
      %mul3A_441 = arith.constant 8 : i32
      %mul3A_442 = arith.muli %scan3A_184, %mul3A_441 : i32
      %add3A_443 = arith.constant 6 : i32
      %add3A_444 = arith.addi %mul3A_442, %add3A_443 : i32
      %dma_wait3A_445 = arith.constant 0 : i32
      %dma_wait3A_446 = arith.constant 0 : i32
      %dma_wait3A_447 = tpu.memref_slice %arg32[%dma_wait3A_445, %dma_wait3A_446] : memref<10240x64xbf16, #tpu.memory_space<vmem_shared>> -> memref<10240x64xbf16, #tpu.memory_space<vmem_shared>>
      tpu.wait_indirect_dma semaphore(%arg55 : memref<!tpu.dma_semaphore, #tpu.memory_space<semaphore_mem>>) src(%dma_wait3A_447 : memref<10240x64xbf16, #tpu.memory_space<vmem_shared>>) dst(%arg29 : memref<128x64xbf16, #tpu.memory_space<vmem>>)
      %dma_wait3A_448 = arith.constant 0 : i32
      %dma_wait3A_449 = arith.constant 0 : i32
      %dma_wait3A_450 = arith.constant 0 : i32
      %dma_wait3A_451 = tpu.memref_slice %arg4[%dma_wait3A_448, %dma_wait3A_449, %dma_wait3A_450] : memref<2x2560x128xi32, #tpu.memory_space<hbm>> -> memref<1x1x128xi32, #tpu.memory_space<hbm>>
      %dma_wait3A_452 = tpu.memref_squeeze %dma_wait3A_451 : memref<1x1x128xi32, #tpu.memory_space<hbm>> -> memref<128xi32, #tpu.memory_space<hbm>>
      %dma_wait3A_453 = arith.constant 0 : i32
      %dma_wait3A_454 = tpu.memref_slice %arg4[%dma_wait3A_448, %dma_wait3A_449, %dma_wait3A_453] : memref<2x2560x128xi32, #tpu.memory_space<hbm>> -> memref<1x1x128xi32, #tpu.memory_space<hbm>>
      %dma_wait3A_455 = tpu.memref_squeeze %dma_wait3A_454 : memref<1x1x128xi32, #tpu.memory_space<hbm>> -> memref<128xi32, #tpu.memory_space<hbm>>
      tpu.wait_dma2 semaphore(%arg47 : memref<!tpu.dma_semaphore, #tpu.memory_space<semaphore_mem>>) src(%dma_wait3A_455 : memref<128xi32, #tpu.memory_space<hbm>>) dst(%arg21 : memref<128xi32, #tpu.memory_space<vmem>>)
      %dma_wait3A_456 = arith.constant 0 : i32
      %dma_wait3A_457 = arith.constant 0 : i32
      %dma_wait3A_458 = tpu.memref_slice %arg31[%dma_wait3A_456, %dma_wait3A_457] : memref<10240x64xbf16, #tpu.memory_space<vmem_shared>> -> memref<10240x64xbf16, #tpu.memory_space<vmem_shared>>
      tpu.wait_indirect_dma semaphore(%arg59 : memref<!tpu.dma_semaphore, #tpu.memory_space<semaphore_mem>>) src(%arg23 : memref<128x64xbf16, #tpu.memory_space<vmem>>) dst(%dma_wait3A_458 : memref<10240x64xbf16, #tpu.memory_space<vmem_shared>>)
      %dma_start3A_459 = arith.constant 0 : i32
      %dma_start3A_460 = arith.constant 0 : i32
      %dma_start3A_461 = tpu.memref_slice %arg31[%dma_start3A_459, %dma_start3A_460] : memref<10240x64xbf16, #tpu.memory_space<vmem_shared>> -> memref<10240x64xbf16, #tpu.memory_space<vmem_shared>>
      tpu.enqueue_indirect_dma source(%arg29 : memref<128x64xbf16, #tpu.memory_space<vmem>>) target(%dma_start3A_461 : memref<10240x64xbf16, #tpu.memory_space<vmem_shared>>) offsets(%arg21 : memref<128xi32, #tpu.memory_space<vmem>>) semaphore(%arg59 : memref<!tpu.dma_semaphore, #tpu.memory_space<semaphore_mem>>) {add = true}
      %lt3A_462 = arith.constant 19 : i32
      %lt3A_463 = arith.cmpi slt, %scan3A_184, %lt3A_462 : i32
      %convert_element_type3A_464 = arith.extui %lt3A_463 : i1 to i32
      %cond3A_465 = arith.constant 0 : i32
      %cond3A_466 = arith.cmpi ne, %convert_element_type3A_464, %cond3A_465 : i32
      scf.if %cond3A_466 {
        %add3A_503 = arith.constant 4 : i32
        %add3A_504 = arith.addi %add3A_444, %add3A_503 : i32
        %add3A_505 = arith.addi %add3A, %add3A_504 : i32
        %dma_start3A_506 = arith.constant 1 : i32
        %dma_start3A_507 = arith.constant 0 : i32
        %dma_start3A_508 = tpu.memref_slice %arg4[%dma_start3A_506, %add3A_505, %dma_start3A_507] : memref<2x2560x128xi32, #tpu.memory_space<hbm>> -> memref<1x1x128xi32, #tpu.memory_space<hbm>>
        %dma_start3A_509 = tpu.memref_squeeze %dma_start3A_508 : memref<1x1x128xi32, #tpu.memory_space<hbm>> -> memref<128xi32, #tpu.memory_space<hbm>>
        %dma_start3A_510 = arith.constant 0 : i32
        %dma_start3A_511 = tpu.memref_slice %arg4[%dma_start3A_506, %add3A_505, %dma_start3A_510] : memref<2x2560x128xi32, #tpu.memory_space<hbm>> -> memref<1x1x128xi32, #tpu.memory_space<hbm>>
        %dma_start3A_512 = tpu.memref_squeeze %dma_start3A_511 : memref<1x1x128xi32, #tpu.memory_space<hbm>> -> memref<128xi32, #tpu.memory_space<hbm>>
        tpu.enqueue_dma source(%dma_start3A_512 : memref<128xi32, #tpu.memory_space<hbm>>) target(%arg17 : memref<128xi32, #tpu.memory_space<vmem>>) target_semaphore(%arg43 : memref<!tpu.dma_semaphore, #tpu.memory_space<semaphore_mem>>)
        %dma_wait3A_513 = arith.constant 0 : i32
        %dma_wait3A_514 = arith.constant 0 : i32
        %dma_wait3A_515 = arith.constant 0 : i32
        %dma_wait3A_516 = tpu.memref_slice %arg4[%dma_wait3A_513, %dma_wait3A_514, %dma_wait3A_515] : memref<2x2560x128xi32, #tpu.memory_space<hbm>> -> memref<1x1x128xi32, #tpu.memory_space<hbm>>
        %dma_wait3A_517 = tpu.memref_squeeze %dma_wait3A_516 : memref<1x1x128xi32, #tpu.memory_space<hbm>> -> memref<128xi32, #tpu.memory_space<hbm>>
        %dma_wait3A_518 = arith.constant 0 : i32
        %dma_wait3A_519 = tpu.memref_slice %arg4[%dma_wait3A_513, %dma_wait3A_514, %dma_wait3A_518] : memref<2x2560x128xi32, #tpu.memory_space<hbm>> -> memref<1x1x128xi32, #tpu.memory_space<hbm>>
        %dma_wait3A_520 = tpu.memref_squeeze %dma_wait3A_519 : memref<1x1x128xi32, #tpu.memory_space<hbm>> -> memref<128xi32, #tpu.memory_space<hbm>>
        tpu.wait_dma2 semaphore(%arg35 : memref<!tpu.dma_semaphore, #tpu.memory_space<semaphore_mem>>) src(%dma_wait3A_520 : memref<128xi32, #tpu.memory_space<hbm>>) dst(%arg9 : memref<128xi32, #tpu.memory_space<vmem>>)
        %dma_start3A_521 = arith.constant 0 : i32
        %dma_start3A_522 = arith.constant 0 : i32
        %dma_start3A_523 = tpu.memref_slice %arg32[%dma_start3A_521, %dma_start3A_522] : memref<10240x64xbf16, #tpu.memory_space<vmem_shared>> -> memref<10240x64xbf16, #tpu.memory_space<vmem_shared>>
        tpu.enqueue_indirect_dma source(%dma_start3A_523 : memref<10240x64xbf16, #tpu.memory_space<vmem_shared>>) target(%arg25 : memref<128x64xbf16, #tpu.memory_space<vmem>>) offsets(%arg9 : memref<128xi32, #tpu.memory_space<vmem>>) semaphore(%arg51 : memref<!tpu.dma_semaphore, #tpu.memory_space<semaphore_mem>>)
      } else {
      }
      %lt3A_467 = arith.constant 19 : i32
      %lt3A_468 = arith.cmpi slt, %scan3A_184, %lt3A_467 : i32
      %convert_element_type3A_469 = arith.extui %lt3A_468 : i1 to i32
      %cond3A_470 = arith.constant 0 : i32
      %cond3A_471 = arith.cmpi ne, %convert_element_type3A_469, %cond3A_470 : i32
      scf.if %cond3A_471 {
        %add3A_503 = arith.constant 8 : i32
        %add3A_504 = arith.addi %add3A_444, %add3A_503 : i32
        %add3A_505 = arith.addi %add3A, %add3A_504 : i32
        %dma_start3A_506 = arith.constant 0 : i32
        %dma_start3A_507 = arith.constant 0 : i32
        %dma_start3A_508 = tpu.memref_slice %arg4[%dma_start3A_506, %add3A_505, %dma_start3A_507] : memref<2x2560x128xi32, #tpu.memory_space<hbm>> -> memref<1x1x128xi32, #tpu.memory_space<hbm>>
        %dma_start3A_509 = tpu.memref_squeeze %dma_start3A_508 : memref<1x1x128xi32, #tpu.memory_space<hbm>> -> memref<128xi32, #tpu.memory_space<hbm>>
        %dma_start3A_510 = arith.constant 0 : i32
        %dma_start3A_511 = tpu.memref_slice %arg4[%dma_start3A_506, %add3A_505, %dma_start3A_510] : memref<2x2560x128xi32, #tpu.memory_space<hbm>> -> memref<1x1x128xi32, #tpu.memory_space<hbm>>
        %dma_start3A_512 = tpu.memref_squeeze %dma_start3A_511 : memref<1x1x128xi32, #tpu.memory_space<hbm>> -> memref<128xi32, #tpu.memory_space<hbm>>
        tpu.enqueue_dma source(%dma_start3A_512 : memref<128xi32, #tpu.memory_space<hbm>>) target(%arg13 : memref<128xi32, #tpu.memory_space<vmem>>) target_semaphore(%arg39 : memref<!tpu.dma_semaphore, #tpu.memory_space<semaphore_mem>>)
      } else {
      }
      %mul3A_472 = arith.constant 8 : i32
      %mul3A_473 = arith.muli %scan3A_184, %mul3A_472 : i32
      %add3A_474 = arith.constant 7 : i32
      %add3A_475 = arith.addi %mul3A_473, %add3A_474 : i32
      %dma_wait3A_476 = arith.constant 0 : i32
      %dma_wait3A_477 = arith.constant 0 : i32
      %dma_wait3A_478 = tpu.memref_slice %arg32[%dma_wait3A_476, %dma_wait3A_477] : memref<10240x64xbf16, #tpu.memory_space<vmem_shared>> -> memref<10240x64xbf16, #tpu.memory_space<vmem_shared>>
      tpu.wait_indirect_dma semaphore(%arg56 : memref<!tpu.dma_semaphore, #tpu.memory_space<semaphore_mem>>) src(%dma_wait3A_478 : memref<10240x64xbf16, #tpu.memory_space<vmem_shared>>) dst(%arg30 : memref<128x64xbf16, #tpu.memory_space<vmem>>)
      %dma_wait3A_479 = arith.constant 0 : i32
      %dma_wait3A_480 = arith.constant 0 : i32
      %dma_wait3A_481 = arith.constant 0 : i32
      %dma_wait3A_482 = tpu.memref_slice %arg4[%dma_wait3A_479, %dma_wait3A_480, %dma_wait3A_481] : memref<2x2560x128xi32, #tpu.memory_space<hbm>> -> memref<1x1x128xi32, #tpu.memory_space<hbm>>
      %dma_wait3A_483 = tpu.memref_squeeze %dma_wait3A_482 : memref<1x1x128xi32, #tpu.memory_space<hbm>> -> memref<128xi32, #tpu.memory_space<hbm>>
      %dma_wait3A_484 = arith.constant 0 : i32
      %dma_wait3A_485 = tpu.memref_slice %arg4[%dma_wait3A_479, %dma_wait3A_480, %dma_wait3A_484] : memref<2x2560x128xi32, #tpu.memory_space<hbm>> -> memref<1x1x128xi32, #tpu.memory_space<hbm>>
      %dma_wait3A_486 = tpu.memref_squeeze %dma_wait3A_485 : memref<1x1x128xi32, #tpu.memory_space<hbm>> -> memref<128xi32, #tpu.memory_space<hbm>>
      tpu.wait_dma2 semaphore(%arg48 : memref<!tpu.dma_semaphore, #tpu.memory_space<semaphore_mem>>) src(%dma_wait3A_486 : memref<128xi32, #tpu.memory_space<hbm>>) dst(%arg22 : memref<128xi32, #tpu.memory_space<vmem>>)
      %dma_wait3A_487 = arith.constant 0 : i32
      %dma_wait3A_488 = arith.constant 0 : i32
      %dma_wait3A_489 = tpu.memref_slice %arg31[%dma_wait3A_487, %dma_wait3A_488] : memref<10240x64xbf16, #tpu.memory_space<vmem_shared>> -> memref<10240x64xbf16, #tpu.memory_space<vmem_shared>>
      tpu.wait_indirect_dma semaphore(%arg60 : memref<!tpu.dma_semaphore, #tpu.memory_space<semaphore_mem>>) src(%arg23 : memref<128x64xbf16, #tpu.memory_space<vmem>>) dst(%dma_wait3A_489 : memref<10240x64xbf16, #tpu.memory_space<vmem_shared>>)
      %dma_start3A_490 = arith.constant 0 : i32
      %dma_start3A_491 = arith.constant 0 : i32
      %dma_start3A_492 = tpu.memref_slice %arg31[%dma_start3A_490, %dma_start3A_491] : memref<10240x64xbf16, #tpu.memory_space<vmem_shared>> -> memref<10240x64xbf16, #tpu.memory_space<vmem_shared>>
      tpu.enqueue_indirect_dma source(%arg30 : memref<128x64xbf16, #tpu.memory_space<vmem>>) target(%dma_start3A_492 : memref<10240x64xbf16, #tpu.memory_space<vmem_shared>>) offsets(%arg22 : memref<128xi32, #tpu.memory_space<vmem>>) semaphore(%arg60 : memref<!tpu.dma_semaphore, #tpu.memory_space<semaphore_mem>>) {add = true}
      %lt3A_493 = arith.constant 19 : i32
      %lt3A_494 = arith.cmpi slt, %scan3A_184, %lt3A_493 : i32
      %convert_element_type3A_495 = arith.extui %lt3A_494 : i1 to i32
      %cond3A_496 = arith.constant 0 : i32
      %cond3A_497 = arith.cmpi ne, %convert_element_type3A_495, %cond3A_496 : i32
      scf.if %cond3A_497 {
        %add3A_503 = arith.constant 4 : i32
        %add3A_504 = arith.addi %add3A_475, %add3A_503 : i32
        %add3A_505 = arith.addi %add3A, %add3A_504 : i32
        %dma_start3A_506 = arith.constant 1 : i32
        %dma_start3A_507 = arith.constant 0 : i32
        %dma_start3A_508 = tpu.memref_slice %arg4[%dma_start3A_506, %add3A_505, %dma_start3A_507] : memref<2x2560x128xi32, #tpu.memory_space<hbm>> -> memref<1x1x128xi32, #tpu.memory_space<hbm>>
        %dma_start3A_509 = tpu.memref_squeeze %dma_start3A_508 : memref<1x1x128xi32, #tpu.memory_space<hbm>> -> memref<128xi32, #tpu.memory_space<hbm>>
        %dma_start3A_510 = arith.constant 0 : i32
        %dma_start3A_511 = tpu.memref_slice %arg4[%dma_start3A_506, %add3A_505, %dma_start3A_510] : memref<2x2560x128xi32, #tpu.memory_space<hbm>> -> memref<1x1x128xi32, #tpu.memory_space<hbm>>
        %dma_start3A_512 = tpu.memref_squeeze %dma_start3A_511 : memref<1x1x128xi32, #tpu.memory_space<hbm>> -> memref<128xi32, #tpu.memory_space<hbm>>
        tpu.enqueue_dma source(%dma_start3A_512 : memref<128xi32, #tpu.memory_space<hbm>>) target(%arg18 : memref<128xi32, #tpu.memory_space<vmem>>) target_semaphore(%arg44 : memref<!tpu.dma_semaphore, #tpu.memory_space<semaphore_mem>>)
        %dma_wait3A_513 = arith.constant 0 : i32
        %dma_wait3A_514 = arith.constant 0 : i32
        %dma_wait3A_515 = arith.constant 0 : i32
        %dma_wait3A_516 = tpu.memref_slice %arg4[%dma_wait3A_513, %dma_wait3A_514, %dma_wait3A_515] : memref<2x2560x128xi32, #tpu.memory_space<hbm>> -> memref<1x1x128xi32, #tpu.memory_space<hbm>>
        %dma_wait3A_517 = tpu.memref_squeeze %dma_wait3A_516 : memref<1x1x128xi32, #tpu.memory_space<hbm>> -> memref<128xi32, #tpu.memory_space<hbm>>
        %dma_wait3A_518 = arith.constant 0 : i32
        %dma_wait3A_519 = tpu.memref_slice %arg4[%dma_wait3A_513, %dma_wait3A_514, %dma_wait3A_518] : memref<2x2560x128xi32, #tpu.memory_space<hbm>> -> memref<1x1x128xi32, #tpu.memory_space<hbm>>
        %dma_wait3A_520 = tpu.memref_squeeze %dma_wait3A_519 : memref<1x1x128xi32, #tpu.memory_space<hbm>> -> memref<128xi32, #tpu.memory_space<hbm>>
        tpu.wait_dma2 semaphore(%arg36 : memref<!tpu.dma_semaphore, #tpu.memory_space<semaphore_mem>>) src(%dma_wait3A_520 : memref<128xi32, #tpu.memory_space<hbm>>) dst(%arg10 : memref<128xi32, #tpu.memory_space<vmem>>)
        %dma_start3A_521 = arith.constant 0 : i32
        %dma_start3A_522 = arith.constant 0 : i32
        %dma_start3A_523 = tpu.memref_slice %arg32[%dma_start3A_521, %dma_start3A_522] : memref<10240x64xbf16, #tpu.memory_space<vmem_shared>> -> memref<10240x64xbf16, #tpu.memory_space<vmem_shared>>
        tpu.enqueue_indirect_dma source(%dma_start3A_523 : memref<10240x64xbf16, #tpu.memory_space<vmem_shared>>) target(%arg26 : memref<128x64xbf16, #tpu.memory_space<vmem>>) offsets(%arg10 : memref<128xi32, #tpu.memory_space<vmem>>) semaphore(%arg52 : memref<!tpu.dma_semaphore, #tpu.memory_space<semaphore_mem>>)
      } else {
      }
      %lt3A_498 = arith.constant 19 : i32
      %lt3A_499 = arith.cmpi slt, %scan3A_184, %lt3A_498 : i32
      %convert_element_type3A_500 = arith.extui %lt3A_499 : i1 to i32
      %cond3A_501 = arith.constant 0 : i32
      %cond3A_502 = arith.cmpi ne, %convert_element_type3A_500, %cond3A_501 : i32
      scf.if %cond3A_502 {
        %add3A_503 = arith.constant 8 : i32
        %add3A_504 = arith.addi %add3A_475, %add3A_503 : i32
        %add3A_505 = arith.addi %add3A, %add3A_504 : i32
        %dma_start3A_506 = arith.constant 0 : i32
        %dma_start3A_507 = arith.constant 0 : i32
        %dma_start3A_508 = tpu.memref_slice %arg4[%dma_start3A_506, %add3A_505, %dma_start3A_507] : memref<2x2560x128xi32, #tpu.memory_space<hbm>> -> memref<1x1x128xi32, #tpu.memory_space<hbm>>
        %dma_start3A_509 = tpu.memref_squeeze %dma_start3A_508 : memref<1x1x128xi32, #tpu.memory_space<hbm>> -> memref<128xi32, #tpu.memory_space<hbm>>
        %dma_start3A_510 = arith.constant 0 : i32
        %dma_start3A_511 = tpu.memref_slice %arg4[%dma_start3A_506, %add3A_505, %dma_start3A_510] : memref<2x2560x128xi32, #tpu.memory_space<hbm>> -> memref<1x1x128xi32, #tpu.memory_space<hbm>>
        %dma_start3A_512 = tpu.memref_squeeze %dma_start3A_511 : memref<1x1x128xi32, #tpu.memory_space<hbm>> -> memref<128xi32, #tpu.memory_space<hbm>>
        tpu.enqueue_dma source(%dma_start3A_512 : memref<128xi32, #tpu.memory_space<hbm>>) target(%arg14 : memref<128xi32, #tpu.memory_space<vmem>>) target_semaphore(%arg40 : memref<!tpu.dma_semaphore, #tpu.memory_space<semaphore_mem>>)
      } else {
      }
    }
    %scan3A_166 = arith.constant 20 : i32
    %dma_wait3A_167 = arith.constant 0 : i32
    %dma_wait3A_168 = arith.constant 0 : i32
    %dma_wait3A_169 = tpu.memref_slice %arg31[%dma_wait3A_167, %dma_wait3A_168] : memref<10240x64xbf16, #tpu.memory_space<vmem_shared>> -> memref<10240x64xbf16, #tpu.memory_space<vmem_shared>>
    tpu.wait_indirect_dma semaphore(%arg57 : memref<!tpu.dma_semaphore, #tpu.memory_space<semaphore_mem>>) src(%arg23 : memref<128x64xbf16, #tpu.memory_space<vmem>>) dst(%dma_wait3A_169 : memref<10240x64xbf16, #tpu.memory_space<vmem_shared>>)
    %dma_wait3A_170 = arith.constant 0 : i32
    %dma_wait3A_171 = arith.constant 0 : i32
    %dma_wait3A_172 = tpu.memref_slice %arg31[%dma_wait3A_170, %dma_wait3A_171] : memref<10240x64xbf16, #tpu.memory_space<vmem_shared>> -> memref<10240x64xbf16, #tpu.memory_space<vmem_shared>>
    tpu.wait_indirect_dma semaphore(%arg58 : memref<!tpu.dma_semaphore, #tpu.memory_space<semaphore_mem>>) src(%arg23 : memref<128x64xbf16, #tpu.memory_space<vmem>>) dst(%dma_wait3A_172 : memref<10240x64xbf16, #tpu.memory_space<vmem_shared>>)
    %dma_wait3A_173 = arith.constant 0 : i32
    %dma_wait3A_174 = arith.constant 0 : i32
    %dma_wait3A_175 = tpu.memref_slice %arg31[%dma_wait3A_173, %dma_wait3A_174] : memref<10240x64xbf16, #tpu.memory_space<vmem_shared>> -> memref<10240x64xbf16, #tpu.memory_space<vmem_shared>>
    tpu.wait_indirect_dma semaphore(%arg59 : memref<!tpu.dma_semaphore, #tpu.memory_space<semaphore_mem>>) src(%arg23 : memref<128x64xbf16, #tpu.memory_space<vmem>>) dst(%dma_wait3A_175 : memref<10240x64xbf16, #tpu.memory_space<vmem_shared>>)
    %dma_wait3A_176 = arith.constant 0 : i32
    %dma_wait3A_177 = arith.constant 0 : i32
    %dma_wait3A_178 = tpu.memref_slice %arg31[%dma_wait3A_176, %dma_wait3A_177] : memref<10240x64xbf16, #tpu.memory_space<vmem_shared>> -> memref<10240x64xbf16, #tpu.memory_space<vmem_shared>>
    tpu.wait_indirect_dma semaphore(%arg60 : memref<!tpu.dma_semaphore, #tpu.memory_space<semaphore_mem>>) src(%arg23 : memref<128x64xbf16, #tpu.memory_space<vmem>>) dst(%dma_wait3A_178 : memref<10240x64xbf16, #tpu.memory_space<vmem_shared>>)
    %barrier3A_179 = arith.constant 0 : index
    tpu.barrier barrier_id(%barrier3A_179)
    %mul3A_180 = arith.constant 640 : i32
    %mul3A_181 = arith.muli %arg1, %mul3A_180 : i32
    %mul3A_182 = arith.constant 640 : i32
    %mul3A_183 = arith.muli %arg1, %mul3A_182 : i32
    "tpu.region"() ({
      %run_scoped3A = tpu.sem_alloc : memref<!tpu.dma_semaphore, #tpu.memory_space<semaphore_mem>>
      %dma_start3A_184 = arith.constant 0 : i32
      %dma_start3A_185 = tpu.memref_slice %arg6[%arg0, %mul3A_183, %dma_start3A_184] : memref<2x10240x64xbf16, #tpu.memory_space<hbm>> -> memref<1x640x64xbf16, #tpu.memory_space<hbm>>
      %dma_start3A_186 = tpu.memref_squeeze %dma_start3A_185 : memref<1x640x64xbf16, #tpu.memory_space<hbm>> -> memref<640x64xbf16, #tpu.memory_space<hbm>>
      %dma_start3A_187 = arith.constant 0 : i32
      %dma_start3A_188 = tpu.memref_slice %arg31[%mul3A_181, %dma_start3A_187] : memref<10240x64xbf16, #tpu.memory_space<vmem_shared>> -> memref<640x64xbf16, #tpu.memory_space<vmem_shared>>
      tpu.enqueue_dma source(%dma_start3A_188 : memref<640x64xbf16, #tpu.memory_space<vmem_shared>>) target(%dma_start3A_186 : memref<640x64xbf16, #tpu.memory_space<hbm>>) target_semaphore(%run_scoped3A : memref<!tpu.dma_semaphore, #tpu.memory_space<semaphore_mem>>)
      %dma_wait3A_189 = arith.constant 0 : i32
      %dma_wait3A_190 = tpu.memref_slice %arg6[%arg0, %mul3A_183, %dma_wait3A_189] : memref<2x10240x64xbf16, #tpu.memory_space<hbm>> -> memref<1x640x64xbf16, #tpu.memory_space<hbm>>
      %dma_wait3A_191 = tpu.memref_squeeze %dma_wait3A_190 : memref<1x640x64xbf16, #tpu.memory_space<hbm>> -> memref<640x64xbf16, #tpu.memory_space<hbm>>
      %dma_wait3A_192 = arith.constant 0 : i32
      %dma_wait3A_193 = tpu.memref_slice %arg31[%mul3A_181, %dma_wait3A_192] : memref<10240x64xbf16, #tpu.memory_space<vmem_shared>> -> memref<640x64xbf16, #tpu.memory_space<vmem_shared>>
      tpu.wait_dma2 semaphore(%run_scoped3A : memref<!tpu.dma_semaphore, #tpu.memory_space<semaphore_mem>>) src(%dma_wait3A_193 : memref<640x64xbf16, #tpu.memory_space<vmem_shared>>) dst(%dma_wait3A_191 : memref<640x64xbf16, #tpu.memory_space<hbm>>)
      tpu.yield
    }) : () -> ()
    return
  }
}

module attributes {stable_mosaic.version = 14 : i64} {
  func.func @body(%arg0: i32, %arg1: memref<2048x128xf32, #tpu.memory_space<vmem>>, %arg2: memref<128x64xf32, #tpu.memory_space<vmem>>, %arg3: memref<2048x64xf32, #tpu.memory_space<vmem>>) attributes {dimension_semantics = [#tpu.dimension_semantics<arbitrary>], iteration_bounds = array<i64: 5>, scalar_prefetch = 0 : i64, scratch_operands = 0 : i64, tpu.core_type = #tpu.core_type<tc>, window_params = [{transform_indices = @transform_0, window_bounds = array<i64: 2048, 128>}, {pipeline_mode = #tpu.pipeline_mode<synchronous>, transform_indices = @transform_1, window_bounds = array<i64: 128, 64>}, {transform_indices = @transform_2, window_bounds = array<i64: 2048, 64>}]} {
    %get3A = arith.constant 0 : index
    %get3A_0 = arith.constant 0 : index
    %get3A_1 = vector.load %arg1[%get3A, %get3A_0] : memref<2048x128xf32, #tpu.memory_space<vmem>>, vector<2048x128xf32>
    %get3A_2 = arith.constant 0 : index
    %get3A_3 = arith.constant 0 : index
    %get3A_4 = vector.load %arg2[%get3A_2, %get3A_3] : memref<128x64xf32, #tpu.memory_space<vmem>>, vector<128x64xf32>
    %dot_general3A = arith.constant dense<0.000000e+00> : vector<2048x64xf32>
    %dot_general3A_5 = tpu.matmul %get3A_1, %get3A_4, %dot_general3A {dimension_numbers = #tpu.dot_dimension_numbers<[1], [0], [0], [1], [0, 0, 1, 1], [], []>, transpose_lhs_hint = false} : vector<2048x128xf32>, vector<128x64xf32>, vector<2048x64xf32> -> vector<2048x64xf32>
    %swap3A = arith.constant 0 : index
    %swap3A_6 = arith.constant 0 : index
    %swap3A_7 = vector.load %arg3[%swap3A, %swap3A_6] : memref<2048x64xf32, #tpu.memory_space<vmem>>, vector<2048x64xf32>
    tpu.vector_store %arg3[%swap3A, %swap3A_6], %dot_general3A_5 {strides = array<i32>} : memref<2048x64xf32, #tpu.memory_space<vmem>>, vector<2048x64xf32>,
    return
  }
  func.func @transform_0(%arg0: i32) -> (i32, i32) {
    %c0_i32 = arith.constant 0 : i32
    %c0_i32_0 = arith.constant 0 : i32
    return %arg0, %c0_i32 : i32, i32
  }
  func.func @transform_1(%arg0: i32) -> (i32, i32) {
    %c0_i32 = arith.constant 0 : i32
    %c0_i32_0 = arith.constant 0 : i32
    %c0_i32_1 = arith.constant 0 : i32
    return %c0_i32, %c0_i32_0 : i32, i32
  }
  func.func @transform_2(%arg0: i32) -> (i32, i32) {
    %c0_i32 = arith.constant 0 : i32
    %c0_i32_0 = arith.constant 0 : i32
    return %arg0, %c0_i32 : i32, i32
  }
}

module attributes {stable_mosaic.version = 14 : i64} {
  func.func @body(%arg0: i32, %arg1: memref<2048x64xf32, #tpu.memory_space<vmem>>, %arg2: memref<2x2048x8xf32, #tpu.memory_space<vmem>>, %arg3: memref<2048x64xbf16, #tpu.memory_space<vmem>>, %arg4: memref<2048x8xf32, #tpu.memory_space<vmem>>) attributes {dimension_semantics = [#tpu.dimension_semantics<arbitrary>], iteration_bounds = array<i64: 5>, scalar_prefetch = 0 : i64, scratch_operands = 0 : i64, tpu.core_type = #tpu.core_type<tc>, window_params = [{transform_indices = @transform_0, window_bounds = array<i64: 2048, 64>}, {transform_indices = @transform_1, window_bounds = array<i64: 2, 2048, 8>}, {transform_indices = @transform_2, window_bounds = array<i64: 2048, 64>}, {transform_indices = @transform_3, window_bounds = array<i64: 2048, 8>}]} {
    %get3A = arith.constant 0 : index
    %get3A_0 = arith.constant 0 : index
    %get3A_1 = arith.constant 0 : index
    %get3A_2 = vector.load %arg2[%get3A, %get3A_0, %get3A_1] : memref<2x2048x8xf32, #tpu.memory_space<vmem>>, vector<1x2048x8xf32>
    %get3A_3 = vector.shape_cast %get3A_2 : vector<1x2048x8xf32> to vector<2048x8xf32>
    %get3A_4 = arith.constant 1 : index
    %get3A_5 = arith.constant 0 : index
    %get3A_6 = arith.constant 0 : index
    %get3A_7 = vector.load %arg2[%get3A_4, %get3A_5, %get3A_6] : memref<2x2048x8xf32, #tpu.memory_space<vmem>>, vector<1x2048x8xf32>
    %get3A_8 = vector.shape_cast %get3A_7 : vector<1x2048x8xf32> to vector<2048x8xf32>
    %add3A = arith.addf %get3A_3, %get3A_8 : vector<2048x8xf32>
    %add3A_9 = arith.constant 1.000000e+00 : f32
    %add3A_10 = vector.broadcast %add3A_9 : f32 to vector<2048x8xf32>
    %add3A_11 = arith.addf %add3A, %add3A_10 : vector<2048x8xf32>
    %slice3A = vector.extract_strided_slice %add3A_11 {offsets = [0, 0], sizes = [2048, 1], strides = [1, 1]} : vector<2048x8xf32> to vector<2048x1xf32>
    %rsqrt3A = math.rsqrt %slice3A : vector<2048x1xf32>
    %get3A_12 = arith.constant 0 : index
    %get3A_13 = arith.constant 0 : index
    %get3A_14 = vector.load %arg1[%get3A_12, %get3A_13] : memref<2048x64xf32, #tpu.memory_space<vmem>>, vector<2048x64xf32>
    %mul3A = vector.broadcast %rsqrt3A : vector<2048x1xf32> to vector<2048x64xf32>
    %mul3A_15 = arith.mulf %mul3A, %get3A_14 : vector<2048x64xf32>
    %convert_element_type3A = arith.truncf %mul3A_15 : vector<2048x64xf32> to vector<2048x64xbf16>
    %swap3A = arith.constant 0 : index
    %swap3A_16 = arith.constant 0 : index
    %swap3A_17 = vector.load %arg3[%swap3A, %swap3A_16] : memref<2048x64xbf16, #tpu.memory_space<vmem>>, vector<2048x64xbf16>
    tpu.vector_store %arg3[%swap3A, %swap3A_16], %convert_element_type3A {strides = array<i32>} : memref<2048x64xbf16, #tpu.memory_space<vmem>>, vector<2048x64xbf16>,
    %swap3A_18 = arith.constant 0 : index
    %swap3A_19 = arith.constant 0 : index
    %swap3A_20 = vector.load %arg4[%swap3A_18, %swap3A_19] : memref<2048x8xf32, #tpu.memory_space<vmem>>, vector<2048x8xf32>
    tpu.vector_store %arg4[%swap3A_18, %swap3A_19], %add3A_11 {strides = array<i32>} : memref<2048x8xf32, #tpu.memory_space<vmem>>, vector<2048x8xf32>,
    return
  }
  func.func @transform_0(%arg0: i32) -> (i32, i32) {
    %c0_i32 = arith.constant 0 : i32
    %c0_i32_0 = arith.constant 0 : i32
    return %arg0, %c0_i32 : i32, i32
  }
  func.func @transform_1(%arg0: i32) -> (i32, i32, i32) {
    %c0_i32 = arith.constant 0 : i32
    %c0_i32_0 = arith.constant 0 : i32
    %c0_i32_1 = arith.constant 0 : i32
    return %c0_i32, %arg0, %c0_i32_0 : i32, i32, i32
  }
  func.func @transform_2(%arg0: i32) -> (i32, i32) {
    %c0_i32 = arith.constant 0 : i32
    %c0_i32_0 = arith.constant 0 : i32
    return %arg0, %c0_i32 : i32, i32
  }
  func.func @transform_3(%arg0: i32) -> (i32, i32) {
    %c0_i32 = arith.constant 0 : i32
    %c0_i32_0 = arith.constant 0 : i32
    return %arg0, %c0_i32 : i32, i32
  }
}

module attributes {stable_mosaic.version = 14 : i64} {
  func.func @body(%arg0: i32, %arg1: memref<2x2048x64xbf16, #tpu.memory_space<vmem>>, %arg2: memref<2048x64xbf16, #tpu.memory_space<vmem>>, %arg3: memref<2048x8xf32, #tpu.memory_space<vmem>>, %arg4: memref<1x64xf32, #tpu.memory_space<vmem>>, %arg5: memref<64x128xf32, #tpu.memory_space<vmem>>, %arg6: memref<2048x64xbf16, #tpu.memory_space<vmem>>, %arg7: memref<2048x64xbf16, #tpu.memory_space<vmem>>) attributes {dimension_semantics = [#tpu.dimension_semantics<arbitrary>], iteration_bounds = array<i64: 5>, scalar_prefetch = 0 : i64, scratch_operands = 0 : i64, tpu.core_type = #tpu.core_type<tc>, window_params = [{transform_indices = @transform_0, window_bounds = array<i64: 2, 2048, 64>}, {transform_indices = @transform_1, window_bounds = array<i64: 2048, 64>}, {transform_indices = @transform_2, window_bounds = array<i64: 2048, 8>}, {pipeline_mode = #tpu.pipeline_mode<synchronous>, transform_indices = @transform_3, window_bounds = array<i64: 1, 64>}, {pipeline_mode = #tpu.pipeline_mode<synchronous>, transform_indices = @transform_4, window_bounds = array<i64: 64, 128>}, {transform_indices = @transform_5, window_bounds = array<i64: 2048, 64>}, {transform_indices = @transform_6, window_bounds = array<i64: 2048, 64>}]} {
    %get3A = arith.constant 0 : index
    %get3A_0 = arith.constant 0 : index
    %get3A_1 = vector.load %arg3[%get3A, %get3A_0] : memref<2048x8xf32, #tpu.memory_space<vmem>>, vector<2048x1xf32>
    %rsqrt3A = math.rsqrt %get3A_1 : vector<2048x1xf32>
    %get3A_2 = arith.constant 0 : index
    %get3A_3 = arith.constant 0 : index
    %get3A_4 = arith.constant 0 : index
    %get3A_5 = vector.load %arg1[%get3A_2, %get3A_3, %get3A_4] : memref<2x2048x64xbf16, #tpu.memory_space<vmem>>, vector<1x2048x64xbf16>
    %get3A_6 = vector.shape_cast %get3A_5 : vector<1x2048x64xbf16> to vector<2048x64xbf16>
    %get3A_7 = arith.constant 1 : index
    %get3A_8 = arith.constant 0 : index
    %get3A_9 = arith.constant 0 : index
    %get3A_10 = vector.load %arg1[%get3A_7, %get3A_8, %get3A_9] : memref<2x2048x64xbf16, #tpu.memory_space<vmem>>, vector<1x2048x64xbf16>
    %get3A_11 = vector.shape_cast %get3A_10 : vector<1x2048x64xbf16> to vector<2048x64xbf16>
    %add3A = arith.addf %get3A_6, %get3A_11 : vector<2048x64xbf16>
    %convert_element_type3A = arith.extf %add3A : vector<2048x64xbf16> to vector<2048x64xf32>
    %get3A_12 = arith.constant 0 : index
    %get3A_13 = arith.constant 0 : index
    %get3A_14 = vector.load %arg2[%get3A_12, %get3A_13] : memref<2048x64xbf16, #tpu.memory_space<vmem>>, vector<2048x64xbf16>
    %convert_element_type3A_15 = arith.extf %get3A_14 : vector<2048x64xbf16> to vector<2048x64xf32>
    %add3A_16 = arith.addf %convert_element_type3A, %convert_element_type3A_15 : vector<2048x64xf32>
    %mul3A = vector.broadcast %rsqrt3A : vector<2048x1xf32> to vector<2048x64xf32>
    %mul3A_17 = arith.mulf %mul3A, %add3A_16 : vector<2048x64xf32>
    %get3A_18 = arith.constant 0 : index
    %get3A_19 = arith.constant 0 : index
    %get3A_20 = vector.load %arg4[%get3A_18, %get3A_19] : memref<1x64xf32, #tpu.memory_space<vmem>>, vector<1x64xf32>
    %add3A_21 = vector.broadcast %get3A_20 : vector<1x64xf32> to vector<2048x64xf32>
    %add3A_22 = arith.addf %mul3A_17, %add3A_21 : vector<2048x64xf32>
    %max3A = arith.constant 0.000000e+00 : f32
    %max3A_23 = vector.broadcast %max3A : f32 to vector<2048x64xf32>
    %max3A_24 = arith.maximumf %add3A_22, %max3A_23 : vector<2048x64xf32>
    %get3A_25 = arith.constant 0 : index
    %get3A_26 = arith.constant 0 : index
    %get3A_27 = vector.load %arg5[%get3A_25, %get3A_26] : memref<64x128xf32, #tpu.memory_space<vmem>>, vector<64x128xf32>
    %dot_general3A = arith.constant dense<0.000000e+00> : vector<2048x128xf32>
    %dot_general3A_28 = tpu.matmul %max3A_24, %get3A_27, %dot_general3A {dimension_numbers = #tpu.dot_dimension_numbers<[1], [0], [0], [1], [0, 0, 1, 1], [], []>, transpose_lhs_hint = false} : vector<2048x64xf32>, vector<64x128xf32>, vector<2048x128xf32> -> vector<2048x128xf32>
    %mul3A_29 = vector.broadcast %rsqrt3A : vector<2048x1xf32> to vector<2048x128xf32>
    %mul3A_30 = arith.mulf %mul3A_29, %dot_general3A_28 : vector<2048x128xf32>
    %slice3A = vector.extract_strided_slice %mul3A_30 {offsets = [0, 0], sizes = [2048, 64], strides = [1, 1]} : vector<2048x128xf32> to vector<2048x64xf32>
    %convert_element_type3A_31 = arith.truncf %slice3A : vector<2048x64xf32> to vector<2048x64xbf16>
    %swap3A = arith.constant 0 : index
    %swap3A_32 = arith.constant 0 : index
    %swap3A_33 = vector.load %arg6[%swap3A, %swap3A_32] : memref<2048x64xbf16, #tpu.memory_space<vmem>>, vector<2048x64xbf16>
    tpu.vector_store %arg6[%swap3A, %swap3A_32], %convert_element_type3A_31 {strides = array<i32>} : memref<2048x64xbf16, #tpu.memory_space<vmem>>, vector<2048x64xbf16>,
    %slice3A_34 = vector.extract_strided_slice %mul3A_30 {offsets = [0, 64], sizes = [2048, 64], strides = [1, 1]} : vector<2048x128xf32> to vector<2048x64xf32>
    %convert_element_type3A_35 = arith.truncf %slice3A_34 : vector<2048x64xf32> to vector<2048x64xbf16>
    %swap3A_36 = arith.constant 0 : index
    %swap3A_37 = arith.constant 0 : index
    %swap3A_38 = vector.load %arg7[%swap3A_36, %swap3A_37] : memref<2048x64xbf16, #tpu.memory_space<vmem>>, vector<2048x64xbf16>
    tpu.vector_store %arg7[%swap3A_36, %swap3A_37], %convert_element_type3A_35 {strides = array<i32>} : memref<2048x64xbf16, #tpu.memory_space<vmem>>, vector<2048x64xbf16>,
    return
  }
  func.func @transform_0(%arg0: i32) -> (i32, i32, i32) {
    %c0_i32 = arith.constant 0 : i32
    %c0_i32_0 = arith.constant 0 : i32
    %c0_i32_1 = arith.constant 0 : i32
    return %c0_i32, %arg0, %c0_i32_0 : i32, i32, i32
  }
  func.func @transform_1(%arg0: i32) -> (i32, i32) {
    %c0_i32 = arith.constant 0 : i32
    %c0_i32_0 = arith.constant 0 : i32
    return %arg0, %c0_i32 : i32, i32
  }
  func.func @transform_2(%arg0: i32) -> (i32, i32) {
    %c0_i32 = arith.constant 0 : i32
    %c0_i32_0 = arith.constant 0 : i32
    return %arg0, %c0_i32 : i32, i32
  }
  func.func @transform_3(%arg0: i32) -> (i32, i32) {
    %c0_i32 = arith.constant 0 : i32
    %c0_i32_0 = arith.constant 0 : i32
    %c0_i32_1 = arith.constant 0 : i32
    return %c0_i32, %c0_i32_0 : i32, i32
  }
  func.func @transform_4(%arg0: i32) -> (i32, i32) {
    %c0_i32 = arith.constant 0 : i32
    %c0_i32_0 = arith.constant 0 : i32
    %c0_i32_1 = arith.constant 0 : i32
    return %c0_i32, %c0_i32_0 : i32, i32
  }
  func.func @transform_5(%arg0: i32) -> (i32, i32) {
    %c0_i32 = arith.constant 0 : i32
    %c0_i32_0 = arith.constant 0 : i32
    return %arg0, %c0_i32 : i32, i32
  }
  func.func @transform_6(%arg0: i32) -> (i32, i32) {
    %c0_i32 = arith.constant 0 : i32
    %c0_i32_0 = arith.constant 0 : i32
    return %arg0, %c0_i32 : i32, i32
  }
}

module attributes {stable_mosaic.version = 14 : i64} {
  func.func @body(%arg0: i32, %arg1: memref<2x1000x64xbf16, #tpu.memory_space<vmem>>, %arg2: memref<1000x64xbf16, #tpu.memory_space<vmem>>, %arg3: memref<1000x64xbf16, #tpu.memory_space<vmem>>, %arg4: memref<1000x8xf32, #tpu.memory_space<vmem>>, %arg5: memref<1x128xf32, #tpu.memory_space<vmem>>, %arg6: memref<1000x128xf32, #tpu.memory_space<vmem>>) attributes {dimension_semantics = [#tpu.dimension_semantics<arbitrary>], iteration_bounds = array<i64: 10>, scalar_prefetch = 0 : i64, scratch_operands = 0 : i64, tpu.core_type = #tpu.core_type<tc>, window_params = [{transform_indices = @transform_0, window_bounds = array<i64: 2, 1000, 64>}, {transform_indices = @transform_1, window_bounds = array<i64: 1000, 64>}, {transform_indices = @transform_2, window_bounds = array<i64: 1000, 64>}, {transform_indices = @transform_3, window_bounds = array<i64: 1000, 8>}, {pipeline_mode = #tpu.pipeline_mode<synchronous>, transform_indices = @transform_4, window_bounds = array<i64: 1, 128>}, {transform_indices = @transform_5, window_bounds = array<i64: 1000, 128>}]} {
    %get3A = arith.constant 0 : index
    %get3A_0 = arith.constant 0 : index
    %get3A_1 = vector.load %arg4[%get3A, %get3A_0] : memref<1000x8xf32, #tpu.memory_space<vmem>>, vector<1000x1xf32>
    %rsqrt3A = math.rsqrt %get3A_1 : vector<1000x1xf32>
    %get3A_2 = arith.constant 0 : index
    %get3A_3 = arith.constant 0 : index
    %get3A_4 = arith.constant 0 : index
    %get3A_5 = vector.load %arg1[%get3A_2, %get3A_3, %get3A_4] : memref<2x1000x64xbf16, #tpu.memory_space<vmem>>, vector<1x1000x64xbf16>
    %get3A_6 = vector.shape_cast %get3A_5 : vector<1x1000x64xbf16> to vector<1000x64xbf16>
    %convert_element_type3A = arith.extf %get3A_6 : vector<1000x64xbf16> to vector<1000x64xf32>
    %get3A_7 = arith.constant 0 : index
    %get3A_8 = arith.constant 0 : index
    %get3A_9 = vector.load %arg2[%get3A_7, %get3A_8] : memref<1000x64xbf16, #tpu.memory_space<vmem>>, vector<1000x64xbf16>
    %convert_element_type3A_10 = arith.extf %get3A_9 : vector<1000x64xbf16> to vector<1000x64xf32>
    %add3A = arith.addf %convert_element_type3A, %convert_element_type3A_10 : vector<1000x64xf32>
    %get3A_11 = arith.constant 1 : index
    %get3A_12 = arith.constant 0 : index
    %get3A_13 = arith.constant 0 : index
    %get3A_14 = vector.load %arg1[%get3A_11, %get3A_12, %get3A_13] : memref<2x1000x64xbf16, #tpu.memory_space<vmem>>, vector<1x1000x64xbf16>
    %get3A_15 = vector.shape_cast %get3A_14 : vector<1x1000x64xbf16> to vector<1000x64xbf16>
    %convert_element_type3A_16 = arith.extf %get3A_15 : vector<1000x64xbf16> to vector<1000x64xf32>
    %get3A_17 = arith.constant 0 : index
    %get3A_18 = arith.constant 0 : index
    %get3A_19 = vector.load %arg3[%get3A_17, %get3A_18] : memref<1000x64xbf16, #tpu.memory_space<vmem>>, vector<1000x64xbf16>
    %convert_element_type3A_20 = arith.extf %get3A_19 : vector<1000x64xbf16> to vector<1000x64xf32>
    %add3A_21 = arith.addf %convert_element_type3A_16, %convert_element_type3A_20 : vector<1000x64xf32>
    %concatenate3A = tpu.concatenate %add3A, %add3A_21 in 1 : vector<1000x64xf32>, vector<1000x64xf32> -> vector<1000x128xf32>
    %mul3A = vector.broadcast %rsqrt3A : vector<1000x1xf32> to vector<1000x128xf32>
    %mul3A_22 = arith.mulf %mul3A, %concatenate3A : vector<1000x128xf32>
    %get3A_23 = arith.constant 0 : index
    %get3A_24 = arith.constant 0 : index
    %get3A_25 = vector.load %arg5[%get3A_23, %get3A_24] : memref<1x128xf32, #tpu.memory_space<vmem>>, vector<1x128xf32>
    %add3A_26 = vector.broadcast %get3A_25 : vector<1x128xf32> to vector<1000x128xf32>
    %add3A_27 = arith.addf %mul3A_22, %add3A_26 : vector<1000x128xf32>
    %swap3A = arith.constant 0 : index
    %swap3A_28 = arith.constant 0 : index
    %swap3A_29 = vector.load %arg6[%swap3A, %swap3A_28] : memref<1000x128xf32, #tpu.memory_space<vmem>>, vector<1000x128xf32>
    tpu.vector_store %arg6[%swap3A, %swap3A_28], %add3A_27 {strides = array<i32>} : memref<1000x128xf32, #tpu.memory_space<vmem>>, vector<1000x128xf32>,
    return
  }
  func.func @transform_0(%arg0: i32) -> (i32, i32, i32) {
    %c0_i32 = arith.constant 0 : i32
    %c0_i32_0 = arith.constant 0 : i32
    %c0_i32_1 = arith.constant 0 : i32
    return %c0_i32, %arg0, %c0_i32_0 : i32, i32, i32
  }
  func.func @transform_1(%arg0: i32) -> (i32, i32) {
    %c0_i32 = arith.constant 0 : i32
    %c0_i32_0 = arith.constant 0 : i32
    return %arg0, %c0_i32 : i32, i32
  }
  func.func @transform_2(%arg0: i32) -> (i32, i32) {
    %c0_i32 = arith.constant 0 : i32
    %c0_i32_0 = arith.constant 0 : i32
    return %arg0, %c0_i32 : i32, i32
  }
  func.func @transform_3(%arg0: i32) -> (i32, i32) {
    %c0_i32 = arith.constant 0 : i32
    %c0_i32_0 = arith.constant 0 : i32
    return %arg0, %c0_i32 : i32, i32
  }
  func.func @transform_4(%arg0: i32) -> (i32, i32) {
    %c0_i32 = arith.constant 0 : i32
    %c0_i32_0 = arith.constant 0 : i32
    %c0_i32_1 = arith.constant 0 : i32
    return %c0_i32, %c0_i32_0 : i32, i32
  }
  func.func @transform_5(%arg0: i32) -> (i32, i32) {
    %c0_i32 = arith.constant 0 : i32
    %c0_i32_0 = arith.constant 0 : i32
    return %arg0, %c0_i32 : i32, i32
  }
}

</mosaic_0001>

<sc_bundles>
// kernel: kernel.12.cloned.1.call-start
scs
__scs_entry_jumppad:
0x0: {  	(pc) =	sbr.rel $0x88, $3  }
0x1: {  	(tag) =	ssettag $0x0;
	lr =	simm.s32 $0x1  }
0x2: {  	[smem:$0x3F9B] =	sst lr;
	_ =	strace $0xD0000000  }
0x3: {  	_ = 	snop  }
0x4: {  	_ = 	snop  }
0x5: {  	_ = 	snop  }
0x6: {  	_ = 	snop  }
0x7: {  	_ = 	snop  }
__scs_overlays_trampoline_lowered:
0x8: {  	[smem:$0x3FAA] =	sst s0  }
0x9: {  	[smem:$0x3FAB] =	sst s1  }
0xa: {  	[smem:$0x3FAC] =	sst s2  }
0xb: {  	[smem:$0x3FAD] =	sst s3  }
0xc: {  	[smem:$0x3FAE] =	sst s4  }
0xd: {  	[smem:$0x3FAF] =	sst s5  }
0xe: {  	[smem:$0x3FB0] =	sst s6  }
0xf: {  	[smem:$0x3FB1] =	sst s7  }
0x10: {  	[smem:$0x3FB2] =	sst s8  }
0x11: {  	[smem:$0x3FB3] =	sst s9;
	s0 =	simm.s32 @!p0 $0x0  }
0x12: {  	s1 =	sld [smem:$0x3F99];
	s0 =	simm.s32 @p0 $0x1  }
0x13: {  	[smem:$0x3FB4] =	sst s0;
	s0 =	simm.s32 @!p1 $0x0  }
0x14: {  	s2 =	sld [smem:$0x3F98];
	s0 =	simm.s32 @p1 $0x1  }
0x15: {  	[smem:$0x3FB5] =	sst s0;
	s0 =	simm.s32 @!p2 $0x0  }
0x16: {  	s3 =	sld [smem:$0x3FDB];
	s0 =	simm.s32 @p2 $0x1  }
0x17: {  	s4 =	simm.s32 $0x1BF5;
	[smem:$0x3FB7] =	sst s0  }
0x18: {  	s0 =	sld [smem:$0x3F9A];
	_ =	swait.ge [sflag:s4], $0x0  }
0x19: {  	s7 =	sld [smem:$0x3F9B]  }
0x1a: {  	s8 =	sadd.s32 $0xFFFFE003, lr  }
0x1b: {  	s9 =	sadd.s32 $0xFFFFFEF7, lr;
	s5 =	simm.s32 $0xFFFFFFFF;
	p2 =	slt.u32 s8, $0xFFFFF086  }
0x1c: {  	p1 =	slt.u32 s9, $0xF7A;
	s5 =	simm.s32 @!p2 $0x0  }
0x1d: {  	s5 =	simm.s32 @p1 $0x1;
	p0 =	seq.s32 s7, s2  }
0x1e: {  	s7 =	smul.u32 @!p0 $0xF7A, s2;
	p2 =	seq.s32 @!p0 s5, $0x0  }
0x1f: {  	s9 =	smul.u32 $0xF7A, s1;
	s8 =	simm.s32 @!p0 $0x1BF5;
	p2 =	por !p2, p0  }
0x20: {  	[sflag:s8] =	ssyncset.s32 @!p0 $0xFFFFF086;
	s6 =	sadd.s32 @!p0 s3, s7;
	s7 =	simm.s32 @!p0 $0x108  }
0x21: {  	s3 =	sadd.s32 s3, s9;
	s6 =	sadd.s32 @!p0 $0x88, s6;
	s7 =	simm.s32 @p2 $0x1082  }
0x22: {  	[simem:s7], [sflag:s8] =	dma.local @!p0 [hbm:s6], $0xF7A  }
0x23: {  	s9 =	sor.u32 $0xD0000000, s2;
	s6 =	simm.s32 $0x108;
	_ =	swait.ge @!p0 [sflag:s8], $0x0  }
0x24: {  	s3 =	sadd.s32 $0x88, s3;
	s6 =	simm.s32 @!p1 $0x1082;
	[sflag:s4] =	ssyncset.s32 $0xFFFFF086  }
0x25: {  	[simem:s6], [sflag:s4] =	dma.local [hbm:s3], $0xF7A  }
0x26: {  	[smem:$0x3F9B] =	sst s1;
	(tag) =	ssettag s2;
	_ =	strace s9  }
0x27: {  	s1 =	sld [smem:$0x3FAB]  }
0x28: {  	s2 =	sld [smem:$0x3FAC]  }
0x29: {  	s4 =	sld [smem:$0x3FAE]  }
0x2a: {  	p0 =	seq.s32 s5, $0x0;
	s5 =	sld [smem:$0x3FAF]  }
0x2b: {  	s6 =	sld [smem:$0x3FB0]  }
0x2c: {  	s7 =	sld [smem:$0x3FB1]  }
0x2d: {  	s3 =	simm.s32 $0x108;
	s8 =	sld [smem:$0x3FB2]  }
0x2e: {  	s3 =	simm.s32 @!p0 $0x1082;
	s9 =	sld [smem:$0x3FB3]  }
0x2f: {  	lr =	sadd.s32 s0, s3;
	s0 =	sld [smem:$0x3FAA]  }
0x30: {  	s3 =	sld [smem:$0x3FAD]  }
0x31: {  	[smem:$0x3FB6] =	sst s10  }
0x32: {  	s10 =	sld [smem:$0x3FB4];
	_ =	sdelay $0x3  }
0x33: {  	p0 =	seq.s32 s10, $0x1;
	s10 =	sld [smem:$0x3FB6];
	_ =	sdelay $0x3  }
0x34: {  	[smem:$0x3FB6] =	sst s10  }
0x35: {  	s10 =	sld [smem:$0x3FB5];
	_ =	sdelay $0x3  }
0x36: {  	p1 =	seq.s32 s10, $0x1;
	s10 =	sld [smem:$0x3FB6];
	_ =	sdelay $0x3  }
0x37: {  	[smem:$0x3FB6] =	sst s10  }
0x38: {  	s10 =	sld [smem:$0x3FB7]  }
0x39: {  	_ = 	snop;
	(pc) =	sbr.ind lr, $3  }
0x3a: {  	_ = 	snop  }
0x3b: {  	_ = 	snop  }
0x3c: {  	p2 =	seq.s32 s10, $0x1;
	s10 =	sld [smem:$0x3FB6]  }
0x3d: {  	_ =	shalt  }
0x3e: {  	_ =	shalt  }
0x3f: {  	_ =	shalt  }
0x40: {  	_ =	shalt  }
0x41: {  	_ =	shalt  }
0x42: {  	_ =	shalt  }
0x43: {  	_ =	shalt  }
0x44: {  	_ =	shalt  }
0x45: {  	_ =	shalt  }
0x46: {  	_ =	shalt  }
0x47: {  	_ =	shalt  }
0x48: {  	_ =	shalt  }
0x49: {  	_ =	shalt  }
0x4a: {  	_ =	shalt  }
0x4b: {  	_ =	shalt  }
0x4c: {  	_ =	shalt  }
0x4d: {  	_ =	shalt  }
0x4e: {  	_ =	shalt  }
0x4f: {  	_ =	shalt  }
0x50: {  	_ =	shalt  }
0x51: {  	_ =	shalt  }
0x52: {  	_ =	shalt  }
0x53: {  	_ =	shalt  }
0x54: {  	_ =	shalt  }
0x55: {  	_ =	shalt  }
0x56: {  	_ =	shalt  }
0x57: {  	_ =	shalt  }
0x58: {  	_ =	shalt  }
0x59: {  	_ =	shalt  }
0x5a: {  	_ =	shalt  }
0x5b: {  	_ =	shalt  }
0x5c: {  	_ =	shalt  }
0x5d: {  	_ =	shalt  }
0x5e: {  	_ =	shalt  }
0x5f: {  	_ =	shalt  }
0x60: {  	_ =	shalt  }
0x61: {  	_ =	shalt  }
0x62: {  	_ =	shalt  }
0x63: {  	_ =	shalt  }
0x64: {  	_ =	shalt  }
0x65: {  	_ =	shalt  }
0x66: {  	_ =	shalt  }
0x67: {  	_ =	shalt  }
0x68: {  	_ =	shalt  }
0x69: {  	_ =	shalt  }
0x6a: {  	_ =	shalt  }
0x6b: {  	_ =	shalt  }
0x6c: {  	_ =	shalt  }
0x6d: {  	_ =	shalt  }
0x6e: {  	_ =	shalt  }
0x6f: {  	_ =	shalt  }
0x70: {  	_ =	shalt  }
0x71: {  	_ =	shalt  }
0x72: {  	_ =	shalt  }
0x73: {  	_ =	shalt  }
0x74: {  	_ =	shalt  }
0x75: {  	_ =	shalt  }
0x76: {  	_ =	shalt  }
0x77: {  	_ =	shalt  }
0x78: {  	_ =	shalt  }
0x79: {  	_ =	shalt  }
0x7a: {  	_ =	shalt  }
0x7b: {  	_ =	shalt  }
0x7c: {  	_ =	shalt  }
0x7d: {  	_ =	shalt  }
0x7e: {  	_ =	shalt  }
0x7f: {  	_ =	shalt  }
0x80: {  	_ =	shalt  }
0x81: {  	_ =	shalt  }
0x82: {  	_ =	shalt  }
0x83: {  	_ =	shalt  }
0x84: {  	_ =	shalt  }
0x85: {  	_ =	shalt  }
0x86: {  	_ =	shalt  }
0x87: {  	_ =	shalt  }
.Lfunc_end0:
.L_simem_size_0:
called_computation.1_lowered:
.L_overlay_start_0:
0x88: {  	s2 =	sld [smem:$0x3FD9]  }
0x89: {  	s3 =	sld [smem:$0x3FFE];
	_ =	sdelay $0x1  }
0x8a: {  	s1 =	srdreg.scid  }
0x8b: {  	s0 =	sand.u32 $0x1, s1  }
0x8c: {  	s17 =	sshll.u32 s0, $0xA;
	s2 =	sadd.s32 s3, s2  }
0x8d: {  	s2 =	sadd.s32 s2, s17  }
0x8e: {  	[smem:$0x3FC2] =	sst s2  }
0x8f: {  	_ = 	snop  }
0x90: {  	s2 =	sld [smem:$0x3FD0];
	(tm) =	ssettm $0x1  }
0x91: {  	s18 =	sld [smem:$0x3FFB];
	_ =	sdelay $0x3  }
0x92: {  	_ =	strace s18  }
0x93: {  	s3 =	sld [smem:$0x3FFC];
	_ =	sdelay $0x3  }
0x94: {  	_ =	strace s3  }
0x95: {  	s3 =	sld [smem:$0x3FFD];
	_ =	sdelay $0x3  }
0x96: {  	_ =	strace s3  }
0x97: {  	_ =	strace $0x8FFFFFFF  }
0x98: {  	s19 =	sld [smem:$0x3FDB];
	_ =	sdelay $0x1  }
0x99: {  	s4 =	simm.s32 $_scs_section_size  }
0x9a: {  	s5 =	simm.s32 $_size__tile_overlayer_lowered;
	s6 =	simm.s32 $_tile_overlayer_lowered  }
0x9b: {  	s22 =	simm.s32 $0x1BFF;
	s21 =	sshll.u32 s6, $0x1;
	s3 =	sadd.s32 s4, s19  }
0x9c: {  	s7 =	simm.s32 $0x0;
	s20 =	sshll.u32 s5, $0x1;
	s5 =	sadd.s32 s21, s3  }
0x9d: {  	[timem:s7], [sflag:s22] =	dma.local [hbm:s5], s20  }
0x9e: {  	_ =	swait.ge [sflag:s22], s20  }
0x9f: {  	s4 =	ssub.s32 $0x0, s20;
	[sflag:s22] =	ssyncset.done $0x0  }
0xa0: {  	[sflag:s22] =	ssyncadd.s32 s4;
	_ =	sdelay $0x1  }
0xa1: {  	s23 =	simm.s32 $0x1B8B  }
0xa2: {  	_ =	swait.ge [sflag:s23], $0x1  }
0xa3: {  	[sflag:s23] =	ssyncset.done $0x0  }
0xa4: {  	s25 =	simm.s32 $0x1B8E;
	s24 =	sld [smem:$0x3FFE];
	[sflag:s23] =	ssyncadd.s32 $0xFFFFFFFF  }
0xa5: {  	s26 =	simm.s32 $execute0_lowered;
	[smem:$0x3FD2] =	sst s25  }
0xa6: {  	s5 =	sshll.u32 s26, $0x1;
	_ =	strace $0x80000049;
	[dreg:$0x1] =	wrdreg $0xFFFFFFFF  }
0xa7: {  	s28 =	simm.s32 $_size_execute0_lowered;
	s3 =	sadd.s32 s3, s5;
	[dreg:$0x0] =	wrdreg $0x0  }
0xa8: {  	s5 =	sshll.u32 s28, $0x1;
	[dreg:$0x2] =	wrdreg s3  }
0xa9: {  	[dreg:$0x3] =	wrdreg s5  }
0xaa: {  	[dreg:$0x4] =	wrdreg $0xC0  }
0xab: {  	_ =	task [dreg:s7], $0x5FFFF  }
0xac: {  	[dreg:$0x1] =	wrdreg $0xFFFFFFFF  }
0xad: {  	[dreg:$0x0] =	wrdreg $0x60  }
0xae: {  	[dreg:$0x2] =	wrdreg s24  }
0xaf: {  	[dreg:$0x3] =	wrdreg s2  }
0xb0: {  	[dreg:$0x4] =	wrdreg $0x88000  }
0xb1: {  	[dreg:$0x5] =	wrdreg $0xD8000  }
0xb2: {  	[dreg:$0x6] =	wrdreg $0x9  }
0xb3: {  	_ =	task.clear_ibuf [dreg:s7], $0x7FFFF;
	_ =	strace $0x90000049  }
0xb4: {  	s29 =	simm.s32 $0x9;
	_ =	strace $0x8000004B  }
0xb5: {  	_ =	swait.ge [sflag:s29], $0x1  }
0xb6: {  	[sflag:s29] =	ssyncadd.s32 $0xFFFFFFFF  }
0xb7: {  	_ =	strace $0x9000004B  }
0xb8: {  	_ =	sfence  }
0xb9: {  	s30 =	sld [smem:$0x0];
	_ =	sdelay $0x2  }
0xba: {  	s31 =	sshll.u32 s1, $0xD;
	s1 =	sshrl.u32 s1, $0x2  }
0xbb: {  	s3 =	sand.u32 $0x4000, s31;
	s1 =	sadd.s32 s1, s30  }
0xbc: {  	s0 =	sor.u32 s3, s0;
	s1 =	sshll.u32 s1, $0x11  }
0xbd: {  	s0 =	sor.u32 s1, s0  }
0xbe: {  	s0 =	sadd.s32 $0x8F2B, s0  }
0xbf: {  	[sflag:s0] =	ssyncadd.remote.s32 $0x1  }
0xc0: {  	_ =	sfence.sel $0xFFFF  }
0xc1: {  	[dreg:$0x0] =	wrdreg $0xFFFFFFFF;
	(pc) =	sbr.abs _section_cstart, $3  }
0xc2: {  	[dreg:$0x1] =	wrdreg $0xFFFFFFFF  }
0xc3: {  	_ =	task.clear_ibuf [dreg:s7], $0x2FFFF;
	_ =	strace $0x9FFFFFFF  }
0xc4: {  	(tm) =	ssettm $0x7FFFFFFF  }
0xc5: {  	_ =	shalt  }
tec
execute0_lowered:
.L_overlay_start_1:
0x0: {  	(tag) =	ssettag $0x1  }
0x1: {  	s0 =	rddreg [dreg:$0x0]  }
0x2: {  	s1 =	rddreg [dreg:$0x1]  }
0x3: {  	s2 =	rddreg [dreg:$0x2]  }
0x4: {  	s3 =	rddreg [dreg:$0x3]  }
0x5: {  	s13 =	stileid.u32;
	s6 =	srdreg.scid  }
0x6: {  	s4 =	simm.s32 $0x0;
	s28 =	simm.s32 $0x3800;
	s30 =	simm.s32 $0x7  }
0x7: {  	s29 =	simm.s32 $0x10;
	s31 =	simm.s32 $0x1C;
	s5 =	smul.u32 $0xA000, s13  }
0x8: {  	s6 =	sand.u32 $0x1, s6;
	[smem:$0x7FF] =	sst s4;
	s9 =	smul.u32 $0x50, s13  }
0x9: {  	s12 =	sadd.s32 $0x7600, s0;
	s25 =	sshll.u32 s13, $0x6;
	s8 =	smul.u32 $0xA0000, s6  }
0xa: {  	_ =	strace $0x8000004A;
	s10 =	ssub.s32 $0x2, s6;
	s11 =	smul.u32 $0x500, s6  }
0xb: {  	[dreg:$0x5] =	wrdreg s12;
	s7 =	sshrl.u32 s5, $0x4;
	s24 =	sshrl.u32 s10, $0x1  }
0xc: {  	s7 =	sadd.s32 s7, s0;
	s8 =	sadd.s32 s5, s8;
	s5 =	sshrl.u32 s5, $0x1  }
0xd: {  	s9 =	sadd.s32 s11, s9;
	s8 =	sshrl.u32 s8, $0x4;
	s26 =	sadd.s32 s5, s2  }
0xe: {  	s9 =	sshll.u32 s9, $0x4;
	s7 =	sadd.s32 $0x8000, s7;
	[dreg:$0x6] =	wrdreg s26  }
0xf: {  	s5 =	sadd.s32 s5, s3;
	s9 =	sadd.s32 s1, s9;
	[dreg:$0x9] =	wrdreg s7  }
0x10: {  	s0 =	sadd.s32 s8, s0;
	s26 =	sshrl.u32 s5, $0x3;
	[dreg:$0x8] =	wrdreg s9  }
0x11: {  	s8 =	ssub.s32 s10, s24;
	s10 =	sor.u32 $0x1C1D, s25;
	[dreg:$0x17] =	wrdreg s26  }
0x12: {  	s23 =	smul.u32 $0x500, s13;
	s12 =	sadd.s32 $0x10, s9;
	[dreg:$0x7] =	wrdreg s10  }
0x13: {  	s6 =	smul.u32 $0x5000, s6;
	s14 =	sadd.s32 $0x20, s9;
	[dreg:$0xa] =	wrdreg s12  }
0x14: {  	s13 =	simm.s32 $0x5800;
	s15 =	sadd.s32 $0x30, s9;
	[dreg:$0xb] =	wrdreg s14  }
0x15: {  	s1 =	sadd.s32 s6, s1;
	s16 =	sadd.s32 $0x40, s9;
	[dreg:$0xc] =	wrdreg s15  }
0x16: {  	s6 =	simm.s32 $0x1D;
	s17 =	sadd.s32 $0x50, s9;
	[dreg:$0xd] =	wrdreg s16  }
0x17: {  	s5 =	simm.s32 $0xC;
	s18 =	sadd.s32 $0x60, s9;
	[dreg:$0xe] =	wrdreg s17  }
0x18: {  	s7 =	simm.s32 $0x0;
	s19 =	sadd.s32 $0x70, s9;
	[dreg:$0xf] =	wrdreg s18  }
0x19: {  	s20 =	sadd.s32 $0xA000, s9;
	s21 =	sadd.s32 $0xA010, s9;
	[dreg:$0x10] =	wrdreg s19  }
0x1a: {  	s22 =	sadd.s32 $0xA020, s9;
	s24 =	sadd.s32 $0xA030, s9;
	[dreg:$0x11] =	wrdreg s20  }
0x1b: {  	s0 =	sadd.s32 $0x12000, s0;
	s25 =	smax.u32 s8, $0x1;
	[dreg:$0x12] =	wrdreg s21  }
0x1c: {  	s23 =	sadd.s32 s23, s1;
	s26 =	simm.s32 $0x80;
	[dreg:$0x13] =	wrdreg s22  }
.Ltmp0:
0x1d: {  	s1 =	simm.s32 $0x14;
	[dreg:$0x14] =	wrdreg s24;
	(pc) =	sbr.rel .LBB2_1-.Ltmp0, $4  }
0x1e: {  	s9 =	simm.s32 $0x8;
	s8 =	simm.s32 $0x680;
	[dreg:$0x15] =	wrdreg s0  }
0x1f: {  	[dreg:$0x16] =	wrdreg s25;
	s17 =	simm.s32 $0x380;
	s19 =	simm.s32 $0x580  }
0x20: {  	s12 =	simm.s32 $0x16;
	s22 =	simm.s32 $0xE;
	s14 =	simm.s32 $0x1A  }
0x21: {  	s16 =	simm.s32 $0x18;
	s24 =	simm.s32 $0x7800;
	s25 =	simm.s32 $0x3800  }
.LBB2_4:
0x22: {  	s0 =	simm.s32 $0x19  }
0x23: {  	_ =	swait.ge [sflag:s0], $0x1000  }
0x24: {  	[sflag:s0] =	ssyncset.done $0x0  }
0x25: {  	[sflag:s0] =	ssyncadd.s32 $0xFFFFF000  }
0x26: {  	_ =	swait.ge [sflag:s14], $0x1000  }
0x27: {  	[sflag:s14] =	ssyncset.done $0x0  }
0x28: {  	s19 =	simm.s32 $0x1B;
	[sflag:s14] =	ssyncadd.s32 $0xFFFFF000  }
0x29: {  	_ =	swait.ge [sflag:s19], $0x1000  }
0x2a: {  	[sflag:s19] =	ssyncset.done $0x0  }
0x2b: {  	[sflag:s19] =	ssyncadd.s32 $0xFFFFF000  }
0x2c: {  	_ =	swait.ge [sflag:s31], $0x1000  }
0x2d: {  	[sflag:s31] =	ssyncset.done $0x0  }
0x2e: {  	[sflag:s31] =	ssyncadd.s32 $0xFFFFF000  }
0x2f: {  	[bflag:$0x0] =	sbarrier.arrive $0xFFFF  }
0x30: {  	s10 =	rddreg [dreg:$0x7]  }
0x31: {  	s20 =	rddreg [dreg:$0x15]  }
0x32: {  	s6 =	rddreg [dreg:$0x19]  }
0x33: {  	[hbm:s20], [sflag:s10] =	dma.local [spmem:s6], $0xA00  }
0x34: {  	s6 =	simm.s32 $0x1D  }
0x35: {  	_ =	swait.ge [sflag:s6], $0xA00  }
0x36: {  	s7 =	rddreg [dreg:$0x18]  }
0x37: {  	s21 =	rddreg [dreg:$0x16];
	s7 =	sadd.s32 $0x1, s7  }
0x38: {  	p0 =	sne.s32 s7, s21  }
.Ltmp1:
0x39: {  	_ = 	snop;
	(pc) =	sbr.rel @!p0 .LBB2_5-.Ltmp1, $3  }
0x3a: {  	_ =	sdelay $0x1  }
0x3b: {  	s17 =	simm.s32 $0x380;
	[sflag:s6] =	ssyncset.done $0x0  }
0x3c: {  	s28 =	simm.s32 $0x3800;
	s19 =	simm.s32 $0x580;
	[sflag:s6] =	ssyncadd.s32 $0xFFFFF600  }
.LBB2_1:
0x3d: {  	[dreg:$0x18] =	wrdreg s7  }
0x3e: {  	s0 =	rddreg [dreg:$0x6]  }
0x3f: {  	s11 =	rddreg [dreg:$0x5];
	s0 =	sshrl.u32 s0, $0x3  }
0x40: {  	[dreg:$0x19] =	wrdreg s0  }
0x41: {  	[spmem:s0], [sflag:s10] =	dma.local [hbm:s11], $0xA00  }
0x42: {  	_ =	swait.ge [sflag:s6], $0xA00  }
0x43: {  	[sflag:s6] =	ssyncset.done $0x0;
	s15 =	rddreg [dreg:$0x9]  }
0x44: {  	s11 =	rddreg [dreg:$0x17];
	[sflag:s6] =	ssyncadd.s32 $0xFFFFF600  }
0x45: {  	[spmem:s11], [sflag:s10] =	dma.local [hbm:s15], $0xA00  }
0x46: {  	_ =	swait.ge [sflag:s6], $0xA00  }
0x47: {  	[sflag:s6] =	ssyncset.done $0x0  }
0x48: {  	[sflag:s6] =	ssyncadd.s32 $0xFFFFF600  }
0x49: {  	[bflag:$0x0] =	sbarrier.arrive $0xFFFF  }
0x4a: {  	s18 =	rddreg [dreg:$0x8]  }
0x4b: {  	[tilespmem:s4], [sflag:$0x1] =	stream.linear.gather [hbm4b:s18+s4], $0x80, $0x38;
	[tilespmem:$0x12800] =	vst v63  }
0x4c: {  	s20 =	rddreg [dreg:$0xa]  }
0x4d: {  	[tilespmem:s26], [sflag:$0x2] =	stream.linear.gather [hbm4b:s20+s4], $0x80, $0x38;
	[tilespmem:$0x12800] =	vst v63  }
0x4e: {  	s6 =	simm.s32 $0x100;
	s21 =	rddreg [dreg:$0xb]  }
0x4f: {  	[tilespmem:s6], [sflag:$0x3] =	stream.linear.gather [hbm4b:s21+s4], $0x80, $0x38;
	[tilespmem:$0x12800] =	vst v63  }
0x50: {  	s10 =	simm.s32 $0x180;
	s7 =	rddreg [dreg:$0xc]  }
0x51: {  	[tilespmem:s10], [sflag:$0x4] =	stream.linear.gather [hbm4b:s7+s4], $0x80, $0x38;
	[tilespmem:$0x12800] =	vst v63  }
0x52: {  	s15 =	simm.s32 $0x200;
	s11 =	rddreg [dreg:$0xd]  }
0x53: {  	[tilespmem:s15], [sflag:$0x5] =	stream.linear.gather [hbm4b:s11+s4], $0x80, $0x38;
	[tilespmem:$0x12800] =	vst v63  }
0x54: {  	s18 =	rddreg [dreg:$0xe];
	s20 =	simm.s32 $0x280  }
0x55: {  	[tilespmem:s20], [sflag:$0x6] =	stream.linear.gather [hbm4b:s18+s4], $0x80, $0x38;
	[tilespmem:$0x12800] =	vst v63  }
0x56: {  	s21 =	rddreg [dreg:$0xf];
	s7 =	simm.s32 $0x300  }
0x57: {  	[tilespmem:s7], [sflag:$0x7] =	stream.linear.gather [hbm4b:s21+s4], $0x80, $0x38;
	[tilespmem:$0x12800] =	vst v63  }
0x58: {  	s15 =	rddreg [dreg:$0x10]  }
0x59: {  	[tilespmem:s17], [sflag:$0x8] =	stream.linear.gather [hbm4b:s15+s4], $0x80, $0x38;
	[tilespmem:$0x12800] =	vst v63  }
0x5a: {  	s18 =	rddreg [dreg:$0x11];
	s20 =	simm.s32 $0x400  }
0x5b: {  	[tilespmem:s20], [sflag:$0x9] =	stream.linear.gather [hbm4b:s18+s4], $0x80, $0x38;
	[tilespmem:$0x12800] =	vst v63  }
0x5c: {  	s21 =	rddreg [dreg:$0x12];
	s7 =	simm.s32 $0x480  }
0x5d: {  	[tilespmem:s7], [sflag:$0xA] =	stream.linear.gather [hbm4b:s21+s4], $0x80, $0x38;
	[tilespmem:$0x12800] =	vst v63  }
0x5e: {  	s15 =	rddreg [dreg:$0x13];
	s18 =	simm.s32 $0x500  }
0x5f: {  	[tilespmem:s18], [sflag:$0xB] =	stream.linear.gather [hbm4b:s15+s4], $0x80, $0x38;
	[tilespmem:$0x12800] =	vst v63  }
0x60: {  	s20 =	rddreg [dreg:$0x14];
	s21 =	simm.s32 $0x1  }
0x61: {  	[tilespmem:s19], [sflag:$0xC] =	stream.linear.gather [hbm4b:s20+s4], $0x80, $0x38;
	[tilespmem:$0x12800] =	vst v63  }
0x62: {  	_ =	swait.ge [sflag:s21], $0x80  }
0x63: {  	[sflag:s21] =	ssyncset.done $0x0  }
0x64: {  	s11 =	simm.s32 $0x2;
	s7 =	simm.s32 $0x800;
	[sflag:s21] =	ssyncadd.s32 $0xFFFFFF80  }
0x65: {  	[tilespmem:s7], [sflag:$0x11] =	stream.indirect.gather [spmem:s3], $0x20, s4, s26, $0xb8;
	[tilespmem:$0x12800] =	vst v63  }
0x66: {  	_ =	swait.ge [sflag:s11], $0x80  }
0x67: {  	[sflag:s11] =	ssyncset.done $0x0  }
0x68: {  	s15 =	simm.s32 $0x1800;
	s18 =	simm.s32 $0x3;
	[sflag:s11] =	ssyncadd.s32 $0xFFFFFF80  }
0x69: {  	[tilespmem:s15], [sflag:$0x12] =	stream.indirect.gather [spmem:s3], $0x20, s26, s26, $0xb8;
	[tilespmem:$0x12800] =	vst v63  }
0x6a: {  	_ =	swait.ge [sflag:s18], $0x80  }
0x6b: {  	[sflag:s18] =	ssyncset.done $0x0  }
0x6c: {  	s20 =	simm.s32 $0x2800;
	s21 =	simm.s32 $0x4;
	[sflag:s18] =	ssyncadd.s32 $0xFFFFFF80  }
0x6d: {  	[tilespmem:s20], [sflag:$0x13] =	stream.indirect.gather [spmem:s3], $0x20, s6, s26, $0xb8;
	[tilespmem:$0x12800] =	vst v63  }
0x6e: {  	_ =	swait.ge [sflag:s21], $0x80  }
0x6f: {  	[sflag:s21] =	ssyncset.done $0x0  }
0x70: {  	s0 =	simm.s32 $0x0;
	[sflag:s21] =	ssyncadd.s32 $0xFFFFFF80  }
0x71: {  	[tilespmem:s28], [sflag:$0x14] =	stream.indirect.gather [spmem:s3], $0x20, s10, s26, $0xb8;
	[tilespmem:$0x12800] =	vst v63  }
.LBB2_2:
0x72: {  	s6 =	simm.s32 $0x11  }
0x73: {  	_ =	swait.ge [sflag:s6], $0x1000  }
0x74: {  	[sflag:s6] =	ssyncset.done $0x0  }
0x75: {  	s10 =	simm.s32 $0x9;
	[sflag:s6] =	ssyncadd.s32 $0xFFFFF000  }
0x76: {  	_ =	swait.ge [sflag:s10], $0x80  }
0x77: {  	p1 =	seq.s32 s0, $0x0;
	[sflag:s10] =	ssyncset.done $0x0  }
0x78: {  	s6 =	simm.s32 @!p1 $0x19;
	[sflag:s10] =	ssyncadd.s32 $0xFFFFFF80  }
0x79: {  	_ =	swait.ge @!p1 [sflag:s6], $0x1000  }
0x7a: {  	[sflag:s6] =	ssyncset.done @!p1 $0x0  }
0x7b: {  	s11 =	simm.s32 $0x400;
	s10 =	simm.s32 $0x800;
	[sflag:s6] =	ssyncadd.s32 @!p1 $0xFFFFF000  }
0x7c: {  	[spmem:s2] =	stream.indirect.scatter.add.bf16 [tilespmem:s10], [sflag:$0x19], $0x20, s11, s26, $0xb8;
	[tilespmem:$0x12800] =	vst v63  }
0x7d: {  	s10 =	sadd.s32 s0, s23  }
0x7e: {  	s18 =	simm.s32 $0x5;
	s11 =	simm.s32 $0x600;
	s15 =	sadd.s32 $0xA040, s10  }
0x7f: {  	[tilespmem:s11], [sflag:$0xD] =	stream.linear.gather [hbm4b:s15+s4], $0x80, $0x38;
	[tilespmem:$0x12800] =	vst v63  }
0x80: {  	_ =	swait.ge [sflag:s18], $0x80  }
0x81: {  	s20 =	simm.s32 $0x200;
	p0 =	seq.s32 s0, $0x480;
	[sflag:s18] =	ssyncset.done $0x0  }
0x82: {  	s21 =	simm.s32 $0x4800;
	[sflag:s18] =	ssyncadd.s32 $0xFFFFFF80;
	s18 =	sadd.s32 @!p0 s0, s23  }
0x83: {  	[tilespmem:s21], [sflag:$0x15] =	stream.indirect.gather [spmem:s3], $0x20, s20, s26, $0xb8;
	[tilespmem:$0x12800] =	vst v63  }
0x84: {  	s7 =	simm.s32 $0x12;
	s11 =	simm.s32 @!p0 $0x0;
	s6 =	sadd.s32 @!p0 $0x80, s18  }
0x85: {  	[tilespmem:s11], [sflag:$0x1] =	stream.linear.gather @!p0 [hbm4b:s6+s11], $0x80, $0x38;
	[tilespmem:$0x12800] =	vst v63  }
0x86: {  	_ =	swait.ge [sflag:s7], $0x1000  }
0x87: {  	[sflag:s7] =	ssyncset.done $0x0  }
0x88: {  	s15 =	simm.s32 $0xA;
	[sflag:s7] =	ssyncadd.s32 $0xFFFFF000  }
0x89: {  	_ =	swait.ge [sflag:s15], $0x80  }
0x8a: {  	[sflag:s15] =	ssyncset.done $0x0  }
0x8b: {  	s6 =	simm.s32 @!p1 $0x1A;
	[sflag:s15] =	ssyncadd.s32 $0xFFFFFF80  }
0x8c: {  	_ =	swait.ge @!p1 [sflag:s6], $0x1000  }
0x8d: {  	[sflag:s6] =	ssyncset.done @!p1 $0x0  }
0x8e: {  	s20 =	simm.s32 $0x480;
	s15 =	simm.s32 $0x1800;
	[sflag:s6] =	ssyncadd.s32 @!p1 $0xFFFFF000  }
0x8f: {  	[spmem:s2] =	stream.indirect.scatter.add.bf16 [tilespmem:s15], [sflag:$0x1A], $0x20, s20, s26, $0xb8;
	[tilespmem:$0x12800] =	vst v63  }
0x90: {  	s21 =	sadd.s32 $0xA050, s10;
	s7 =	simm.s32 $0x6  }
0x91: {  	[tilespmem:s8], [sflag:$0xE] =	stream.linear.gather [hbm4b:s21+s4], $0x80, $0x38;
	[tilespmem:$0x12800] =	vst v63  }
0x92: {  	_ =	swait.ge [sflag:s7], $0x80  }
0x93: {  	[sflag:s7] =	ssyncset.done $0x0  }
0x94: {  	s15 =	simm.s32 $0x280;
	[sflag:s7] =	ssyncadd.s32 $0xFFFFFF80  }
0x95: {  	[tilespmem:s13], [sflag:$0x16] =	stream.indirect.gather [spmem:s3], $0x20, s15, s26, $0xb8;
	[tilespmem:$0x12800] =	vst v63  }
0x96: {  	s6 =	sadd.s32 @!p0 $0x90, s18;
	s20 =	simm.s32 $0x13;
	s15 =	simm.s32 @!p0 $0x80  }
0x97: {  	[tilespmem:s15], [sflag:$0x2] =	stream.linear.gather @!p0 [hbm4b:s6+s11], $0x80, $0x38;
	[tilespmem:$0x12800] =	vst v63  }
0x98: {  	_ =	swait.ge [sflag:s20], $0x1000  }
0x99: {  	[sflag:s20] =	ssyncset.done $0x0  }
0x9a: {  	s21 =	simm.s32 $0xB;
	[sflag:s20] =	ssyncadd.s32 $0xFFFFF000  }
0x9b: {  	_ =	swait.ge [sflag:s21], $0x80  }
0x9c: {  	[sflag:s21] =	ssyncset.done $0x0  }
0x9d: {  	s6 =	simm.s32 @!p1 $0x1B;
	[sflag:s21] =	ssyncadd.s32 $0xFFFFFF80  }
0x9e: {  	_ =	swait.ge @!p1 [sflag:s6], $0x1000  }
0x9f: {  	[sflag:s6] =	ssyncset.done @!p1 $0x0  }
0xa0: {  	s7 =	simm.s32 $0x500;
	s20 =	simm.s32 $0x2800;
	[sflag:s6] =	ssyncadd.s32 @!p1 $0xFFFFF000  }
0xa1: {  	[spmem:s2] =	stream.indirect.scatter.add.bf16 [tilespmem:s20], [sflag:$0x1B], $0x20, s7, s26, $0xb8;
	[tilespmem:$0x12800] =	vst v63  }
0xa2: {  	s21 =	sadd.s32 $0xA060, s10;
	s7 =	simm.s32 $0x700  }
0xa3: {  	[tilespmem:s7], [sflag:$0xF] =	stream.linear.gather [hbm4b:s21+s4], $0x80, $0x38;
	[tilespmem:$0x12800] =	vst v63  }
0xa4: {  	_ =	swait.ge [sflag:s30], $0x80  }
0xa5: {  	[sflag:s30] =	ssyncset.done $0x0  }
0xa6: {  	s21 =	simm.s32 $0x300;
	s7 =	simm.s32 $0x6800;
	[sflag:s30] =	ssyncadd.s32 $0xFFFFFF80  }
0xa7: {  	[tilespmem:s7], [sflag:$0x17] =	stream.indirect.gather [spmem:s3], $0x20, s21, s26, $0xb8;
	[tilespmem:$0x12800] =	vst v63  }
0xa8: {  	s6 =	simm.s32 @!p0 $0x100;
	s21 =	sadd.s32 @!p0 $0xA0, s18  }
0xa9: {  	[tilespmem:s6], [sflag:$0x3] =	stream.linear.gather @!p0 [hbm4b:s21+s11], $0x80, $0x38;
	[tilespmem:$0x12800] =	vst v63  }
0xaa: {  	_ =	swait.ge [sflag:s1], $0x1000  }
0xab: {  	[sflag:s1] =	ssyncset.done $0x0  }
0xac: {  	[sflag:s1] =	ssyncadd.s32 $0xFFFFF000  }
0xad: {  	_ =	swait.ge [sflag:s5], $0x80  }
0xae: {  	[sflag:s5] =	ssyncset.done $0x0  }
0xaf: {  	s21 =	simm.s32 @!p1 $0x1C;
	[sflag:s5] =	ssyncadd.s32 $0xFFFFFF80  }
0xb0: {  	_ =	swait.ge @!p1 [sflag:s21], $0x1000  }
0xb1: {  	[sflag:s21] =	ssyncset.done @!p1 $0x0  }
0xb2: {  	[sflag:s21] =	ssyncadd.s32 @!p1 $0xFFFFF000  }
0xb3: {  	[spmem:s2] =	stream.indirect.scatter.add.bf16 [tilespmem:s28], [sflag:$0x1C], $0x20, s19, s26, $0xb8;
	[tilespmem:$0x12800] =	vst v63  }
0xb4: {  	s20 =	sadd.s32 $0xA070, s10;
	s7 =	simm.s32 $0x780  }
0xb5: {  	[tilespmem:s7], [sflag:$0x10] =	stream.linear.gather [hbm4b:s20+s4], $0x80, $0x38;
	[tilespmem:$0x12800] =	vst v63  }
0xb6: {  	_ =	swait.ge [sflag:s9], $0x80  }
0xb7: {  	[sflag:s9] =	ssyncset.done $0x0  }
0xb8: {  	s21 =	simm.s32 @p0 $0x15;
	[sflag:s9] =	ssyncadd.s32 $0xFFFFFF80  }
0xb9: {  	[tilespmem:s24], [sflag:$0x18] =	stream.indirect.gather [spmem:s3], $0x20, s17, s26, $0xb8;
	[tilespmem:$0x12800] =	vst v63  }
0xba: {  	_ =	swait.ge @p0 [sflag:s21], $0x1000  }
0xbb: {  	[sflag:s21] =	ssyncset.done @p0 $0x0  }
0xbc: {  	[sflag:s21] =	ssyncadd.s32 @p0 $0xFFFFF000;
	s21 =	simm.s32 @p0 $0xD  }
0xbd: {  	_ =	swait.ge @p0 [sflag:s21], $0x80  }
0xbe: {  	[sflag:s21] =	ssyncset.done @p0 $0x0  }
0xbf: {  	[sflag:s21] =	ssyncadd.s32 @p0 $0xFFFFFF80;
	s21 =	simm.s32 @p0 $0x19  }
0xc0: {  	_ =	swait.ge @p0 [sflag:s21], $0x1000  }
0xc1: {  	s19 =	simm.s32 @p0 $0x4800;
	[sflag:s21] =	ssyncset.done @p0 $0x0  }
0xc2: {  	s17 =	simm.s32 @p0 $0x600;
	[sflag:s21] =	ssyncadd.s32 @p0 $0xFFFFF000;
	s21 =	simm.s32 @p0 $0x80  }
0xc3: {  	[spmem:s2] =	stream.indirect.scatter.add.bf16 @p0 [tilespmem:s19], [sflag:$0x19], $0x20, s17, s21, $0xb8;
	[tilespmem:$0x12800] =	vst v63  }
0xc4: {  	s17 =	sadd.s32 @!p0 $0xB0, s18;
	s19 =	simm.s32 @!p0 $0x180  }
0xc5: {  	[tilespmem:s19], [sflag:$0x4] =	stream.linear.gather @!p0 [hbm4b:s17+s11], $0x80, $0x38;
	[tilespmem:$0x12800] =	vst v63  }
0xc6: {  	s17 =	simm.s32 @!p0 $0x15  }
0xc7: {  	_ =	swait.ge @!p0 [sflag:s17], $0x1000  }
0xc8: {  	[sflag:s17] =	ssyncset.done @!p0 $0x0  }
0xc9: {  	[sflag:s17] =	ssyncadd.s32 @!p0 $0xFFFFF000;
	s17 =	simm.s32 @!p0 $0xD  }
0xca: {  	_ =	swait.ge @!p0 [sflag:s17], $0x80  }
0xcb: {  	[sflag:s17] =	ssyncset.done @!p0 $0x0  }
0xcc: {  	[sflag:s17] =	ssyncadd.s32 @!p0 $0xFFFFFF80;
	s17 =	simm.s32 @!p0 $0x19  }
0xcd: {  	_ =	swait.ge @!p0 [sflag:s17], $0x1000  }
0xce: {  	[sflag:s17] =	ssyncset.done @!p0 $0x0  }
0xcf: {  	s19 =	simm.s32 @!p0 $0x4800;
	[sflag:s17] =	ssyncadd.s32 @!p0 $0xFFFFF000;
	s17 =	simm.s32 @!p0 $0x600  }
0xd0: {  	[spmem:s2] =	stream.indirect.scatter.add.bf16 @!p0 [tilespmem:s19], [sflag:$0x19], $0x20, s17, s15, $0xb8;
	[tilespmem:$0x12800] =	vst v63  }
0xd1: {  	s17 =	sadd.s32 @!p0 $0xA080, s18;
	s19 =	simm.s32 @!p0 $0x400  }
0xd2: {  	[tilespmem:s19], [sflag:$0x9] =	stream.linear.gather @!p0 [hbm4b:s17+s11], $0x80, $0x38;
	[tilespmem:$0x12800] =	vst v63  }
0xd3: {  	s17 =	simm.s32 @!p0 $0x1  }
0xd4: {  	_ =	swait.ge @!p0 [sflag:s17], $0x80  }
0xd5: {  	[sflag:s17] =	ssyncset.done @!p0 $0x0  }
0xd6: {  	[sflag:s17] =	ssyncadd.s32 @!p0 $0xFFFFFF80;
	s17 =	simm.s32 @!p0 $0x800  }
0xd7: {  	[tilespmem:s17], [sflag:$0x11] =	stream.indirect.gather @!p0 [spmem:s3], $0x20, s11, s15, $0xb8;
	[tilespmem:$0x12800] =	vst v63  }
0xd8: {  	s19 =	simm.s32 @!p0 $0x200;
	s17 =	sadd.s32 @!p0 $0xC0, s18  }
0xd9: {  	[tilespmem:s19], [sflag:$0x5] =	stream.linear.gather @!p0 [hbm4b:s17+s11], $0x80, $0x38;
	[tilespmem:$0x12800] =	vst v63  }
0xda: {  	_ =	swait.ge [sflag:s12], $0x1000  }
0xdb: {  	[sflag:s12] =	ssyncset.done $0x0  }
0xdc: {  	[sflag:s12] =	ssyncadd.s32 $0xFFFFF000  }
0xdd: {  	_ =	swait.ge [sflag:s22], $0x80  }
0xde: {  	[sflag:s22] =	ssyncset.done $0x0  }
0xdf: {  	[sflag:s22] =	ssyncadd.s32 $0xFFFFFF80  }
0xe0: {  	_ =	swait.ge [sflag:s14], $0x1000  }
0xe1: {  	[sflag:s14] =	ssyncset.done $0x0  }
0xe2: {  	s17 =	simm.s32 @p0 $0x17;
	[sflag:s14] =	ssyncadd.s32 $0xFFFFF000  }
0xe3: {  	[spmem:s2] =	stream.indirect.scatter.add.bf16 [tilespmem:s13], [sflag:$0x1A], $0x20, s8, s26, $0xb8;
	[tilespmem:$0x12800] =	vst v63  }
0xe4: {  	_ =	swait.ge @p0 [sflag:s17], $0x1000  }
0xe5: {  	[sflag:s17] =	ssyncset.done @p0 $0x0  }
0xe6: {  	[sflag:s17] =	ssyncadd.s32 @p0 $0xFFFFF000;
	s17 =	simm.s32 @p0 $0xF  }
0xe7: {  	_ =	swait.ge @p0 [sflag:s17], $0x80  }
0xe8: {  	[sflag:s17] =	ssyncset.done @p0 $0x0  }
0xe9: {  	[sflag:s17] =	ssyncadd.s32 @p0 $0xFFFFFF80;
	s17 =	simm.s32 @p0 $0x1B  }
0xea: {  	_ =	swait.ge @p0 [sflag:s17], $0x1000  }
0xeb: {  	[sflag:s17] =	ssyncset.done @p0 $0x0  }
0xec: {  	s19 =	simm.s32 @p0 $0x6800;
	[sflag:s17] =	ssyncadd.s32 @p0 $0xFFFFF000;
	s17 =	simm.s32 @p0 $0x700  }
0xed: {  	[spmem:s2] =	stream.indirect.scatter.add.bf16 @p0 [tilespmem:s19], [sflag:$0x1B], $0x20, s17, s21, $0xb8;
	[tilespmem:$0x12800] =	vst v63  }
0xee: {  	s17 =	sadd.s32 @!p0 $0xA090, s18;
	s19 =	simm.s32 @!p0 $0x480  }
0xef: {  	[tilespmem:s19], [sflag:$0xA] =	stream.linear.gather @!p0 [hbm4b:s17+s11], $0x80, $0x38;
	[tilespmem:$0x12800] =	vst v63  }
0xf0: {  	s17 =	simm.s32 @!p0 $0x2  }
0xf1: {  	_ =	swait.ge @!p0 [sflag:s17], $0x80  }
0xf2: {  	[sflag:s17] =	ssyncset.done @!p0 $0x0  }
0xf3: {  	[sflag:s17] =	ssyncadd.s32 @!p0 $0xFFFFFF80;
	s17 =	simm.s32 @!p0 $0x1800  }
0xf4: {  	[tilespmem:s17], [sflag:$0x12] =	stream.indirect.gather @!p0 [spmem:s3], $0x20, s15, s15, $0xb8;
	[tilespmem:$0x12800] =	vst v63  }
0xf5: {  	s19 =	simm.s32 @!p0 $0x280;
	s17 =	sadd.s32 @!p0 $0xD0, s18  }
0xf6: {  	[tilespmem:s19], [sflag:$0x6] =	stream.linear.gather @!p0 [hbm4b:s17+s11], $0x80, $0x38;
	[tilespmem:$0x12800] =	vst v63  }
0xf7: {  	s17 =	simm.s32 @!p0 $0x17  }
0xf8: {  	_ =	swait.ge @!p0 [sflag:s17], $0x1000  }
0xf9: {  	[sflag:s17] =	ssyncset.done @!p0 $0x0  }
0xfa: {  	[sflag:s17] =	ssyncadd.s32 @!p0 $0xFFFFF000;
	s17 =	simm.s32 @!p0 $0xF  }
0xfb: {  	_ =	swait.ge @!p0 [sflag:s17], $0x80  }
0xfc: {  	[sflag:s17] =	ssyncset.done @!p0 $0x0  }
0xfd: {  	[sflag:s17] =	ssyncadd.s32 @!p0 $0xFFFFFF80;
	s17 =	simm.s32 @!p0 $0x1B  }
0xfe: {  	_ =	swait.ge @!p0 [sflag:s17], $0x1000  }
0xff: {  	[sflag:s17] =	ssyncset.done @!p0 $0x0  }
0x100: {  	s19 =	simm.s32 @!p0 $0x6800;
	[sflag:s17] =	ssyncadd.s32 @!p0 $0xFFFFF000;
	s17 =	simm.s32 @!p0 $0x700  }
0x101: {  	[spmem:s2] =	stream.indirect.scatter.add.bf16 @!p0 [tilespmem:s19], [sflag:$0x1B], $0x20, s17, s15, $0xb8;
	[tilespmem:$0x12800] =	vst v63  }
0x102: {  	s17 =	sadd.s32 @!p0 $0xA0A0, s18;
	s19 =	simm.s32 @!p0 $0x500  }
0x103: {  	[tilespmem:s19], [sflag:$0xB] =	stream.linear.gather @!p0 [hbm4b:s17+s11], $0x80, $0x38;
	[tilespmem:$0x12800] =	vst v63  }
0x104: {  	s17 =	simm.s32 @!p0 $0x3  }
0x105: {  	_ =	swait.ge @!p0 [sflag:s17], $0x80  }
0x106: {  	[sflag:s17] =	ssyncset.done @!p0 $0x0  }
0x107: {  	[sflag:s17] =	ssyncadd.s32 @!p0 $0xFFFFFF80;
	s17 =	simm.s32 @!p0 $0x2800  }
0x108: {  	[tilespmem:s17], [sflag:$0x13] =	stream.indirect.gather @!p0 [spmem:s3], $0x20, s6, s15, $0xb8;
	[tilespmem:$0x12800] =	vst v63  }
0x109: {  	s6 =	sadd.s32 @!p0 $0xE0, s18;
	s15 =	simm.s32 @!p0 $0x300  }
0x10a: {  	[tilespmem:s15], [sflag:$0x7] =	stream.linear.gather @!p0 [hbm4b:s6+s11], $0x80, $0x38;
	[tilespmem:$0x12800] =	vst v63  }
0x10b: {  	_ =	swait.ge [sflag:s16], $0x1000  }
0x10c: {  	[sflag:s16] =	ssyncset.done $0x0  }
0x10d: {  	[sflag:s16] =	ssyncadd.s32 $0xFFFFF000  }
0x10e: {  	_ =	swait.ge [sflag:s29], $0x80  }
0x10f: {  	[sflag:s29] =	ssyncset.done $0x0  }
.Ltmp2:
0x110: {  	[sflag:s29] =	ssyncadd.s32 $0xFFFFFF80;
	(pc) =	sbr.rel @p0 .LBB2_4-.Ltmp2, $4  }
0x111: {  	_ =	swait.ge [sflag:s31], $0x1000  }
0x112: {  	[sflag:s31] =	ssyncset.done $0x0  }
0x113: {  	s28 =	simm.s32 $0x580;
	s20 =	simm.s32 $0x380;
	[sflag:s31] =	ssyncadd.s32 $0xFFFFF000  }
0x114: {  	[spmem:s2] =	stream.indirect.scatter.add.bf16 [tilespmem:s24], [sflag:$0x1C], $0x20, s7, s26, $0xb8;
	[tilespmem:$0x12800] =	vst v63  }
0x115: {  	s6 =	sadd.s32 $0xA0B0, s10;
	s18 =	simm.s32 $0x4  }
0x116: {  	[tilespmem:s28], [sflag:$0xC] =	stream.linear.gather [hbm4b:s6+s4], $0x80, $0x38;
	[tilespmem:$0x12800] =	vst v63  }
0x117: {  	_ =	swait.ge [sflag:s18], $0x80  }
.Ltmp3:
0x118: {  	s19 =	simm.s32 $0x180;
	[sflag:s18] =	ssyncset.done $0x0;
	(pc) =	sbr.rel .LBB2_2-.Ltmp3, $4  }
0x119: {  	s21 =	sadd.s32 $0xF0, s10;
	s0 =	sadd.s32 $0x80, s0;
	[sflag:s18] =	ssyncadd.s32 $0xFFFFFF80  }
0x11a: {  	[tilespmem:s25], [sflag:$0x14] =	stream.indirect.gather [spmem:s3], $0x20, s19, s26, $0xb8;
	[tilespmem:$0x12800] =	vst v63  }
0x11b: {  	s17 =	simm.s32 $0x380;
	s28 =	simm.s32 $0x3800;
	s19 =	simm.s32 $0x580  }
0x11c: {  	[tilespmem:s20], [sflag:$0x8] =	stream.linear.gather [hbm4b:s21+s4], $0x80, $0x38;
	[tilespmem:$0x12800] =	vst v63  }
.LBB2_5:
0x11d: {  	_ =	sfence.sel $0x180000  }
0x11e: {  	[bflag:$0x0] =	sbarrier.arrive $0xFFFF  }
0x11f: {  	_ =	strace $0x9000004A  }
0x120: {  	s0 =	stileid.u32;
	[bflag:$0x2] =	sbarrier.arrive $0xFFFF  }
0x121: {  	p0 =	sne.s32 s0, $0x0;
	s0 =	rddreg [dreg:$0x4]  }
0x122: {  	s0 =	sadd.s32 @!p0 $0x100000, s0  }
0x123: {  	[sflag:s0] =	ssyncadd.tile.s32 @!p0 $0x1;
	_ =	shalt  }
.Lfunc_end2:
_tile_overlayer_lowered:
.L_overlay_start_2:
0x124: {  	(tag) =	ssettag $0x2  }
0x125: {  	s0 =	rddreg [dreg:$0x0];
	s2 =	stileid.u32  }
0x126: {  	s1 =	rddreg [dreg:$0x1];
	p0 =	sne.s32 s2, $0x0  }
0x127: {  	s3 =	rddreg [dreg:$0x2];
	[bflag:$0x3] =	sbarrier.arrive $0xFFFF;
	s2 =	simm.s32 @!p0 $0x1C1D  }
0x128: {  	[timem:s3], [sflag:s2] =	dma.local @!p0 [hbm:s0], s1  }
0x129: {  	s0 =	simm.s32 @!p0 $0x1D  }
0x12a: {  	_ =	swait.ge @!p0 [sflag:s0], s1  }
0x12b: {  	s1 =	ssub.s32 @!p0 $0x0, s1;
	[sflag:s0] =	ssyncset.done @!p0 $0x0  }
0x12c: {  	[sflag:s0] =	ssyncadd.s32 @!p0 s1  }
0x12d: {  	[bflag:$0x3] =	sbarrier.arrive $0xFFFF  }
0x12e: {  	_ =	shalt  }

// kernel: kernel.15.cloned.1.call-start
scs
__scs_entry_jumppad:
0x0: {  	(pc) =	sbr.rel $0x88, $3  }
0x1: {  	(tag) =	ssettag $0x0;
	lr =	simm.s32 $0x1  }
0x2: {  	[smem:$0x3F9B] =	sst lr;
	_ =	strace $0xD0000000  }
0x3: {  	_ = 	snop  }
0x4: {  	_ = 	snop  }
0x5: {  	_ = 	snop  }
0x6: {  	_ = 	snop  }
0x7: {  	_ = 	snop  }
__scs_overlays_trampoline_lowered:
0x8: {  	[smem:$0x3FAA] =	sst s0  }
0x9: {  	[smem:$0x3FAB] =	sst s1  }
0xa: {  	[smem:$0x3FAC] =	sst s2  }
0xb: {  	[smem:$0x3FAD] =	sst s3  }
0xc: {  	[smem:$0x3FAE] =	sst s4  }
0xd: {  	[smem:$0x3FAF] =	sst s5  }
0xe: {  	[smem:$0x3FB0] =	sst s6  }
0xf: {  	[smem:$0x3FB1] =	sst s7  }
0x10: {  	[smem:$0x3FB2] =	sst s8  }
0x11: {  	[smem:$0x3FB3] =	sst s9;
	s0 =	simm.s32 @!p0 $0x0  }
0x12: {  	s1 =	sld [smem:$0x3F99];
	s0 =	simm.s32 @p0 $0x1  }
0x13: {  	[smem:$0x3FB4] =	sst s0;
	s0 =	simm.s32 @!p1 $0x0  }
0x14: {  	s2 =	sld [smem:$0x3F98];
	s0 =	simm.s32 @p1 $0x1  }
0x15: {  	[smem:$0x3FB5] =	sst s0;
	s0 =	simm.s32 @!p2 $0x0  }
0x16: {  	s3 =	sld [smem:$0x3FDB];
	s0 =	simm.s32 @p2 $0x1  }
0x17: {  	s4 =	simm.s32 $0x1BF5;
	[smem:$0x3FB7] =	sst s0  }
0x18: {  	s0 =	sld [smem:$0x3F9A];
	_ =	swait.ge [sflag:s4], $0x0  }
0x19: {  	s7 =	sld [smem:$0x3F9B]  }
0x1a: {  	s8 =	sadd.s32 $0xFFFFE003, lr  }
0x1b: {  	s9 =	sadd.s32 $0xFFFFFEF7, lr;
	s5 =	simm.s32 $0xFFFFFFFF;
	p2 =	slt.u32 s8, $0xFFFFF086  }
0x1c: {  	p1 =	slt.u32 s9, $0xF7A;
	s5 =	simm.s32 @!p2 $0x0  }
0x1d: {  	s5 =	simm.s32 @p1 $0x1;
	p0 =	seq.s32 s7, s2  }
0x1e: {  	s7 =	smul.u32 @!p0 $0xF7A, s2;
	p2 =	seq.s32 @!p0 s5, $0x0  }
0x1f: {  	s9 =	smul.u32 $0xF7A, s1;
	s8 =	simm.s32 @!p0 $0x1BF5;
	p2 =	por !p2, p0  }
0x20: {  	[sflag:s8] =	ssyncset.s32 @!p0 $0xFFFFF086;
	s6 =	sadd.s32 @!p0 s3, s7;
	s7 =	simm.s32 @!p0 $0x108  }
0x21: {  	s3 =	sadd.s32 s3, s9;
	s6 =	sadd.s32 @!p0 $0x88, s6;
	s7 =	simm.s32 @p2 $0x1082  }
0x22: {  	[simem:s7], [sflag:s8] =	dma.local @!p0 [hbm:s6], $0xF7A  }
0x23: {  	s9 =	sor.u32 $0xD0000000, s2;
	s6 =	simm.s32 $0x108;
	_ =	swait.ge @!p0 [sflag:s8], $0x0  }
0x24: {  	s3 =	sadd.s32 $0x88, s3;
	s6 =	simm.s32 @!p1 $0x1082;
	[sflag:s4] =	ssyncset.s32 $0xFFFFF086  }
0x25: {  	[simem:s6], [sflag:s4] =	dma.local [hbm:s3], $0xF7A  }
0x26: {  	[smem:$0x3F9B] =	sst s1;
	(tag) =	ssettag s2;
	_ =	strace s9  }
0x27: {  	s1 =	sld [smem:$0x3FAB]  }
0x28: {  	s2 =	sld [smem:$0x3FAC]  }
0x29: {  	s4 =	sld [smem:$0x3FAE]  }
0x2a: {  	p0 =	seq.s32 s5, $0x0;
	s5 =	sld [smem:$0x3FAF]  }
0x2b: {  	s6 =	sld [smem:$0x3FB0]  }
0x2c: {  	s7 =	sld [smem:$0x3FB1]  }
0x2d: {  	s3 =	simm.s32 $0x108;
	s8 =	sld [smem:$0x3FB2]  }
0x2e: {  	s3 =	simm.s32 @!p0 $0x1082;
	s9 =	sld [smem:$0x3FB3]  }
0x2f: {  	lr =	sadd.s32 s0, s3;
	s0 =	sld [smem:$0x3FAA]  }
0x30: {  	s3 =	sld [smem:$0x3FAD]  }
0x31: {  	[smem:$0x3FB6] =	sst s10  }
0x32: {  	s10 =	sld [smem:$0x3FB4];
	_ =	sdelay $0x3  }
0x33: {  	p0 =	seq.s32 s10, $0x1;
	s10 =	sld [smem:$0x3FB6];
	_ =	sdelay $0x3  }
0x34: {  	[smem:$0x3FB6] =	sst s10  }
0x35: {  	s10 =	sld [smem:$0x3FB5];
	_ =	sdelay $0x3  }
0x36: {  	p1 =	seq.s32 s10, $0x1;
	s10 =	sld [smem:$0x3FB6];
	_ =	sdelay $0x3  }
0x37: {  	[smem:$0x3FB6] =	sst s10  }
0x38: {  	s10 =	sld [smem:$0x3FB7]  }
0x39: {  	_ = 	snop;
	(pc) =	sbr.ind lr, $3  }
0x3a: {  	_ = 	snop  }
0x3b: {  	_ = 	snop  }
0x3c: {  	p2 =	seq.s32 s10, $0x1;
	s10 =	sld [smem:$0x3FB6]  }
0x3d: {  	_ =	shalt  }
0x3e: {  	_ =	shalt  }
0x3f: {  	_ =	shalt  }
0x40: {  	_ =	shalt  }
0x41: {  	_ =	shalt  }
0x42: {  	_ =	shalt  }
0x43: {  	_ =	shalt  }
0x44: {  	_ =	shalt  }
0x45: {  	_ =	shalt  }
0x46: {  	_ =	shalt  }
0x47: {  	_ =	shalt  }
0x48: {  	_ =	shalt  }
0x49: {  	_ =	shalt  }
0x4a: {  	_ =	shalt  }
0x4b: {  	_ =	shalt  }
0x4c: {  	_ =	shalt  }
0x4d: {  	_ =	shalt  }
0x4e: {  	_ =	shalt  }
0x4f: {  	_ =	shalt  }
0x50: {  	_ =	shalt  }
0x51: {  	_ =	shalt  }
0x52: {  	_ =	shalt  }
0x53: {  	_ =	shalt  }
0x54: {  	_ =	shalt  }
0x55: {  	_ =	shalt  }
0x56: {  	_ =	shalt  }
0x57: {  	_ =	shalt  }
0x58: {  	_ =	shalt  }
0x59: {  	_ =	shalt  }
0x5a: {  	_ =	shalt  }
0x5b: {  	_ =	shalt  }
0x5c: {  	_ =	shalt  }
0x5d: {  	_ =	shalt  }
0x5e: {  	_ =	shalt  }
0x5f: {  	_ =	shalt  }
0x60: {  	_ =	shalt  }
0x61: {  	_ =	shalt  }
0x62: {  	_ =	shalt  }
0x63: {  	_ =	shalt  }
0x64: {  	_ =	shalt  }
0x65: {  	_ =	shalt  }
0x66: {  	_ =	shalt  }
0x67: {  	_ =	shalt  }
0x68: {  	_ =	shalt  }
0x69: {  	_ =	shalt  }
0x6a: {  	_ =	shalt  }
0x6b: {  	_ =	shalt  }
0x6c: {  	_ =	shalt  }
0x6d: {  	_ =	shalt  }
0x6e: {  	_ =	shalt  }
0x6f: {  	_ =	shalt  }
0x70: {  	_ =	shalt  }
0x71: {  	_ =	shalt  }
0x72: {  	_ =	shalt  }
0x73: {  	_ =	shalt  }
0x74: {  	_ =	shalt  }
0x75: {  	_ =	shalt  }
0x76: {  	_ =	shalt  }
0x77: {  	_ =	shalt  }
0x78: {  	_ =	shalt  }
0x79: {  	_ =	shalt  }
0x7a: {  	_ =	shalt  }
0x7b: {  	_ =	shalt  }
0x7c: {  	_ =	shalt  }
0x7d: {  	_ =	shalt  }
0x7e: {  	_ =	shalt  }
0x7f: {  	_ =	shalt  }
0x80: {  	_ =	shalt  }
0x81: {  	_ =	shalt  }
0x82: {  	_ =	shalt  }
0x83: {  	_ =	shalt  }
0x84: {  	_ =	shalt  }
0x85: {  	_ =	shalt  }
0x86: {  	_ =	shalt  }
0x87: {  	_ =	shalt  }
.Lfunc_end0:
.L_simem_size_0:
called_computation.2_lowered:
.L_overlay_start_0:
0x88: {  	s2 =	sld [smem:$0x3FD9]  }
0x89: {  	s3 =	sld [smem:$0x3FFE];
	_ =	sdelay $0x1  }
0x8a: {  	s1 =	srdreg.scid  }
0x8b: {  	s0 =	sand.u32 $0x1, s1  }
0x8c: {  	s17 =	sshll.u32 s0, $0xA;
	s2 =	sadd.s32 s3, s2  }
0x8d: {  	s2 =	sadd.s32 s2, s17  }
0x8e: {  	[smem:$0x3FC2] =	sst s2  }
0x8f: {  	_ = 	snop  }
0x90: {  	s2 =	sld [smem:$0x3FD0];
	(tm) =	ssettm $0x1  }
0x91: {  	s18 =	sld [smem:$0x3FFB];
	_ =	sdelay $0x3  }
0x92: {  	_ =	strace s18  }
0x93: {  	s3 =	sld [smem:$0x3FFC];
	_ =	sdelay $0x3  }
0x94: {  	_ =	strace s3  }
0x95: {  	s3 =	sld [smem:$0x3FFD];
	_ =	sdelay $0x3  }
0x96: {  	_ =	strace s3  }
0x97: {  	_ =	strace $0x8FFFFFFF  }
0x98: {  	s19 =	sld [smem:$0x3FDB];
	_ =	sdelay $0x1  }
0x99: {  	s4 =	simm.s32 $_scs_section_size  }
0x9a: {  	s5 =	simm.s32 $_size__tile_overlayer_lowered;
	s6 =	simm.s32 $_tile_overlayer_lowered  }
0x9b: {  	s22 =	simm.s32 $0x1BFF;
	s21 =	sshll.u32 s6, $0x1;
	s3 =	sadd.s32 s4, s19  }
0x9c: {  	s7 =	simm.s32 $0x0;
	s20 =	sshll.u32 s5, $0x1;
	s5 =	sadd.s32 s21, s3  }
0x9d: {  	[timem:s7], [sflag:s22] =	dma.local [hbm:s5], s20  }
0x9e: {  	_ =	swait.ge [sflag:s22], s20  }
0x9f: {  	s4 =	ssub.s32 $0x0, s20;
	[sflag:s22] =	ssyncset.done $0x0  }
0xa0: {  	[sflag:s22] =	ssyncadd.s32 s4;
	_ =	sdelay $0x1  }
0xa1: {  	s23 =	simm.s32 $0x1B8B  }
0xa2: {  	_ =	swait.ge [sflag:s23], $0x1  }
0xa3: {  	[sflag:s23] =	ssyncset.done $0x0  }
0xa4: {  	s25 =	simm.s32 $0x1B8E;
	s24 =	sld [smem:$0x3FFE];
	[sflag:s23] =	ssyncadd.s32 $0xFFFFFFFF  }
0xa5: {  	s26 =	simm.s32 $execute0_lowered;
	[smem:$0x3FD2] =	sst s25  }
0xa6: {  	s5 =	sshll.u32 s26, $0x1;
	_ =	strace $0x8000004C;
	[dreg:$0x1] =	wrdreg $0xFFFFFFFF  }
0xa7: {  	s28 =	simm.s32 $_size_execute0_lowered;
	s3 =	sadd.s32 s3, s5;
	[dreg:$0x0] =	wrdreg $0x0  }
0xa8: {  	s5 =	sshll.u32 s28, $0x1;
	[dreg:$0x2] =	wrdreg s3  }
0xa9: {  	[dreg:$0x3] =	wrdreg s5  }
0xaa: {  	[dreg:$0x4] =	wrdreg $0xC0  }
0xab: {  	_ =	task [dreg:s7], $0x5FFFF  }
0xac: {  	[dreg:$0x1] =	wrdreg $0xFFFFFFFF  }
0xad: {  	[dreg:$0x0] =	wrdreg $0x60  }
0xae: {  	[dreg:$0x2] =	wrdreg s24  }
0xaf: {  	[dreg:$0x3] =	wrdreg s2  }
0xb0: {  	[dreg:$0x4] =	wrdreg $0x88000  }
0xb1: {  	[dreg:$0x5] =	wrdreg $0xD8000  }
0xb2: {  	[dreg:$0x6] =	wrdreg $0x9  }
0xb3: {  	_ =	task.clear_ibuf [dreg:s7], $0x7FFFF;
	_ =	strace $0x9000004C  }
0xb4: {  	s29 =	simm.s32 $0x9;
	_ =	strace $0x8000004E  }
0xb5: {  	_ =	swait.ge [sflag:s29], $0x1  }
0xb6: {  	[sflag:s29] =	ssyncadd.s32 $0xFFFFFFFF  }
0xb7: {  	_ =	strace $0x9000004E  }
0xb8: {  	_ =	sfence  }
0xb9: {  	s30 =	sld [smem:$0x0];
	_ =	sdelay $0x2  }
0xba: {  	s31 =	sshll.u32 s1, $0xD;
	s1 =	sshrl.u32 s1, $0x2  }
0xbb: {  	s3 =	sand.u32 $0x4000, s31;
	s1 =	sadd.s32 s1, s30  }
0xbc: {  	s0 =	sor.u32 s3, s0;
	s1 =	sshll.u32 s1, $0x11  }
0xbd: {  	s0 =	sor.u32 s1, s0  }
0xbe: {  	s0 =	sadd.s32 $0x8F2B, s0  }
0xbf: {  	[sflag:s0] =	ssyncadd.remote.s32 $0x1  }
0xc0: {  	_ =	sfence.sel $0xFFFF  }
0xc1: {  	[dreg:$0x0] =	wrdreg $0xFFFFFFFF;
	(pc) =	sbr.abs _section_cstart, $3  }
0xc2: {  	[dreg:$0x1] =	wrdreg $0xFFFFFFFF  }
0xc3: {  	_ =	task.clear_ibuf [dreg:s7], $0x2FFFF;
	_ =	strace $0x9FFFFFFF  }
0xc4: {  	(tm) =	ssettm $0x7FFFFFFF  }
0xc5: {  	_ =	shalt  }
tec
execute0_lowered:
.L_overlay_start_1:
0x0: {  	(tag) =	ssettag $0x1  }
0x1: {  	s0 =	rddreg [dreg:$0x0]  }
0x2: {  	s1 =	rddreg [dreg:$0x1];
	s3 =	srdreg.scid  }
0x3: {  	s12 =	stileid.u32;
	s2 =	rddreg [dreg:$0x2]  }
0x4: {  	s4 =	simm.s32 $0x0;
	s30 =	simm.s32 $0x7;
	s29 =	simm.s32 $0x10  }
0x5: {  	s5 =	sand.u32 $0x1, s3;
	s6 =	smul.u32 $0xA000, s12;
	s3 =	rddreg [dreg:$0x3]  }
0x6: {  	s31 =	simm.s32 $0x1C;
	[smem:$0x7FF] =	sst s4;
	s11 =	smul.u32 $0x5000, s12  }
0x7: {  	s8 =	sadd.s32 $0x7600, s0;
	s28 =	sshll.u32 s12, $0x6;
	s12 =	smul.u32 $0xA00, s12  }
0x8: {  	_ =	strace $0x8000004D;
	[dreg:$0x5] =	wrdreg s8;
	s25 =	ssub.s32 $0x2, s5  }
0x9: {  	s16 =	sor.u32 $0x1C1D, s28;
	s9 =	sshrl.u32 s25, $0x1;
	s10 =	sshrl.u32 s6, $0x1  }
0xa: {  	s11 =	sshrl.u32 s11, $0x3;
	[dreg:$0x7] =	wrdreg s16;
	s26 =	sadd.s32 s10, s2  }
0xb: {  	s8 =	ssub.s32 s25, s9;
	s9 =	sadd.s32 s1, s11;
	[dreg:$0x6] =	wrdreg s26  }
0xc: {  	s7 =	smul.u32 $0xA0000, s5;
	s14 =	sadd.s32 $0x10, s9;
	[dreg:$0x8] =	wrdreg s9  }
0xd: {  	s13 =	sadd.s32 s10, s3;
	s15 =	sadd.s32 $0x20, s9;
	[dreg:$0x9] =	wrdreg s14  }
0xe: {  	s10 =	sadd.s32 s12, s1;
	s17 =	sadd.s32 $0x30, s9;
	[dreg:$0xa] =	wrdreg s15  }
0xf: {  	p0 =	seq.s32 s5, $0x1;
	s18 =	sadd.s32 $0x40, s10;
	[dreg:$0xb] =	wrdreg s17  }
0x10: {  	s5 =	simm.s32 $0xC;
	s19 =	sadd.s32 $0x50, s10;
	[dreg:$0xc] =	wrdreg s18  }
0x11: {  	s7 =	sadd.s32 s6, s7;
	s20 =	sadd.s32 $0x60, s10;
	[dreg:$0xd] =	wrdreg s19  }
0x12: {  	s6 =	sshrl.u32 s6, $0x4;
	s11 =	sadd.s32 $0x70, s10;
	[dreg:$0xe] =	wrdreg s20  }
0x13: {  	s1 =	simm.s32 $0x12000;
	s21 =	sadd.s32 $0xA000, s9;
	[dreg:$0xf] =	wrdreg s11  }
0x14: {  	s7 =	sshrl.u32 s7, $0x4;
	s22 =	sadd.s32 $0xA010, s9;
	[dreg:$0x10] =	wrdreg s21  }
0x15: {  	s1 =	simm.s32 @!p0 $0x8000;
	s23 =	sadd.s32 $0xA020, s9;
	[dreg:$0x11] =	wrdreg s22  }
0x16: {  	s24 =	sadd.s32 $0xA030, s9;
	s26 =	smax.u32 s8, $0x1;
	[dreg:$0x12] =	wrdreg s23  }
0x17: {  	s28 =	sshrl.u32 s13, $0x3;
	s9 =	simm.s32 $0x8;
	[dreg:$0x13] =	wrdreg s24  }
0x18: {  	s13 =	simm.s32 $0x16;
	s8 =	simm.s32 $0x680;
	[dreg:$0x15] =	wrdreg s26  }
0x19: {  	s7 =	sadd.s32 s7, s0;
	s0 =	sadd.s32 s1, s0;
	[dreg:$0x17] =	wrdreg s28  }
0x1a: {  	s26 =	simm.s32 $0x80;
	s18 =	simm.s32 $0x380;
	s20 =	simm.s32 $0x580  }
.Ltmp0:
0x1b: {  	s22 =	simm.s32 $0x3800;
	s1 =	simm.s32 $0x14;
	(pc) =	sbr.rel .LBB2_1-.Ltmp0, $4  }
0x1c: {  	s23 =	simm.s32 $0xE;
	s15 =	simm.s32 $0x1A;
	s17 =	simm.s32 $0x18  }
0x1d: {  	s14 =	simm.s32 $0x5800;
	s24 =	simm.s32 $0x7800;
	s25 =	sadd.s32 $0x1C000, s7  }
0x1e: {  	s0 =	sadd.s32 s0, s6;
	s6 =	simm.s32 $0x1D;
	[dreg:$0x14] =	wrdreg s25  }
0x1f: {  	s7 =	simm.s32 $0x0;
	[dreg:$0x16] =	wrdreg s0;
	s25 =	simm.s32 $0x3800  }
.LBB2_4:
0x20: {  	s0 =	simm.s32 $0x19  }
0x21: {  	_ =	swait.ge [sflag:s0], $0x1000  }
0x22: {  	[sflag:s0] =	ssyncset.done $0x0  }
0x23: {  	[sflag:s0] =	ssyncadd.s32 $0xFFFFF000  }
0x24: {  	_ =	swait.ge [sflag:s15], $0x1000  }
0x25: {  	[sflag:s15] =	ssyncset.done $0x0  }
0x26: {  	s21 =	simm.s32 $0x1B;
	[sflag:s15] =	ssyncadd.s32 $0xFFFFF000  }
0x27: {  	_ =	swait.ge [sflag:s21], $0x1000  }
0x28: {  	[sflag:s21] =	ssyncset.done $0x0  }
0x29: {  	[sflag:s21] =	ssyncadd.s32 $0xFFFFF000  }
0x2a: {  	_ =	swait.ge [sflag:s31], $0x1000  }
0x2b: {  	[sflag:s31] =	ssyncset.done $0x0  }
0x2c: {  	[sflag:s31] =	ssyncadd.s32 $0xFFFFF000  }
0x2d: {  	[bflag:$0x0] =	sbarrier.arrive $0xFFFF  }
0x2e: {  	s16 =	rddreg [dreg:$0x7]  }
0x2f: {  	s22 =	rddreg [dreg:$0x14]  }
0x30: {  	s6 =	rddreg [dreg:$0x19]  }
0x31: {  	[hbm:s22], [sflag:s16] =	dma.local [spmem:s6], $0xA00  }
0x32: {  	s6 =	simm.s32 $0x1D  }
0x33: {  	_ =	swait.ge [sflag:s6], $0xA00  }
0x34: {  	s7 =	rddreg [dreg:$0x18]  }
0x35: {  	s28 =	rddreg [dreg:$0x15];
	s7 =	sadd.s32 $0x1, s7  }
0x36: {  	p0 =	sne.s32 s7, s28  }
.Ltmp1:
0x37: {  	_ = 	snop;
	(pc) =	sbr.rel @!p0 .LBB2_5-.Ltmp1, $3  }
0x38: {  	_ =	sdelay $0x1  }
0x39: {  	s18 =	simm.s32 $0x380;
	[sflag:s6] =	ssyncset.done $0x0  }
0x3a: {  	s20 =	simm.s32 $0x580;
	s22 =	simm.s32 $0x3800;
	[sflag:s6] =	ssyncadd.s32 $0xFFFFF600  }
.LBB2_1:
0x3b: {  	[dreg:$0x18] =	wrdreg s7  }
0x3c: {  	s0 =	rddreg [dreg:$0x6]  }
0x3d: {  	s21 =	rddreg [dreg:$0x5];
	s19 =	sshrl.u32 s0, $0x3  }
0x3e: {  	[dreg:$0x19] =	wrdreg s19  }
0x3f: {  	[spmem:s19], [sflag:s16] =	dma.local [hbm:s21], $0xA00  }
0x40: {  	_ =	swait.ge [sflag:s6], $0xA00  }
0x41: {  	[sflag:s6] =	ssyncset.done $0x0;
	s28 =	rddreg [dreg:$0x16]  }
0x42: {  	s11 =	rddreg [dreg:$0x17];
	[sflag:s6] =	ssyncadd.s32 $0xFFFFF600  }
0x43: {  	[spmem:s11], [sflag:s16] =	dma.local [hbm:s28], $0xA00  }
0x44: {  	_ =	swait.ge [sflag:s6], $0xA00  }
0x45: {  	[sflag:s6] =	ssyncset.done $0x0  }
0x46: {  	[sflag:s6] =	ssyncadd.s32 $0xFFFFF600  }
0x47: {  	[bflag:$0x0] =	sbarrier.arrive $0xFFFF  }
0x48: {  	s6 =	rddreg [dreg:$0x8]  }
0x49: {  	[tilespmem:s4], [sflag:$0x1] =	stream.linear.gather [hbm4b:s6+s4], $0x80, $0x38;
	[tilespmem:$0x12800] =	vst v63  }
0x4a: {  	s7 =	rddreg [dreg:$0x9]  }
0x4b: {  	[tilespmem:s26], [sflag:$0x2] =	stream.linear.gather [hbm4b:s7+s4], $0x80, $0x38;
	[tilespmem:$0x12800] =	vst v63  }
0x4c: {  	s11 =	rddreg [dreg:$0xa];
	s6 =	simm.s32 $0x100  }
0x4d: {  	[tilespmem:s6], [sflag:$0x3] =	stream.linear.gather [hbm4b:s11+s4], $0x80, $0x38;
	[tilespmem:$0x12800] =	vst v63  }
0x4e: {  	s12 =	rddreg [dreg:$0xb];
	s11 =	simm.s32 $0x180  }
0x4f: {  	[tilespmem:s11], [sflag:$0x4] =	stream.linear.gather [hbm4b:s12+s4], $0x80, $0x38;
	[tilespmem:$0x12800] =	vst v63  }
0x50: {  	s16 =	rddreg [dreg:$0xc];
	s12 =	simm.s32 $0x200  }
0x51: {  	[tilespmem:s12], [sflag:$0x5] =	stream.linear.gather [hbm4b:s16+s4], $0x80, $0x38;
	[tilespmem:$0x12800] =	vst v63  }
0x52: {  	s21 =	simm.s32 $0x280;
	s19 =	rddreg [dreg:$0xd]  }
0x53: {  	[tilespmem:s21], [sflag:$0x6] =	stream.linear.gather [hbm4b:s19+s4], $0x80, $0x38;
	[tilespmem:$0x12800] =	vst v63  }
0x54: {  	s28 =	rddreg [dreg:$0xe];
	s7 =	simm.s32 $0x300  }
0x55: {  	[tilespmem:s7], [sflag:$0x7] =	stream.linear.gather [hbm4b:s28+s4], $0x80, $0x38;
	[tilespmem:$0x12800] =	vst v63  }
0x56: {  	s16 =	rddreg [dreg:$0xf]  }
0x57: {  	[tilespmem:s18], [sflag:$0x8] =	stream.linear.gather [hbm4b:s16+s4], $0x80, $0x38;
	[tilespmem:$0x12800] =	vst v63  }
0x58: {  	s19 =	rddreg [dreg:$0x10];
	s21 =	simm.s32 $0x400  }
0x59: {  	[tilespmem:s21], [sflag:$0x9] =	stream.linear.gather [hbm4b:s19+s4], $0x80, $0x38;
	[tilespmem:$0x12800] =	vst v63  }
0x5a: {  	s28 =	rddreg [dreg:$0x11];
	s7 =	simm.s32 $0x480  }
0x5b: {  	[tilespmem:s7], [sflag:$0xA] =	stream.linear.gather [hbm4b:s28+s4], $0x80, $0x38;
	[tilespmem:$0x12800] =	vst v63  }
0x5c: {  	s16 =	rddreg [dreg:$0x12];
	s19 =	simm.s32 $0x500  }
0x5d: {  	[tilespmem:s19], [sflag:$0xB] =	stream.linear.gather [hbm4b:s16+s4], $0x80, $0x38;
	[tilespmem:$0x12800] =	vst v63  }
0x5e: {  	s21 =	rddreg [dreg:$0x13];
	s28 =	simm.s32 $0x1  }
0x5f: {  	[tilespmem:s20], [sflag:$0xC] =	stream.linear.gather [hbm4b:s21+s4], $0x80, $0x38;
	[tilespmem:$0x12800] =	vst v63  }
0x60: {  	_ =	swait.ge [sflag:s28], $0x80  }
0x61: {  	[sflag:s28] =	ssyncset.done $0x0  }
0x62: {  	s12 =	simm.s32 $0x2;
	s7 =	simm.s32 $0x800;
	[sflag:s28] =	ssyncadd.s32 $0xFFFFFF80  }
0x63: {  	[tilespmem:s7], [sflag:$0x11] =	stream.indirect.gather [spmem:s3], $0x20, s4, s26, $0xb8;
	[tilespmem:$0x12800] =	vst v63  }
0x64: {  	_ =	swait.ge [sflag:s12], $0x80  }
0x65: {  	[sflag:s12] =	ssyncset.done $0x0  }
0x66: {  	s16 =	simm.s32 $0x1800;
	s19 =	simm.s32 $0x3;
	[sflag:s12] =	ssyncadd.s32 $0xFFFFFF80  }
0x67: {  	[tilespmem:s16], [sflag:$0x12] =	stream.indirect.gather [spmem:s3], $0x20, s26, s26, $0xb8;
	[tilespmem:$0x12800] =	vst v63  }
0x68: {  	_ =	swait.ge [sflag:s19], $0x80  }
0x69: {  	[sflag:s19] =	ssyncset.done $0x0  }
0x6a: {  	s21 =	simm.s32 $0x2800;
	s28 =	simm.s32 $0x4;
	[sflag:s19] =	ssyncadd.s32 $0xFFFFFF80  }
0x6b: {  	[tilespmem:s21], [sflag:$0x13] =	stream.indirect.gather [spmem:s3], $0x20, s6, s26, $0xb8;
	[tilespmem:$0x12800] =	vst v63  }
0x6c: {  	_ =	swait.ge [sflag:s28], $0x80  }
0x6d: {  	[sflag:s28] =	ssyncset.done $0x0  }
0x6e: {  	s0 =	simm.s32 $0x0;
	[sflag:s28] =	ssyncadd.s32 $0xFFFFFF80  }
0x6f: {  	[tilespmem:s22], [sflag:$0x14] =	stream.indirect.gather [spmem:s3], $0x20, s11, s26, $0xb8;
	[tilespmem:$0x12800] =	vst v63  }
.LBB2_2:
0x70: {  	s6 =	simm.s32 $0x11  }
0x71: {  	_ =	swait.ge [sflag:s6], $0x1000  }
0x72: {  	[sflag:s6] =	ssyncset.done $0x0  }
0x73: {  	s11 =	simm.s32 $0x9;
	[sflag:s6] =	ssyncadd.s32 $0xFFFFF000  }
0x74: {  	_ =	swait.ge [sflag:s11], $0x80  }
0x75: {  	p1 =	seq.s32 s0, $0x0;
	[sflag:s11] =	ssyncset.done $0x0  }
0x76: {  	s6 =	simm.s32 @!p1 $0x19;
	[sflag:s11] =	ssyncadd.s32 $0xFFFFFF80  }
0x77: {  	_ =	swait.ge @!p1 [sflag:s6], $0x1000  }
0x78: {  	[sflag:s6] =	ssyncset.done @!p1 $0x0  }
0x79: {  	s12 =	simm.s32 $0x400;
	s11 =	simm.s32 $0x800;
	[sflag:s6] =	ssyncadd.s32 @!p1 $0xFFFFF000  }
0x7a: {  	[spmem:s2] =	stream.indirect.scatter.add.bf16 [tilespmem:s11], [sflag:$0x19], $0x20, s12, s26, $0xb8;
	[tilespmem:$0x12800] =	vst v63  }
0x7b: {  	s11 =	sadd.s32 s0, s10  }
0x7c: {  	s19 =	simm.s32 $0x5;
	s12 =	simm.s32 $0x600;
	s16 =	sadd.s32 $0xA040, s11  }
0x7d: {  	[tilespmem:s12], [sflag:$0xD] =	stream.linear.gather [hbm4b:s16+s4], $0x80, $0x38;
	[tilespmem:$0x12800] =	vst v63  }
0x7e: {  	_ =	swait.ge [sflag:s19], $0x80  }
0x7f: {  	s21 =	simm.s32 $0x200;
	p0 =	seq.s32 s0, $0x980;
	[sflag:s19] =	ssyncset.done $0x0  }
0x80: {  	s28 =	simm.s32 $0x4800;
	[sflag:s19] =	ssyncadd.s32 $0xFFFFFF80;
	s19 =	sadd.s32 @!p0 s0, s10  }
0x81: {  	[tilespmem:s28], [sflag:$0x15] =	stream.indirect.gather [spmem:s3], $0x20, s21, s26, $0xb8;
	[tilespmem:$0x12800] =	vst v63  }
0x82: {  	s7 =	simm.s32 $0x12;
	s12 =	simm.s32 @!p0 $0x0;
	s6 =	sadd.s32 @!p0 $0x80, s19  }
0x83: {  	[tilespmem:s12], [sflag:$0x1] =	stream.linear.gather @!p0 [hbm4b:s6+s12], $0x80, $0x38;
	[tilespmem:$0x12800] =	vst v63  }
0x84: {  	_ =	swait.ge [sflag:s7], $0x1000  }
0x85: {  	[sflag:s7] =	ssyncset.done $0x0  }
0x86: {  	s16 =	simm.s32 $0xA;
	[sflag:s7] =	ssyncadd.s32 $0xFFFFF000  }
0x87: {  	_ =	swait.ge [sflag:s16], $0x80  }
0x88: {  	[sflag:s16] =	ssyncset.done $0x0  }
0x89: {  	s6 =	simm.s32 @!p1 $0x1A;
	[sflag:s16] =	ssyncadd.s32 $0xFFFFFF80  }
0x8a: {  	_ =	swait.ge @!p1 [sflag:s6], $0x1000  }
0x8b: {  	[sflag:s6] =	ssyncset.done @!p1 $0x0  }
0x8c: {  	s21 =	simm.s32 $0x480;
	s16 =	simm.s32 $0x1800;
	[sflag:s6] =	ssyncadd.s32 @!p1 $0xFFFFF000  }
0x8d: {  	[spmem:s2] =	stream.indirect.scatter.add.bf16 [tilespmem:s16], [sflag:$0x1A], $0x20, s21, s26, $0xb8;
	[tilespmem:$0x12800] =	vst v63  }
0x8e: {  	s28 =	sadd.s32 $0xA050, s11;
	s7 =	simm.s32 $0x6  }
0x8f: {  	[tilespmem:s8], [sflag:$0xE] =	stream.linear.gather [hbm4b:s28+s4], $0x80, $0x38;
	[tilespmem:$0x12800] =	vst v63  }
0x90: {  	_ =	swait.ge [sflag:s7], $0x80  }
0x91: {  	[sflag:s7] =	ssyncset.done $0x0  }
0x92: {  	s16 =	simm.s32 $0x280;
	[sflag:s7] =	ssyncadd.s32 $0xFFFFFF80  }
0x93: {  	[tilespmem:s14], [sflag:$0x16] =	stream.indirect.gather [spmem:s3], $0x20, s16, s26, $0xb8;
	[tilespmem:$0x12800] =	vst v63  }
0x94: {  	s6 =	sadd.s32 @!p0 $0x90, s19;
	s21 =	simm.s32 $0x13;
	s16 =	simm.s32 @!p0 $0x80  }
0x95: {  	[tilespmem:s16], [sflag:$0x2] =	stream.linear.gather @!p0 [hbm4b:s6+s12], $0x80, $0x38;
	[tilespmem:$0x12800] =	vst v63  }
0x96: {  	_ =	swait.ge [sflag:s21], $0x1000  }
0x97: {  	[sflag:s21] =	ssyncset.done $0x0  }
0x98: {  	s28 =	simm.s32 $0xB;
	[sflag:s21] =	ssyncadd.s32 $0xFFFFF000  }
0x99: {  	_ =	swait.ge [sflag:s28], $0x80  }
0x9a: {  	[sflag:s28] =	ssyncset.done $0x0  }
0x9b: {  	s6 =	simm.s32 @!p1 $0x1B;
	[sflag:s28] =	ssyncadd.s32 $0xFFFFFF80  }
0x9c: {  	_ =	swait.ge @!p1 [sflag:s6], $0x1000  }
0x9d: {  	[sflag:s6] =	ssyncset.done @!p1 $0x0  }
0x9e: {  	s7 =	simm.s32 $0x500;
	s21 =	simm.s32 $0x2800;
	[sflag:s6] =	ssyncadd.s32 @!p1 $0xFFFFF000  }
0x9f: {  	[spmem:s2] =	stream.indirect.scatter.add.bf16 [tilespmem:s21], [sflag:$0x1B], $0x20, s7, s26, $0xb8;
	[tilespmem:$0x12800] =	vst v63  }
0xa0: {  	s28 =	sadd.s32 $0xA060, s11;
	s7 =	simm.s32 $0x700  }
0xa1: {  	[tilespmem:s7], [sflag:$0xF] =	stream.linear.gather [hbm4b:s28+s4], $0x80, $0x38;
	[tilespmem:$0x12800] =	vst v63  }
0xa2: {  	_ =	swait.ge [sflag:s30], $0x80  }
0xa3: {  	[sflag:s30] =	ssyncset.done $0x0  }
0xa4: {  	s28 =	simm.s32 $0x300;
	s7 =	simm.s32 $0x6800;
	[sflag:s30] =	ssyncadd.s32 $0xFFFFFF80  }
0xa5: {  	[tilespmem:s7], [sflag:$0x17] =	stream.indirect.gather [spmem:s3], $0x20, s28, s26, $0xb8;
	[tilespmem:$0x12800] =	vst v63  }
0xa6: {  	s6 =	simm.s32 @!p0 $0x100;
	s28 =	sadd.s32 @!p0 $0xA0, s19  }
0xa7: {  	[tilespmem:s6], [sflag:$0x3] =	stream.linear.gather @!p0 [hbm4b:s28+s12], $0x80, $0x38;
	[tilespmem:$0x12800] =	vst v63  }
0xa8: {  	_ =	swait.ge [sflag:s1], $0x1000  }
0xa9: {  	[sflag:s1] =	ssyncset.done $0x0  }
0xaa: {  	[sflag:s1] =	ssyncadd.s32 $0xFFFFF000  }
0xab: {  	_ =	swait.ge [sflag:s5], $0x80  }
0xac: {  	[sflag:s5] =	ssyncset.done $0x0  }
0xad: {  	s28 =	simm.s32 @!p1 $0x1C;
	[sflag:s5] =	ssyncadd.s32 $0xFFFFFF80  }
0xae: {  	_ =	swait.ge @!p1 [sflag:s28], $0x1000  }
0xaf: {  	[sflag:s28] =	ssyncset.done @!p1 $0x0  }
0xb0: {  	[sflag:s28] =	ssyncadd.s32 @!p1 $0xFFFFF000  }
0xb1: {  	[spmem:s2] =	stream.indirect.scatter.add.bf16 [tilespmem:s22], [sflag:$0x1C], $0x20, s20, s26, $0xb8;
	[tilespmem:$0x12800] =	vst v63  }
0xb2: {  	s7 =	simm.s32 $0x780;
	s22 =	sadd.s32 $0xA070, s11  }
0xb3: {  	[tilespmem:s7], [sflag:$0x10] =	stream.linear.gather [hbm4b:s22+s4], $0x80, $0x38;
	[tilespmem:$0x12800] =	vst v63  }
0xb4: {  	_ =	swait.ge [sflag:s9], $0x80  }
0xb5: {  	[sflag:s9] =	ssyncset.done $0x0  }
0xb6: {  	s28 =	simm.s32 @p0 $0x15;
	[sflag:s9] =	ssyncadd.s32 $0xFFFFFF80  }
0xb7: {  	[tilespmem:s24], [sflag:$0x18] =	stream.indirect.gather [spmem:s3], $0x20, s18, s26, $0xb8;
	[tilespmem:$0x12800] =	vst v63  }
0xb8: {  	_ =	swait.ge @p0 [sflag:s28], $0x1000  }
0xb9: {  	[sflag:s28] =	ssyncset.done @p0 $0x0  }
0xba: {  	[sflag:s28] =	ssyncadd.s32 @p0 $0xFFFFF000;
	s28 =	simm.s32 @p0 $0xD  }
0xbb: {  	_ =	swait.ge @p0 [sflag:s28], $0x80  }
0xbc: {  	[sflag:s28] =	ssyncset.done @p0 $0x0  }
0xbd: {  	[sflag:s28] =	ssyncadd.s32 @p0 $0xFFFFFF80;
	s28 =	simm.s32 @p0 $0x19  }
0xbe: {  	_ =	swait.ge @p0 [sflag:s28], $0x1000  }
0xbf: {  	s20 =	simm.s32 @p0 $0x4800;
	[sflag:s28] =	ssyncset.done @p0 $0x0  }
0xc0: {  	s18 =	simm.s32 @p0 $0x600;
	[sflag:s28] =	ssyncadd.s32 @p0 $0xFFFFF000;
	s28 =	simm.s32 @p0 $0x80  }
0xc1: {  	[spmem:s2] =	stream.indirect.scatter.add.bf16 @p0 [tilespmem:s20], [sflag:$0x19], $0x20, s18, s28, $0xb8;
	[tilespmem:$0x12800] =	vst v63  }
0xc2: {  	s18 =	sadd.s32 @!p0 $0xB0, s19;
	s20 =	simm.s32 @!p0 $0x180  }
0xc3: {  	[tilespmem:s20], [sflag:$0x4] =	stream.linear.gather @!p0 [hbm4b:s18+s12], $0x80, $0x38;
	[tilespmem:$0x12800] =	vst v63  }
0xc4: {  	s18 =	simm.s32 @!p0 $0x15  }
0xc5: {  	_ =	swait.ge @!p0 [sflag:s18], $0x1000  }
0xc6: {  	[sflag:s18] =	ssyncset.done @!p0 $0x0  }
0xc7: {  	[sflag:s18] =	ssyncadd.s32 @!p0 $0xFFFFF000;
	s18 =	simm.s32 @!p0 $0xD  }
0xc8: {  	_ =	swait.ge @!p0 [sflag:s18], $0x80  }
0xc9: {  	[sflag:s18] =	ssyncset.done @!p0 $0x0  }
0xca: {  	[sflag:s18] =	ssyncadd.s32 @!p0 $0xFFFFFF80;
	s18 =	simm.s32 @!p0 $0x19  }
0xcb: {  	_ =	swait.ge @!p0 [sflag:s18], $0x1000  }
0xcc: {  	[sflag:s18] =	ssyncset.done @!p0 $0x0  }
0xcd: {  	s20 =	simm.s32 @!p0 $0x4800;
	[sflag:s18] =	ssyncadd.s32 @!p0 $0xFFFFF000;
	s18 =	simm.s32 @!p0 $0x600  }
0xce: {  	[spmem:s2] =	stream.indirect.scatter.add.bf16 @!p0 [tilespmem:s20], [sflag:$0x19], $0x20, s18, s16, $0xb8;
	[tilespmem:$0x12800] =	vst v63  }
0xcf: {  	s18 =	sadd.s32 @!p0 $0xA080, s19;
	s20 =	simm.s32 @!p0 $0x400  }
0xd0: {  	[tilespmem:s20], [sflag:$0x9] =	stream.linear.gather @!p0 [hbm4b:s18+s12], $0x80, $0x38;
	[tilespmem:$0x12800] =	vst v63  }
0xd1: {  	s18 =	simm.s32 @!p0 $0x1  }
0xd2: {  	_ =	swait.ge @!p0 [sflag:s18], $0x80  }
0xd3: {  	[sflag:s18] =	ssyncset.done @!p0 $0x0  }
0xd4: {  	[sflag:s18] =	ssyncadd.s32 @!p0 $0xFFFFFF80;
	s18 =	simm.s32 @!p0 $0x800  }
0xd5: {  	[tilespmem:s18], [sflag:$0x11] =	stream.indirect.gather @!p0 [spmem:s3], $0x20, s12, s16, $0xb8;
	[tilespmem:$0x12800] =	vst v63  }
0xd6: {  	s20 =	simm.s32 @!p0 $0x200;
	s18 =	sadd.s32 @!p0 $0xC0, s19  }
0xd7: {  	[tilespmem:s20], [sflag:$0x5] =	stream.linear.gather @!p0 [hbm4b:s18+s12], $0x80, $0x38;
	[tilespmem:$0x12800] =	vst v63  }
0xd8: {  	_ =	swait.ge [sflag:s13], $0x1000  }
0xd9: {  	[sflag:s13] =	ssyncset.done $0x0  }
0xda: {  	[sflag:s13] =	ssyncadd.s32 $0xFFFFF000  }
0xdb: {  	_ =	swait.ge [sflag:s23], $0x80  }
0xdc: {  	[sflag:s23] =	ssyncset.done $0x0  }
0xdd: {  	[sflag:s23] =	ssyncadd.s32 $0xFFFFFF80  }
0xde: {  	_ =	swait.ge [sflag:s15], $0x1000  }
0xdf: {  	[sflag:s15] =	ssyncset.done $0x0  }
0xe0: {  	s18 =	simm.s32 @p0 $0x17;
	[sflag:s15] =	ssyncadd.s32 $0xFFFFF000  }
0xe1: {  	[spmem:s2] =	stream.indirect.scatter.add.bf16 [tilespmem:s14], [sflag:$0x1A], $0x20, s8, s26, $0xb8;
	[tilespmem:$0x12800] =	vst v63  }
0xe2: {  	_ =	swait.ge @p0 [sflag:s18], $0x1000  }
0xe3: {  	[sflag:s18] =	ssyncset.done @p0 $0x0  }
0xe4: {  	[sflag:s18] =	ssyncadd.s32 @p0 $0xFFFFF000;
	s18 =	simm.s32 @p0 $0xF  }
0xe5: {  	_ =	swait.ge @p0 [sflag:s18], $0x80  }
0xe6: {  	[sflag:s18] =	ssyncset.done @p0 $0x0  }
0xe7: {  	[sflag:s18] =	ssyncadd.s32 @p0 $0xFFFFFF80;
	s18 =	simm.s32 @p0 $0x1B  }
0xe8: {  	_ =	swait.ge @p0 [sflag:s18], $0x1000  }
0xe9: {  	[sflag:s18] =	ssyncset.done @p0 $0x0  }
0xea: {  	s20 =	simm.s32 @p0 $0x6800;
	[sflag:s18] =	ssyncadd.s32 @p0 $0xFFFFF000;
	s18 =	simm.s32 @p0 $0x700  }
0xeb: {  	[spmem:s2] =	stream.indirect.scatter.add.bf16 @p0 [tilespmem:s20], [sflag:$0x1B], $0x20, s18, s28, $0xb8;
	[tilespmem:$0x12800] =	vst v63  }
0xec: {  	s18 =	sadd.s32 @!p0 $0xA090, s19;
	s20 =	simm.s32 @!p0 $0x480  }
0xed: {  	[tilespmem:s20], [sflag:$0xA] =	stream.linear.gather @!p0 [hbm4b:s18+s12], $0x80, $0x38;
	[tilespmem:$0x12800] =	vst v63  }
0xee: {  	s18 =	simm.s32 @!p0 $0x2  }
0xef: {  	_ =	swait.ge @!p0 [sflag:s18], $0x80  }
0xf0: {  	[sflag:s18] =	ssyncset.done @!p0 $0x0  }
0xf1: {  	[sflag:s18] =	ssyncadd.s32 @!p0 $0xFFFFFF80;
	s18 =	simm.s32 @!p0 $0x1800  }
0xf2: {  	[tilespmem:s18], [sflag:$0x12] =	stream.indirect.gather @!p0 [spmem:s3], $0x20, s16, s16, $0xb8;
	[tilespmem:$0x12800] =	vst v63  }
0xf3: {  	s20 =	simm.s32 @!p0 $0x280;
	s18 =	sadd.s32 @!p0 $0xD0, s19  }
0xf4: {  	[tilespmem:s20], [sflag:$0x6] =	stream.linear.gather @!p0 [hbm4b:s18+s12], $0x80, $0x38;
	[tilespmem:$0x12800] =	vst v63  }
0xf5: {  	s18 =	simm.s32 @!p0 $0x17  }
0xf6: {  	_ =	swait.ge @!p0 [sflag:s18], $0x1000  }
0xf7: {  	[sflag:s18] =	ssyncset.done @!p0 $0x0  }
0xf8: {  	[sflag:s18] =	ssyncadd.s32 @!p0 $0xFFFFF000;
	s18 =	simm.s32 @!p0 $0xF  }
0xf9: {  	_ =	swait.ge @!p0 [sflag:s18], $0x80  }
0xfa: {  	[sflag:s18] =	ssyncset.done @!p0 $0x0  }
0xfb: {  	[sflag:s18] =	ssyncadd.s32 @!p0 $0xFFFFFF80;
	s18 =	simm.s32 @!p0 $0x1B  }
0xfc: {  	_ =	swait.ge @!p0 [sflag:s18], $0x1000  }
0xfd: {  	[sflag:s18] =	ssyncset.done @!p0 $0x0  }
0xfe: {  	s20 =	simm.s32 @!p0 $0x6800;
	[sflag:s18] =	ssyncadd.s32 @!p0 $0xFFFFF000;
	s18 =	simm.s32 @!p0 $0x700  }
0xff: {  	[spmem:s2] =	stream.indirect.scatter.add.bf16 @!p0 [tilespmem:s20], [sflag:$0x1B], $0x20, s18, s16, $0xb8;
	[tilespmem:$0x12800] =	vst v63  }
0x100: {  	s18 =	sadd.s32 @!p0 $0xA0A0, s19;
	s20 =	simm.s32 @!p0 $0x500  }
0x101: {  	[tilespmem:s20], [sflag:$0xB] =	stream.linear.gather @!p0 [hbm4b:s18+s12], $0x80, $0x38;
	[tilespmem:$0x12800] =	vst v63  }
0x102: {  	s18 =	simm.s32 @!p0 $0x3  }
0x103: {  	_ =	swait.ge @!p0 [sflag:s18], $0x80  }
0x104: {  	[sflag:s18] =	ssyncset.done @!p0 $0x0  }
0x105: {  	[sflag:s18] =	ssyncadd.s32 @!p0 $0xFFFFFF80;
	s18 =	simm.s32 @!p0 $0x2800  }
0x106: {  	[tilespmem:s18], [sflag:$0x13] =	stream.indirect.gather @!p0 [spmem:s3], $0x20, s6, s16, $0xb8;
	[tilespmem:$0x12800] =	vst v63  }
0x107: {  	s6 =	sadd.s32 @!p0 $0xE0, s19;
	s16 =	simm.s32 @!p0 $0x300  }
0x108: {  	[tilespmem:s16], [sflag:$0x7] =	stream.linear.gather @!p0 [hbm4b:s6+s12], $0x80, $0x38;
	[tilespmem:$0x12800] =	vst v63  }
0x109: {  	_ =	swait.ge [sflag:s17], $0x1000  }
0x10a: {  	[sflag:s17] =	ssyncset.done $0x0  }
0x10b: {  	[sflag:s17] =	ssyncadd.s32 $0xFFFFF000  }
0x10c: {  	_ =	swait.ge [sflag:s29], $0x80  }
0x10d: {  	[sflag:s29] =	ssyncset.done $0x0  }
.Ltmp2:
0x10e: {  	[sflag:s29] =	ssyncadd.s32 $0xFFFFFF80;
	(pc) =	sbr.rel @p0 .LBB2_4-.Ltmp2, $4  }
0x10f: {  	_ =	swait.ge [sflag:s31], $0x1000  }
0x110: {  	[sflag:s31] =	ssyncset.done $0x0  }
0x111: {  	s21 =	simm.s32 $0x380;
	s22 =	simm.s32 $0x580;
	[sflag:s31] =	ssyncadd.s32 $0xFFFFF000  }
0x112: {  	[spmem:s2] =	stream.indirect.scatter.add.bf16 [tilespmem:s24], [sflag:$0x1C], $0x20, s7, s26, $0xb8;
	[tilespmem:$0x12800] =	vst v63  }
0x113: {  	s6 =	sadd.s32 $0xA0B0, s11;
	s20 =	simm.s32 $0x4  }
0x114: {  	[tilespmem:s22], [sflag:$0xC] =	stream.linear.gather [hbm4b:s6+s4], $0x80, $0x38;
	[tilespmem:$0x12800] =	vst v63  }
0x115: {  	_ =	swait.ge [sflag:s20], $0x80  }
.Ltmp3:
0x116: {  	s28 =	sadd.s32 $0xF0, s11;
	[sflag:s20] =	ssyncset.done $0x0;
	(pc) =	sbr.rel .LBB2_2-.Ltmp3, $4  }
0x117: {  	s0 =	sadd.s32 $0x80, s0;
	s22 =	simm.s32 $0x180;
	[sflag:s20] =	ssyncadd.s32 $0xFFFFFF80  }
0x118: {  	[tilespmem:s25], [sflag:$0x14] =	stream.indirect.gather [spmem:s3], $0x20, s22, s26, $0xb8;
	[tilespmem:$0x12800] =	vst v63  }
0x119: {  	s18 =	simm.s32 $0x380;
	s20 =	simm.s32 $0x580;
	s22 =	simm.s32 $0x3800  }
0x11a: {  	[tilespmem:s21], [sflag:$0x8] =	stream.linear.gather [hbm4b:s28+s4], $0x80, $0x38;
	[tilespmem:$0x12800] =	vst v63  }
.LBB2_5:
0x11b: {  	_ =	sfence.sel $0x180000  }
0x11c: {  	[bflag:$0x0] =	sbarrier.arrive $0xFFFF  }
0x11d: {  	_ =	strace $0x9000004D  }
0x11e: {  	s0 =	stileid.u32;
	[bflag:$0x2] =	sbarrier.arrive $0xFFFF  }
0x11f: {  	p0 =	sne.s32 s0, $0x0;
	s0 =	rddreg [dreg:$0x4]  }
0x120: {  	s0 =	sadd.s32 @!p0 $0x100000, s0  }
0x121: {  	[sflag:s0] =	ssyncadd.tile.s32 @!p0 $0x1;
	_ =	shalt  }
.Lfunc_end2:
_tile_overlayer_lowered:
.L_overlay_start_2:
0x122: {  	(tag) =	ssettag $0x2  }
0x123: {  	s0 =	rddreg [dreg:$0x0];
	s2 =	stileid.u32  }
0x124: {  	s1 =	rddreg [dreg:$0x1];
	p0 =	sne.s32 s2, $0x0  }
0x125: {  	s3 =	rddreg [dreg:$0x2];
	[bflag:$0x3] =	sbarrier.arrive $0xFFFF;
	s2 =	simm.s32 @!p0 $0x1C1D  }
0x126: {  	[timem:s3], [sflag:s2] =	dma.local @!p0 [hbm:s0], s1  }
0x127: {  	s0 =	simm.s32 @!p0 $0x1D  }
0x128: {  	_ =	swait.ge @!p0 [sflag:s0], s1  }
0x129: {  	s1 =	ssub.s32 @!p0 $0x0, s1;
	[sflag:s0] =	ssyncset.done @!p0 $0x0  }
0x12a: {  	[sflag:s0] =	ssyncadd.s32 @!p0 s1  }
0x12b: {  	[bflag:$0x3] =	sbarrier.arrive $0xFFFF  }
0x12c: {  	_ =	shalt  }

// kernel: kernel.9.cloned.1.call-start
scs
__scs_entry_jumppad:
0x0: {  	(pc) =	sbr.rel $0x88, $3  }
0x1: {  	(tag) =	ssettag $0x0;
	lr =	simm.s32 $0x1  }
0x2: {  	[smem:$0x3F9B] =	sst lr;
	_ =	strace $0xD0000000  }
0x3: {  	_ = 	snop  }
0x4: {  	_ = 	snop  }
0x5: {  	_ = 	snop  }
0x6: {  	_ = 	snop  }
0x7: {  	_ = 	snop  }
__scs_overlays_trampoline_lowered:
0x8: {  	[smem:$0x3FAA] =	sst s0  }
0x9: {  	[smem:$0x3FAB] =	sst s1  }
0xa: {  	[smem:$0x3FAC] =	sst s2  }
0xb: {  	[smem:$0x3FAD] =	sst s3  }
0xc: {  	[smem:$0x3FAE] =	sst s4  }
0xd: {  	[smem:$0x3FAF] =	sst s5  }
0xe: {  	[smem:$0x3FB0] =	sst s6  }
0xf: {  	[smem:$0x3FB1] =	sst s7  }
0x10: {  	[smem:$0x3FB2] =	sst s8  }
0x11: {  	[smem:$0x3FB3] =	sst s9;
	s0 =	simm.s32 @!p0 $0x0  }
0x12: {  	s1 =	sld [smem:$0x3F99];
	s0 =	simm.s32 @p0 $0x1  }
0x13: {  	[smem:$0x3FB4] =	sst s0;
	s0 =	simm.s32 @!p1 $0x0  }
0x14: {  	s2 =	sld [smem:$0x3F98];
	s0 =	simm.s32 @p1 $0x1  }
0x15: {  	[smem:$0x3FB5] =	sst s0;
	s0 =	simm.s32 @!p2 $0x0  }
0x16: {  	s3 =	sld [smem:$0x3FDB];
	s0 =	simm.s32 @p2 $0x1  }
0x17: {  	s4 =	simm.s32 $0x1BF5;
	[smem:$0x3FB7] =	sst s0  }
0x18: {  	s0 =	sld [smem:$0x3F9A];
	_ =	swait.ge [sflag:s4], $0x0  }
0x19: {  	s7 =	sld [smem:$0x3F9B]  }
0x1a: {  	s8 =	sadd.s32 $0xFFFFE003, lr  }
0x1b: {  	s9 =	sadd.s32 $0xFFFFFEF7, lr;
	s5 =	simm.s32 $0xFFFFFFFF;
	p2 =	slt.u32 s8, $0xFFFFF086  }
0x1c: {  	p1 =	slt.u32 s9, $0xF7A;
	s5 =	simm.s32 @!p2 $0x0  }
0x1d: {  	s5 =	simm.s32 @p1 $0x1;
	p0 =	seq.s32 s7, s2  }
0x1e: {  	s7 =	smul.u32 @!p0 $0xF7A, s2;
	p2 =	seq.s32 @!p0 s5, $0x0  }
0x1f: {  	s9 =	smul.u32 $0xF7A, s1;
	s8 =	simm.s32 @!p0 $0x1BF5;
	p2 =	por !p2, p0  }
0x20: {  	[sflag:s8] =	ssyncset.s32 @!p0 $0xFFFFF086;
	s6 =	sadd.s32 @!p0 s3, s7;
	s7 =	simm.s32 @!p0 $0x108  }
0x21: {  	s3 =	sadd.s32 s3, s9;
	s6 =	sadd.s32 @!p0 $0x88, s6;
	s7 =	simm.s32 @p2 $0x1082  }
0x22: {  	[simem:s7], [sflag:s8] =	dma.local @!p0 [hbm:s6], $0xF7A  }
0x23: {  	s9 =	sor.u32 $0xD0000000, s2;
	s6 =	simm.s32 $0x108;
	_ =	swait.ge @!p0 [sflag:s8], $0x0  }
0x24: {  	s3 =	sadd.s32 $0x88, s3;
	s6 =	simm.s32 @!p1 $0x1082;
	[sflag:s4] =	ssyncset.s32 $0xFFFFF086  }
0x25: {  	[simem:s6], [sflag:s4] =	dma.local [hbm:s3], $0xF7A  }
0x26: {  	[smem:$0x3F9B] =	sst s1;
	(tag) =	ssettag s2;
	_ =	strace s9  }
0x27: {  	s1 =	sld [smem:$0x3FAB]  }
0x28: {  	s2 =	sld [smem:$0x3FAC]  }
0x29: {  	s4 =	sld [smem:$0x3FAE]  }
0x2a: {  	p0 =	seq.s32 s5, $0x0;
	s5 =	sld [smem:$0x3FAF]  }
0x2b: {  	s6 =	sld [smem:$0x3FB0]  }
0x2c: {  	s7 =	sld [smem:$0x3FB1]  }
0x2d: {  	s3 =	simm.s32 $0x108;
	s8 =	sld [smem:$0x3FB2]  }
0x2e: {  	s3 =	simm.s32 @!p0 $0x1082;
	s9 =	sld [smem:$0x3FB3]  }
0x2f: {  	lr =	sadd.s32 s0, s3;
	s0 =	sld [smem:$0x3FAA]  }
0x30: {  	s3 =	sld [smem:$0x3FAD]  }
0x31: {  	[smem:$0x3FB6] =	sst s10  }
0x32: {  	s10 =	sld [smem:$0x3FB4];
	_ =	sdelay $0x3  }
0x33: {  	p0 =	seq.s32 s10, $0x1;
	s10 =	sld [smem:$0x3FB6];
	_ =	sdelay $0x3  }
0x34: {  	[smem:$0x3FB6] =	sst s10  }
0x35: {  	s10 =	sld [smem:$0x3FB5];
	_ =	sdelay $0x3  }
0x36: {  	p1 =	seq.s32 s10, $0x1;
	s10 =	sld [smem:$0x3FB6];
	_ =	sdelay $0x3  }
0x37: {  	[smem:$0x3FB6] =	sst s10  }
0x38: {  	s10 =	sld [smem:$0x3FB7]  }
0x39: {  	_ = 	snop;
	(pc) =	sbr.ind lr, $3  }
0x3a: {  	_ = 	snop  }
0x3b: {  	_ = 	snop  }
0x3c: {  	p2 =	seq.s32 s10, $0x1;
	s10 =	sld [smem:$0x3FB6]  }
0x3d: {  	_ =	shalt  }
0x3e: {  	_ =	shalt  }
0x3f: {  	_ =	shalt  }
0x40: {  	_ =	shalt  }
0x41: {  	_ =	shalt  }
0x42: {  	_ =	shalt  }
0x43: {  	_ =	shalt  }
0x44: {  	_ =	shalt  }
0x45: {  	_ =	shalt  }
0x46: {  	_ =	shalt  }
0x47: {  	_ =	shalt  }
0x48: {  	_ =	shalt  }
0x49: {  	_ =	shalt  }
0x4a: {  	_ =	shalt  }
0x4b: {  	_ =	shalt  }
0x4c: {  	_ =	shalt  }
0x4d: {  	_ =	shalt  }
0x4e: {  	_ =	shalt  }
0x4f: {  	_ =	shalt  }
0x50: {  	_ =	shalt  }
0x51: {  	_ =	shalt  }
0x52: {  	_ =	shalt  }
0x53: {  	_ =	shalt  }
0x54: {  	_ =	shalt  }
0x55: {  	_ =	shalt  }
0x56: {  	_ =	shalt  }
0x57: {  	_ =	shalt  }
0x58: {  	_ =	shalt  }
0x59: {  	_ =	shalt  }
0x5a: {  	_ =	shalt  }
0x5b: {  	_ =	shalt  }
0x5c: {  	_ =	shalt  }
0x5d: {  	_ =	shalt  }
0x5e: {  	_ =	shalt  }
0x5f: {  	_ =	shalt  }
0x60: {  	_ =	shalt  }
0x61: {  	_ =	shalt  }
0x62: {  	_ =	shalt  }
0x63: {  	_ =	shalt  }
0x64: {  	_ =	shalt  }
0x65: {  	_ =	shalt  }
0x66: {  	_ =	shalt  }
0x67: {  	_ =	shalt  }
0x68: {  	_ =	shalt  }
0x69: {  	_ =	shalt  }
0x6a: {  	_ =	shalt  }
0x6b: {  	_ =	shalt  }
0x6c: {  	_ =	shalt  }
0x6d: {  	_ =	shalt  }
0x6e: {  	_ =	shalt  }
0x6f: {  	_ =	shalt  }
0x70: {  	_ =	shalt  }
0x71: {  	_ =	shalt  }
0x72: {  	_ =	shalt  }
0x73: {  	_ =	shalt  }
0x74: {  	_ =	shalt  }
0x75: {  	_ =	shalt  }
0x76: {  	_ =	shalt  }
0x77: {  	_ =	shalt  }
0x78: {  	_ =	shalt  }
0x79: {  	_ =	shalt  }
0x7a: {  	_ =	shalt  }
0x7b: {  	_ =	shalt  }
0x7c: {  	_ =	shalt  }
0x7d: {  	_ =	shalt  }
0x7e: {  	_ =	shalt  }
0x7f: {  	_ =	shalt  }
0x80: {  	_ =	shalt  }
0x81: {  	_ =	shalt  }
0x82: {  	_ =	shalt  }
0x83: {  	_ =	shalt  }
0x84: {  	_ =	shalt  }
0x85: {  	_ =	shalt  }
0x86: {  	_ =	shalt  }
0x87: {  	_ =	shalt  }
.Lfunc_end0:
.L_simem_size_0:
called_computation_lowered:
.L_overlay_start_0:
0x88: {  	s2 =	sld [smem:$0x3FD9]  }
0x89: {  	s3 =	sld [smem:$0x3FFE];
	_ =	sdelay $0x1  }
0x8a: {  	s1 =	srdreg.scid  }
0x8b: {  	s0 =	sand.u32 $0x1, s1  }
0x8c: {  	s17 =	sshll.u32 s0, $0xA;
	s2 =	sadd.s32 s3, s2  }
0x8d: {  	s2 =	sadd.s32 s2, s17  }
0x8e: {  	[smem:$0x3FC2] =	sst s2  }
0x8f: {  	_ = 	snop  }
0x90: {  	s2 =	sld [smem:$0x3FD0];
	(tm) =	ssettm $0x1  }
0x91: {  	s18 =	sld [smem:$0x3FFB];
	_ =	sdelay $0x3  }
0x92: {  	_ =	strace s18  }
0x93: {  	s3 =	sld [smem:$0x3FFC];
	_ =	sdelay $0x3  }
0x94: {  	_ =	strace s3  }
0x95: {  	s3 =	sld [smem:$0x3FFD];
	_ =	sdelay $0x3  }
0x96: {  	_ =	strace s3  }
0x97: {  	_ =	strace $0x8FFFFFFF  }
0x98: {  	s19 =	sld [smem:$0x3FDB];
	_ =	sdelay $0x1  }
0x99: {  	s4 =	simm.s32 $_scs_section_size  }
0x9a: {  	s5 =	simm.s32 $_size__tile_overlayer_lowered;
	s6 =	simm.s32 $_tile_overlayer_lowered  }
0x9b: {  	s22 =	simm.s32 $0x1BFF;
	s21 =	sshll.u32 s6, $0x1;
	s3 =	sadd.s32 s4, s19  }
0x9c: {  	s7 =	simm.s32 $0x0;
	s20 =	sshll.u32 s5, $0x1;
	s5 =	sadd.s32 s21, s3  }
0x9d: {  	[timem:s7], [sflag:s22] =	dma.local [hbm:s5], s20  }
0x9e: {  	_ =	swait.ge [sflag:s22], s20  }
0x9f: {  	s4 =	ssub.s32 $0x0, s20;
	[sflag:s22] =	ssyncset.done $0x0  }
0xa0: {  	[sflag:s22] =	ssyncadd.s32 s4;
	_ =	sdelay $0x1  }
0xa1: {  	s23 =	simm.s32 $0x1B8B  }
0xa2: {  	_ =	swait.ge [sflag:s23], $0x1  }
0xa3: {  	[sflag:s23] =	ssyncset.done $0x0  }
0xa4: {  	s25 =	simm.s32 $0x1B8E;
	s24 =	sld [smem:$0x3FFE];
	[sflag:s23] =	ssyncadd.s32 $0xFFFFFFFF  }
0xa5: {  	s26 =	simm.s32 $execute0_lowered;
	[smem:$0x3FD2] =	sst s25  }
0xa6: {  	s5 =	sshll.u32 s26, $0x1;
	_ =	strace $0x80000046;
	[dreg:$0x1] =	wrdreg $0xFFFFFFFF  }
0xa7: {  	s28 =	simm.s32 $_size_execute0_lowered;
	s3 =	sadd.s32 s3, s5;
	[dreg:$0x0] =	wrdreg $0x0  }
0xa8: {  	s5 =	sshll.u32 s28, $0x1;
	[dreg:$0x2] =	wrdreg s3  }
0xa9: {  	[dreg:$0x3] =	wrdreg s5  }
0xaa: {  	[dreg:$0x4] =	wrdreg $0xC0  }
0xab: {  	_ =	task [dreg:s7], $0x5FFFF  }
0xac: {  	[dreg:$0x1] =	wrdreg $0xFFFFFFFF  }
0xad: {  	[dreg:$0x0] =	wrdreg $0x60  }
0xae: {  	[dreg:$0x2] =	wrdreg s2  }
0xaf: {  	[dreg:$0x3] =	wrdreg s24  }
0xb0: {  	[dreg:$0x4] =	wrdreg $0x2C000  }
0xb1: {  	[dreg:$0x5] =	wrdreg $0x9  }
0xb2: {  	_ =	task.clear_ibuf [dreg:s7], $0x6FFFF;
	_ =	strace $0x90000046  }
0xb3: {  	s29 =	simm.s32 $0x9;
	_ =	strace $0x80000048  }
0xb4: {  	_ =	swait.ge [sflag:s29], $0x1  }
0xb5: {  	[sflag:s29] =	ssyncadd.s32 $0xFFFFFFFF  }
0xb6: {  	_ =	strace $0x90000048  }
0xb7: {  	_ =	sfence  }
0xb8: {  	s30 =	sld [smem:$0x0];
	_ =	sdelay $0x2  }
0xb9: {  	s31 =	sshll.u32 s1, $0xD;
	s1 =	sshrl.u32 s1, $0x2  }
0xba: {  	s3 =	sand.u32 $0x4000, s31;
	s1 =	sadd.s32 s1, s30  }
0xbb: {  	s0 =	sor.u32 s3, s0;
	s1 =	sshll.u32 s1, $0x11  }
0xbc: {  	s0 =	sor.u32 s1, s0  }
0xbd: {  	s0 =	sadd.s32 $0x8F2B, s0  }
0xbe: {  	[sflag:s0] =	ssyncadd.remote.s32 $0x1  }
0xbf: {  	_ =	sfence.sel $0xFFFF  }
0xc0: {  	[dreg:$0x0] =	wrdreg $0xFFFFFFFF;
	(pc) =	sbr.abs _section_cstart, $3  }
0xc1: {  	[dreg:$0x1] =	wrdreg $0xFFFFFFFF  }
0xc2: {  	_ =	task.clear_ibuf [dreg:s7], $0x2FFFF;
	_ =	strace $0x9FFFFFFF  }
0xc3: {  	(tm) =	ssettm $0x7FFFFFFF  }
tec
execute0_lowered:
.L_overlay_start_1:
0x0: {  	(tag) =	ssettag $0x1  }
0x1: {  	s6 =	rddreg [dreg:$0x0]  }
0x2: {  	s7 =	rddreg [dreg:$0x1]  }
0x3: {  	s2 =	rddreg [dreg:$0x2]  }
0x4: {  	s0 =	rddreg [dreg:$0x3];
	s4 =	srdreg.scid  }
0x5: {  	s1 =	stileid.u32;
	s3 =	simm.s32 $0x0;
	s13 =	simm.s32 $0x80  }
0x6: {  	s14 =	simm.s32 $0x100;
	s15 =	simm.s32 $0x180;
	s16 =	simm.s32 $0x200  }
0x7: {  	s17 =	simm.s32 $0x1;
	s18 =	simm.s32 $0x2;
	s19 =	simm.s32 $0x3  }
0x8: {  	s20 =	simm.s32 $0x4;
	s21 =	simm.s32 $0x5;
	s22 =	simm.s32 $0x0  }
0x9: {  	s8 =	sand.u32 $0x1, s4;
	s9 =	smul.u32 $0x1400, s1;
	[smem:$0x7FF] =	sst s3  }
0xa: {  	s29 =	sshll.u32 s1, $0x6;
	s5 =	smul.u32 $0x14000, s8;
	s4 =	sshll.u32 s8, $0x4  }
0xb: {  	_ =	strace $0x80000047;
	s8 =	ssub.s32 $0x2, s8;
	s10 =	sor.u32 s1, s4  }
0xc: {  	s4 =	sadd.s32 $0x2400, s7;
	s28 =	sshrl.u32 s8, $0x1;
	s31 =	sadd.s32 s9, s2  }
0xd: {  	s11 =	sadd.s32 s9, s5;
	s10 =	smul.u32 $0x2800, s10;
	s12 =	ssub.s32 s8, s28  }
0xe: {  	s5 =	sadd.s32 $0x2000, s7;
	s11 =	sshrl.u32 s11, $0x3;
	s9 =	smax.u32 s12, $0x1  }
0xf: {  	s12 =	simm.s32 $0x2800;
	s11 =	sadd.s32 s11, s7;
	s10 =	sshrl.u32 s10, $0x3  }
0x10: {  	s30 =	sadd.s32 s6, s10;
	s6 =	sor.u32 $0x1C06, s29;
	s8 =	sadd.s32 $0x2600, s11  }
0x11: {  	s10 =	sshrl.u32 s31, $0x3;
	s11 =	simm.s32 $0x6;
	s7 =	sadd.s32 $0xA000, s30  }
.LBB2_1:
0x12: {  	[spmem:s10], [sflag:s6] =	dma.local [hbm:s5], $0x280  }
0x13: {  	_ =	swait.ge [sflag:s11], $0x280  }
0x14: {  	[sflag:s11] =	ssyncset.done $0x0  }
0x15: {  	[sflag:s11] =	ssyncadd.s32 $0xFFFFFD80  }
0x16: {  	[tilespmem:s12], [sflag:$0x6] =	stream.linear.gather [hbm4b:s4+s3], $0x400, $0x38;
	[tilespmem:$0x4000] =	vst v63  }
0x17: {  	_ =	swait.ge [sflag:s11], $0x400  }
0x18: {  	[sflag:s11] =	ssyncset.done $0x0  }
0x19: {  	[sflag:s11] =	ssyncadd.s32 $0xFFFFFC00  }
0x1a: {  	[tilespmem:s3], [sflag:$0x6] =	stream.linear.gather [hbm4b:s7+s3], $0x2800, $0x38;
	[tilespmem:$0x4000] =	vst v63  }
0x1b: {  	_ =	swait.ge [sflag:s11], $0x2800  }
0x1c: {  	[sflag:s11] =	ssyncset.done $0x0  }
0x1d: {  	[sflag:s11] =	ssyncadd.s32 $0xFFFFD800  }
0x1e: {  	[bflag:$0x0] =	sbarrier.arrive $0xFFFF  }
0x1f: {  	[spmem:s2] =	stream.indirect.scatter.add.f32 [tilespmem:s12], [sflag:$0x1], $0x8, s3, s13, $0xb8;
	[tilespmem:$0x4000] =	vst v63  }
0x20: {  	_ = 	snop  }
0x21: {  	[spmem:s2] =	stream.indirect.scatter.add.f32 [tilespmem:s12], [sflag:$0x2], $0x8, s13, s13, $0xb8;
	[tilespmem:$0x4000] =	vst v63  }
0x22: {  	_ = 	snop  }
0x23: {  	[spmem:s2] =	stream.indirect.scatter.add.f32 [tilespmem:s12], [sflag:$0x3], $0x8, s14, s13, $0xb8;
	[tilespmem:$0x4000] =	vst v63  }
0x24: {  	_ = 	snop  }
0x25: {  	[spmem:s2] =	stream.indirect.scatter.add.f32 [tilespmem:s12], [sflag:$0x4], $0x8, s15, s13, $0xb8;
	[tilespmem:$0x4000] =	vst v63  }
0x26: {  	_ = 	snop  }
0x27: {  	[spmem:s2] =	stream.indirect.scatter.add.f32 [tilespmem:s12], [sflag:$0x5], $0x8, s16, s13, $0xb8;
	[tilespmem:$0x4000] =	vst v63  }
0x28: {  	_ =	swait.ge [sflag:s17], $0x400  }
0x29: {  	[sflag:s17] =	ssyncset.done $0x0  }
0x2a: {  	s23 =	simm.s32 $0x280;
	[sflag:s17] =	ssyncadd.s32 $0xFFFFFC00  }
0x2b: {  	[spmem:s2] =	stream.indirect.scatter.add.f32 [tilespmem:s12], [sflag:$0x1], $0x8, s23, s13, $0xb8;
	[tilespmem:$0x4000] =	vst v63  }
0x2c: {  	_ =	swait.ge [sflag:s18], $0x400  }
0x2d: {  	[sflag:s18] =	ssyncset.done $0x0  }
0x2e: {  	s29 =	simm.s32 $0x300;
	[sflag:s18] =	ssyncadd.s32 $0xFFFFFC00  }
0x2f: {  	[spmem:s2] =	stream.indirect.scatter.add.f32 [tilespmem:s12], [sflag:$0x2], $0x8, s29, s13, $0xb8;
	[tilespmem:$0x4000] =	vst v63  }
0x30: {  	_ =	swait.ge [sflag:s19], $0x400  }
0x31: {  	[sflag:s19] =	ssyncset.done $0x0  }
0x32: {  	s30 =	simm.s32 $0x380;
	[sflag:s19] =	ssyncadd.s32 $0xFFFFFC00  }
0x33: {  	[spmem:s2] =	stream.indirect.scatter.add.f32 [tilespmem:s12], [sflag:$0x3], $0x8, s30, s13, $0xb8;
	[tilespmem:$0x4000] =	vst v63  }
0x34: {  	_ =	swait.ge [sflag:s20], $0x400  }
0x35: {  	[sflag:s20] =	ssyncset.done $0x0  }
0x36: {  	s31 =	simm.s32 $0x400;
	[sflag:s20] =	ssyncadd.s32 $0xFFFFFC00  }
0x37: {  	[spmem:s2] =	stream.indirect.scatter.add.f32 [tilespmem:s12], [sflag:$0x4], $0x8, s31, s13, $0xb8;
	[tilespmem:$0x4000] =	vst v63  }
0x38: {  	_ =	swait.ge [sflag:s21], $0x400  }
0x39: {  	[sflag:s21] =	ssyncset.done $0x0  }
0x3a: {  	s24 =	simm.s32 $0x480;
	s23 =	simm.s32 $0xFFFF7400;
	[sflag:s21] =	ssyncadd.s32 $0xFFFFFC00  }
.LBB2_2:
0x3b: {  	[spmem:s2] =	stream.indirect.scatter.add.f32 [tilespmem:s12], [sflag:$0x5], $0x8, s24, s13, $0xb8;
	[tilespmem:$0x4000] =	vst v63  }
0x3c: {  	s24 =	smov.u32 s23  }
0x3d: {  	p0 =	sne.s32 s23, $0xFFFFF600;
	s23 =	sadd.s32 $0xA00, s23;
	_ =	swait.ge [sflag:s17], $0x400  }
0x3e: {  	s24 =	sshra.s32 s24, $0x2;
	[sflag:s17] =	ssyncset.done $0x0  }
0x3f: {  	s25 =	sadd.s32 $0x2800, s24;
	[sflag:s17] =	ssyncadd.s32 $0xFFFFFC00  }
0x40: {  	[spmem:s2] =	stream.indirect.scatter.add.f32 [tilespmem:s12], [sflag:$0x1], $0x8, s25, s13, $0xb8;
	[tilespmem:$0x4000] =	vst v63  }
0x41: {  	_ =	swait.ge [sflag:s18], $0x400  }
0x42: {  	[sflag:s18] =	ssyncset.done $0x0  }
0x43: {  	s25 =	sadd.s32 $0x2880, s24;
	[sflag:s18] =	ssyncadd.s32 $0xFFFFFC00  }
0x44: {  	[spmem:s2] =	stream.indirect.scatter.add.f32 [tilespmem:s12], [sflag:$0x2], $0x8, s25, s13, $0xb8;
	[tilespmem:$0x4000] =	vst v63  }
0x45: {  	_ =	swait.ge [sflag:s19], $0x400  }
0x46: {  	[sflag:s19] =	ssyncset.done $0x0  }
0x47: {  	s25 =	sadd.s32 $0x2900, s24;
	[sflag:s19] =	ssyncadd.s32 $0xFFFFFC00  }
0x48: {  	[spmem:s2] =	stream.indirect.scatter.add.f32 [tilespmem:s12], [sflag:$0x3], $0x8, s25, s13, $0xb8;
	[tilespmem:$0x4000] =	vst v63  }
0x49: {  	_ =	swait.ge [sflag:s20], $0x400  }
0x4a: {  	[sflag:s20] =	ssyncset.done $0x0  }
.Ltmp0:
0x4b: {  	s25 =	sadd.s32 $0x2980, s24;
	[sflag:s20] =	ssyncadd.s32 $0xFFFFFC00;
	(pc) =	sbr.rel @p0 .LBB2_2-.Ltmp0, $4  }
0x4c: {  	[spmem:s2] =	stream.indirect.scatter.add.f32 [tilespmem:s12], [sflag:$0x4], $0x8, s25, s13, $0xb8;
	[tilespmem:$0x4000] =	vst v63  }
0x4d: {  	_ =	swait.ge [sflag:s21], $0x400  }
0x4e: {  	[sflag:s21] =	ssyncset.done $0x0  }
0x4f: {  	s24 =	sadd.s32 $0x2A00, s24;
	[sflag:s21] =	ssyncadd.s32 $0xFFFFFC00  }
0x50: {  	[spmem:s2] =	stream.indirect.scatter.add.f32 [tilespmem:s12], [sflag:$0x5], $0x8, s24, s13, $0xb8;
	[tilespmem:$0x4000] =	vst v63  }
0x51: {  	_ =	swait.ge [sflag:s17], $0x400  }
0x52: {  	[sflag:s17] =	ssyncset.done $0x0  }
0x53: {  	[sflag:s17] =	ssyncadd.s32 $0xFFFFFC00  }
0x54: {  	_ =	swait.ge [sflag:s18], $0x400  }
0x55: {  	[sflag:s18] =	ssyncset.done $0x0  }
0x56: {  	[sflag:s18] =	ssyncadd.s32 $0xFFFFFC00  }
0x57: {  	_ =	swait.ge [sflag:s19], $0x400  }
0x58: {  	[sflag:s19] =	ssyncset.done $0x0  }
0x59: {  	[sflag:s19] =	ssyncadd.s32 $0xFFFFFC00  }
0x5a: {  	_ =	swait.ge [sflag:s20], $0x400  }
0x5b: {  	[sflag:s20] =	ssyncset.done $0x0  }
0x5c: {  	[sflag:s20] =	ssyncadd.s32 $0xFFFFFC00  }
0x5d: {  	_ =	swait.ge [sflag:s21], $0x400  }
0x5e: {  	s22 =	sadd.s32 $0x1, s22;
	[sflag:s21] =	ssyncset.done $0x0  }
0x5f: {  	p0 =	sne.s32 s22, s9;
	[sflag:s21] =	ssyncadd.s32 $0xFFFFFC00  }
.Ltmp1:
0x60: {  	[bflag:$0x0] =	sbarrier.arrive $0xFFFF;
	(pc) =	sbr.rel @p0 .LBB2_1-.Ltmp1, $4  }
0x61: {  	[hbm:s8], [sflag:s6] =	dma.local [spmem:s10], $0x280  }
0x62: {  	_ =	swait.ge [sflag:s11], $0x280  }
0x63: {  	[sflag:s11] =	ssyncset.done $0x0  }
0x64: {  	[sflag:s11] =	ssyncadd.s32 $0xFFFFFD80  }
0x65: {  	_ =	sfence.sel $0x180000  }
0x66: {  	[bflag:$0x0] =	sbarrier.arrive $0xFFFF  }
0x67: {  	p0 =	sne.s32 s1, $0x0;
	_ =	strace $0x90000047  }
0x68: {  	s0 =	sadd.s32 @!p0 $0x100000, s0;
	[bflag:$0x2] =	sbarrier.arrive $0xFFFF  }
0x69: {  	[sflag:s0] =	ssyncadd.tile.s32 @!p0 $0x1;
	_ =	shalt  }
.Lfunc_end2:
_tile_overlayer_lowered:
.L_overlay_start_2:
0x6a: {  	(tag) =	ssettag $0x2  }
0x6b: {  	s0 =	rddreg [dreg:$0x0];
	s2 =	stileid.u32  }
0x6c: {  	s1 =	rddreg [dreg:$0x1];
	p0 =	sne.s32 s2, $0x0  }
0x6d: {  	s3 =	rddreg [dreg:$0x2];
	[bflag:$0x3] =	sbarrier.arrive $0xFFFF;
	s2 =	simm.s32 @!p0 $0x1C06  }
0x6e: {  	[timem:s3], [sflag:s2] =	dma.local @!p0 [hbm:s0], s1  }
0x6f: {  	s0 =	simm.s32 @!p0 $0x6  }
0x70: {  	_ =	swait.ge @!p0 [sflag:s0], s1  }
0x71: {  	s1 =	ssub.s32 @!p0 $0x0, s1;
	[sflag:s0] =	ssyncset.done @!p0 $0x0  }
0x72: {  	[sflag:s0] =	ssyncadd.s32 @!p0 s1  }
0x73: {  	[bflag:$0x3] =	sbarrier.arrive $0xFFFF  }
0x74: {  	_ =	shalt  }

</sc_bundles>
